<compile_context>
chip_gen: v7x
topology: tpu7x:2x2x1
jax: 0.10.2.dev20260603
libtpu: 0.0.44.dev20260713+nightly
codegen_flags: <defaults>
</compile_context>

<pallas_src>
import functools

import jax
import jax.numpy as jnp
from jax import lax
from jax.experimental import pallas as pl
from jax.experimental.pallas import tpu as pltpu
from jax.experimental.pallas import tpu_sc as plsc

N_NODES = 10000
N_EDGES = 320000
D_FEAT = 128
D_EDGE = 16
DH = D_FEAT // 2

NC = 2
NS = 16
EW = N_EDGES // NS
C = 80
NP = 2
KCH = EW // (C * NP)
NBUF = 3
LOOPN = ((KCH - 2) // NBUF) * NBUF
STRIPE = 632
STRIPE_LAST = N_NODES - (NS - 1) * STRIPE

_HIGH = jax.lax.Precision.HIGHEST


def _dot(a, b):
    return jnp.dot(a, b, precision=_HIGH, preferred_element_type=jnp.float32)



def _proj_body(x_ref, w_ref, b_ref, out_ref):
    xb = x_ref[...]
    w = w_ref[...]
    b = b_ref[...]
    xs = _dot(xb, w[:, :D_FEAT])
    xd = _dot(xb, w[:, D_FEAT:]) + b
    out_ref[0] = xs[:, :DH]
    out_ref[1] = xd[:, :DH]
    out_ref[2] = xs[:, DH:]
    out_ref[3] = xd[:, DH:]


def _edge_proj_body(a_ref, w_ref, out_ref):
    out_ref[...] = _dot(a_ref[...], w_ref[...])


def _node_body(x_ref, p_ref, w_ref, b_ref, out_ref):
    agg = jnp.concatenate([p_ref[0], p_ref[1]], axis=1)
    w = w_ref[...]
    acc = _dot(x_ref[...], w[:D_FEAT]) + _dot(agg, w[D_FEAT:]) + b_ref[...]
    out_ref[...] = jnp.maximum(acc, 0.0)



def _sc_body(T, EA, IS, IG, ID, Z, OUT,
             is_v, ig_v, id_v, buf, agg, sg, ss):
    c = lax.axis_index("c")
    s = lax.axis_index("s")

    @pl.when(s < NS - 1)
    def _():
        pltpu.sync_copy(Z, agg.at[pl.ds(s * STRIPE, STRIPE)])

    @pl.when(s == NS - 1)
    def _():
        pltpu.sync_copy(Z.at[pl.ds(0, STRIPE_LAST)],
                        agg.at[pl.ds((NS - 1) * STRIPE, STRIPE_LAST)])

    plsc.subcore_barrier()

    eoff = c * DH

    for p in range(NP):
        pltpu.sync_copy(IS.at[c, s, p], is_v)
        pltpu.sync_copy(IG.at[c, s, p], ig_v)
        pltpu.sync_copy(ID.at[s, p], id_v)

        pbase = s * EW + p * (KCH * C)

        def issue(j, b):
            base = pbase + j * C
            pltpu.async_copy(
                EA.at[pl.ds(base, C), pl.ds(eoff, DH)],
                buf[b].at[pl.ds(0, C)], sg[b])
            pltpu.async_copy(T.at[is_v.at[j]], buf[b].at[pl.ds(C, C)], sg[b])
            pltpu.async_copy(T.at[ig_v.at[j]],
                             buf[b].at[pl.ds(2 * C, C)], sg[b])

        def wait_gathers(j, b):
            pltpu.make_async_copy(T.at[pl.ds(0, 3 * C)], buf[b], sg[b]).wait()

        def compute(b):
            bufb = buf[b]

            def row(r, carry2):
                for k in range(DH // 16):
                    sl = pl.ds(k * 16, 16)
                    v = bufb[r, sl] + bufb[C + r, sl] + bufb[2 * C + r, sl]
                    bufb[C + r, sl] = jnp.maximum(v, 0.0)
                return carry2

            lax.fori_loop(0, C, row, 0, unroll=2)

        issue(0, 0)
        issue(1, 1)

        @pl.loop(0, LOOPN, step=NBUF)
        def _(t):
            for b in range(NBUF):
                j = t + b
                wait_gathers(j, b)
                compute(b)
                pltpu.async_copy(buf[b].at[pl.ds(C, C)],
                                 agg.at[id_v.at[j]], ss[b], add=True)
                q = (b + NBUF - 1) % NBUF

                @pl.when(j >= 1)
                def _():
                    pltpu.make_async_copy(
                        buf[q].at[pl.ds(C, C)],
                        agg.at[id_v.at[j]], ss[q]).wait()

                @pl.when(j + 2 < KCH)
                def _():
                    issue(j + 2, q)

        for jt in range(LOOPN, KCH):
            bt = jt % NBUF
            wait_gathers(jt, bt)
            compute(bt)
            pltpu.sync_copy(buf[bt].at[pl.ds(C, C)], agg.at[id_v.at[jt]], add=True)
        bq = (LOOPN - 1) % NBUF
        pltpu.make_async_copy(buf[bq].at[pl.ds(C, C)], agg.at[id_v.at[0]], ss[bq]).wait()

    plsc.subcore_barrier()

    @pl.when(s < NS - 1)
    def _():
        pltpu.sync_copy(agg.at[pl.ds(s * STRIPE, STRIPE)],
                        OUT.at[c, pl.ds(s * STRIPE, STRIPE)])

    @pl.when(s == NS - 1)
    def _():
        pltpu.sync_copy(agg.at[pl.ds((NS - 1) * STRIPE, STRIPE_LAST)],
                        OUT.at[c, pl.ds((NS - 1) * STRIPE, STRIPE_LAST)])


_sc_call = functools.partial(
    pl.kernel,
    out_type=pltpu.HBM((NC, N_NODES, DH), jnp.float32),
    mesh=plsc.VectorSubcoreMesh(core_axis_name="c", subcore_axis_name="s"),
    compiler_params=pltpu.CompilerParams(use_tc_tiling_on_sc=False),
    scratch_types=[
        pltpu.VMEM((KCH, C), jnp.int32),
        pltpu.VMEM((KCH, C), jnp.int32),
        pltpu.VMEM((KCH, C), jnp.int32),
        [pltpu.VMEM((3 * C, DH), jnp.float32) for _ in range(NBUF)],
        pltpu.VMEM_SHARED((N_NODES, DH), jnp.float32),
        [pltpu.SemaphoreType.DMA for _ in range(NBUF)],
        [pltpu.SemaphoreType.DMA for _ in range(NBUF)],
    ],
)(_sc_body)



def kernel(x, edge_index, edge_attr, W_e, b_e, W_n, b_n):
    src = edge_index[0].astype(jnp.int32)
    dst = edge_index[1].astype(jnp.int32)

    w_sd = jnp.concatenate(
        [W_e[D_EDGE:D_EDGE + D_FEAT], W_e[D_EDGE + D_FEAT:]], axis=1)
    BN = 1000
    proj = pl.pallas_call(
        _proj_body,
        grid=(N_NODES // BN,),
        in_specs=[
            pl.BlockSpec((BN, D_FEAT), lambda i: (i, 0)),
            pl.BlockSpec((D_FEAT, 2 * D_FEAT), lambda i: (0, 0)),
            pl.BlockSpec((1, D_FEAT), lambda i: (0, 0)),
        ],
        out_specs=pl.BlockSpec((4, BN, DH), lambda i: (0, i, 0)),
        out_shape=jax.ShapeDtypeStruct((4, N_NODES, DH), jnp.float32),
    )(x, w_sd, b_e.reshape(1, D_FEAT))
    T = proj.reshape(4 * N_NODES, DH)

    BE = 4000
    EA = pl.pallas_call(
        _edge_proj_body,
        grid=(N_EDGES // BE,),
        in_specs=[
            pl.BlockSpec((BE, D_EDGE), lambda i: (i, 0)),
            pl.BlockSpec((D_EDGE, D_FEAT), lambda i: (0, 0)),
        ],
        out_specs=pl.BlockSpec((BE, D_FEAT), lambda i: (i, 0)),
        out_shape=jax.ShapeDtypeStruct((N_EDGES, D_FEAT), jnp.float32),
    )(edge_attr, W_e[:D_EDGE])

    IS = jnp.stack([src, src + 2 * N_NODES]).reshape(NC, NS, NP, KCH, C)
    IG = jnp.stack(
        [dst + N_NODES, dst + 3 * N_NODES]).reshape(NC, NS, NP, KCH, C)
    ID = dst.reshape(NS, NP, KCH, C)
    Z = jnp.zeros((STRIPE, DH), jnp.float32)

    halves = _sc_call(T, EA, IS, IG, ID, Z)

    out = pl.pallas_call(
        _node_body,
        grid=(N_NODES // BN,),
        in_specs=[
            pl.BlockSpec((BN, D_FEAT), lambda i: (i, 0)),
            pl.BlockSpec((NC, BN, DH), lambda i: (0, i, 0)),
            pl.BlockSpec((2 * D_FEAT, D_FEAT), lambda i: (0, 0)),
            pl.BlockSpec((1, D_FEAT), lambda i: (0, 0)),
        ],
        out_specs=pl.BlockSpec((BN, D_FEAT), lambda i: (i, 0)),
        out_shape=jax.ShapeDtypeStruct((N_NODES, D_FEAT), jnp.float32),
    )(x, halves, W_n, b_n.reshape(1, D_FEAT))
    return out

# --- scband reference (transcript-rebuilt; emitter-appended) ---
"""Pipeline reference for scband-graph-interaction-network-14096082665507 (READ-ONLY COPY).

The authoritative reference and input builder live on the scoring server;
editing this copy changes nothing except your own understanding.
"""

import jax, jax.numpy as jnp
import numpy as np

N_NODES = 10000
N_EDGES = 320000
D_FEAT = 128
D_EDGE = 16
D_EDGE_OUT = 128


def setup_inputs(seed: int = 0) -> dict:
    key = jax.random.key(seed)
    k1, k2, k3, k4, k5, k6, k7 = jax.random.split(key, 7)
    x = jax.random.normal(k1, (N_NODES, D_FEAT), dtype=jnp.float32)
    edge_index = jax.random.randint(k2, (2, N_EDGES), 0, N_NODES).astype(jnp.int64)
    edge_attr = jax.random.normal(k3, (N_EDGES, D_EDGE), dtype=jnp.float32)
    # EdgeBlock params: edge model over concat([edge_attr, x_src, x_dst])
    fan_in_e = D_EDGE + 2 * D_FEAT
    W_e = jax.random.normal(k4, (fan_in_e, D_EDGE_OUT), dtype=jnp.float32) / np.sqrt(fan_in_e)
    b_e = jnp.zeros((D_EDGE_OUT,), dtype=jnp.float32)
    # NodeBlock params: node model over concat([x, aggregated_received_edges])
    fan_in_n = D_FEAT + D_EDGE_OUT
    W_n = jax.random.normal(k5, (fan_in_n, D_FEAT), dtype=jnp.float32) / np.sqrt(fan_in_n)
    b_n = jnp.zeros((D_FEAT,), dtype=jnp.float32)
    return {"x": x, "edge_index": edge_index, "edge_attr": edge_attr,
            "W_e": W_e, "b_e": b_e, "W_n": W_n, "b_n": b_n}


def reference(x, edge_index, edge_attr, W_e, b_e, W_n, b_n):
    src = edge_index[0]
    dst = edge_index[1]
    # EdgeBlock (use_globals=False): update edges from [edge_attr, sender, receiver]
    x_src = jnp.take(x, src, axis=0)
    x_dst = jnp.take(x, dst, axis=0)
    e_in = jnp.concatenate([edge_attr, x_src, x_dst], axis=1)
    e_out = jax.nn.relu(e_in @ W_e + b_e)
    # NodeBlock (use_sent_edges=False, use_globals=False): aggregate received edges by dst
    agg = jax.ops.segment_sum(e_out, dst, num_segments=N_NODES)
    n_in = jnp.concatenate([x, agg], axis=1)
    n_out = jax.nn.relu(n_in @ W_n + b_n)
    return n_out

if __name__ == "__main__":
    import jax
    _d = setup_inputs()
    print(jax.jit(kernel)(*tuple(_d.values())))

</pallas_src>

<mosaic_0001>
#map = affine_map<(d0, d1) -> (0, 0)>
#map1 = affine_map<(d0, d1) -> (0, 0, 0, 0, 0)>
#map2 = affine_map<(d0, d1) -> (0, 0, 0, 0)>
#map3 = affine_map<(d0, d1) -> (0, 0, 0)>
module attributes {stable_mosaic.version = 14 : i64} {
  func.func @_sc_body(%arg0: i32, %arg1: i32, %arg2: memref<40000x64xf32, #tpu.memory_space<hbm>>, %arg3: memref<320000x128xf32, #tpu.memory_space<hbm>>, %arg4: memref<2x16x2x125x80xi32, #tpu.memory_space<hbm>>, %arg5: memref<2x16x2x125x80xi32, #tpu.memory_space<hbm>>, %arg6: memref<16x2x125x80xi32, #tpu.memory_space<hbm>>, %arg7: memref<632x64xf32, #tpu.memory_space<hbm>>, %arg8: memref<2x10000x64xf32, #tpu.memory_space<hbm>>, %arg9: memref<125x80xi32, #tpu.memory_space<vmem>>, %arg10: memref<125x80xi32, #tpu.memory_space<vmem>>, %arg11: memref<125x80xi32, #tpu.memory_space<vmem>>, %arg12: memref<240x64xf32, #tpu.memory_space<vmem>>, %arg13: memref<240x64xf32, #tpu.memory_space<vmem>>, %arg14: memref<240x64xf32, #tpu.memory_space<vmem>>, %arg15: memref<10000x64xf32, #tpu.memory_space<vmem_shared>>, %arg16: memref<!tpu.dma_semaphore, #tpu.memory_space<semaphore_mem>>, %arg17: memref<!tpu.dma_semaphore, #tpu.memory_space<semaphore_mem>>, %arg18: memref<!tpu.dma_semaphore, #tpu.memory_space<semaphore_mem>>, %arg19: memref<!tpu.dma_semaphore, #tpu.memory_space<semaphore_mem>>, %arg20: memref<!tpu.dma_semaphore, #tpu.memory_space<semaphore_mem>>, %arg21: memref<!tpu.dma_semaphore, #tpu.memory_space<semaphore_mem>>) attributes {dimension_semantics = [#tpu.dimension_semantics<core_parallel>, #tpu.dimension_semantics<subcore_parallel>], iteration_bounds = array<i64: 2, 16>, scalar_prefetch = 0 : i64, scratch_operands = 13 : i64, tpu.core_type = #tpu.core_type<sc_vector_subcore>, window_params = [{transform_indices = #map}, {transform_indices = #map}, {transform_indices = #map1}, {transform_indices = #map1}, {transform_indices = #map2}, {transform_indices = #map}, {transform_indices = #map3}]} {
    %lt3A = arith.constant 15 : i32
    %lt3A_0 = arith.cmpi slt, %arg1, %lt3A : i32
    %convert_element_type3A = arith.extui %lt3A_0 : i1 to i32
    %cond3A = arith.constant 0 : i32
    %cond3A_1 = arith.cmpi ne, %convert_element_type3A, %cond3A : i32
    scf.if %cond3A_1 {
      %mul3A_229 = arith.constant 632 : i32
      %mul3A_230 = arith.muli %arg1, %mul3A_229 : i32
      "tpu.region"() ({
        %run_scoped3A_231 = tpu.sem_alloc : memref<!tpu.dma_semaphore, #tpu.memory_space<semaphore_mem>>
        %dma_start3A_232 = arith.constant 0 : i32
        %dma_start3A_233 = tpu.memref_slice %arg15[%mul3A_230, %dma_start3A_232] : memref<10000x64xf32, #tpu.memory_space<vmem_shared>> -> memref<632x64xf32, #tpu.memory_space<vmem_shared>>
        tpu.enqueue_dma source(%arg7 : memref<632x64xf32, #tpu.memory_space<hbm>>) target(%dma_start3A_233 : memref<632x64xf32, #tpu.memory_space<vmem_shared>>) target_semaphore(%run_scoped3A_231 : memref<!tpu.dma_semaphore, #tpu.memory_space<semaphore_mem>>)
        %dma_wait3A_234 = arith.constant 0 : i32
        %dma_wait3A_235 = tpu.memref_slice %arg15[%mul3A_230, %dma_wait3A_234] : memref<10000x64xf32, #tpu.memory_space<vmem_shared>> -> memref<632x64xf32, #tpu.memory_space<vmem_shared>>
        tpu.wait_dma2 semaphore(%run_scoped3A_231 : memref<!tpu.dma_semaphore, #tpu.memory_space<semaphore_mem>>) src(%arg7 : memref<632x64xf32, #tpu.memory_space<hbm>>) dst(%dma_wait3A_235 : memref<632x64xf32, #tpu.memory_space<vmem_shared>>)
        tpu.yield
      }) : () -> ()
    } else {
    }
    %eq3A = arith.constant 15 : i32
    %eq3A_2 = arith.cmpi eq, %arg1, %eq3A : i32
    %convert_element_type3A_3 = arith.extui %eq3A_2 : i1 to i32
    %cond3A_4 = arith.constant 0 : i32
    %cond3A_5 = arith.cmpi ne, %convert_element_type3A_3, %cond3A_4 : i32
    scf.if %cond3A_5 {
      "tpu.region"() ({
        %run_scoped3A_229 = tpu.sem_alloc : memref<!tpu.dma_semaphore, #tpu.memory_space<semaphore_mem>>
        %dma_start3A_230 = arith.constant 9480 : i32
        %dma_start3A_231 = arith.constant 0 : i32
        %dma_start3A_232 = tpu.memref_slice %arg15[%dma_start3A_230, %dma_start3A_231] : memref<10000x64xf32, #tpu.memory_space<vmem_shared>> -> memref<520x64xf32, #tpu.memory_space<vmem_shared>>
        %dma_start3A_233 = arith.constant 0 : i32
        %dma_start3A_234 = arith.constant 0 : i32
        %dma_start3A_235 = tpu.memref_slice %arg7[%dma_start3A_233, %dma_start3A_234] : memref<632x64xf32, #tpu.memory_space<hbm>> -> memref<520x64xf32, #tpu.memory_space<hbm>>
        tpu.enqueue_dma source(%dma_start3A_235 : memref<520x64xf32, #tpu.memory_space<hbm>>) target(%dma_start3A_232 : memref<520x64xf32, #tpu.memory_space<vmem_shared>>) target_semaphore(%run_scoped3A_229 : memref<!tpu.dma_semaphore, #tpu.memory_space<semaphore_mem>>)
        %dma_wait3A_236 = arith.constant 9480 : i32
        %dma_wait3A_237 = arith.constant 0 : i32
        %dma_wait3A_238 = tpu.memref_slice %arg15[%dma_wait3A_236, %dma_wait3A_237] : memref<10000x64xf32, #tpu.memory_space<vmem_shared>> -> memref<520x64xf32, #tpu.memory_space<vmem_shared>>
        %dma_wait3A_239 = arith.constant 0 : i32
        %dma_wait3A_240 = arith.constant 0 : i32
        %dma_wait3A_241 = tpu.memref_slice %arg7[%dma_wait3A_239, %dma_wait3A_240] : memref<632x64xf32, #tpu.memory_space<hbm>> -> memref<520x64xf32, #tpu.memory_space<hbm>>
        tpu.wait_dma2 semaphore(%run_scoped3A_229 : memref<!tpu.dma_semaphore, #tpu.memory_space<semaphore_mem>>) src(%dma_wait3A_241 : memref<520x64xf32, #tpu.memory_space<hbm>>) dst(%dma_wait3A_238 : memref<520x64xf32, #tpu.memory_space<vmem_shared>>)
        tpu.yield
      }) : () -> ()
    } else {
    }
    %barrier3A = arith.constant 0 : index
    tpu.barrier barrier_id(%barrier3A)
    %mul3A = arith.constant 64 : i32
    %mul3A_6 = arith.muli %arg0, %mul3A : i32
    %run_scoped3A = arith.constant 0 : i32
    "tpu.region"() ({
      %run_scoped3A_229 = tpu.sem_alloc : memref<!tpu.dma_semaphore, #tpu.memory_space<semaphore_mem>>
      %dma_start3A_230 = arith.constant 0 : i32
      %dma_start3A_231 = arith.constant 0 : i32
      %dma_start3A_232 = tpu.memref_slice %arg4[%arg0, %arg1, %run_scoped3A, %dma_start3A_230, %dma_start3A_231] : memref<2x16x2x125x80xi32, #tpu.memory_space<hbm>> -> memref<1x1x1x125x80xi32, #tpu.memory_space<hbm>>
      %dma_start3A_233 = tpu.memref_squeeze %dma_start3A_232 : memref<1x1x1x125x80xi32, #tpu.memory_space<hbm>> -> memref<125x80xi32, #tpu.memory_space<hbm>>
      %dma_start3A_234 = arith.constant 0 : i32
      %dma_start3A_235 = arith.constant 0 : i32
      %dma_start3A_236 = tpu.memref_slice %arg4[%arg0, %arg1, %run_scoped3A, %dma_start3A_234, %dma_start3A_235] : memref<2x16x2x125x80xi32, #tpu.memory_space<hbm>> -> memref<1x1x1x125x80xi32, #tpu.memory_space<hbm>>
      %dma_start3A_237 = tpu.memref_squeeze %dma_start3A_236 : memref<1x1x1x125x80xi32, #tpu.memory_space<hbm>> -> memref<125x80xi32, #tpu.memory_space<hbm>>
      tpu.enqueue_dma source(%dma_start3A_237 : memref<125x80xi32, #tpu.memory_space<hbm>>) target(%arg9 : memref<125x80xi32, #tpu.memory_space<vmem>>) target_semaphore(%run_scoped3A_229 : memref<!tpu.dma_semaphore, #tpu.memory_space<semaphore_mem>>)
      %dma_wait3A_238 = arith.constant 0 : i32
      %dma_wait3A_239 = arith.constant 0 : i32
      %dma_wait3A_240 = tpu.memref_slice %arg4[%arg0, %arg1, %run_scoped3A, %dma_wait3A_238, %dma_wait3A_239] : memref<2x16x2x125x80xi32, #tpu.memory_space<hbm>> -> memref<1x1x1x125x80xi32, #tpu.memory_space<hbm>>
      %dma_wait3A_241 = tpu.memref_squeeze %dma_wait3A_240 : memref<1x1x1x125x80xi32, #tpu.memory_space<hbm>> -> memref<125x80xi32, #tpu.memory_space<hbm>>
      %dma_wait3A_242 = arith.constant 0 : i32
      %dma_wait3A_243 = arith.constant 0 : i32
      %dma_wait3A_244 = tpu.memref_slice %arg4[%arg0, %arg1, %run_scoped3A, %dma_wait3A_242, %dma_wait3A_243] : memref<2x16x2x125x80xi32, #tpu.memory_space<hbm>> -> memref<1x1x1x125x80xi32, #tpu.memory_space<hbm>>
      %dma_wait3A_245 = tpu.memref_squeeze %dma_wait3A_244 : memref<1x1x1x125x80xi32, #tpu.memory_space<hbm>> -> memref<125x80xi32, #tpu.memory_space<hbm>>
      tpu.wait_dma2 semaphore(%run_scoped3A_229 : memref<!tpu.dma_semaphore, #tpu.memory_space<semaphore_mem>>) src(%dma_wait3A_245 : memref<125x80xi32, #tpu.memory_space<hbm>>) dst(%arg9 : memref<125x80xi32, #tpu.memory_space<vmem>>)
      tpu.yield
    }) : () -> ()
    %run_scoped3A_7 = arith.constant 0 : i32
    "tpu.region"() ({
      %run_scoped3A_229 = tpu.sem_alloc : memref<!tpu.dma_semaphore, #tpu.memory_space<semaphore_mem>>
      %dma_start3A_230 = arith.constant 0 : i32
      %dma_start3A_231 = arith.constant 0 : i32
      %dma_start3A_232 = tpu.memref_slice %arg5[%arg0, %arg1, %run_scoped3A_7, %dma_start3A_230, %dma_start3A_231] : memref<2x16x2x125x80xi32, #tpu.memory_space<hbm>> -> memref<1x1x1x125x80xi32, #tpu.memory_space<hbm>>
      %dma_start3A_233 = tpu.memref_squeeze %dma_start3A_232 : memref<1x1x1x125x80xi32, #tpu.memory_space<hbm>> -> memref<125x80xi32, #tpu.memory_space<hbm>>
      %dma_start3A_234 = arith.constant 0 : i32
      %dma_start3A_235 = arith.constant 0 : i32
      %dma_start3A_236 = tpu.memref_slice %arg5[%arg0, %arg1, %run_scoped3A_7, %dma_start3A_234, %dma_start3A_235] : memref<2x16x2x125x80xi32, #tpu.memory_space<hbm>> -> memref<1x1x1x125x80xi32, #tpu.memory_space<hbm>>
      %dma_start3A_237 = tpu.memref_squeeze %dma_start3A_236 : memref<1x1x1x125x80xi32, #tpu.memory_space<hbm>> -> memref<125x80xi32, #tpu.memory_space<hbm>>
      tpu.enqueue_dma source(%dma_start3A_237 : memref<125x80xi32, #tpu.memory_space<hbm>>) target(%arg10 : memref<125x80xi32, #tpu.memory_space<vmem>>) target_semaphore(%run_scoped3A_229 : memref<!tpu.dma_semaphore, #tpu.memory_space<semaphore_mem>>)
      %dma_wait3A_238 = arith.constant 0 : i32
      %dma_wait3A_239 = arith.constant 0 : i32
      %dma_wait3A_240 = tpu.memref_slice %arg5[%arg0, %arg1, %run_scoped3A_7, %dma_wait3A_238, %dma_wait3A_239] : memref<2x16x2x125x80xi32, #tpu.memory_space<hbm>> -> memref<1x1x1x125x80xi32, #tpu.memory_space<hbm>>
      %dma_wait3A_241 = tpu.memref_squeeze %dma_wait3A_240 : memref<1x1x1x125x80xi32, #tpu.memory_space<hbm>> -> memref<125x80xi32, #tpu.memory_space<hbm>>
      %dma_wait3A_242 = arith.constant 0 : i32
      %dma_wait3A_243 = arith.constant 0 : i32
      %dma_wait3A_244 = tpu.memref_slice %arg5[%arg0, %arg1, %run_scoped3A_7, %dma_wait3A_242, %dma_wait3A_243] : memref<2x16x2x125x80xi32, #tpu.memory_space<hbm>> -> memref<1x1x1x125x80xi32, #tpu.memory_space<hbm>>
      %dma_wait3A_245 = tpu.memref_squeeze %dma_wait3A_244 : memref<1x1x1x125x80xi32, #tpu.memory_space<hbm>> -> memref<125x80xi32, #tpu.memory_space<hbm>>
      tpu.wait_dma2 semaphore(%run_scoped3A_229 : memref<!tpu.dma_semaphore, #tpu.memory_space<semaphore_mem>>) src(%dma_wait3A_245 : memref<125x80xi32, #tpu.memory_space<hbm>>) dst(%arg10 : memref<125x80xi32, #tpu.memory_space<vmem>>)
      tpu.yield
    }) : () -> ()
    %run_scoped3A_8 = arith.constant 0 : i32
    "tpu.region"() ({
      %run_scoped3A_229 = tpu.sem_alloc : memref<!tpu.dma_semaphore, #tpu.memory_space<semaphore_mem>>
      %dma_start3A_230 = arith.constant 0 : i32
      %dma_start3A_231 = arith.constant 0 : i32
      %dma_start3A_232 = tpu.memref_slice %arg6[%arg1, %run_scoped3A_8, %dma_start3A_230, %dma_start3A_231] : memref<16x2x125x80xi32, #tpu.memory_space<hbm>> -> memref<1x1x125x80xi32, #tpu.memory_space<hbm>>
      %dma_start3A_233 = tpu.memref_squeeze %dma_start3A_232 : memref<1x1x125x80xi32, #tpu.memory_space<hbm>> -> memref<125x80xi32, #tpu.memory_space<hbm>>
      %dma_start3A_234 = arith.constant 0 : i32
      %dma_start3A_235 = arith.constant 0 : i32
      %dma_start3A_236 = tpu.memref_slice %arg6[%arg1, %run_scoped3A_8, %dma_start3A_234, %dma_start3A_235] : memref<16x2x125x80xi32, #tpu.memory_space<hbm>> -> memref<1x1x125x80xi32, #tpu.memory_space<hbm>>
      %dma_start3A_237 = tpu.memref_squeeze %dma_start3A_236 : memref<1x1x125x80xi32, #tpu.memory_space<hbm>> -> memref<125x80xi32, #tpu.memory_space<hbm>>
      tpu.enqueue_dma source(%dma_start3A_237 : memref<125x80xi32, #tpu.memory_space<hbm>>) target(%arg11 : memref<125x80xi32, #tpu.memory_space<vmem>>) target_semaphore(%run_scoped3A_229 : memref<!tpu.dma_semaphore, #tpu.memory_space<semaphore_mem>>)
      %dma_wait3A_238 = arith.constant 0 : i32
      %dma_wait3A_239 = arith.constant 0 : i32
      %dma_wait3A_240 = tpu.memref_slice %arg6[%arg1, %run_scoped3A_8, %dma_wait3A_238, %dma_wait3A_239] : memref<16x2x125x80xi32, #tpu.memory_space<hbm>> -> memref<1x1x125x80xi32, #tpu.memory_space<hbm>>
      %dma_wait3A_241 = tpu.memref_squeeze %dma_wait3A_240 : memref<1x1x125x80xi32, #tpu.memory_space<hbm>> -> memref<125x80xi32, #tpu.memory_space<hbm>>
      %dma_wait3A_242 = arith.constant 0 : i32
      %dma_wait3A_243 = arith.constant 0 : i32
      %dma_wait3A_244 = tpu.memref_slice %arg6[%arg1, %run_scoped3A_8, %dma_wait3A_242, %dma_wait3A_243] : memref<16x2x125x80xi32, #tpu.memory_space<hbm>> -> memref<1x1x125x80xi32, #tpu.memory_space<hbm>>
      %dma_wait3A_245 = tpu.memref_squeeze %dma_wait3A_244 : memref<1x1x125x80xi32, #tpu.memory_space<hbm>> -> memref<125x80xi32, #tpu.memory_space<hbm>>
      tpu.wait_dma2 semaphore(%run_scoped3A_229 : memref<!tpu.dma_semaphore, #tpu.memory_space<semaphore_mem>>) src(%dma_wait3A_245 : memref<125x80xi32, #tpu.memory_space<hbm>>) dst(%arg11 : memref<125x80xi32, #tpu.memory_space<vmem>>)
      tpu.yield
    }) : () -> ()
    %mul3A_9 = arith.constant 20000 : i32
    %mul3A_10 = arith.muli %arg1, %mul3A_9 : i32
    %add3A = arith.constant 0 : i32
    %add3A_11 = arith.addi %mul3A_10, %add3A : i32
    %add3A_12 = arith.constant 0 : i32
    %add3A_13 = arith.addi %add3A_11, %add3A_12 : i32
    %dma_start3A = arith.constant 0 : i32
    %dma_start3A_14 = arith.constant 0 : i32
    %dma_start3A_15 = tpu.memref_slice %arg12[%dma_start3A, %dma_start3A_14] : memref<240x64xf32, #tpu.memory_space<vmem>> -> memref<80x64xf32, #tpu.memory_space<vmem>>
    %dma_start3A_16 = tpu.memref_slice %arg3[%add3A_13, %mul3A_6] : memref<320000x128xf32, #tpu.memory_space<hbm>> -> memref<80x64xf32, #tpu.memory_space<hbm>>
    %dma_start3A_17 = arith.constant 0 : i32
    %dma_start3A_18 = arith.constant 0 : i32
    %dma_start3A_19 = tpu.memref_slice %arg12[%dma_start3A_17, %dma_start3A_18] : memref<240x64xf32, #tpu.memory_space<vmem>> -> memref<80x64xf32, #tpu.memory_space<vmem>>
    %dma_start3A_20 = tpu.memref_slice %arg3[%add3A_13, %mul3A_6] : memref<320000x128xf32, #tpu.memory_space<hbm>> -> memref<80x64xf32, #tpu.memory_space<hbm>>
    tpu.enqueue_dma source(%dma_start3A_20 : memref<80x64xf32, #tpu.memory_space<hbm>>) target(%dma_start3A_19 : memref<80x64xf32, #tpu.memory_space<vmem>>) target_semaphore(%arg16 : memref<!tpu.dma_semaphore, #tpu.memory_space<semaphore_mem>>)
    %dma_start3A_21 = arith.constant 0 : i32
    %dma_start3A_22 = arith.constant 80 : i32
    %dma_start3A_23 = arith.constant 0 : i32
    %dma_start3A_24 = tpu.memref_slice %arg12[%dma_start3A_22, %dma_start3A_23] : memref<240x64xf32, #tpu.memory_space<vmem>> -> memref<80x64xf32, #tpu.memory_space<vmem>>
    %dma_start3A_25 = arith.constant 0 : i32
    %dma_start3A_26 = tpu.memref_slice %arg9[%dma_start3A_21, %dma_start3A_25] : memref<125x80xi32, #tpu.memory_space<vmem>> -> memref<1x80xi32, #tpu.memory_space<vmem>>
    %dma_start3A_27 = tpu.memref_squeeze %dma_start3A_26 : memref<1x80xi32, #tpu.memory_space<vmem>> -> memref<80xi32, #tpu.memory_space<vmem>>
    %dma_start3A_28 = arith.constant 0 : i32
    %dma_start3A_29 = arith.constant 0 : i32
    %dma_start3A_30 = tpu.memref_slice %arg2[%dma_start3A_28, %dma_start3A_29] : memref<40000x64xf32, #tpu.memory_space<hbm>> -> memref<40000x64xf32, #tpu.memory_space<hbm>>
    tpu.enqueue_indirect_dma source(%dma_start3A_30 : memref<40000x64xf32, #tpu.memory_space<hbm>>) target(%dma_start3A_24 : memref<80x64xf32, #tpu.memory_space<vmem>>) offsets(%dma_start3A_27 : memref<80xi32, #tpu.memory_space<vmem>>) semaphore(%arg16 : memref<!tpu.dma_semaphore, #tpu.memory_space<semaphore_mem>>)
    %dma_start3A_31 = arith.constant 0 : i32
    %dma_start3A_32 = arith.constant 160 : i32
    %dma_start3A_33 = arith.constant 0 : i32
    %dma_start3A_34 = tpu.memref_slice %arg12[%dma_start3A_32, %dma_start3A_33] : memref<240x64xf32, #tpu.memory_space<vmem>> -> memref<80x64xf32, #tpu.memory_space<vmem>>
    %dma_start3A_35 = arith.constant 0 : i32
    %dma_start3A_36 = tpu.memref_slice %arg10[%dma_start3A_31, %dma_start3A_35] : memref<125x80xi32, #tpu.memory_space<vmem>> -> memref<1x80xi32, #tpu.memory_space<vmem>>
    %dma_start3A_37 = tpu.memref_squeeze %dma_start3A_36 : memref<1x80xi32, #tpu.memory_space<vmem>> -> memref<80xi32, #tpu.memory_space<vmem>>
    %dma_start3A_38 = arith.constant 0 : i32
    %dma_start3A_39 = arith.constant 0 : i32
    %dma_start3A_40 = tpu.memref_slice %arg2[%dma_start3A_38, %dma_start3A_39] : memref<40000x64xf32, #tpu.memory_space<hbm>> -> memref<40000x64xf32, #tpu.memory_space<hbm>>
    tpu.enqueue_indirect_dma source(%dma_start3A_40 : memref<40000x64xf32, #tpu.memory_space<hbm>>) target(%dma_start3A_34 : memref<80x64xf32, #tpu.memory_space<vmem>>) offsets(%dma_start3A_37 : memref<80xi32, #tpu.memory_space<vmem>>) semaphore(%arg16 : memref<!tpu.dma_semaphore, #tpu.memory_space<semaphore_mem>>)
    %add3A_41 = arith.constant 80 : i32
    %add3A_42 = arith.addi %add3A_11, %add3A_41 : i32
    %dma_start3A_43 = arith.constant 0 : i32
    %dma_start3A_44 = arith.constant 0 : i32
    %dma_start3A_45 = tpu.memref_slice %arg13[%dma_start3A_43, %dma_start3A_44] : memref<240x64xf32, #tpu.memory_space<vmem>> -> memref<80x64xf32, #tpu.memory_space<vmem>>
    %dma_start3A_46 = tpu.memref_slice %arg3[%add3A_42, %mul3A_6] : memref<320000x128xf32, #tpu.memory_space<hbm>> -> memref<80x64xf32, #tpu.memory_space<hbm>>
    %dma_start3A_47 = arith.constant 0 : i32
    %dma_start3A_48 = arith.constant 0 : i32
    %dma_start3A_49 = tpu.memref_slice %arg13[%dma_start3A_47, %dma_start3A_48] : memref<240x64xf32, #tpu.memory_space<vmem>> -> memref<80x64xf32, #tpu.memory_space<vmem>>
    %dma_start3A_50 = tpu.memref_slice %arg3[%add3A_42, %mul3A_6] : memref<320000x128xf32, #tpu.memory_space<hbm>> -> memref<80x64xf32, #tpu.memory_space<hbm>>
    tpu.enqueue_dma source(%dma_start3A_50 : memref<80x64xf32, #tpu.memory_space<hbm>>) target(%dma_start3A_49 : memref<80x64xf32, #tpu.memory_space<vmem>>) target_semaphore(%arg17 : memref<!tpu.dma_semaphore, #tpu.memory_space<semaphore_mem>>)
    %dma_start3A_51 = arith.constant 1 : i32
    %dma_start3A_52 = arith.constant 80 : i32
    %dma_start3A_53 = arith.constant 0 : i32
    %dma_start3A_54 = tpu.memref_slice %arg13[%dma_start3A_52, %dma_start3A_53] : memref<240x64xf32, #tpu.memory_space<vmem>> -> memref<80x64xf32, #tpu.memory_space<vmem>>
    %dma_start3A_55 = arith.constant 0 : i32
    %dma_start3A_56 = tpu.memref_slice %arg9[%dma_start3A_51, %dma_start3A_55] : memref<125x80xi32, #tpu.memory_space<vmem>> -> memref<1x80xi32, #tpu.memory_space<vmem>>
    %dma_start3A_57 = tpu.memref_squeeze %dma_start3A_56 : memref<1x80xi32, #tpu.memory_space<vmem>> -> memref<80xi32, #tpu.memory_space<vmem>>
    %dma_start3A_58 = arith.constant 0 : i32
    %dma_start3A_59 = arith.constant 0 : i32
    %dma_start3A_60 = tpu.memref_slice %arg2[%dma_start3A_58, %dma_start3A_59] : memref<40000x64xf32, #tpu.memory_space<hbm>> -> memref<40000x64xf32, #tpu.memory_space<hbm>>
    tpu.enqueue_indirect_dma source(%dma_start3A_60 : memref<40000x64xf32, #tpu.memory_space<hbm>>) target(%dma_start3A_54 : memref<80x64xf32, #tpu.memory_space<vmem>>) offsets(%dma_start3A_57 : memref<80xi32, #tpu.memory_space<vmem>>) semaphore(%arg17 : memref<!tpu.dma_semaphore, #tpu.memory_space<semaphore_mem>>)
    %dma_start3A_61 = arith.constant 1 : i32
    %dma_start3A_62 = arith.constant 160 : i32
    %dma_start3A_63 = arith.constant 0 : i32
    %dma_start3A_64 = tpu.memref_slice %arg13[%dma_start3A_62, %dma_start3A_63] : memref<240x64xf32, #tpu.memory_space<vmem>> -> memref<80x64xf32, #tpu.memory_space<vmem>>
    %dma_start3A_65 = arith.constant 0 : i32
    %dma_start3A_66 = tpu.memref_slice %arg10[%dma_start3A_61, %dma_start3A_65] : memref<125x80xi32, #tpu.memory_space<vmem>> -> memref<1x80xi32, #tpu.memory_space<vmem>>
    %dma_start3A_67 = tpu.memref_squeeze %dma_start3A_66 : memref<1x80xi32, #tpu.memory_space<vmem>> -> memref<80xi32, #tpu.memory_space<vmem>>
    %dma_start3A_68 = arith.constant 0 : i32
    %dma_start3A_69 = arith.constant 0 : i32
    %dma_start3A_70 = tpu.memref_slice %arg2[%dma_start3A_68, %dma_start3A_69] : memref<40000x64xf32, #tpu.memory_space<hbm>> -> memref<40000x64xf32, #tpu.memory_space<hbm>>
    tpu.enqueue_indirect_dma source(%dma_start3A_70 : memref<40000x64xf32, #tpu.memory_space<hbm>>) target(%dma_start3A_64 : memref<80x64xf32, #tpu.memory_space<vmem>>) offsets(%dma_start3A_67 : memref<80xi32, #tpu.memory_space<vmem>>) semaphore(%arg17 : memref<!tpu.dma_semaphore, #tpu.memory_space<semaphore_mem>>)
    %scan3A = arith.constant 0 : i32
    %scan3A_71 = arith.constant 41 : i32
    %scan3A_72 = arith.addi %scan3A, %scan3A_71 : i32
    %scan3A_73 = arith.constant 1 : i32
    scf.for %scan3A_229 = %scan3A to %scan3A_72 step %scan3A_73  : i32 {
      %mul3A_230 = arith.constant 3 : i32
      %mul3A_231 = arith.muli %scan3A_229, %mul3A_230 : i32
      %add3A_232 = arith.constant 0 : i32
      %add3A_233 = arith.addi %add3A_232, %mul3A_231 : i32
      %add3A_234 = arith.constant 0 : i32
      %add3A_235 = arith.addi %add3A_233, %add3A_234 : i32
      %dma_wait3A_236 = arith.constant 0 : i32
      %dma_wait3A_237 = arith.constant 0 : i32
      %dma_wait3A_238 = tpu.memref_slice %arg2[%dma_wait3A_236, %dma_wait3A_237] : memref<40000x64xf32, #tpu.memory_space<hbm>> -> memref<240x64xf32, #tpu.memory_space<hbm>>
      %dma_wait3A_239 = arith.constant 0 : i32
      %dma_wait3A_240 = arith.constant 0 : i32
      %dma_wait3A_241 = tpu.memref_slice %arg2[%dma_wait3A_239, %dma_wait3A_240] : memref<40000x64xf32, #tpu.memory_space<hbm>> -> memref<240x64xf32, #tpu.memory_space<hbm>>
      tpu.wait_dma2 semaphore(%arg16 : memref<!tpu.dma_semaphore, #tpu.memory_space<semaphore_mem>>) src(%dma_wait3A_241 : memref<240x64xf32, #tpu.memory_space<hbm>>) dst(%arg12 : memref<240x64xf32, #tpu.memory_space<vmem>>)
      %scan3A_242 = arith.constant 0 : i32
      %scan3A_243 = arith.constant 0 : i32
      %scan3A_244 = arith.constant 80 : i32
      %scan3A_245 = arith.addi %scan3A_243, %scan3A_244 : i32
      %scan3A_246 = arith.constant 2 : i32
      scf.for %scan3A_338 = %scan3A_243 to %scan3A_245 step %scan3A_246  : i32 {
        %get3A = arith.index_cast %scan3A_338 : i32 to index
        %get3A_339 = arith.constant 0 : index
        %get3A_340 = tpu.vector_load %arg12[%get3A, %get3A_339] {strides = array<i32>} : memref<240x64xf32, #tpu.memory_space<vmem>>, vector<1x16xf32>,
        %get3A_341 = vector.shape_cast %get3A_340 : vector<1x16xf32> to vector<16xf32>
        %add3A_342 = arith.constant 80 : i32
        %add3A_343 = arith.addi %add3A_342, %scan3A_338 : i32
        %get3A_344 = arith.index_cast %add3A_343 : i32 to index
        %get3A_345 = arith.constant 0 : index
        %get3A_346 = tpu.vector_load %arg12[%get3A_344, %get3A_345] {strides = array<i32>} : memref<240x64xf32, #tpu.memory_space<vmem>>, vector<1x16xf32>,
        %get3A_347 = vector.shape_cast %get3A_346 : vector<1x16xf32> to vector<16xf32>
        %add3A_348 = arith.addf %get3A_341, %get3A_347 : vector<16xf32>
        %add3A_349 = arith.constant 160 : i32
        %add3A_350 = arith.addi %add3A_349, %scan3A_338 : i32
        %get3A_351 = arith.index_cast %add3A_350 : i32 to index
        %get3A_352 = arith.constant 0 : index
        %get3A_353 = tpu.vector_load %arg12[%get3A_351, %get3A_352] {strides = array<i32>} : memref<240x64xf32, #tpu.memory_space<vmem>>, vector<1x16xf32>,
        %get3A_354 = vector.shape_cast %get3A_353 : vector<1x16xf32> to vector<16xf32>
        %add3A_355 = arith.addf %add3A_348, %get3A_354 : vector<16xf32>
        %max3A = arith.constant 0.000000e+00 : f32
        %max3A_356 = vector.broadcast %max3A : f32 to vector<16xf32>
        %max3A_357 = arith.maximumf %add3A_355, %max3A_356 : vector<16xf32>
        %add3A_358 = arith.constant 80 : i32
        %add3A_359 = arith.addi %add3A_358, %scan3A_338 : i32
        %swap3A = arith.index_cast %add3A_359 : i32 to index
        %swap3A_360 = arith.constant 0 : index
        %swap3A_361 = tpu.vector_load %arg12[%swap3A, %swap3A_360] {strides = array<i32>} : memref<240x64xf32, #tpu.memory_space<vmem>>, vector<1x16xf32>,
        %swap3A_362 = vector.shape_cast %swap3A_361 : vector<1x16xf32> to vector<16xf32>
        %swap3A_363 = vector.shape_cast %max3A_357 : vector<16xf32> to vector<1x16xf32>
        tpu.vector_store %arg12[%swap3A, %swap3A_360], %swap3A_363 {strides = array<i32>} : memref<240x64xf32, #tpu.memory_space<vmem>>, vector<1x16xf32>,
        %get3A_364 = arith.index_cast %scan3A_338 : i32 to index
        %get3A_365 = arith.constant 16 : index
        %get3A_366 = tpu.vector_load %arg12[%get3A_364, %get3A_365] {strides = array<i32>} : memref<240x64xf32, #tpu.memory_space<vmem>>, vector<1x16xf32>,
        %get3A_367 = vector.shape_cast %get3A_366 : vector<1x16xf32> to vector<16xf32>
        %add3A_368 = arith.constant 80 : i32
        %add3A_369 = arith.addi %add3A_368, %scan3A_338 : i32
        %get3A_370 = arith.index_cast %add3A_369 : i32 to index
        %get3A_371 = arith.constant 16 : index
        %get3A_372 = tpu.vector_load %arg12[%get3A_370, %get3A_371] {strides = array<i32>} : memref<240x64xf32, #tpu.memory_space<vmem>>, vector<1x16xf32>,
        %get3A_373 = vector.shape_cast %get3A_372 : vector<1x16xf32> to vector<16xf32>
        %add3A_374 = arith.addf %get3A_367, %get3A_373 : vector<16xf32>
        %add3A_375 = arith.constant 160 : i32
        %add3A_376 = arith.addi %add3A_375, %scan3A_338 : i32
        %get3A_377 = arith.index_cast %add3A_376 : i32 to index
        %get3A_378 = arith.constant 16 : index
        %get3A_379 = tpu.vector_load %arg12[%get3A_377, %get3A_378] {strides = array<i32>} : memref<240x64xf32, #tpu.memory_space<vmem>>, vector<1x16xf32>,
        %get3A_380 = vector.shape_cast %get3A_379 : vector<1x16xf32> to vector<16xf32>
        %add3A_381 = arith.addf %add3A_374, %get3A_380 : vector<16xf32>
        %max3A_382 = arith.constant 0.000000e+00 : f32
        %max3A_383 = vector.broadcast %max3A_382 : f32 to vector<16xf32>
        %max3A_384 = arith.maximumf %add3A_381, %max3A_383 : vector<16xf32>
        %add3A_385 = arith.constant 80 : i32
        %add3A_386 = arith.addi %add3A_385, %scan3A_338 : i32
        %swap3A_387 = arith.index_cast %add3A_386 : i32 to index
        %swap3A_388 = arith.constant 16 : index
        %swap3A_389 = tpu.vector_load %arg12[%swap3A_387, %swap3A_388] {strides = array<i32>} : memref<240x64xf32, #tpu.memory_space<vmem>>, vector<1x16xf32>,
        %swap3A_390 = vector.shape_cast %swap3A_389 : vector<1x16xf32> to vector<16xf32>
        %swap3A_391 = vector.shape_cast %max3A_384 : vector<16xf32> to vector<1x16xf32>
        tpu.vector_store %arg12[%swap3A_387, %swap3A_388], %swap3A_391 {strides = array<i32>} : memref<240x64xf32, #tpu.memory_space<vmem>>, vector<1x16xf32>,
        %get3A_392 = arith.index_cast %scan3A_338 : i32 to index
        %get3A_393 = arith.constant 32 : index
        %get3A_394 = tpu.vector_load %arg12[%get3A_392, %get3A_393] {strides = array<i32>} : memref<240x64xf32, #tpu.memory_space<vmem>>, vector<1x16xf32>,
        %get3A_395 = vector.shape_cast %get3A_394 : vector<1x16xf32> to vector<16xf32>
        %add3A_396 = arith.constant 80 : i32
        %add3A_397 = arith.addi %add3A_396, %scan3A_338 : i32
        %get3A_398 = arith.index_cast %add3A_397 : i32 to index
        %get3A_399 = arith.constant 32 : index
        %get3A_400 = tpu.vector_load %arg12[%get3A_398, %get3A_399] {strides = array<i32>} : memref<240x64xf32, #tpu.memory_space<vmem>>, vector<1x16xf32>,
        %get3A_401 = vector.shape_cast %get3A_400 : vector<1x16xf32> to vector<16xf32>
        %add3A_402 = arith.addf %get3A_395, %get3A_401 : vector<16xf32>
        %add3A_403 = arith.constant 160 : i32
        %add3A_404 = arith.addi %add3A_403, %scan3A_338 : i32
        %get3A_405 = arith.index_cast %add3A_404 : i32 to index
        %get3A_406 = arith.constant 32 : index
        %get3A_407 = tpu.vector_load %arg12[%get3A_405, %get3A_406] {strides = array<i32>} : memref<240x64xf32, #tpu.memory_space<vmem>>, vector<1x16xf32>,
        %get3A_408 = vector.shape_cast %get3A_407 : vector<1x16xf32> to vector<16xf32>
        %add3A_409 = arith.addf %add3A_402, %get3A_408 : vector<16xf32>
        %max3A_410 = arith.constant 0.000000e+00 : f32
        %max3A_411 = vector.broadcast %max3A_410 : f32 to vector<16xf32>
        %max3A_412 = arith.maximumf %add3A_409, %max3A_411 : vector<16xf32>
        %add3A_413 = arith.constant 80 : i32
        %add3A_414 = arith.addi %add3A_413, %scan3A_338 : i32
        %swap3A_415 = arith.index_cast %add3A_414 : i32 to index
        %swap3A_416 = arith.constant 32 : index
        %swap3A_417 = tpu.vector_load %arg12[%swap3A_415, %swap3A_416] {strides = array<i32>} : memref<240x64xf32, #tpu.memory_space<vmem>>, vector<1x16xf32>,
        %swap3A_418 = vector.shape_cast %swap3A_417 : vector<1x16xf32> to vector<16xf32>
        %swap3A_419 = vector.shape_cast %max3A_412 : vector<16xf32> to vector<1x16xf32>
        tpu.vector_store %arg12[%swap3A_415, %swap3A_416], %swap3A_419 {strides = array<i32>} : memref<240x64xf32, #tpu.memory_space<vmem>>, vector<1x16xf32>,
        %get3A_420 = arith.index_cast %scan3A_338 : i32 to index
        %get3A_421 = arith.constant 48 : index
        %get3A_422 = tpu.vector_load %arg12[%get3A_420, %get3A_421] {strides = array<i32>} : memref<240x64xf32, #tpu.memory_space<vmem>>, vector<1x16xf32>,
        %get3A_423 = vector.shape_cast %get3A_422 : vector<1x16xf32> to vector<16xf32>
        %add3A_424 = arith.constant 80 : i32
        %add3A_425 = arith.addi %add3A_424, %scan3A_338 : i32
        %get3A_426 = arith.index_cast %add3A_425 : i32 to index
        %get3A_427 = arith.constant 48 : index
        %get3A_428 = tpu.vector_load %arg12[%get3A_426, %get3A_427] {strides = array<i32>} : memref<240x64xf32, #tpu.memory_space<vmem>>, vector<1x16xf32>,
        %get3A_429 = vector.shape_cast %get3A_428 : vector<1x16xf32> to vector<16xf32>
        %add3A_430 = arith.addf %get3A_423, %get3A_429 : vector<16xf32>
        %add3A_431 = arith.constant 160 : i32
        %add3A_432 = arith.addi %add3A_431, %scan3A_338 : i32
        %get3A_433 = arith.index_cast %add3A_432 : i32 to index
        %get3A_434 = arith.constant 48 : index
        %get3A_435 = tpu.vector_load %arg12[%get3A_433, %get3A_434] {strides = array<i32>} : memref<240x64xf32, #tpu.memory_space<vmem>>, vector<1x16xf32>,
        %get3A_436 = vector.shape_cast %get3A_435 : vector<1x16xf32> to vector<16xf32>
        %add3A_437 = arith.addf %add3A_430, %get3A_436 : vector<16xf32>
        %max3A_438 = arith.constant 0.000000e+00 : f32
        %max3A_439 = vector.broadcast %max3A_438 : f32 to vector<16xf32>
        %max3A_440 = arith.maximumf %add3A_437, %max3A_439 : vector<16xf32>
        %add3A_441 = arith.constant 80 : i32
        %add3A_442 = arith.addi %add3A_441, %scan3A_338 : i32
        %swap3A_443 = arith.index_cast %add3A_442 : i32 to index
        %swap3A_444 = arith.constant 48 : index
        %swap3A_445 = tpu.vector_load %arg12[%swap3A_443, %swap3A_444] {strides = array<i32>} : memref<240x64xf32, #tpu.memory_space<vmem>>, vector<1x16xf32>,
        %swap3A_446 = vector.shape_cast %swap3A_445 : vector<1x16xf32> to vector<16xf32>
        %swap3A_447 = vector.shape_cast %max3A_440 : vector<16xf32> to vector<1x16xf32>
        tpu.vector_store %arg12[%swap3A_443, %swap3A_444], %swap3A_447 {strides = array<i32>} : memref<240x64xf32, #tpu.memory_space<vmem>>, vector<1x16xf32>,
        %scan3A_448 = arith.constant 1 : i32
        %scan3A_449 = arith.addi %scan3A_338, %scan3A_448 : i32
        %get3A_450 = arith.index_cast %scan3A_449 : i32 to index
        %get3A_451 = arith.constant 0 : index
        %get3A_452 = tpu.vector_load %arg12[%get3A_450, %get3A_451] {strides = array<i32>} : memref<240x64xf32, #tpu.memory_space<vmem>>, vector<1x16xf32>,
        %get3A_453 = vector.shape_cast %get3A_452 : vector<1x16xf32> to vector<16xf32>
        %add3A_454 = arith.constant 80 : i32
        %add3A_455 = arith.addi %add3A_454, %scan3A_449 : i32
        %get3A_456 = arith.index_cast %add3A_455 : i32 to index
        %get3A_457 = arith.constant 0 : index
        %get3A_458 = tpu.vector_load %arg12[%get3A_456, %get3A_457] {strides = array<i32>} : memref<240x64xf32, #tpu.memory_space<vmem>>, vector<1x16xf32>,
        %get3A_459 = vector.shape_cast %get3A_458 : vector<1x16xf32> to vector<16xf32>
        %add3A_460 = arith.addf %get3A_453, %get3A_459 : vector<16xf32>
        %add3A_461 = arith.constant 160 : i32
        %add3A_462 = arith.addi %add3A_461, %scan3A_449 : i32
        %get3A_463 = arith.index_cast %add3A_462 : i32 to index
        %get3A_464 = arith.constant 0 : index
        %get3A_465 = tpu.vector_load %arg12[%get3A_463, %get3A_464] {strides = array<i32>} : memref<240x64xf32, #tpu.memory_space<vmem>>, vector<1x16xf32>,
        %get3A_466 = vector.shape_cast %get3A_465 : vector<1x16xf32> to vector<16xf32>
        %add3A_467 = arith.addf %add3A_460, %get3A_466 : vector<16xf32>
        %max3A_468 = arith.constant 0.000000e+00 : f32
        %max3A_469 = vector.broadcast %max3A_468 : f32 to vector<16xf32>
        %max3A_470 = arith.maximumf %add3A_467, %max3A_469 : vector<16xf32>
        %add3A_471 = arith.constant 80 : i32
        %add3A_472 = arith.addi %add3A_471, %scan3A_449 : i32
        %swap3A_473 = arith.index_cast %add3A_472 : i32 to index
        %swap3A_474 = arith.constant 0 : index
        %swap3A_475 = tpu.vector_load %arg12[%swap3A_473, %swap3A_474] {strides = array<i32>} : memref<240x64xf32, #tpu.memory_space<vmem>>, vector<1x16xf32>,
        %swap3A_476 = vector.shape_cast %swap3A_475 : vector<1x16xf32> to vector<16xf32>
        %swap3A_477 = vector.shape_cast %max3A_470 : vector<16xf32> to vector<1x16xf32>
        tpu.vector_store %arg12[%swap3A_473, %swap3A_474], %swap3A_477 {strides = array<i32>} : memref<240x64xf32, #tpu.memory_space<vmem>>, vector<1x16xf32>,
        %get3A_478 = arith.index_cast %scan3A_449 : i32 to index
        %get3A_479 = arith.constant 16 : index
        %get3A_480 = tpu.vector_load %arg12[%get3A_478, %get3A_479] {strides = array<i32>} : memref<240x64xf32, #tpu.memory_space<vmem>>, vector<1x16xf32>,
        %get3A_481 = vector.shape_cast %get3A_480 : vector<1x16xf32> to vector<16xf32>
        %add3A_482 = arith.constant 80 : i32
        %add3A_483 = arith.addi %add3A_482, %scan3A_449 : i32
        %get3A_484 = arith.index_cast %add3A_483 : i32 to index
        %get3A_485 = arith.constant 16 : index
        %get3A_486 = tpu.vector_load %arg12[%get3A_484, %get3A_485] {strides = array<i32>} : memref<240x64xf32, #tpu.memory_space<vmem>>, vector<1x16xf32>,
        %get3A_487 = vector.shape_cast %get3A_486 : vector<1x16xf32> to vector<16xf32>
        %add3A_488 = arith.addf %get3A_481, %get3A_487 : vector<16xf32>
        %add3A_489 = arith.constant 160 : i32
        %add3A_490 = arith.addi %add3A_489, %scan3A_449 : i32
        %get3A_491 = arith.index_cast %add3A_490 : i32 to index
        %get3A_492 = arith.constant 16 : index
        %get3A_493 = tpu.vector_load %arg12[%get3A_491, %get3A_492] {strides = array<i32>} : memref<240x64xf32, #tpu.memory_space<vmem>>, vector<1x16xf32>,
        %get3A_494 = vector.shape_cast %get3A_493 : vector<1x16xf32> to vector<16xf32>
        %add3A_495 = arith.addf %add3A_488, %get3A_494 : vector<16xf32>
        %max3A_496 = arith.constant 0.000000e+00 : f32
        %max3A_497 = vector.broadcast %max3A_496 : f32 to vector<16xf32>
        %max3A_498 = arith.maximumf %add3A_495, %max3A_497 : vector<16xf32>
        %add3A_499 = arith.constant 80 : i32
        %add3A_500 = arith.addi %add3A_499, %scan3A_449 : i32
        %swap3A_501 = arith.index_cast %add3A_500 : i32 to index
        %swap3A_502 = arith.constant 16 : index
        %swap3A_503 = tpu.vector_load %arg12[%swap3A_501, %swap3A_502] {strides = array<i32>} : memref<240x64xf32, #tpu.memory_space<vmem>>, vector<1x16xf32>,
        %swap3A_504 = vector.shape_cast %swap3A_503 : vector<1x16xf32> to vector<16xf32>
        %swap3A_505 = vector.shape_cast %max3A_498 : vector<16xf32> to vector<1x16xf32>
        tpu.vector_store %arg12[%swap3A_501, %swap3A_502], %swap3A_505 {strides = array<i32>} : memref<240x64xf32, #tpu.memory_space<vmem>>, vector<1x16xf32>,
        %get3A_506 = arith.index_cast %scan3A_449 : i32 to index
        %get3A_507 = arith.constant 32 : index
        %get3A_508 = tpu.vector_load %arg12[%get3A_506, %get3A_507] {strides = array<i32>} : memref<240x64xf32, #tpu.memory_space<vmem>>, vector<1x16xf32>,
        %get3A_509 = vector.shape_cast %get3A_508 : vector<1x16xf32> to vector<16xf32>
        %add3A_510 = arith.constant 80 : i32
        %add3A_511 = arith.addi %add3A_510, %scan3A_449 : i32
        %get3A_512 = arith.index_cast %add3A_511 : i32 to index
        %get3A_513 = arith.constant 32 : index
        %get3A_514 = tpu.vector_load %arg12[%get3A_512, %get3A_513] {strides = array<i32>} : memref<240x64xf32, #tpu.memory_space<vmem>>, vector<1x16xf32>,
        %get3A_515 = vector.shape_cast %get3A_514 : vector<1x16xf32> to vector<16xf32>
        %add3A_516 = arith.addf %get3A_509, %get3A_515 : vector<16xf32>
        %add3A_517 = arith.constant 160 : i32
        %add3A_518 = arith.addi %add3A_517, %scan3A_449 : i32
        %get3A_519 = arith.index_cast %add3A_518 : i32 to index
        %get3A_520 = arith.constant 32 : index
        %get3A_521 = tpu.vector_load %arg12[%get3A_519, %get3A_520] {strides = array<i32>} : memref<240x64xf32, #tpu.memory_space<vmem>>, vector<1x16xf32>,
        %get3A_522 = vector.shape_cast %get3A_521 : vector<1x16xf32> to vector<16xf32>
        %add3A_523 = arith.addf %add3A_516, %get3A_522 : vector<16xf32>
        %max3A_524 = arith.constant 0.000000e+00 : f32
        %max3A_525 = vector.broadcast %max3A_524 : f32 to vector<16xf32>
        %max3A_526 = arith.maximumf %add3A_523, %max3A_525 : vector<16xf32>
        %add3A_527 = arith.constant 80 : i32
        %add3A_528 = arith.addi %add3A_527, %scan3A_449 : i32
        %swap3A_529 = arith.index_cast %add3A_528 : i32 to index
        %swap3A_530 = arith.constant 32 : index
        %swap3A_531 = tpu.vector_load %arg12[%swap3A_529, %swap3A_530] {strides = array<i32>} : memref<240x64xf32, #tpu.memory_space<vmem>>, vector<1x16xf32>,
        %swap3A_532 = vector.shape_cast %swap3A_531 : vector<1x16xf32> to vector<16xf32>
        %swap3A_533 = vector.shape_cast %max3A_526 : vector<16xf32> to vector<1x16xf32>
        tpu.vector_store %arg12[%swap3A_529, %swap3A_530], %swap3A_533 {strides = array<i32>} : memref<240x64xf32, #tpu.memory_space<vmem>>, vector<1x16xf32>,
        %get3A_534 = arith.index_cast %scan3A_449 : i32 to index
        %get3A_535 = arith.constant 48 : index
        %get3A_536 = tpu.vector_load %arg12[%get3A_534, %get3A_535] {strides = array<i32>} : memref<240x64xf32, #tpu.memory_space<vmem>>, vector<1x16xf32>,
        %get3A_537 = vector.shape_cast %get3A_536 : vector<1x16xf32> to vector<16xf32>
        %add3A_538 = arith.constant 80 : i32
        %add3A_539 = arith.addi %add3A_538, %scan3A_449 : i32
        %get3A_540 = arith.index_cast %add3A_539 : i32 to index
        %get3A_541 = arith.constant 48 : index
        %get3A_542 = tpu.vector_load %arg12[%get3A_540, %get3A_541] {strides = array<i32>} : memref<240x64xf32, #tpu.memory_space<vmem>>, vector<1x16xf32>,
        %get3A_543 = vector.shape_cast %get3A_542 : vector<1x16xf32> to vector<16xf32>
        %add3A_544 = arith.addf %get3A_537, %get3A_543 : vector<16xf32>
        %add3A_545 = arith.constant 160 : i32
        %add3A_546 = arith.addi %add3A_545, %scan3A_449 : i32
        %get3A_547 = arith.index_cast %add3A_546 : i32 to index
        %get3A_548 = arith.constant 48 : index
        %get3A_549 = tpu.vector_load %arg12[%get3A_547, %get3A_548] {strides = array<i32>} : memref<240x64xf32, #tpu.memory_space<vmem>>, vector<1x16xf32>,
        %get3A_550 = vector.shape_cast %get3A_549 : vector<1x16xf32> to vector<16xf32>
        %add3A_551 = arith.addf %add3A_544, %get3A_550 : vector<16xf32>
        %max3A_552 = arith.constant 0.000000e+00 : f32
        %max3A_553 = vector.broadcast %max3A_552 : f32 to vector<16xf32>
        %max3A_554 = arith.maximumf %add3A_551, %max3A_553 : vector<16xf32>
        %add3A_555 = arith.constant 80 : i32
        %add3A_556 = arith.addi %add3A_555, %scan3A_449 : i32
        %swap3A_557 = arith.index_cast %add3A_556 : i32 to index
        %swap3A_558 = arith.constant 48 : index
        %swap3A_559 = tpu.vector_load %arg12[%swap3A_557, %swap3A_558] {strides = array<i32>} : memref<240x64xf32, #tpu.memory_space<vmem>>, vector<1x16xf32>,
        %swap3A_560 = vector.shape_cast %swap3A_559 : vector<1x16xf32> to vector<16xf32>
        %swap3A_561 = vector.shape_cast %max3A_554 : vector<16xf32> to vector<1x16xf32>
        tpu.vector_store %arg12[%swap3A_557, %swap3A_558], %swap3A_561 {strides = array<i32>} : memref<240x64xf32, #tpu.memory_space<vmem>>, vector<1x16xf32>,
      }
      %scan3A_247 = arith.constant 80 : i32
      %dma_start3A_248 = arith.constant 80 : i32
      %dma_start3A_249 = arith.constant 0 : i32
      %dma_start3A_250 = tpu.memref_slice %arg12[%dma_start3A_248, %dma_start3A_249] : memref<240x64xf32, #tpu.memory_space<vmem>> -> memref<80x64xf32, #tpu.memory_space<vmem>>
      %dma_start3A_251 = arith.constant 0 : i32
      %dma_start3A_252 = tpu.memref_slice %arg11[%add3A_235, %dma_start3A_251] : memref<125x80xi32, #tpu.memory_space<vmem>> -> memref<1x80xi32, #tpu.memory_space<vmem>>
      %dma_start3A_253 = tpu.memref_squeeze %dma_start3A_252 : memref<1x80xi32, #tpu.memory_space<vmem>> -> memref<80xi32, #tpu.memory_space<vmem>>
      %dma_start3A_254 = arith.constant 0 : i32
      %dma_start3A_255 = arith.constant 0 : i32
      %dma_start3A_256 = tpu.memref_slice %arg15[%dma_start3A_254, %dma_start3A_255] : memref<10000x64xf32, #tpu.memory_space<vmem_shared>> -> memref<10000x64xf32, #tpu.memory_space<vmem_shared>>
      tpu.enqueue_indirect_dma source(%dma_start3A_250 : memref<80x64xf32, #tpu.memory_space<vmem>>) target(%dma_start3A_256 : memref<10000x64xf32, #tpu.memory_space<vmem_shared>>) offsets(%dma_start3A_253 : memref<80xi32, #tpu.memory_space<vmem>>) semaphore(%arg19 : memref<!tpu.dma_semaphore, #tpu.memory_space<semaphore_mem>>) {add = true}
      %ge3A = arith.constant 1 : i32
      %ge3A_257 = arith.cmpi sge, %add3A_235, %ge3A : i32
      %convert_element_type3A_258 = arith.extui %ge3A_257 : i1 to i32
      %cond3A_259 = arith.constant 0 : i32
      %cond3A_260 = arith.cmpi ne, %convert_element_type3A_258, %cond3A_259 : i32
      scf.if %cond3A_260 {
        %dma_wait3A_338 = arith.constant 80 : i32
        %dma_wait3A_339 = arith.constant 0 : i32
        %dma_wait3A_340 = tpu.memref_slice %arg14[%dma_wait3A_338, %dma_wait3A_339] : memref<240x64xf32, #tpu.memory_space<vmem>> -> memref<80x64xf32, #tpu.memory_space<vmem>>
        %dma_wait3A_341 = arith.constant 0 : i32
        %dma_wait3A_342 = tpu.memref_slice %arg11[%add3A_235, %dma_wait3A_341] : memref<125x80xi32, #tpu.memory_space<vmem>> -> memref<1x80xi32, #tpu.memory_space<vmem>>
        %dma_wait3A_343 = tpu.memref_squeeze %dma_wait3A_342 : memref<1x80xi32, #tpu.memory_space<vmem>> -> memref<80xi32, #tpu.memory_space<vmem>>
        %dma_wait3A_344 = arith.constant 0 : i32
        %dma_wait3A_345 = arith.constant 0 : i32
        %dma_wait3A_346 = tpu.memref_slice %arg15[%dma_wait3A_344, %dma_wait3A_345] : memref<10000x64xf32, #tpu.memory_space<vmem_shared>> -> memref<10000x64xf32, #tpu.memory_space<vmem_shared>>
        tpu.wait_indirect_dma semaphore(%arg21 : memref<!tpu.dma_semaphore, #tpu.memory_space<semaphore_mem>>) src(%dma_wait3A_340 : memref<80x64xf32, #tpu.memory_space<vmem>>) dst(%dma_wait3A_346 : memref<10000x64xf32, #tpu.memory_space<vmem_shared>>)
      } else {
      }
      %add3A_261 = arith.constant 2 : i32
      %add3A_262 = arith.addi %add3A_235, %add3A_261 : i32
      %lt3A_263 = arith.constant 125 : i32
      %lt3A_264 = arith.cmpi slt, %add3A_262, %lt3A_263 : i32
      %convert_element_type3A_265 = arith.extui %lt3A_264 : i1 to i32
      %cond3A_266 = arith.constant 0 : i32
      %cond3A_267 = arith.cmpi ne, %convert_element_type3A_265, %cond3A_266 : i32
      scf.if %cond3A_267 {
        %add3A_338 = arith.constant 2 : i32
        %add3A_339 = arith.addi %add3A_235, %add3A_338 : i32
        %mul3A_340 = arith.constant 80 : i32
        %mul3A_341 = arith.muli %add3A_339, %mul3A_340 : i32
        %add3A_342 = arith.addi %add3A_11, %mul3A_341 : i32
        %dma_start3A_343 = arith.constant 0 : i32
        %dma_start3A_344 = arith.constant 0 : i32
        %dma_start3A_345 = tpu.memref_slice %arg14[%dma_start3A_343, %dma_start3A_344] : memref<240x64xf32, #tpu.memory_space<vmem>> -> memref<80x64xf32, #tpu.memory_space<vmem>>
        %dma_start3A_346 = tpu.memref_slice %arg3[%add3A_342, %mul3A_6] : memref<320000x128xf32, #tpu.memory_space<hbm>> -> memref<80x64xf32, #tpu.memory_space<hbm>>
        %dma_start3A_347 = arith.constant 0 : i32
        %dma_start3A_348 = arith.constant 0 : i32
        %dma_start3A_349 = tpu.memref_slice %arg14[%dma_start3A_347, %dma_start3A_348] : memref<240x64xf32, #tpu.memory_space<vmem>> -> memref<80x64xf32, #tpu.memory_space<vmem>>
        %dma_start3A_350 = tpu.memref_slice %arg3[%add3A_342, %mul3A_6] : memref<320000x128xf32, #tpu.memory_space<hbm>> -> memref<80x64xf32, #tpu.memory_space<hbm>>
        tpu.enqueue_dma source(%dma_start3A_350 : memref<80x64xf32, #tpu.memory_space<hbm>>) target(%dma_start3A_349 : memref<80x64xf32, #tpu.memory_space<vmem>>) target_semaphore(%arg18 : memref<!tpu.dma_semaphore, #tpu.memory_space<semaphore_mem>>)
        %dma_start3A_351 = arith.constant 80 : i32
        %dma_start3A_352 = arith.constant 0 : i32
        %dma_start3A_353 = tpu.memref_slice %arg14[%dma_start3A_351, %dma_start3A_352] : memref<240x64xf32, #tpu.memory_space<vmem>> -> memref<80x64xf32, #tpu.memory_space<vmem>>
        %dma_start3A_354 = arith.constant 0 : i32
        %dma_start3A_355 = tpu.memref_slice %arg9[%add3A_339, %dma_start3A_354] : memref<125x80xi32, #tpu.memory_space<vmem>> -> memref<1x80xi32, #tpu.memory_space<vmem>>
        %dma_start3A_356 = tpu.memref_squeeze %dma_start3A_355 : memref<1x80xi32, #tpu.memory_space<vmem>> -> memref<80xi32, #tpu.memory_space<vmem>>
        %dma_start3A_357 = arith.constant 0 : i32
        %dma_start3A_358 = arith.constant 0 : i32
        %dma_start3A_359 = tpu.memref_slice %arg2[%dma_start3A_357, %dma_start3A_358] : memref<40000x64xf32, #tpu.memory_space<hbm>> -> memref<40000x64xf32, #tpu.memory_space<hbm>>
        tpu.enqueue_indirect_dma source(%dma_start3A_359 : memref<40000x64xf32, #tpu.memory_space<hbm>>) target(%dma_start3A_353 : memref<80x64xf32, #tpu.memory_space<vmem>>) offsets(%dma_start3A_356 : memref<80xi32, #tpu.memory_space<vmem>>) semaphore(%arg18 : memref<!tpu.dma_semaphore, #tpu.memory_space<semaphore_mem>>)
        %dma_start3A_360 = arith.constant 160 : i32
        %dma_start3A_361 = arith.constant 0 : i32
        %dma_start3A_362 = tpu.memref_slice %arg14[%dma_start3A_360, %dma_start3A_361] : memref<240x64xf32, #tpu.memory_space<vmem>> -> memref<80x64xf32, #tpu.memory_space<vmem>>
        %dma_start3A_363 = arith.constant 0 : i32
        %dma_start3A_364 = tpu.memref_slice %arg10[%add3A_339, %dma_start3A_363] : memref<125x80xi32, #tpu.memory_space<vmem>> -> memref<1x80xi32, #tpu.memory_space<vmem>>
        %dma_start3A_365 = tpu.memref_squeeze %dma_start3A_364 : memref<1x80xi32, #tpu.memory_space<vmem>> -> memref<80xi32, #tpu.memory_space<vmem>>
        %dma_start3A_366 = arith.constant 0 : i32
        %dma_start3A_367 = arith.constant 0 : i32
        %dma_start3A_368 = tpu.memref_slice %arg2[%dma_start3A_366, %dma_start3A_367] : memref<40000x64xf32, #tpu.memory_space<hbm>> -> memref<40000x64xf32, #tpu.memory_space<hbm>>
        tpu.enqueue_indirect_dma source(%dma_start3A_368 : memref<40000x64xf32, #tpu.memory_space<hbm>>) target(%dma_start3A_362 : memref<80x64xf32, #tpu.memory_space<vmem>>) offsets(%dma_start3A_365 : memref<80xi32, #tpu.memory_space<vmem>>) semaphore(%arg18 : memref<!tpu.dma_semaphore, #tpu.memory_space<semaphore_mem>>)
      } else {
      }
      %add3A_268 = arith.constant 1 : i32
      %add3A_269 = arith.addi %add3A_233, %add3A_268 : i32
      %dma_wait3A_270 = arith.constant 0 : i32
      %dma_wait3A_271 = arith.constant 0 : i32
      %dma_wait3A_272 = tpu.memref_slice %arg2[%dma_wait3A_270, %dma_wait3A_271] : memref<40000x64xf32, #tpu.memory_space<hbm>> -> memref<240x64xf32, #tpu.memory_space<hbm>>
      %dma_wait3A_273 = arith.constant 0 : i32
      %dma_wait3A_274 = arith.constant 0 : i32
      %dma_wait3A_275 = tpu.memref_slice %arg2[%dma_wait3A_273, %dma_wait3A_274] : memref<40000x64xf32, #tpu.memory_space<hbm>> -> memref<240x64xf32, #tpu.memory_space<hbm>>
      tpu.wait_dma2 semaphore(%arg17 : memref<!tpu.dma_semaphore, #tpu.memory_space<semaphore_mem>>) src(%dma_wait3A_275 : memref<240x64xf32, #tpu.memory_space<hbm>>) dst(%arg13 : memref<240x64xf32, #tpu.memory_space<vmem>>)
      %scan3A_276 = arith.constant 0 : i32
      %scan3A_277 = arith.constant 0 : i32
      %scan3A_278 = arith.constant 80 : i32
      %scan3A_279 = arith.addi %scan3A_277, %scan3A_278 : i32
      %scan3A_280 = arith.constant 2 : i32
      scf.for %scan3A_338 = %scan3A_277 to %scan3A_279 step %scan3A_280  : i32 {
        %get3A = arith.index_cast %scan3A_338 : i32 to index
        %get3A_339 = arith.constant 0 : index
        %get3A_340 = tpu.vector_load %arg13[%get3A, %get3A_339] {strides = array<i32>} : memref<240x64xf32, #tpu.memory_space<vmem>>, vector<1x16xf32>,
        %get3A_341 = vector.shape_cast %get3A_340 : vector<1x16xf32> to vector<16xf32>
        %add3A_342 = arith.constant 80 : i32
        %add3A_343 = arith.addi %add3A_342, %scan3A_338 : i32
        %get3A_344 = arith.index_cast %add3A_343 : i32 to index
        %get3A_345 = arith.constant 0 : index
        %get3A_346 = tpu.vector_load %arg13[%get3A_344, %get3A_345] {strides = array<i32>} : memref<240x64xf32, #tpu.memory_space<vmem>>, vector<1x16xf32>,
        %get3A_347 = vector.shape_cast %get3A_346 : vector<1x16xf32> to vector<16xf32>
        %add3A_348 = arith.addf %get3A_341, %get3A_347 : vector<16xf32>
        %add3A_349 = arith.constant 160 : i32
        %add3A_350 = arith.addi %add3A_349, %scan3A_338 : i32
        %get3A_351 = arith.index_cast %add3A_350 : i32 to index
        %get3A_352 = arith.constant 0 : index
        %get3A_353 = tpu.vector_load %arg13[%get3A_351, %get3A_352] {strides = array<i32>} : memref<240x64xf32, #tpu.memory_space<vmem>>, vector<1x16xf32>,
        %get3A_354 = vector.shape_cast %get3A_353 : vector<1x16xf32> to vector<16xf32>
        %add3A_355 = arith.addf %add3A_348, %get3A_354 : vector<16xf32>
        %max3A = arith.constant 0.000000e+00 : f32
        %max3A_356 = vector.broadcast %max3A : f32 to vector<16xf32>
        %max3A_357 = arith.maximumf %add3A_355, %max3A_356 : vector<16xf32>
        %add3A_358 = arith.constant 80 : i32
        %add3A_359 = arith.addi %add3A_358, %scan3A_338 : i32
        %swap3A = arith.index_cast %add3A_359 : i32 to index
        %swap3A_360 = arith.constant 0 : index
        %swap3A_361 = tpu.vector_load %arg13[%swap3A, %swap3A_360] {strides = array<i32>} : memref<240x64xf32, #tpu.memory_space<vmem>>, vector<1x16xf32>,
        %swap3A_362 = vector.shape_cast %swap3A_361 : vector<1x16xf32> to vector<16xf32>
        %swap3A_363 = vector.shape_cast %max3A_357 : vector<16xf32> to vector<1x16xf32>
        tpu.vector_store %arg13[%swap3A, %swap3A_360], %swap3A_363 {strides = array<i32>} : memref<240x64xf32, #tpu.memory_space<vmem>>, vector<1x16xf32>,
        %get3A_364 = arith.index_cast %scan3A_338 : i32 to index
        %get3A_365 = arith.constant 16 : index
        %get3A_366 = tpu.vector_load %arg13[%get3A_364, %get3A_365] {strides = array<i32>} : memref<240x64xf32, #tpu.memory_space<vmem>>, vector<1x16xf32>,
        %get3A_367 = vector.shape_cast %get3A_366 : vector<1x16xf32> to vector<16xf32>
        %add3A_368 = arith.constant 80 : i32
        %add3A_369 = arith.addi %add3A_368, %scan3A_338 : i32
        %get3A_370 = arith.index_cast %add3A_369 : i32 to index
        %get3A_371 = arith.constant 16 : index
        %get3A_372 = tpu.vector_load %arg13[%get3A_370, %get3A_371] {strides = array<i32>} : memref<240x64xf32, #tpu.memory_space<vmem>>, vector<1x16xf32>,
        %get3A_373 = vector.shape_cast %get3A_372 : vector<1x16xf32> to vector<16xf32>
        %add3A_374 = arith.addf %get3A_367, %get3A_373 : vector<16xf32>
        %add3A_375 = arith.constant 160 : i32
        %add3A_376 = arith.addi %add3A_375, %scan3A_338 : i32
        %get3A_377 = arith.index_cast %add3A_376 : i32 to index
        %get3A_378 = arith.constant 16 : index
        %get3A_379 = tpu.vector_load %arg13[%get3A_377, %get3A_378] {strides = array<i32>} : memref<240x64xf32, #tpu.memory_space<vmem>>, vector<1x16xf32>,
        %get3A_380 = vector.shape_cast %get3A_379 : vector<1x16xf32> to vector<16xf32>
        %add3A_381 = arith.addf %add3A_374, %get3A_380 : vector<16xf32>
        %max3A_382 = arith.constant 0.000000e+00 : f32
        %max3A_383 = vector.broadcast %max3A_382 : f32 to vector<16xf32>
        %max3A_384 = arith.maximumf %add3A_381, %max3A_383 : vector<16xf32>
        %add3A_385 = arith.constant 80 : i32
        %add3A_386 = arith.addi %add3A_385, %scan3A_338 : i32
        %swap3A_387 = arith.index_cast %add3A_386 : i32 to index
        %swap3A_388 = arith.constant 16 : index
        %swap3A_389 = tpu.vector_load %arg13[%swap3A_387, %swap3A_388] {strides = array<i32>} : memref<240x64xf32, #tpu.memory_space<vmem>>, vector<1x16xf32>,
        %swap3A_390 = vector.shape_cast %swap3A_389 : vector<1x16xf32> to vector<16xf32>
        %swap3A_391 = vector.shape_cast %max3A_384 : vector<16xf32> to vector<1x16xf32>
        tpu.vector_store %arg13[%swap3A_387, %swap3A_388], %swap3A_391 {strides = array<i32>} : memref<240x64xf32, #tpu.memory_space<vmem>>, vector<1x16xf32>,
        %get3A_392 = arith.index_cast %scan3A_338 : i32 to index
        %get3A_393 = arith.constant 32 : index
        %get3A_394 = tpu.vector_load %arg13[%get3A_392, %get3A_393] {strides = array<i32>} : memref<240x64xf32, #tpu.memory_space<vmem>>, vector<1x16xf32>,
        %get3A_395 = vector.shape_cast %get3A_394 : vector<1x16xf32> to vector<16xf32>
        %add3A_396 = arith.constant 80 : i32
        %add3A_397 = arith.addi %add3A_396, %scan3A_338 : i32
        %get3A_398 = arith.index_cast %add3A_397 : i32 to index
        %get3A_399 = arith.constant 32 : index
        %get3A_400 = tpu.vector_load %arg13[%get3A_398, %get3A_399] {strides = array<i32>} : memref<240x64xf32, #tpu.memory_space<vmem>>, vector<1x16xf32>,
        %get3A_401 = vector.shape_cast %get3A_400 : vector<1x16xf32> to vector<16xf32>
        %add3A_402 = arith.addf %get3A_395, %get3A_401 : vector<16xf32>
        %add3A_403 = arith.constant 160 : i32
        %add3A_404 = arith.addi %add3A_403, %scan3A_338 : i32
        %get3A_405 = arith.index_cast %add3A_404 : i32 to index
        %get3A_406 = arith.constant 32 : index
        %get3A_407 = tpu.vector_load %arg13[%get3A_405, %get3A_406] {strides = array<i32>} : memref<240x64xf32, #tpu.memory_space<vmem>>, vector<1x16xf32>,
        %get3A_408 = vector.shape_cast %get3A_407 : vector<1x16xf32> to vector<16xf32>
        %add3A_409 = arith.addf %add3A_402, %get3A_408 : vector<16xf32>
        %max3A_410 = arith.constant 0.000000e+00 : f32
        %max3A_411 = vector.broadcast %max3A_410 : f32 to vector<16xf32>
        %max3A_412 = arith.maximumf %add3A_409, %max3A_411 : vector<16xf32>
        %add3A_413 = arith.constant 80 : i32
        %add3A_414 = arith.addi %add3A_413, %scan3A_338 : i32
        %swap3A_415 = arith.index_cast %add3A_414 : i32 to index
        %swap3A_416 = arith.constant 32 : index
        %swap3A_417 = tpu.vector_load %arg13[%swap3A_415, %swap3A_416] {strides = array<i32>} : memref<240x64xf32, #tpu.memory_space<vmem>>, vector<1x16xf32>,
        %swap3A_418 = vector.shape_cast %swap3A_417 : vector<1x16xf32> to vector<16xf32>
        %swap3A_419 = vector.shape_cast %max3A_412 : vector<16xf32> to vector<1x16xf32>
        tpu.vector_store %arg13[%swap3A_415, %swap3A_416], %swap3A_419 {strides = array<i32>} : memref<240x64xf32, #tpu.memory_space<vmem>>, vector<1x16xf32>,
        %get3A_420 = arith.index_cast %scan3A_338 : i32 to index
        %get3A_421 = arith.constant 48 : index
        %get3A_422 = tpu.vector_load %arg13[%get3A_420, %get3A_421] {strides = array<i32>} : memref<240x64xf32, #tpu.memory_space<vmem>>, vector<1x16xf32>,
        %get3A_423 = vector.shape_cast %get3A_422 : vector<1x16xf32> to vector<16xf32>
        %add3A_424 = arith.constant 80 : i32
        %add3A_425 = arith.addi %add3A_424, %scan3A_338 : i32
        %get3A_426 = arith.index_cast %add3A_425 : i32 to index
        %get3A_427 = arith.constant 48 : index
        %get3A_428 = tpu.vector_load %arg13[%get3A_426, %get3A_427] {strides = array<i32>} : memref<240x64xf32, #tpu.memory_space<vmem>>, vector<1x16xf32>,
        %get3A_429 = vector.shape_cast %get3A_428 : vector<1x16xf32> to vector<16xf32>
        %add3A_430 = arith.addf %get3A_423, %get3A_429 : vector<16xf32>
        %add3A_431 = arith.constant 160 : i32
        %add3A_432 = arith.addi %add3A_431, %scan3A_338 : i32
        %get3A_433 = arith.index_cast %add3A_432 : i32 to index
        %get3A_434 = arith.constant 48 : index
        %get3A_435 = tpu.vector_load %arg13[%get3A_433, %get3A_434] {strides = array<i32>} : memref<240x64xf32, #tpu.memory_space<vmem>>, vector<1x16xf32>,
        %get3A_436 = vector.shape_cast %get3A_435 : vector<1x16xf32> to vector<16xf32>
        %add3A_437 = arith.addf %add3A_430, %get3A_436 : vector<16xf32>
        %max3A_438 = arith.constant 0.000000e+00 : f32
        %max3A_439 = vector.broadcast %max3A_438 : f32 to vector<16xf32>
        %max3A_440 = arith.maximumf %add3A_437, %max3A_439 : vector<16xf32>
        %add3A_441 = arith.constant 80 : i32
        %add3A_442 = arith.addi %add3A_441, %scan3A_338 : i32
        %swap3A_443 = arith.index_cast %add3A_442 : i32 to index
        %swap3A_444 = arith.constant 48 : index
        %swap3A_445 = tpu.vector_load %arg13[%swap3A_443, %swap3A_444] {strides = array<i32>} : memref<240x64xf32, #tpu.memory_space<vmem>>, vector<1x16xf32>,
        %swap3A_446 = vector.shape_cast %swap3A_445 : vector<1x16xf32> to vector<16xf32>
        %swap3A_447 = vector.shape_cast %max3A_440 : vector<16xf32> to vector<1x16xf32>
        tpu.vector_store %arg13[%swap3A_443, %swap3A_444], %swap3A_447 {strides = array<i32>} : memref<240x64xf32, #tpu.memory_space<vmem>>, vector<1x16xf32>,
        %scan3A_448 = arith.constant 1 : i32
        %scan3A_449 = arith.addi %scan3A_338, %scan3A_448 : i32
        %get3A_450 = arith.index_cast %scan3A_449 : i32 to index
        %get3A_451 = arith.constant 0 : index
        %get3A_452 = tpu.vector_load %arg13[%get3A_450, %get3A_451] {strides = array<i32>} : memref<240x64xf32, #tpu.memory_space<vmem>>, vector<1x16xf32>,
        %get3A_453 = vector.shape_cast %get3A_452 : vector<1x16xf32> to vector<16xf32>
        %add3A_454 = arith.constant 80 : i32
        %add3A_455 = arith.addi %add3A_454, %scan3A_449 : i32
        %get3A_456 = arith.index_cast %add3A_455 : i32 to index
        %get3A_457 = arith.constant 0 : index
        %get3A_458 = tpu.vector_load %arg13[%get3A_456, %get3A_457] {strides = array<i32>} : memref<240x64xf32, #tpu.memory_space<vmem>>, vector<1x16xf32>,
        %get3A_459 = vector.shape_cast %get3A_458 : vector<1x16xf32> to vector<16xf32>
        %add3A_460 = arith.addf %get3A_453, %get3A_459 : vector<16xf32>
        %add3A_461 = arith.constant 160 : i32
        %add3A_462 = arith.addi %add3A_461, %scan3A_449 : i32
        %get3A_463 = arith.index_cast %add3A_462 : i32 to index
        %get3A_464 = arith.constant 0 : index
        %get3A_465 = tpu.vector_load %arg13[%get3A_463, %get3A_464] {strides = array<i32>} : memref<240x64xf32, #tpu.memory_space<vmem>>, vector<1x16xf32>,
        %get3A_466 = vector.shape_cast %get3A_465 : vector<1x16xf32> to vector<16xf32>
        %add3A_467 = arith.addf %add3A_460, %get3A_466 : vector<16xf32>
        %max3A_468 = arith.constant 0.000000e+00 : f32
        %max3A_469 = vector.broadcast %max3A_468 : f32 to vector<16xf32>
        %max3A_470 = arith.maximumf %add3A_467, %max3A_469 : vector<16xf32>
        %add3A_471 = arith.constant 80 : i32
        %add3A_472 = arith.addi %add3A_471, %scan3A_449 : i32
        %swap3A_473 = arith.index_cast %add3A_472 : i32 to index
        %swap3A_474 = arith.constant 0 : index
        %swap3A_475 = tpu.vector_load %arg13[%swap3A_473, %swap3A_474] {strides = array<i32>} : memref<240x64xf32, #tpu.memory_space<vmem>>, vector<1x16xf32>,
        %swap3A_476 = vector.shape_cast %swap3A_475 : vector<1x16xf32> to vector<16xf32>
        %swap3A_477 = vector.shape_cast %max3A_470 : vector<16xf32> to vector<1x16xf32>
        tpu.vector_store %arg13[%swap3A_473, %swap3A_474], %swap3A_477 {strides = array<i32>} : memref<240x64xf32, #tpu.memory_space<vmem>>, vector<1x16xf32>,
        %get3A_478 = arith.index_cast %scan3A_449 : i32 to index
        %get3A_479 = arith.constant 16 : index
        %get3A_480 = tpu.vector_load %arg13[%get3A_478, %get3A_479] {strides = array<i32>} : memref<240x64xf32, #tpu.memory_space<vmem>>, vector<1x16xf32>,
        %get3A_481 = vector.shape_cast %get3A_480 : vector<1x16xf32> to vector<16xf32>
        %add3A_482 = arith.constant 80 : i32
        %add3A_483 = arith.addi %add3A_482, %scan3A_449 : i32
        %get3A_484 = arith.index_cast %add3A_483 : i32 to index
        %get3A_485 = arith.constant 16 : index
        %get3A_486 = tpu.vector_load %arg13[%get3A_484, %get3A_485] {strides = array<i32>} : memref<240x64xf32, #tpu.memory_space<vmem>>, vector<1x16xf32>,
        %get3A_487 = vector.shape_cast %get3A_486 : vector<1x16xf32> to vector<16xf32>
        %add3A_488 = arith.addf %get3A_481, %get3A_487 : vector<16xf32>
        %add3A_489 = arith.constant 160 : i32
        %add3A_490 = arith.addi %add3A_489, %scan3A_449 : i32
        %get3A_491 = arith.index_cast %add3A_490 : i32 to index
        %get3A_492 = arith.constant 16 : index
        %get3A_493 = tpu.vector_load %arg13[%get3A_491, %get3A_492] {strides = array<i32>} : memref<240x64xf32, #tpu.memory_space<vmem>>, vector<1x16xf32>,
        %get3A_494 = vector.shape_cast %get3A_493 : vector<1x16xf32> to vector<16xf32>
        %add3A_495 = arith.addf %add3A_488, %get3A_494 : vector<16xf32>
        %max3A_496 = arith.constant 0.000000e+00 : f32
        %max3A_497 = vector.broadcast %max3A_496 : f32 to vector<16xf32>
        %max3A_498 = arith.maximumf %add3A_495, %max3A_497 : vector<16xf32>
        %add3A_499 = arith.constant 80 : i32
        %add3A_500 = arith.addi %add3A_499, %scan3A_449 : i32
        %swap3A_501 = arith.index_cast %add3A_500 : i32 to index
        %swap3A_502 = arith.constant 16 : index
        %swap3A_503 = tpu.vector_load %arg13[%swap3A_501, %swap3A_502] {strides = array<i32>} : memref<240x64xf32, #tpu.memory_space<vmem>>, vector<1x16xf32>,
        %swap3A_504 = vector.shape_cast %swap3A_503 : vector<1x16xf32> to vector<16xf32>
        %swap3A_505 = vector.shape_cast %max3A_498 : vector<16xf32> to vector<1x16xf32>
        tpu.vector_store %arg13[%swap3A_501, %swap3A_502], %swap3A_505 {strides = array<i32>} : memref<240x64xf32, #tpu.memory_space<vmem>>, vector<1x16xf32>,
        %get3A_506 = arith.index_cast %scan3A_449 : i32 to index
        %get3A_507 = arith.constant 32 : index
        %get3A_508 = tpu.vector_load %arg13[%get3A_506, %get3A_507] {strides = array<i32>} : memref<240x64xf32, #tpu.memory_space<vmem>>, vector<1x16xf32>,
        %get3A_509 = vector.shape_cast %get3A_508 : vector<1x16xf32> to vector<16xf32>
        %add3A_510 = arith.constant 80 : i32
        %add3A_511 = arith.addi %add3A_510, %scan3A_449 : i32
        %get3A_512 = arith.index_cast %add3A_511 : i32 to index
        %get3A_513 = arith.constant 32 : index
        %get3A_514 = tpu.vector_load %arg13[%get3A_512, %get3A_513] {strides = array<i32>} : memref<240x64xf32, #tpu.memory_space<vmem>>, vector<1x16xf32>,
        %get3A_515 = vector.shape_cast %get3A_514 : vector<1x16xf32> to vector<16xf32>
        %add3A_516 = arith.addf %get3A_509, %get3A_515 : vector<16xf32>
        %add3A_517 = arith.constant 160 : i32
        %add3A_518 = arith.addi %add3A_517, %scan3A_449 : i32
        %get3A_519 = arith.index_cast %add3A_518 : i32 to index
        %get3A_520 = arith.constant 32 : index
        %get3A_521 = tpu.vector_load %arg13[%get3A_519, %get3A_520] {strides = array<i32>} : memref<240x64xf32, #tpu.memory_space<vmem>>, vector<1x16xf32>,
        %get3A_522 = vector.shape_cast %get3A_521 : vector<1x16xf32> to vector<16xf32>
        %add3A_523 = arith.addf %add3A_516, %get3A_522 : vector<16xf32>
        %max3A_524 = arith.constant 0.000000e+00 : f32
        %max3A_525 = vector.broadcast %max3A_524 : f32 to vector<16xf32>
        %max3A_526 = arith.maximumf %add3A_523, %max3A_525 : vector<16xf32>
        %add3A_527 = arith.constant 80 : i32
        %add3A_528 = arith.addi %add3A_527, %scan3A_449 : i32
        %swap3A_529 = arith.index_cast %add3A_528 : i32 to index
        %swap3A_530 = arith.constant 32 : index
        %swap3A_531 = tpu.vector_load %arg13[%swap3A_529, %swap3A_530] {strides = array<i32>} : memref<240x64xf32, #tpu.memory_space<vmem>>, vector<1x16xf32>,
        %swap3A_532 = vector.shape_cast %swap3A_531 : vector<1x16xf32> to vector<16xf32>
        %swap3A_533 = vector.shape_cast %max3A_526 : vector<16xf32> to vector<1x16xf32>
        tpu.vector_store %arg13[%swap3A_529, %swap3A_530], %swap3A_533 {strides = array<i32>} : memref<240x64xf32, #tpu.memory_space<vmem>>, vector<1x16xf32>,
        %get3A_534 = arith.index_cast %scan3A_449 : i32 to index
        %get3A_535 = arith.constant 48 : index
        %get3A_536 = tpu.vector_load %arg13[%get3A_534, %get3A_535] {strides = array<i32>} : memref<240x64xf32, #tpu.memory_space<vmem>>, vector<1x16xf32>,
        %get3A_537 = vector.shape_cast %get3A_536 : vector<1x16xf32> to vector<16xf32>
        %add3A_538 = arith.constant 80 : i32
        %add3A_539 = arith.addi %add3A_538, %scan3A_449 : i32
        %get3A_540 = arith.index_cast %add3A_539 : i32 to index
        %get3A_541 = arith.constant 48 : index
        %get3A_542 = tpu.vector_load %arg13[%get3A_540, %get3A_541] {strides = array<i32>} : memref<240x64xf32, #tpu.memory_space<vmem>>, vector<1x16xf32>,
        %get3A_543 = vector.shape_cast %get3A_542 : vector<1x16xf32> to vector<16xf32>
        %add3A_544 = arith.addf %get3A_537, %get3A_543 : vector<16xf32>
        %add3A_545 = arith.constant 160 : i32
        %add3A_546 = arith.addi %add3A_545, %scan3A_449 : i32
        %get3A_547 = arith.index_cast %add3A_546 : i32 to index
        %get3A_548 = arith.constant 48 : index
        %get3A_549 = tpu.vector_load %arg13[%get3A_547, %get3A_548] {strides = array<i32>} : memref<240x64xf32, #tpu.memory_space<vmem>>, vector<1x16xf32>,
        %get3A_550 = vector.shape_cast %get3A_549 : vector<1x16xf32> to vector<16xf32>
        %add3A_551 = arith.addf %add3A_544, %get3A_550 : vector<16xf32>
        %max3A_552 = arith.constant 0.000000e+00 : f32
        %max3A_553 = vector.broadcast %max3A_552 : f32 to vector<16xf32>
        %max3A_554 = arith.maximumf %add3A_551, %max3A_553 : vector<16xf32>
        %add3A_555 = arith.constant 80 : i32
        %add3A_556 = arith.addi %add3A_555, %scan3A_449 : i32
        %swap3A_557 = arith.index_cast %add3A_556 : i32 to index
        %swap3A_558 = arith.constant 48 : index
        %swap3A_559 = tpu.vector_load %arg13[%swap3A_557, %swap3A_558] {strides = array<i32>} : memref<240x64xf32, #tpu.memory_space<vmem>>, vector<1x16xf32>,
        %swap3A_560 = vector.shape_cast %swap3A_559 : vector<1x16xf32> to vector<16xf32>
        %swap3A_561 = vector.shape_cast %max3A_554 : vector<16xf32> to vector<1x16xf32>
        tpu.vector_store %arg13[%swap3A_557, %swap3A_558], %swap3A_561 {strides = array<i32>} : memref<240x64xf32, #tpu.memory_space<vmem>>, vector<1x16xf32>,
      }
      %scan3A_281 = arith.constant 80 : i32
      %dma_start3A_282 = arith.constant 80 : i32
      %dma_start3A_283 = arith.constant 0 : i32
      %dma_start3A_284 = tpu.memref_slice %arg13[%dma_start3A_282, %dma_start3A_283] : memref<240x64xf32, #tpu.memory_space<vmem>> -> memref<80x64xf32, #tpu.memory_space<vmem>>
      %dma_start3A_285 = arith.constant 0 : i32
      %dma_start3A_286 = tpu.memref_slice %arg11[%add3A_269, %dma_start3A_285] : memref<125x80xi32, #tpu.memory_space<vmem>> -> memref<1x80xi32, #tpu.memory_space<vmem>>
      %dma_start3A_287 = tpu.memref_squeeze %dma_start3A_286 : memref<1x80xi32, #tpu.memory_space<vmem>> -> memref<80xi32, #tpu.memory_space<vmem>>
      %dma_start3A_288 = arith.constant 0 : i32
      %dma_start3A_289 = arith.constant 0 : i32
      %dma_start3A_290 = tpu.memref_slice %arg15[%dma_start3A_288, %dma_start3A_289] : memref<10000x64xf32, #tpu.memory_space<vmem_shared>> -> memref<10000x64xf32, #tpu.memory_space<vmem_shared>>
      tpu.enqueue_indirect_dma source(%dma_start3A_284 : memref<80x64xf32, #tpu.memory_space<vmem>>) target(%dma_start3A_290 : memref<10000x64xf32, #tpu.memory_space<vmem_shared>>) offsets(%dma_start3A_287 : memref<80xi32, #tpu.memory_space<vmem>>) semaphore(%arg20 : memref<!tpu.dma_semaphore, #tpu.memory_space<semaphore_mem>>) {add = true}
      %ge3A_291 = arith.constant 1 : i32
      %ge3A_292 = arith.cmpi sge, %add3A_269, %ge3A_291 : i32
      %convert_element_type3A_293 = arith.extui %ge3A_292 : i1 to i32
      %cond3A_294 = arith.constant 0 : i32
      %cond3A_295 = arith.cmpi ne, %convert_element_type3A_293, %cond3A_294 : i32
      scf.if %cond3A_295 {
        %dma_wait3A_338 = arith.constant 80 : i32
        %dma_wait3A_339 = arith.constant 0 : i32
        %dma_wait3A_340 = tpu.memref_slice %arg12[%dma_wait3A_338, %dma_wait3A_339] : memref<240x64xf32, #tpu.memory_space<vmem>> -> memref<80x64xf32, #tpu.memory_space<vmem>>
        %dma_wait3A_341 = arith.constant 0 : i32
        %dma_wait3A_342 = tpu.memref_slice %arg11[%add3A_269, %dma_wait3A_341] : memref<125x80xi32, #tpu.memory_space<vmem>> -> memref<1x80xi32, #tpu.memory_space<vmem>>
        %dma_wait3A_343 = tpu.memref_squeeze %dma_wait3A_342 : memref<1x80xi32, #tpu.memory_space<vmem>> -> memref<80xi32, #tpu.memory_space<vmem>>
        %dma_wait3A_344 = arith.constant 0 : i32
        %dma_wait3A_345 = arith.constant 0 : i32
        %dma_wait3A_346 = tpu.memref_slice %arg15[%dma_wait3A_344, %dma_wait3A_345] : memref<10000x64xf32, #tpu.memory_space<vmem_shared>> -> memref<10000x64xf32, #tpu.memory_space<vmem_shared>>
        tpu.wait_indirect_dma semaphore(%arg19 : memref<!tpu.dma_semaphore, #tpu.memory_space<semaphore_mem>>) src(%dma_wait3A_340 : memref<80x64xf32, #tpu.memory_space<vmem>>) dst(%dma_wait3A_346 : memref<10000x64xf32, #tpu.memory_space<vmem_shared>>)
      } else {
      }
      %add3A_296 = arith.constant 2 : i32
      %add3A_297 = arith.addi %add3A_269, %add3A_296 : i32
      %lt3A_298 = arith.constant 125 : i32
      %lt3A_299 = arith.cmpi slt, %add3A_297, %lt3A_298 : i32
      %convert_element_type3A_300 = arith.extui %lt3A_299 : i1 to i32
      %cond3A_301 = arith.constant 0 : i32
      %cond3A_302 = arith.cmpi ne, %convert_element_type3A_300, %cond3A_301 : i32
      scf.if %cond3A_302 {
        %add3A_338 = arith.constant 2 : i32
        %add3A_339 = arith.addi %add3A_269, %add3A_338 : i32
        %mul3A_340 = arith.constant 80 : i32
        %mul3A_341 = arith.muli %add3A_339, %mul3A_340 : i32
        %add3A_342 = arith.addi %add3A_11, %mul3A_341 : i32
        %dma_start3A_343 = arith.constant 0 : i32
        %dma_start3A_344 = arith.constant 0 : i32
        %dma_start3A_345 = tpu.memref_slice %arg12[%dma_start3A_343, %dma_start3A_344] : memref<240x64xf32, #tpu.memory_space<vmem>> -> memref<80x64xf32, #tpu.memory_space<vmem>>
        %dma_start3A_346 = tpu.memref_slice %arg3[%add3A_342, %mul3A_6] : memref<320000x128xf32, #tpu.memory_space<hbm>> -> memref<80x64xf32, #tpu.memory_space<hbm>>
        %dma_start3A_347 = arith.constant 0 : i32
        %dma_start3A_348 = arith.constant 0 : i32
        %dma_start3A_349 = tpu.memref_slice %arg12[%dma_start3A_347, %dma_start3A_348] : memref<240x64xf32, #tpu.memory_space<vmem>> -> memref<80x64xf32, #tpu.memory_space<vmem>>
        %dma_start3A_350 = tpu.memref_slice %arg3[%add3A_342, %mul3A_6] : memref<320000x128xf32, #tpu.memory_space<hbm>> -> memref<80x64xf32, #tpu.memory_space<hbm>>
        tpu.enqueue_dma source(%dma_start3A_350 : memref<80x64xf32, #tpu.memory_space<hbm>>) target(%dma_start3A_349 : memref<80x64xf32, #tpu.memory_space<vmem>>) target_semaphore(%arg16 : memref<!tpu.dma_semaphore, #tpu.memory_space<semaphore_mem>>)
        %dma_start3A_351 = arith.constant 80 : i32
        %dma_start3A_352 = arith.constant 0 : i32
        %dma_start3A_353 = tpu.memref_slice %arg12[%dma_start3A_351, %dma_start3A_352] : memref<240x64xf32, #tpu.memory_space<vmem>> -> memref<80x64xf32, #tpu.memory_space<vmem>>
        %dma_start3A_354 = arith.constant 0 : i32
        %dma_start3A_355 = tpu.memref_slice %arg9[%add3A_339, %dma_start3A_354] : memref<125x80xi32, #tpu.memory_space<vmem>> -> memref<1x80xi32, #tpu.memory_space<vmem>>
        %dma_start3A_356 = tpu.memref_squeeze %dma_start3A_355 : memref<1x80xi32, #tpu.memory_space<vmem>> -> memref<80xi32, #tpu.memory_space<vmem>>
        %dma_start3A_357 = arith.constant 0 : i32
        %dma_start3A_358 = arith.constant 0 : i32
        %dma_start3A_359 = tpu.memref_slice %arg2[%dma_start3A_357, %dma_start3A_358] : memref<40000x64xf32, #tpu.memory_space<hbm>> -> memref<40000x64xf32, #tpu.memory_space<hbm>>
        tpu.enqueue_indirect_dma source(%dma_start3A_359 : memref<40000x64xf32, #tpu.memory_space<hbm>>) target(%dma_start3A_353 : memref<80x64xf32, #tpu.memory_space<vmem>>) offsets(%dma_start3A_356 : memref<80xi32, #tpu.memory_space<vmem>>) semaphore(%arg16 : memref<!tpu.dma_semaphore, #tpu.memory_space<semaphore_mem>>)
        %dma_start3A_360 = arith.constant 160 : i32
        %dma_start3A_361 = arith.constant 0 : i32
        %dma_start3A_362 = tpu.memref_slice %arg12[%dma_start3A_360, %dma_start3A_361] : memref<240x64xf32, #tpu.memory_space<vmem>> -> memref<80x64xf32, #tpu.memory_space<vmem>>
        %dma_start3A_363 = arith.constant 0 : i32
        %dma_start3A_364 = tpu.memref_slice %arg10[%add3A_339, %dma_start3A_363] : memref<125x80xi32, #tpu.memory_space<vmem>> -> memref<1x80xi32, #tpu.memory_space<vmem>>
        %dma_start3A_365 = tpu.memref_squeeze %dma_start3A_364 : memref<1x80xi32, #tpu.memory_space<vmem>> -> memref<80xi32, #tpu.memory_space<vmem>>
        %dma_start3A_366 = arith.constant 0 : i32
        %dma_start3A_367 = arith.constant 0 : i32
        %dma_start3A_368 = tpu.memref_slice %arg2[%dma_start3A_366, %dma_start3A_367] : memref<40000x64xf32, #tpu.memory_space<hbm>> -> memref<40000x64xf32, #tpu.memory_space<hbm>>
        tpu.enqueue_indirect_dma source(%dma_start3A_368 : memref<40000x64xf32, #tpu.memory_space<hbm>>) target(%dma_start3A_362 : memref<80x64xf32, #tpu.memory_space<vmem>>) offsets(%dma_start3A_365 : memref<80xi32, #tpu.memory_space<vmem>>) semaphore(%arg16 : memref<!tpu.dma_semaphore, #tpu.memory_space<semaphore_mem>>)
      } else {
      }
      %add3A_303 = arith.constant 2 : i32
      %add3A_304 = arith.addi %add3A_233, %add3A_303 : i32
      %dma_wait3A_305 = arith.constant 0 : i32
      %dma_wait3A_306 = arith.constant 0 : i32
      %dma_wait3A_307 = tpu.memref_slice %arg2[%dma_wait3A_305, %dma_wait3A_306] : memref<40000x64xf32, #tpu.memory_space<hbm>> -> memref<240x64xf32, #tpu.memory_space<hbm>>
      %dma_wait3A_308 = arith.constant 0 : i32
      %dma_wait3A_309 = arith.constant 0 : i32
      %dma_wait3A_310 = tpu.memref_slice %arg2[%dma_wait3A_308, %dma_wait3A_309] : memref<40000x64xf32, #tpu.memory_space<hbm>> -> memref<240x64xf32, #tpu.memory_space<hbm>>
      tpu.wait_dma2 semaphore(%arg18 : memref<!tpu.dma_semaphore, #tpu.memory_space<semaphore_mem>>) src(%dma_wait3A_310 : memref<240x64xf32, #tpu.memory_space<hbm>>) dst(%arg14 : memref<240x64xf32, #tpu.memory_space<vmem>>)
      %scan3A_311 = arith.constant 0 : i32
      %scan3A_312 = arith.constant 0 : i32
      %scan3A_313 = arith.constant 80 : i32
      %scan3A_314 = arith.addi %scan3A_312, %scan3A_313 : i32
      %scan3A_315 = arith.constant 2 : i32
      scf.for %scan3A_338 = %scan3A_312 to %scan3A_314 step %scan3A_315  : i32 {
        %get3A = arith.index_cast %scan3A_338 : i32 to index
        %get3A_339 = arith.constant 0 : index
        %get3A_340 = tpu.vector_load %arg14[%get3A, %get3A_339] {strides = array<i32>} : memref<240x64xf32, #tpu.memory_space<vmem>>, vector<1x16xf32>,
        %get3A_341 = vector.shape_cast %get3A_340 : vector<1x16xf32> to vector<16xf32>
        %add3A_342 = arith.constant 80 : i32
        %add3A_343 = arith.addi %add3A_342, %scan3A_338 : i32
        %get3A_344 = arith.index_cast %add3A_343 : i32 to index
        %get3A_345 = arith.constant 0 : index
        %get3A_346 = tpu.vector_load %arg14[%get3A_344, %get3A_345] {strides = array<i32>} : memref<240x64xf32, #tpu.memory_space<vmem>>, vector<1x16xf32>,
        %get3A_347 = vector.shape_cast %get3A_346 : vector<1x16xf32> to vector<16xf32>
        %add3A_348 = arith.addf %get3A_341, %get3A_347 : vector<16xf32>
        %add3A_349 = arith.constant 160 : i32
        %add3A_350 = arith.addi %add3A_349, %scan3A_338 : i32
        %get3A_351 = arith.index_cast %add3A_350 : i32 to index
        %get3A_352 = arith.constant 0 : index
        %get3A_353 = tpu.vector_load %arg14[%get3A_351, %get3A_352] {strides = array<i32>} : memref<240x64xf32, #tpu.memory_space<vmem>>, vector<1x16xf32>,
        %get3A_354 = vector.shape_cast %get3A_353 : vector<1x16xf32> to vector<16xf32>
        %add3A_355 = arith.addf %add3A_348, %get3A_354 : vector<16xf32>
        %max3A = arith.constant 0.000000e+00 : f32
        %max3A_356 = vector.broadcast %max3A : f32 to vector<16xf32>
        %max3A_357 = arith.maximumf %add3A_355, %max3A_356 : vector<16xf32>
        %add3A_358 = arith.constant 80 : i32
        %add3A_359 = arith.addi %add3A_358, %scan3A_338 : i32
        %swap3A = arith.index_cast %add3A_359 : i32 to index
        %swap3A_360 = arith.constant 0 : index
        %swap3A_361 = tpu.vector_load %arg14[%swap3A, %swap3A_360] {strides = array<i32>} : memref<240x64xf32, #tpu.memory_space<vmem>>, vector<1x16xf32>,
        %swap3A_362 = vector.shape_cast %swap3A_361 : vector<1x16xf32> to vector<16xf32>
        %swap3A_363 = vector.shape_cast %max3A_357 : vector<16xf32> to vector<1x16xf32>
        tpu.vector_store %arg14[%swap3A, %swap3A_360], %swap3A_363 {strides = array<i32>} : memref<240x64xf32, #tpu.memory_space<vmem>>, vector<1x16xf32>,
        %get3A_364 = arith.index_cast %scan3A_338 : i32 to index
        %get3A_365 = arith.constant 16 : index
        %get3A_366 = tpu.vector_load %arg14[%get3A_364, %get3A_365] {strides = array<i32>} : memref<240x64xf32, #tpu.memory_space<vmem>>, vector<1x16xf32>,
        %get3A_367 = vector.shape_cast %get3A_366 : vector<1x16xf32> to vector<16xf32>
        %add3A_368 = arith.constant 80 : i32
        %add3A_369 = arith.addi %add3A_368, %scan3A_338 : i32
        %get3A_370 = arith.index_cast %add3A_369 : i32 to index
        %get3A_371 = arith.constant 16 : index
        %get3A_372 = tpu.vector_load %arg14[%get3A_370, %get3A_371] {strides = array<i32>} : memref<240x64xf32, #tpu.memory_space<vmem>>, vector<1x16xf32>,
        %get3A_373 = vector.shape_cast %get3A_372 : vector<1x16xf32> to vector<16xf32>
        %add3A_374 = arith.addf %get3A_367, %get3A_373 : vector<16xf32>
        %add3A_375 = arith.constant 160 : i32
        %add3A_376 = arith.addi %add3A_375, %scan3A_338 : i32
        %get3A_377 = arith.index_cast %add3A_376 : i32 to index
        %get3A_378 = arith.constant 16 : index
        %get3A_379 = tpu.vector_load %arg14[%get3A_377, %get3A_378] {strides = array<i32>} : memref<240x64xf32, #tpu.memory_space<vmem>>, vector<1x16xf32>,
        %get3A_380 = vector.shape_cast %get3A_379 : vector<1x16xf32> to vector<16xf32>
        %add3A_381 = arith.addf %add3A_374, %get3A_380 : vector<16xf32>
        %max3A_382 = arith.constant 0.000000e+00 : f32
        %max3A_383 = vector.broadcast %max3A_382 : f32 to vector<16xf32>
        %max3A_384 = arith.maximumf %add3A_381, %max3A_383 : vector<16xf32>
        %add3A_385 = arith.constant 80 : i32
        %add3A_386 = arith.addi %add3A_385, %scan3A_338 : i32
        %swap3A_387 = arith.index_cast %add3A_386 : i32 to index
        %swap3A_388 = arith.constant 16 : index
        %swap3A_389 = tpu.vector_load %arg14[%swap3A_387, %swap3A_388] {strides = array<i32>} : memref<240x64xf32, #tpu.memory_space<vmem>>, vector<1x16xf32>,
        %swap3A_390 = vector.shape_cast %swap3A_389 : vector<1x16xf32> to vector<16xf32>
        %swap3A_391 = vector.shape_cast %max3A_384 : vector<16xf32> to vector<1x16xf32>
        tpu.vector_store %arg14[%swap3A_387, %swap3A_388], %swap3A_391 {strides = array<i32>} : memref<240x64xf32, #tpu.memory_space<vmem>>, vector<1x16xf32>,
        %get3A_392 = arith.index_cast %scan3A_338 : i32 to index
        %get3A_393 = arith.constant 32 : index
        %get3A_394 = tpu.vector_load %arg14[%get3A_392, %get3A_393] {strides = array<i32>} : memref<240x64xf32, #tpu.memory_space<vmem>>, vector<1x16xf32>,
        %get3A_395 = vector.shape_cast %get3A_394 : vector<1x16xf32> to vector<16xf32>
        %add3A_396 = arith.constant 80 : i32
        %add3A_397 = arith.addi %add3A_396, %scan3A_338 : i32
        %get3A_398 = arith.index_cast %add3A_397 : i32 to index
        %get3A_399 = arith.constant 32 : index
        %get3A_400 = tpu.vector_load %arg14[%get3A_398, %get3A_399] {strides = array<i32>} : memref<240x64xf32, #tpu.memory_space<vmem>>, vector<1x16xf32>,
        %get3A_401 = vector.shape_cast %get3A_400 : vector<1x16xf32> to vector<16xf32>
        %add3A_402 = arith.addf %get3A_395, %get3A_401 : vector<16xf32>
        %add3A_403 = arith.constant 160 : i32
        %add3A_404 = arith.addi %add3A_403, %scan3A_338 : i32
        %get3A_405 = arith.index_cast %add3A_404 : i32 to index
        %get3A_406 = arith.constant 32 : index
        %get3A_407 = tpu.vector_load %arg14[%get3A_405, %get3A_406] {strides = array<i32>} : memref<240x64xf32, #tpu.memory_space<vmem>>, vector<1x16xf32>,
        %get3A_408 = vector.shape_cast %get3A_407 : vector<1x16xf32> to vector<16xf32>
        %add3A_409 = arith.addf %add3A_402, %get3A_408 : vector<16xf32>
        %max3A_410 = arith.constant 0.000000e+00 : f32
        %max3A_411 = vector.broadcast %max3A_410 : f32 to vector<16xf32>
        %max3A_412 = arith.maximumf %add3A_409, %max3A_411 : vector<16xf32>
        %add3A_413 = arith.constant 80 : i32
        %add3A_414 = arith.addi %add3A_413, %scan3A_338 : i32
        %swap3A_415 = arith.index_cast %add3A_414 : i32 to index
        %swap3A_416 = arith.constant 32 : index
        %swap3A_417 = tpu.vector_load %arg14[%swap3A_415, %swap3A_416] {strides = array<i32>} : memref<240x64xf32, #tpu.memory_space<vmem>>, vector<1x16xf32>,
        %swap3A_418 = vector.shape_cast %swap3A_417 : vector<1x16xf32> to vector<16xf32>
        %swap3A_419 = vector.shape_cast %max3A_412 : vector<16xf32> to vector<1x16xf32>
        tpu.vector_store %arg14[%swap3A_415, %swap3A_416], %swap3A_419 {strides = array<i32>} : memref<240x64xf32, #tpu.memory_space<vmem>>, vector<1x16xf32>,
        %get3A_420 = arith.index_cast %scan3A_338 : i32 to index
        %get3A_421 = arith.constant 48 : index
        %get3A_422 = tpu.vector_load %arg14[%get3A_420, %get3A_421] {strides = array<i32>} : memref<240x64xf32, #tpu.memory_space<vmem>>, vector<1x16xf32>,
        %get3A_423 = vector.shape_cast %get3A_422 : vector<1x16xf32> to vector<16xf32>
        %add3A_424 = arith.constant 80 : i32
        %add3A_425 = arith.addi %add3A_424, %scan3A_338 : i32
        %get3A_426 = arith.index_cast %add3A_425 : i32 to index
        %get3A_427 = arith.constant 48 : index
        %get3A_428 = tpu.vector_load %arg14[%get3A_426, %get3A_427] {strides = array<i32>} : memref<240x64xf32, #tpu.memory_space<vmem>>, vector<1x16xf32>,
        %get3A_429 = vector.shape_cast %get3A_428 : vector<1x16xf32> to vector<16xf32>
        %add3A_430 = arith.addf %get3A_423, %get3A_429 : vector<16xf32>
        %add3A_431 = arith.constant 160 : i32
        %add3A_432 = arith.addi %add3A_431, %scan3A_338 : i32
        %get3A_433 = arith.index_cast %add3A_432 : i32 to index
        %get3A_434 = arith.constant 48 : index
        %get3A_435 = tpu.vector_load %arg14[%get3A_433, %get3A_434] {strides = array<i32>} : memref<240x64xf32, #tpu.memory_space<vmem>>, vector<1x16xf32>,
        %get3A_436 = vector.shape_cast %get3A_435 : vector<1x16xf32> to vector<16xf32>
        %add3A_437 = arith.addf %add3A_430, %get3A_436 : vector<16xf32>
        %max3A_438 = arith.constant 0.000000e+00 : f32
        %max3A_439 = vector.broadcast %max3A_438 : f32 to vector<16xf32>
        %max3A_440 = arith.maximumf %add3A_437, %max3A_439 : vector<16xf32>
        %add3A_441 = arith.constant 80 : i32
        %add3A_442 = arith.addi %add3A_441, %scan3A_338 : i32
        %swap3A_443 = arith.index_cast %add3A_442 : i32 to index
        %swap3A_444 = arith.constant 48 : index
        %swap3A_445 = tpu.vector_load %arg14[%swap3A_443, %swap3A_444] {strides = array<i32>} : memref<240x64xf32, #tpu.memory_space<vmem>>, vector<1x16xf32>,
        %swap3A_446 = vector.shape_cast %swap3A_445 : vector<1x16xf32> to vector<16xf32>
        %swap3A_447 = vector.shape_cast %max3A_440 : vector<16xf32> to vector<1x16xf32>
        tpu.vector_store %arg14[%swap3A_443, %swap3A_444], %swap3A_447 {strides = array<i32>} : memref<240x64xf32, #tpu.memory_space<vmem>>, vector<1x16xf32>,
        %scan3A_448 = arith.constant 1 : i32
        %scan3A_449 = arith.addi %scan3A_338, %scan3A_448 : i32
        %get3A_450 = arith.index_cast %scan3A_449 : i32 to index
        %get3A_451 = arith.constant 0 : index
        %get3A_452 = tpu.vector_load %arg14[%get3A_450, %get3A_451] {strides = array<i32>} : memref<240x64xf32, #tpu.memory_space<vmem>>, vector<1x16xf32>,
        %get3A_453 = vector.shape_cast %get3A_452 : vector<1x16xf32> to vector<16xf32>
        %add3A_454 = arith.constant 80 : i32
        %add3A_455 = arith.addi %add3A_454, %scan3A_449 : i32
        %get3A_456 = arith.index_cast %add3A_455 : i32 to index
        %get3A_457 = arith.constant 0 : index
        %get3A_458 = tpu.vector_load %arg14[%get3A_456, %get3A_457] {strides = array<i32>} : memref<240x64xf32, #tpu.memory_space<vmem>>, vector<1x16xf32>,
        %get3A_459 = vector.shape_cast %get3A_458 : vector<1x16xf32> to vector<16xf32>
        %add3A_460 = arith.addf %get3A_453, %get3A_459 : vector<16xf32>
        %add3A_461 = arith.constant 160 : i32
        %add3A_462 = arith.addi %add3A_461, %scan3A_449 : i32
        %get3A_463 = arith.index_cast %add3A_462 : i32 to index
        %get3A_464 = arith.constant 0 : index
        %get3A_465 = tpu.vector_load %arg14[%get3A_463, %get3A_464] {strides = array<i32>} : memref<240x64xf32, #tpu.memory_space<vmem>>, vector<1x16xf32>,
        %get3A_466 = vector.shape_cast %get3A_465 : vector<1x16xf32> to vector<16xf32>
        %add3A_467 = arith.addf %add3A_460, %get3A_466 : vector<16xf32>
        %max3A_468 = arith.constant 0.000000e+00 : f32
        %max3A_469 = vector.broadcast %max3A_468 : f32 to vector<16xf32>
        %max3A_470 = arith.maximumf %add3A_467, %max3A_469 : vector<16xf32>
        %add3A_471 = arith.constant 80 : i32
        %add3A_472 = arith.addi %add3A_471, %scan3A_449 : i32
        %swap3A_473 = arith.index_cast %add3A_472 : i32 to index
        %swap3A_474 = arith.constant 0 : index
        %swap3A_475 = tpu.vector_load %arg14[%swap3A_473, %swap3A_474] {strides = array<i32>} : memref<240x64xf32, #tpu.memory_space<vmem>>, vector<1x16xf32>,
        %swap3A_476 = vector.shape_cast %swap3A_475 : vector<1x16xf32> to vector<16xf32>
        %swap3A_477 = vector.shape_cast %max3A_470 : vector<16xf32> to vector<1x16xf32>
        tpu.vector_store %arg14[%swap3A_473, %swap3A_474], %swap3A_477 {strides = array<i32>} : memref<240x64xf32, #tpu.memory_space<vmem>>, vector<1x16xf32>,
        %get3A_478 = arith.index_cast %scan3A_449 : i32 to index
        %get3A_479 = arith.constant 16 : index
        %get3A_480 = tpu.vector_load %arg14[%get3A_478, %get3A_479] {strides = array<i32>} : memref<240x64xf32, #tpu.memory_space<vmem>>, vector<1x16xf32>,
        %get3A_481 = vector.shape_cast %get3A_480 : vector<1x16xf32> to vector<16xf32>
        %add3A_482 = arith.constant 80 : i32
        %add3A_483 = arith.addi %add3A_482, %scan3A_449 : i32
        %get3A_484 = arith.index_cast %add3A_483 : i32 to index
        %get3A_485 = arith.constant 16 : index
        %get3A_486 = tpu.vector_load %arg14[%get3A_484, %get3A_485] {strides = array<i32>} : memref<240x64xf32, #tpu.memory_space<vmem>>, vector<1x16xf32>,
        %get3A_487 = vector.shape_cast %get3A_486 : vector<1x16xf32> to vector<16xf32>
        %add3A_488 = arith.addf %get3A_481, %get3A_487 : vector<16xf32>
        %add3A_489 = arith.constant 160 : i32
        %add3A_490 = arith.addi %add3A_489, %scan3A_449 : i32
        %get3A_491 = arith.index_cast %add3A_490 : i32 to index
        %get3A_492 = arith.constant 16 : index
        %get3A_493 = tpu.vector_load %arg14[%get3A_491, %get3A_492] {strides = array<i32>} : memref<240x64xf32, #tpu.memory_space<vmem>>, vector<1x16xf32>,
        %get3A_494 = vector.shape_cast %get3A_493 : vector<1x16xf32> to vector<16xf32>
        %add3A_495 = arith.addf %add3A_488, %get3A_494 : vector<16xf32>
        %max3A_496 = arith.constant 0.000000e+00 : f32
        %max3A_497 = vector.broadcast %max3A_496 : f32 to vector<16xf32>
        %max3A_498 = arith.maximumf %add3A_495, %max3A_497 : vector<16xf32>
        %add3A_499 = arith.constant 80 : i32
        %add3A_500 = arith.addi %add3A_499, %scan3A_449 : i32
        %swap3A_501 = arith.index_cast %add3A_500 : i32 to index
        %swap3A_502 = arith.constant 16 : index
        %swap3A_503 = tpu.vector_load %arg14[%swap3A_501, %swap3A_502] {strides = array<i32>} : memref<240x64xf32, #tpu.memory_space<vmem>>, vector<1x16xf32>,
        %swap3A_504 = vector.shape_cast %swap3A_503 : vector<1x16xf32> to vector<16xf32>
        %swap3A_505 = vector.shape_cast %max3A_498 : vector<16xf32> to vector<1x16xf32>
        tpu.vector_store %arg14[%swap3A_501, %swap3A_502], %swap3A_505 {strides = array<i32>} : memref<240x64xf32, #tpu.memory_space<vmem>>, vector<1x16xf32>,
        %get3A_506 = arith.index_cast %scan3A_449 : i32 to index
        %get3A_507 = arith.constant 32 : index
        %get3A_508 = tpu.vector_load %arg14[%get3A_506, %get3A_507] {strides = array<i32>} : memref<240x64xf32, #tpu.memory_space<vmem>>, vector<1x16xf32>,
        %get3A_509 = vector.shape_cast %get3A_508 : vector<1x16xf32> to vector<16xf32>
        %add3A_510 = arith.constant 80 : i32
        %add3A_511 = arith.addi %add3A_510, %scan3A_449 : i32
        %get3A_512 = arith.index_cast %add3A_511 : i32 to index
        %get3A_513 = arith.constant 32 : index
        %get3A_514 = tpu.vector_load %arg14[%get3A_512, %get3A_513] {strides = array<i32>} : memref<240x64xf32, #tpu.memory_space<vmem>>, vector<1x16xf32>,
        %get3A_515 = vector.shape_cast %get3A_514 : vector<1x16xf32> to vector<16xf32>
        %add3A_516 = arith.addf %get3A_509, %get3A_515 : vector<16xf32>
        %add3A_517 = arith.constant 160 : i32
        %add3A_518 = arith.addi %add3A_517, %scan3A_449 : i32
        %get3A_519 = arith.index_cast %add3A_518 : i32 to index
        %get3A_520 = arith.constant 32 : index
        %get3A_521 = tpu.vector_load %arg14[%get3A_519, %get3A_520] {strides = array<i32>} : memref<240x64xf32, #tpu.memory_space<vmem>>, vector<1x16xf32>,
        %get3A_522 = vector.shape_cast %get3A_521 : vector<1x16xf32> to vector<16xf32>
        %add3A_523 = arith.addf %add3A_516, %get3A_522 : vector<16xf32>
        %max3A_524 = arith.constant 0.000000e+00 : f32
        %max3A_525 = vector.broadcast %max3A_524 : f32 to vector<16xf32>
        %max3A_526 = arith.maximumf %add3A_523, %max3A_525 : vector<16xf32>
        %add3A_527 = arith.constant 80 : i32
        %add3A_528 = arith.addi %add3A_527, %scan3A_449 : i32
        %swap3A_529 = arith.index_cast %add3A_528 : i32 to index
        %swap3A_530 = arith.constant 32 : index
        %swap3A_531 = tpu.vector_load %arg14[%swap3A_529, %swap3A_530] {strides = array<i32>} : memref<240x64xf32, #tpu.memory_space<vmem>>, vector<1x16xf32>,
        %swap3A_532 = vector.shape_cast %swap3A_531 : vector<1x16xf32> to vector<16xf32>
        %swap3A_533 = vector.shape_cast %max3A_526 : vector<16xf32> to vector<1x16xf32>
        tpu.vector_store %arg14[%swap3A_529, %swap3A_530], %swap3A_533 {strides = array<i32>} : memref<240x64xf32, #tpu.memory_space<vmem>>, vector<1x16xf32>,
        %get3A_534 = arith.index_cast %scan3A_449 : i32 to index
        %get3A_535 = arith.constant 48 : index
        %get3A_536 = tpu.vector_load %arg14[%get3A_534, %get3A_535] {strides = array<i32>} : memref<240x64xf32, #tpu.memory_space<vmem>>, vector<1x16xf32>,
        %get3A_537 = vector.shape_cast %get3A_536 : vector<1x16xf32> to vector<16xf32>
        %add3A_538 = arith.constant 80 : i32
        %add3A_539 = arith.addi %add3A_538, %scan3A_449 : i32
        %get3A_540 = arith.index_cast %add3A_539 : i32 to index
        %get3A_541 = arith.constant 48 : index
        %get3A_542 = tpu.vector_load %arg14[%get3A_540, %get3A_541] {strides = array<i32>} : memref<240x64xf32, #tpu.memory_space<vmem>>, vector<1x16xf32>,
        %get3A_543 = vector.shape_cast %get3A_542 : vector<1x16xf32> to vector<16xf32>
        %add3A_544 = arith.addf %get3A_537, %get3A_543 : vector<16xf32>
        %add3A_545 = arith.constant 160 : i32
        %add3A_546 = arith.addi %add3A_545, %scan3A_449 : i32
        %get3A_547 = arith.index_cast %add3A_546 : i32 to index
        %get3A_548 = arith.constant 48 : index
        %get3A_549 = tpu.vector_load %arg14[%get3A_547, %get3A_548] {strides = array<i32>} : memref<240x64xf32, #tpu.memory_space<vmem>>, vector<1x16xf32>,
        %get3A_550 = vector.shape_cast %get3A_549 : vector<1x16xf32> to vector<16xf32>
        %add3A_551 = arith.addf %add3A_544, %get3A_550 : vector<16xf32>
        %max3A_552 = arith.constant 0.000000e+00 : f32
        %max3A_553 = vector.broadcast %max3A_552 : f32 to vector<16xf32>
        %max3A_554 = arith.maximumf %add3A_551, %max3A_553 : vector<16xf32>
        %add3A_555 = arith.constant 80 : i32
        %add3A_556 = arith.addi %add3A_555, %scan3A_449 : i32
        %swap3A_557 = arith.index_cast %add3A_556 : i32 to index
        %swap3A_558 = arith.constant 48 : index
        %swap3A_559 = tpu.vector_load %arg14[%swap3A_557, %swap3A_558] {strides = array<i32>} : memref<240x64xf32, #tpu.memory_space<vmem>>, vector<1x16xf32>,
        %swap3A_560 = vector.shape_cast %swap3A_559 : vector<1x16xf32> to vector<16xf32>
        %swap3A_561 = vector.shape_cast %max3A_554 : vector<16xf32> to vector<1x16xf32>
        tpu.vector_store %arg14[%swap3A_557, %swap3A_558], %swap3A_561 {strides = array<i32>} : memref<240x64xf32, #tpu.memory_space<vmem>>, vector<1x16xf32>,
      }
      %scan3A_316 = arith.constant 80 : i32
      %dma_start3A_317 = arith.constant 80 : i32
      %dma_start3A_318 = arith.constant 0 : i32
      %dma_start3A_319 = tpu.memref_slice %arg14[%dma_start3A_317, %dma_start3A_318] : memref<240x64xf32, #tpu.memory_space<vmem>> -> memref<80x64xf32, #tpu.memory_space<vmem>>
      %dma_start3A_320 = arith.constant 0 : i32
      %dma_start3A_321 = tpu.memref_slice %arg11[%add3A_304, %dma_start3A_320] : memref<125x80xi32, #tpu.memory_space<vmem>> -> memref<1x80xi32, #tpu.memory_space<vmem>>
      %dma_start3A_322 = tpu.memref_squeeze %dma_start3A_321 : memref<1x80xi32, #tpu.memory_space<vmem>> -> memref<80xi32, #tpu.memory_space<vmem>>
      %dma_start3A_323 = arith.constant 0 : i32
      %dma_start3A_324 = arith.constant 0 : i32
      %dma_start3A_325 = tpu.memref_slice %arg15[%dma_start3A_323, %dma_start3A_324] : memref<10000x64xf32, #tpu.memory_space<vmem_shared>> -> memref<10000x64xf32, #tpu.memory_space<vmem_shared>>
      tpu.enqueue_indirect_dma source(%dma_start3A_319 : memref<80x64xf32, #tpu.memory_space<vmem>>) target(%dma_start3A_325 : memref<10000x64xf32, #tpu.memory_space<vmem_shared>>) offsets(%dma_start3A_322 : memref<80xi32, #tpu.memory_space<vmem>>) semaphore(%arg21 : memref<!tpu.dma_semaphore, #tpu.memory_space<semaphore_mem>>) {add = true}
      %ge3A_326 = arith.constant 1 : i32
      %ge3A_327 = arith.cmpi sge, %add3A_304, %ge3A_326 : i32
      %convert_element_type3A_328 = arith.extui %ge3A_327 : i1 to i32
      %cond3A_329 = arith.constant 0 : i32
      %cond3A_330 = arith.cmpi ne, %convert_element_type3A_328, %cond3A_329 : i32
      scf.if %cond3A_330 {
        %dma_wait3A_338 = arith.constant 80 : i32
        %dma_wait3A_339 = arith.constant 0 : i32
        %dma_wait3A_340 = tpu.memref_slice %arg13[%dma_wait3A_338, %dma_wait3A_339] : memref<240x64xf32, #tpu.memory_space<vmem>> -> memref<80x64xf32, #tpu.memory_space<vmem>>
        %dma_wait3A_341 = arith.constant 0 : i32
        %dma_wait3A_342 = tpu.memref_slice %arg11[%add3A_304, %dma_wait3A_341] : memref<125x80xi32, #tpu.memory_space<vmem>> -> memref<1x80xi32, #tpu.memory_space<vmem>>
        %dma_wait3A_343 = tpu.memref_squeeze %dma_wait3A_342 : memref<1x80xi32, #tpu.memory_space<vmem>> -> memref<80xi32, #tpu.memory_space<vmem>>
        %dma_wait3A_344 = arith.constant 0 : i32
        %dma_wait3A_345 = arith.constant 0 : i32
        %dma_wait3A_346 = tpu.memref_slice %arg15[%dma_wait3A_344, %dma_wait3A_345] : memref<10000x64xf32, #tpu.memory_space<vmem_shared>> -> memref<10000x64xf32, #tpu.memory_space<vmem_shared>>
        tpu.wait_indirect_dma semaphore(%arg20 : memref<!tpu.dma_semaphore, #tpu.memory_space<semaphore_mem>>) src(%dma_wait3A_340 : memref<80x64xf32, #tpu.memory_space<vmem>>) dst(%dma_wait3A_346 : memref<10000x64xf32, #tpu.memory_space<vmem_shared>>)
      } else {
      }
      %add3A_331 = arith.constant 2 : i32
      %add3A_332 = arith.addi %add3A_304, %add3A_331 : i32
      %lt3A_333 = arith.constant 125 : i32
      %lt3A_334 = arith.cmpi slt, %add3A_332, %lt3A_333 : i32
      %convert_element_type3A_335 = arith.extui %lt3A_334 : i1 to i32
      %cond3A_336 = arith.constant 0 : i32
      %cond3A_337 = arith.cmpi ne, %convert_element_type3A_335, %cond3A_336 : i32
      scf.if %cond3A_337 {
        %add3A_338 = arith.constant 2 : i32
        %add3A_339 = arith.addi %add3A_304, %add3A_338 : i32
        %mul3A_340 = arith.constant 80 : i32
        %mul3A_341 = arith.muli %add3A_339, %mul3A_340 : i32
        %add3A_342 = arith.addi %add3A_11, %mul3A_341 : i32
        %dma_start3A_343 = arith.constant 0 : i32
        %dma_start3A_344 = arith.constant 0 : i32
        %dma_start3A_345 = tpu.memref_slice %arg13[%dma_start3A_343, %dma_start3A_344] : memref<240x64xf32, #tpu.memory_space<vmem>> -> memref<80x64xf32, #tpu.memory_space<vmem>>
        %dma_start3A_346 = tpu.memref_slice %arg3[%add3A_342, %mul3A_6] : memref<320000x128xf32, #tpu.memory_space<hbm>> -> memref<80x64xf32, #tpu.memory_space<hbm>>
        %dma_start3A_347 = arith.constant 0 : i32
        %dma_start3A_348 = arith.constant 0 : i32
        %dma_start3A_349 = tpu.memref_slice %arg13[%dma_start3A_347, %dma_start3A_348] : memref<240x64xf32, #tpu.memory_space<vmem>> -> memref<80x64xf32, #tpu.memory_space<vmem>>
        %dma_start3A_350 = tpu.memref_slice %arg3[%add3A_342, %mul3A_6] : memref<320000x128xf32, #tpu.memory_space<hbm>> -> memref<80x64xf32, #tpu.memory_space<hbm>>
        tpu.enqueue_dma source(%dma_start3A_350 : memref<80x64xf32, #tpu.memory_space<hbm>>) target(%dma_start3A_349 : memref<80x64xf32, #tpu.memory_space<vmem>>) target_semaphore(%arg17 : memref<!tpu.dma_semaphore, #tpu.memory_space<semaphore_mem>>)
        %dma_start3A_351 = arith.constant 80 : i32
        %dma_start3A_352 = arith.constant 0 : i32
        %dma_start3A_353 = tpu.memref_slice %arg13[%dma_start3A_351, %dma_start3A_352] : memref<240x64xf32, #tpu.memory_space<vmem>> -> memref<80x64xf32, #tpu.memory_space<vmem>>
        %dma_start3A_354 = arith.constant 0 : i32
        %dma_start3A_355 = tpu.memref_slice %arg9[%add3A_339, %dma_start3A_354] : memref<125x80xi32, #tpu.memory_space<vmem>> -> memref<1x80xi32, #tpu.memory_space<vmem>>
        %dma_start3A_356 = tpu.memref_squeeze %dma_start3A_355 : memref<1x80xi32, #tpu.memory_space<vmem>> -> memref<80xi32, #tpu.memory_space<vmem>>
        %dma_start3A_357 = arith.constant 0 : i32
        %dma_start3A_358 = arith.constant 0 : i32
        %dma_start3A_359 = tpu.memref_slice %arg2[%dma_start3A_357, %dma_start3A_358] : memref<40000x64xf32, #tpu.memory_space<hbm>> -> memref<40000x64xf32, #tpu.memory_space<hbm>>
        tpu.enqueue_indirect_dma source(%dma_start3A_359 : memref<40000x64xf32, #tpu.memory_space<hbm>>) target(%dma_start3A_353 : memref<80x64xf32, #tpu.memory_space<vmem>>) offsets(%dma_start3A_356 : memref<80xi32, #tpu.memory_space<vmem>>) semaphore(%arg17 : memref<!tpu.dma_semaphore, #tpu.memory_space<semaphore_mem>>)
        %dma_start3A_360 = arith.constant 160 : i32
        %dma_start3A_361 = arith.constant 0 : i32
        %dma_start3A_362 = tpu.memref_slice %arg13[%dma_start3A_360, %dma_start3A_361] : memref<240x64xf32, #tpu.memory_space<vmem>> -> memref<80x64xf32, #tpu.memory_space<vmem>>
        %dma_start3A_363 = arith.constant 0 : i32
        %dma_start3A_364 = tpu.memref_slice %arg10[%add3A_339, %dma_start3A_363] : memref<125x80xi32, #tpu.memory_space<vmem>> -> memref<1x80xi32, #tpu.memory_space<vmem>>
        %dma_start3A_365 = tpu.memref_squeeze %dma_start3A_364 : memref<1x80xi32, #tpu.memory_space<vmem>> -> memref<80xi32, #tpu.memory_space<vmem>>
        %dma_start3A_366 = arith.constant 0 : i32
        %dma_start3A_367 = arith.constant 0 : i32
        %dma_start3A_368 = tpu.memref_slice %arg2[%dma_start3A_366, %dma_start3A_367] : memref<40000x64xf32, #tpu.memory_space<hbm>> -> memref<40000x64xf32, #tpu.memory_space<hbm>>
        tpu.enqueue_indirect_dma source(%dma_start3A_368 : memref<40000x64xf32, #tpu.memory_space<hbm>>) target(%dma_start3A_362 : memref<80x64xf32, #tpu.memory_space<vmem>>) offsets(%dma_start3A_365 : memref<80xi32, #tpu.memory_space<vmem>>) semaphore(%arg17 : memref<!tpu.dma_semaphore, #tpu.memory_space<semaphore_mem>>)
      } else {
      }
    }
    %scan3A_74 = arith.constant 41 : i32
    %dma_wait3A = arith.constant 0 : i32
    %dma_wait3A_75 = arith.constant 0 : i32
    %dma_wait3A_76 = tpu.memref_slice %arg2[%dma_wait3A, %dma_wait3A_75] : memref<40000x64xf32, #tpu.memory_space<hbm>> -> memref<240x64xf32, #tpu.memory_space<hbm>>
    %dma_wait3A_77 = arith.constant 0 : i32
    %dma_wait3A_78 = arith.constant 0 : i32
    %dma_wait3A_79 = tpu.memref_slice %arg2[%dma_wait3A_77, %dma_wait3A_78] : memref<40000x64xf32, #tpu.memory_space<hbm>> -> memref<240x64xf32, #tpu.memory_space<hbm>>
    tpu.wait_dma2 semaphore(%arg16 : memref<!tpu.dma_semaphore, #tpu.memory_space<semaphore_mem>>) src(%dma_wait3A_79 : memref<240x64xf32, #tpu.memory_space<hbm>>) dst(%arg12 : memref<240x64xf32, #tpu.memory_space<vmem>>)
    %scan3A_80 = arith.constant 0 : i32
    %scan3A_81 = arith.constant 0 : i32
    %scan3A_82 = arith.constant 80 : i32
    %scan3A_83 = arith.addi %scan3A_81, %scan3A_82 : i32
    %scan3A_84 = arith.constant 2 : i32
    scf.for %scan3A_229 = %scan3A_81 to %scan3A_83 step %scan3A_84  : i32 {
      %get3A = arith.index_cast %scan3A_229 : i32 to index
      %get3A_230 = arith.constant 0 : index
      %get3A_231 = tpu.vector_load %arg12[%get3A, %get3A_230] {strides = array<i32>} : memref<240x64xf32, #tpu.memory_space<vmem>>, vector<1x16xf32>,
      %get3A_232 = vector.shape_cast %get3A_231 : vector<1x16xf32> to vector<16xf32>
      %add3A_233 = arith.constant 80 : i32
      %add3A_234 = arith.addi %add3A_233, %scan3A_229 : i32
      %get3A_235 = arith.index_cast %add3A_234 : i32 to index
      %get3A_236 = arith.constant 0 : index
      %get3A_237 = tpu.vector_load %arg12[%get3A_235, %get3A_236] {strides = array<i32>} : memref<240x64xf32, #tpu.memory_space<vmem>>, vector<1x16xf32>,
      %get3A_238 = vector.shape_cast %get3A_237 : vector<1x16xf32> to vector<16xf32>
      %add3A_239 = arith.addf %get3A_232, %get3A_238 : vector<16xf32>
      %add3A_240 = arith.constant 160 : i32
      %add3A_241 = arith.addi %add3A_240, %scan3A_229 : i32
      %get3A_242 = arith.index_cast %add3A_241 : i32 to index
      %get3A_243 = arith.constant 0 : index
      %get3A_244 = tpu.vector_load %arg12[%get3A_242, %get3A_243] {strides = array<i32>} : memref<240x64xf32, #tpu.memory_space<vmem>>, vector<1x16xf32>,
      %get3A_245 = vector.shape_cast %get3A_244 : vector<1x16xf32> to vector<16xf32>
      %add3A_246 = arith.addf %add3A_239, %get3A_245 : vector<16xf32>
      %max3A = arith.constant 0.000000e+00 : f32
      %max3A_247 = vector.broadcast %max3A : f32 to vector<16xf32>
      %max3A_248 = arith.maximumf %add3A_246, %max3A_247 : vector<16xf32>
      %add3A_249 = arith.constant 80 : i32
      %add3A_250 = arith.addi %add3A_249, %scan3A_229 : i32
      %swap3A = arith.index_cast %add3A_250 : i32 to index
      %swap3A_251 = arith.constant 0 : index
      %swap3A_252 = tpu.vector_load %arg12[%swap3A, %swap3A_251] {strides = array<i32>} : memref<240x64xf32, #tpu.memory_space<vmem>>, vector<1x16xf32>,
      %swap3A_253 = vector.shape_cast %swap3A_252 : vector<1x16xf32> to vector<16xf32>
      %swap3A_254 = vector.shape_cast %max3A_248 : vector<16xf32> to vector<1x16xf32>
      tpu.vector_store %arg12[%swap3A, %swap3A_251], %swap3A_254 {strides = array<i32>} : memref<240x64xf32, #tpu.memory_space<vmem>>, vector<1x16xf32>,
      %get3A_255 = arith.index_cast %scan3A_229 : i32 to index
      %get3A_256 = arith.constant 16 : index
      %get3A_257 = tpu.vector_load %arg12[%get3A_255, %get3A_256] {strides = array<i32>} : memref<240x64xf32, #tpu.memory_space<vmem>>, vector<1x16xf32>,
      %get3A_258 = vector.shape_cast %get3A_257 : vector<1x16xf32> to vector<16xf32>
      %add3A_259 = arith.constant 80 : i32
      %add3A_260 = arith.addi %add3A_259, %scan3A_229 : i32
      %get3A_261 = arith.index_cast %add3A_260 : i32 to index
      %get3A_262 = arith.constant 16 : index
      %get3A_263 = tpu.vector_load %arg12[%get3A_261, %get3A_262] {strides = array<i32>} : memref<240x64xf32, #tpu.memory_space<vmem>>, vector<1x16xf32>,
      %get3A_264 = vector.shape_cast %get3A_263 : vector<1x16xf32> to vector<16xf32>
      %add3A_265 = arith.addf %get3A_258, %get3A_264 : vector<16xf32>
      %add3A_266 = arith.constant 160 : i32
      %add3A_267 = arith.addi %add3A_266, %scan3A_229 : i32
      %get3A_268 = arith.index_cast %add3A_267 : i32 to index
      %get3A_269 = arith.constant 16 : index
      %get3A_270 = tpu.vector_load %arg12[%get3A_268, %get3A_269] {strides = array<i32>} : memref<240x64xf32, #tpu.memory_space<vmem>>, vector<1x16xf32>,
      %get3A_271 = vector.shape_cast %get3A_270 : vector<1x16xf32> to vector<16xf32>
      %add3A_272 = arith.addf %add3A_265, %get3A_271 : vector<16xf32>
      %max3A_273 = arith.constant 0.000000e+00 : f32
      %max3A_274 = vector.broadcast %max3A_273 : f32 to vector<16xf32>
      %max3A_275 = arith.maximumf %add3A_272, %max3A_274 : vector<16xf32>
      %add3A_276 = arith.constant 80 : i32
      %add3A_277 = arith.addi %add3A_276, %scan3A_229 : i32
      %swap3A_278 = arith.index_cast %add3A_277 : i32 to index
      %swap3A_279 = arith.constant 16 : index
      %swap3A_280 = tpu.vector_load %arg12[%swap3A_278, %swap3A_279] {strides = array<i32>} : memref<240x64xf32, #tpu.memory_space<vmem>>, vector<1x16xf32>,
      %swap3A_281 = vector.shape_cast %swap3A_280 : vector<1x16xf32> to vector<16xf32>
      %swap3A_282 = vector.shape_cast %max3A_275 : vector<16xf32> to vector<1x16xf32>
      tpu.vector_store %arg12[%swap3A_278, %swap3A_279], %swap3A_282 {strides = array<i32>} : memref<240x64xf32, #tpu.memory_space<vmem>>, vector<1x16xf32>,
      %get3A_283 = arith.index_cast %scan3A_229 : i32 to index
      %get3A_284 = arith.constant 32 : index
      %get3A_285 = tpu.vector_load %arg12[%get3A_283, %get3A_284] {strides = array<i32>} : memref<240x64xf32, #tpu.memory_space<vmem>>, vector<1x16xf32>,
      %get3A_286 = vector.shape_cast %get3A_285 : vector<1x16xf32> to vector<16xf32>
      %add3A_287 = arith.constant 80 : i32
      %add3A_288 = arith.addi %add3A_287, %scan3A_229 : i32
      %get3A_289 = arith.index_cast %add3A_288 : i32 to index
      %get3A_290 = arith.constant 32 : index
      %get3A_291 = tpu.vector_load %arg12[%get3A_289, %get3A_290] {strides = array<i32>} : memref<240x64xf32, #tpu.memory_space<vmem>>, vector<1x16xf32>,
      %get3A_292 = vector.shape_cast %get3A_291 : vector<1x16xf32> to vector<16xf32>
      %add3A_293 = arith.addf %get3A_286, %get3A_292 : vector<16xf32>
      %add3A_294 = arith.constant 160 : i32
      %add3A_295 = arith.addi %add3A_294, %scan3A_229 : i32
      %get3A_296 = arith.index_cast %add3A_295 : i32 to index
      %get3A_297 = arith.constant 32 : index
      %get3A_298 = tpu.vector_load %arg12[%get3A_296, %get3A_297] {strides = array<i32>} : memref<240x64xf32, #tpu.memory_space<vmem>>, vector<1x16xf32>,
      %get3A_299 = vector.shape_cast %get3A_298 : vector<1x16xf32> to vector<16xf32>
      %add3A_300 = arith.addf %add3A_293, %get3A_299 : vector<16xf32>
      %max3A_301 = arith.constant 0.000000e+00 : f32
      %max3A_302 = vector.broadcast %max3A_301 : f32 to vector<16xf32>
      %max3A_303 = arith.maximumf %add3A_300, %max3A_302 : vector<16xf32>
      %add3A_304 = arith.constant 80 : i32
      %add3A_305 = arith.addi %add3A_304, %scan3A_229 : i32
      %swap3A_306 = arith.index_cast %add3A_305 : i32 to index
      %swap3A_307 = arith.constant 32 : index
      %swap3A_308 = tpu.vector_load %arg12[%swap3A_306, %swap3A_307] {strides = array<i32>} : memref<240x64xf32, #tpu.memory_space<vmem>>, vector<1x16xf32>,
      %swap3A_309 = vector.shape_cast %swap3A_308 : vector<1x16xf32> to vector<16xf32>
      %swap3A_310 = vector.shape_cast %max3A_303 : vector<16xf32> to vector<1x16xf32>
      tpu.vector_store %arg12[%swap3A_306, %swap3A_307], %swap3A_310 {strides = array<i32>} : memref<240x64xf32, #tpu.memory_space<vmem>>, vector<1x16xf32>,
      %get3A_311 = arith.index_cast %scan3A_229 : i32 to index
      %get3A_312 = arith.constant 48 : index
      %get3A_313 = tpu.vector_load %arg12[%get3A_311, %get3A_312] {strides = array<i32>} : memref<240x64xf32, #tpu.memory_space<vmem>>, vector<1x16xf32>,
      %get3A_314 = vector.shape_cast %get3A_313 : vector<1x16xf32> to vector<16xf32>
      %add3A_315 = arith.constant 80 : i32
      %add3A_316 = arith.addi %add3A_315, %scan3A_229 : i32
      %get3A_317 = arith.index_cast %add3A_316 : i32 to index
      %get3A_318 = arith.constant 48 : index
      %get3A_319 = tpu.vector_load %arg12[%get3A_317, %get3A_318] {strides = array<i32>} : memref<240x64xf32, #tpu.memory_space<vmem>>, vector<1x16xf32>,
      %get3A_320 = vector.shape_cast %get3A_319 : vector<1x16xf32> to vector<16xf32>
      %add3A_321 = arith.addf %get3A_314, %get3A_320 : vector<16xf32>
      %add3A_322 = arith.constant 160 : i32
      %add3A_323 = arith.addi %add3A_322, %scan3A_229 : i32
      %get3A_324 = arith.index_cast %add3A_323 : i32 to index
      %get3A_325 = arith.constant 48 : index
      %get3A_326 = tpu.vector_load %arg12[%get3A_324, %get3A_325] {strides = array<i32>} : memref<240x64xf32, #tpu.memory_space<vmem>>, vector<1x16xf32>,
      %get3A_327 = vector.shape_cast %get3A_326 : vector<1x16xf32> to vector<16xf32>
      %add3A_328 = arith.addf %add3A_321, %get3A_327 : vector<16xf32>
      %max3A_329 = arith.constant 0.000000e+00 : f32
      %max3A_330 = vector.broadcast %max3A_329 : f32 to vector<16xf32>
      %max3A_331 = arith.maximumf %add3A_328, %max3A_330 : vector<16xf32>
      %add3A_332 = arith.constant 80 : i32
      %add3A_333 = arith.addi %add3A_332, %scan3A_229 : i32
      %swap3A_334 = arith.index_cast %add3A_333 : i32 to index
      %swap3A_335 = arith.constant 48 : index
      %swap3A_336 = tpu.vector_load %arg12[%swap3A_334, %swap3A_335] {strides = array<i32>} : memref<240x64xf32, #tpu.memory_space<vmem>>, vector<1x16xf32>,
      %swap3A_337 = vector.shape_cast %swap3A_336 : vector<1x16xf32> to vector<16xf32>
      %swap3A_338 = vector.shape_cast %max3A_331 : vector<16xf32> to vector<1x16xf32>
      tpu.vector_store %arg12[%swap3A_334, %swap3A_335], %swap3A_338 {strides = array<i32>} : memref<240x64xf32, #tpu.memory_space<vmem>>, vector<1x16xf32>,
      %scan3A_339 = arith.constant 1 : i32
      %scan3A_340 = arith.addi %scan3A_229, %scan3A_339 : i32
      %get3A_341 = arith.index_cast %scan3A_340 : i32 to index
      %get3A_342 = arith.constant 0 : index
      %get3A_343 = tpu.vector_load %arg12[%get3A_341, %get3A_342] {strides = array<i32>} : memref<240x64xf32, #tpu.memory_space<vmem>>, vector<1x16xf32>,
      %get3A_344 = vector.shape_cast %get3A_343 : vector<1x16xf32> to vector<16xf32>
      %add3A_345 = arith.constant 80 : i32
      %add3A_346 = arith.addi %add3A_345, %scan3A_340 : i32
      %get3A_347 = arith.index_cast %add3A_346 : i32 to index
      %get3A_348 = arith.constant 0 : index
      %get3A_349 = tpu.vector_load %arg12[%get3A_347, %get3A_348] {strides = array<i32>} : memref<240x64xf32, #tpu.memory_space<vmem>>, vector<1x16xf32>,
      %get3A_350 = vector.shape_cast %get3A_349 : vector<1x16xf32> to vector<16xf32>
      %add3A_351 = arith.addf %get3A_344, %get3A_350 : vector<16xf32>
      %add3A_352 = arith.constant 160 : i32
      %add3A_353 = arith.addi %add3A_352, %scan3A_340 : i32
      %get3A_354 = arith.index_cast %add3A_353 : i32 to index
      %get3A_355 = arith.constant 0 : index
      %get3A_356 = tpu.vector_load %arg12[%get3A_354, %get3A_355] {strides = array<i32>} : memref<240x64xf32, #tpu.memory_space<vmem>>, vector<1x16xf32>,
      %get3A_357 = vector.shape_cast %get3A_356 : vector<1x16xf32> to vector<16xf32>
      %add3A_358 = arith.addf %add3A_351, %get3A_357 : vector<16xf32>
      %max3A_359 = arith.constant 0.000000e+00 : f32
      %max3A_360 = vector.broadcast %max3A_359 : f32 to vector<16xf32>
      %max3A_361 = arith.maximumf %add3A_358, %max3A_360 : vector<16xf32>
      %add3A_362 = arith.constant 80 : i32
      %add3A_363 = arith.addi %add3A_362, %scan3A_340 : i32
      %swap3A_364 = arith.index_cast %add3A_363 : i32 to index
      %swap3A_365 = arith.constant 0 : index
      %swap3A_366 = tpu.vector_load %arg12[%swap3A_364, %swap3A_365] {strides = array<i32>} : memref<240x64xf32, #tpu.memory_space<vmem>>, vector<1x16xf32>,
      %swap3A_367 = vector.shape_cast %swap3A_366 : vector<1x16xf32> to vector<16xf32>
      %swap3A_368 = vector.shape_cast %max3A_361 : vector<16xf32> to vector<1x16xf32>
      tpu.vector_store %arg12[%swap3A_364, %swap3A_365], %swap3A_368 {strides = array<i32>} : memref<240x64xf32, #tpu.memory_space<vmem>>, vector<1x16xf32>,
      %get3A_369 = arith.index_cast %scan3A_340 : i32 to index
      %get3A_370 = arith.constant 16 : index
      %get3A_371 = tpu.vector_load %arg12[%get3A_369, %get3A_370] {strides = array<i32>} : memref<240x64xf32, #tpu.memory_space<vmem>>, vector<1x16xf32>,
      %get3A_372 = vector.shape_cast %get3A_371 : vector<1x16xf32> to vector<16xf32>
      %add3A_373 = arith.constant 80 : i32
      %add3A_374 = arith.addi %add3A_373, %scan3A_340 : i32
      %get3A_375 = arith.index_cast %add3A_374 : i32 to index
      %get3A_376 = arith.constant 16 : index
      %get3A_377 = tpu.vector_load %arg12[%get3A_375, %get3A_376] {strides = array<i32>} : memref<240x64xf32, #tpu.memory_space<vmem>>, vector<1x16xf32>,
      %get3A_378 = vector.shape_cast %get3A_377 : vector<1x16xf32> to vector<16xf32>
      %add3A_379 = arith.addf %get3A_372, %get3A_378 : vector<16xf32>
      %add3A_380 = arith.constant 160 : i32
      %add3A_381 = arith.addi %add3A_380, %scan3A_340 : i32
      %get3A_382 = arith.index_cast %add3A_381 : i32 to index
      %get3A_383 = arith.constant 16 : index
      %get3A_384 = tpu.vector_load %arg12[%get3A_382, %get3A_383] {strides = array<i32>} : memref<240x64xf32, #tpu.memory_space<vmem>>, vector<1x16xf32>,
      %get3A_385 = vector.shape_cast %get3A_384 : vector<1x16xf32> to vector<16xf32>
      %add3A_386 = arith.addf %add3A_379, %get3A_385 : vector<16xf32>
      %max3A_387 = arith.constant 0.000000e+00 : f32
      %max3A_388 = vector.broadcast %max3A_387 : f32 to vector<16xf32>
      %max3A_389 = arith.maximumf %add3A_386, %max3A_388 : vector<16xf32>
      %add3A_390 = arith.constant 80 : i32
      %add3A_391 = arith.addi %add3A_390, %scan3A_340 : i32
      %swap3A_392 = arith.index_cast %add3A_391 : i32 to index
      %swap3A_393 = arith.constant 16 : index
      %swap3A_394 = tpu.vector_load %arg12[%swap3A_392, %swap3A_393] {strides = array<i32>} : memref<240x64xf32, #tpu.memory_space<vmem>>, vector<1x16xf32>,
      %swap3A_395 = vector.shape_cast %swap3A_394 : vector<1x16xf32> to vector<16xf32>
      %swap3A_396 = vector.shape_cast %max3A_389 : vector<16xf32> to vector<1x16xf32>
      tpu.vector_store %arg12[%swap3A_392, %swap3A_393], %swap3A_396 {strides = array<i32>} : memref<240x64xf32, #tpu.memory_space<vmem>>, vector<1x16xf32>,
      %get3A_397 = arith.index_cast %scan3A_340 : i32 to index
      %get3A_398 = arith.constant 32 : index
      %get3A_399 = tpu.vector_load %arg12[%get3A_397, %get3A_398] {strides = array<i32>} : memref<240x64xf32, #tpu.memory_space<vmem>>, vector<1x16xf32>,
      %get3A_400 = vector.shape_cast %get3A_399 : vector<1x16xf32> to vector<16xf32>
      %add3A_401 = arith.constant 80 : i32
      %add3A_402 = arith.addi %add3A_401, %scan3A_340 : i32
      %get3A_403 = arith.index_cast %add3A_402 : i32 to index
      %get3A_404 = arith.constant 32 : index
      %get3A_405 = tpu.vector_load %arg12[%get3A_403, %get3A_404] {strides = array<i32>} : memref<240x64xf32, #tpu.memory_space<vmem>>, vector<1x16xf32>,
      %get3A_406 = vector.shape_cast %get3A_405 : vector<1x16xf32> to vector<16xf32>
      %add3A_407 = arith.addf %get3A_400, %get3A_406 : vector<16xf32>
      %add3A_408 = arith.constant 160 : i32
      %add3A_409 = arith.addi %add3A_408, %scan3A_340 : i32
      %get3A_410 = arith.index_cast %add3A_409 : i32 to index
      %get3A_411 = arith.constant 32 : index
      %get3A_412 = tpu.vector_load %arg12[%get3A_410, %get3A_411] {strides = array<i32>} : memref<240x64xf32, #tpu.memory_space<vmem>>, vector<1x16xf32>,
      %get3A_413 = vector.shape_cast %get3A_412 : vector<1x16xf32> to vector<16xf32>
      %add3A_414 = arith.addf %add3A_407, %get3A_413 : vector<16xf32>
      %max3A_415 = arith.constant 0.000000e+00 : f32
      %max3A_416 = vector.broadcast %max3A_415 : f32 to vector<16xf32>
      %max3A_417 = arith.maximumf %add3A_414, %max3A_416 : vector<16xf32>
      %add3A_418 = arith.constant 80 : i32
      %add3A_419 = arith.addi %add3A_418, %scan3A_340 : i32
      %swap3A_420 = arith.index_cast %add3A_419 : i32 to index
      %swap3A_421 = arith.constant 32 : index
      %swap3A_422 = tpu.vector_load %arg12[%swap3A_420, %swap3A_421] {strides = array<i32>} : memref<240x64xf32, #tpu.memory_space<vmem>>, vector<1x16xf32>,
      %swap3A_423 = vector.shape_cast %swap3A_422 : vector<1x16xf32> to vector<16xf32>
      %swap3A_424 = vector.shape_cast %max3A_417 : vector<16xf32> to vector<1x16xf32>
      tpu.vector_store %arg12[%swap3A_420, %swap3A_421], %swap3A_424 {strides = array<i32>} : memref<240x64xf32, #tpu.memory_space<vmem>>, vector<1x16xf32>,
      %get3A_425 = arith.index_cast %scan3A_340 : i32 to index
      %get3A_426 = arith.constant 48 : index
      %get3A_427 = tpu.vector_load %arg12[%get3A_425, %get3A_426] {strides = array<i32>} : memref<240x64xf32, #tpu.memory_space<vmem>>, vector<1x16xf32>,
      %get3A_428 = vector.shape_cast %get3A_427 : vector<1x16xf32> to vector<16xf32>
      %add3A_429 = arith.constant 80 : i32
      %add3A_430 = arith.addi %add3A_429, %scan3A_340 : i32
      %get3A_431 = arith.index_cast %add3A_430 : i32 to index
      %get3A_432 = arith.constant 48 : index
      %get3A_433 = tpu.vector_load %arg12[%get3A_431, %get3A_432] {strides = array<i32>} : memref<240x64xf32, #tpu.memory_space<vmem>>, vector<1x16xf32>,
      %get3A_434 = vector.shape_cast %get3A_433 : vector<1x16xf32> to vector<16xf32>
      %add3A_435 = arith.addf %get3A_428, %get3A_434 : vector<16xf32>
      %add3A_436 = arith.constant 160 : i32
      %add3A_437 = arith.addi %add3A_436, %scan3A_340 : i32
      %get3A_438 = arith.index_cast %add3A_437 : i32 to index
      %get3A_439 = arith.constant 48 : index
      %get3A_440 = tpu.vector_load %arg12[%get3A_438, %get3A_439] {strides = array<i32>} : memref<240x64xf32, #tpu.memory_space<vmem>>, vector<1x16xf32>,
      %get3A_441 = vector.shape_cast %get3A_440 : vector<1x16xf32> to vector<16xf32>
      %add3A_442 = arith.addf %add3A_435, %get3A_441 : vector<16xf32>
      %max3A_443 = arith.constant 0.000000e+00 : f32
      %max3A_444 = vector.broadcast %max3A_443 : f32 to vector<16xf32>
      %max3A_445 = arith.maximumf %add3A_442, %max3A_444 : vector<16xf32>
      %add3A_446 = arith.constant 80 : i32
      %add3A_447 = arith.addi %add3A_446, %scan3A_340 : i32
      %swap3A_448 = arith.index_cast %add3A_447 : i32 to index
      %swap3A_449 = arith.constant 48 : index
      %swap3A_450 = tpu.vector_load %arg12[%swap3A_448, %swap3A_449] {strides = array<i32>} : memref<240x64xf32, #tpu.memory_space<vmem>>, vector<1x16xf32>,
      %swap3A_451 = vector.shape_cast %swap3A_450 : vector<1x16xf32> to vector<16xf32>
      %swap3A_452 = vector.shape_cast %max3A_445 : vector<16xf32> to vector<1x16xf32>
      tpu.vector_store %arg12[%swap3A_448, %swap3A_449], %swap3A_452 {strides = array<i32>} : memref<240x64xf32, #tpu.memory_space<vmem>>, vector<1x16xf32>,
    }
    %scan3A_85 = arith.constant 80 : i32
    %run_scoped3A_86 = arith.constant 123 : i32
    "tpu.region"() ({
      %run_scoped3A_229 = tpu.sem_alloc : memref<!tpu.dma_semaphore, #tpu.memory_space<semaphore_mem>>
      %dma_start3A_230 = arith.constant 80 : i32
      %dma_start3A_231 = arith.constant 0 : i32
      %dma_start3A_232 = tpu.memref_slice %arg12[%dma_start3A_230, %dma_start3A_231] : memref<240x64xf32, #tpu.memory_space<vmem>> -> memref<80x64xf32, #tpu.memory_space<vmem>>
      %dma_start3A_233 = arith.constant 0 : i32
      %dma_start3A_234 = tpu.memref_slice %arg11[%run_scoped3A_86, %dma_start3A_233] : memref<125x80xi32, #tpu.memory_space<vmem>> -> memref<1x80xi32, #tpu.memory_space<vmem>>
      %dma_start3A_235 = tpu.memref_squeeze %dma_start3A_234 : memref<1x80xi32, #tpu.memory_space<vmem>> -> memref<80xi32, #tpu.memory_space<vmem>>
      %dma_start3A_236 = arith.constant 0 : i32
      %dma_start3A_237 = arith.constant 0 : i32
      %dma_start3A_238 = tpu.memref_slice %arg15[%dma_start3A_236, %dma_start3A_237] : memref<10000x64xf32, #tpu.memory_space<vmem_shared>> -> memref<10000x64xf32, #tpu.memory_space<vmem_shared>>
      tpu.enqueue_indirect_dma source(%dma_start3A_232 : memref<80x64xf32, #tpu.memory_space<vmem>>) target(%dma_start3A_238 : memref<10000x64xf32, #tpu.memory_space<vmem_shared>>) offsets(%dma_start3A_235 : memref<80xi32, #tpu.memory_space<vmem>>) semaphore(%run_scoped3A_229 : memref<!tpu.dma_semaphore, #tpu.memory_space<semaphore_mem>>) {add = true}
      %dma_wait3A_239 = arith.constant 80 : i32
      %dma_wait3A_240 = arith.constant 0 : i32
      %dma_wait3A_241 = tpu.memref_slice %arg12[%dma_wait3A_239, %dma_wait3A_240] : memref<240x64xf32, #tpu.memory_space<vmem>> -> memref<80x64xf32, #tpu.memory_space<vmem>>
      %dma_wait3A_242 = arith.constant 0 : i32
      %dma_wait3A_243 = tpu.memref_slice %arg11[%run_scoped3A_86, %dma_wait3A_242] : memref<125x80xi32, #tpu.memory_space<vmem>> -> memref<1x80xi32, #tpu.memory_space<vmem>>
      %dma_wait3A_244 = tpu.memref_squeeze %dma_wait3A_243 : memref<1x80xi32, #tpu.memory_space<vmem>> -> memref<80xi32, #tpu.memory_space<vmem>>
      %dma_wait3A_245 = arith.constant 0 : i32
      %dma_wait3A_246 = arith.constant 0 : i32
      %dma_wait3A_247 = tpu.memref_slice %arg15[%dma_wait3A_245, %dma_wait3A_246] : memref<10000x64xf32, #tpu.memory_space<vmem_shared>> -> memref<10000x64xf32, #tpu.memory_space<vmem_shared>>
      tpu.wait_indirect_dma semaphore(%run_scoped3A_229 : memref<!tpu.dma_semaphore, #tpu.memory_space<semaphore_mem>>) src(%dma_wait3A_241 : memref<80x64xf32, #tpu.memory_space<vmem>>) dst(%dma_wait3A_247 : memref<10000x64xf32, #tpu.memory_space<vmem_shared>>)
      tpu.yield
    }) : () -> ()
    %dma_wait3A_87 = arith.constant 0 : i32
    %dma_wait3A_88 = arith.constant 0 : i32
    %dma_wait3A_89 = tpu.memref_slice %arg2[%dma_wait3A_87, %dma_wait3A_88] : memref<40000x64xf32, #tpu.memory_space<hbm>> -> memref<240x64xf32, #tpu.memory_space<hbm>>
    %dma_wait3A_90 = arith.constant 0 : i32
    %dma_wait3A_91 = arith.constant 0 : i32
    %dma_wait3A_92 = tpu.memref_slice %arg2[%dma_wait3A_90, %dma_wait3A_91] : memref<40000x64xf32, #tpu.memory_space<hbm>> -> memref<240x64xf32, #tpu.memory_space<hbm>>
    tpu.wait_dma2 semaphore(%arg17 : memref<!tpu.dma_semaphore, #tpu.memory_space<semaphore_mem>>) src(%dma_wait3A_92 : memref<240x64xf32, #tpu.memory_space<hbm>>) dst(%arg13 : memref<240x64xf32, #tpu.memory_space<vmem>>)
    %scan3A_93 = arith.constant 0 : i32
    %scan3A_94 = arith.constant 0 : i32
    %scan3A_95 = arith.constant 80 : i32
    %scan3A_96 = arith.addi %scan3A_94, %scan3A_95 : i32
    %scan3A_97 = arith.constant 2 : i32
    scf.for %scan3A_229 = %scan3A_94 to %scan3A_96 step %scan3A_97  : i32 {
      %get3A = arith.index_cast %scan3A_229 : i32 to index
      %get3A_230 = arith.constant 0 : index
      %get3A_231 = tpu.vector_load %arg13[%get3A, %get3A_230] {strides = array<i32>} : memref<240x64xf32, #tpu.memory_space<vmem>>, vector<1x16xf32>,
      %get3A_232 = vector.shape_cast %get3A_231 : vector<1x16xf32> to vector<16xf32>
      %add3A_233 = arith.constant 80 : i32
      %add3A_234 = arith.addi %add3A_233, %scan3A_229 : i32
      %get3A_235 = arith.index_cast %add3A_234 : i32 to index
      %get3A_236 = arith.constant 0 : index
      %get3A_237 = tpu.vector_load %arg13[%get3A_235, %get3A_236] {strides = array<i32>} : memref<240x64xf32, #tpu.memory_space<vmem>>, vector<1x16xf32>,
      %get3A_238 = vector.shape_cast %get3A_237 : vector<1x16xf32> to vector<16xf32>
      %add3A_239 = arith.addf %get3A_232, %get3A_238 : vector<16xf32>
      %add3A_240 = arith.constant 160 : i32
      %add3A_241 = arith.addi %add3A_240, %scan3A_229 : i32
      %get3A_242 = arith.index_cast %add3A_241 : i32 to index
      %get3A_243 = arith.constant 0 : index
      %get3A_244 = tpu.vector_load %arg13[%get3A_242, %get3A_243] {strides = array<i32>} : memref<240x64xf32, #tpu.memory_space<vmem>>, vector<1x16xf32>,
      %get3A_245 = vector.shape_cast %get3A_244 : vector<1x16xf32> to vector<16xf32>
      %add3A_246 = arith.addf %add3A_239, %get3A_245 : vector<16xf32>
      %max3A = arith.constant 0.000000e+00 : f32
      %max3A_247 = vector.broadcast %max3A : f32 to vector<16xf32>
      %max3A_248 = arith.maximumf %add3A_246, %max3A_247 : vector<16xf32>
      %add3A_249 = arith.constant 80 : i32
      %add3A_250 = arith.addi %add3A_249, %scan3A_229 : i32
      %swap3A = arith.index_cast %add3A_250 : i32 to index
      %swap3A_251 = arith.constant 0 : index
      %swap3A_252 = tpu.vector_load %arg13[%swap3A, %swap3A_251] {strides = array<i32>} : memref<240x64xf32, #tpu.memory_space<vmem>>, vector<1x16xf32>,
      %swap3A_253 = vector.shape_cast %swap3A_252 : vector<1x16xf32> to vector<16xf32>
      %swap3A_254 = vector.shape_cast %max3A_248 : vector<16xf32> to vector<1x16xf32>
      tpu.vector_store %arg13[%swap3A, %swap3A_251], %swap3A_254 {strides = array<i32>} : memref<240x64xf32, #tpu.memory_space<vmem>>, vector<1x16xf32>,
      %get3A_255 = arith.index_cast %scan3A_229 : i32 to index
      %get3A_256 = arith.constant 16 : index
      %get3A_257 = tpu.vector_load %arg13[%get3A_255, %get3A_256] {strides = array<i32>} : memref<240x64xf32, #tpu.memory_space<vmem>>, vector<1x16xf32>,
      %get3A_258 = vector.shape_cast %get3A_257 : vector<1x16xf32> to vector<16xf32>
      %add3A_259 = arith.constant 80 : i32
      %add3A_260 = arith.addi %add3A_259, %scan3A_229 : i32
      %get3A_261 = arith.index_cast %add3A_260 : i32 to index
      %get3A_262 = arith.constant 16 : index
      %get3A_263 = tpu.vector_load %arg13[%get3A_261, %get3A_262] {strides = array<i32>} : memref<240x64xf32, #tpu.memory_space<vmem>>, vector<1x16xf32>,
      %get3A_264 = vector.shape_cast %get3A_263 : vector<1x16xf32> to vector<16xf32>
      %add3A_265 = arith.addf %get3A_258, %get3A_264 : vector<16xf32>
      %add3A_266 = arith.constant 160 : i32
      %add3A_267 = arith.addi %add3A_266, %scan3A_229 : i32
      %get3A_268 = arith.index_cast %add3A_267 : i32 to index
      %get3A_269 = arith.constant 16 : index
      %get3A_270 = tpu.vector_load %arg13[%get3A_268, %get3A_269] {strides = array<i32>} : memref<240x64xf32, #tpu.memory_space<vmem>>, vector<1x16xf32>,
      %get3A_271 = vector.shape_cast %get3A_270 : vector<1x16xf32> to vector<16xf32>
      %add3A_272 = arith.addf %add3A_265, %get3A_271 : vector<16xf32>
      %max3A_273 = arith.constant 0.000000e+00 : f32
      %max3A_274 = vector.broadcast %max3A_273 : f32 to vector<16xf32>
      %max3A_275 = arith.maximumf %add3A_272, %max3A_274 : vector<16xf32>
      %add3A_276 = arith.constant 80 : i32
      %add3A_277 = arith.addi %add3A_276, %scan3A_229 : i32
      %swap3A_278 = arith.index_cast %add3A_277 : i32 to index
      %swap3A_279 = arith.constant 16 : index
      %swap3A_280 = tpu.vector_load %arg13[%swap3A_278, %swap3A_279] {strides = array<i32>} : memref<240x64xf32, #tpu.memory_space<vmem>>, vector<1x16xf32>,
      %swap3A_281 = vector.shape_cast %swap3A_280 : vector<1x16xf32> to vector<16xf32>
      %swap3A_282 = vector.shape_cast %max3A_275 : vector<16xf32> to vector<1x16xf32>
      tpu.vector_store %arg13[%swap3A_278, %swap3A_279], %swap3A_282 {strides = array<i32>} : memref<240x64xf32, #tpu.memory_space<vmem>>, vector<1x16xf32>,
      %get3A_283 = arith.index_cast %scan3A_229 : i32 to index
      %get3A_284 = arith.constant 32 : index
      %get3A_285 = tpu.vector_load %arg13[%get3A_283, %get3A_284] {strides = array<i32>} : memref<240x64xf32, #tpu.memory_space<vmem>>, vector<1x16xf32>,
      %get3A_286 = vector.shape_cast %get3A_285 : vector<1x16xf32> to vector<16xf32>
      %add3A_287 = arith.constant 80 : i32
      %add3A_288 = arith.addi %add3A_287, %scan3A_229 : i32
      %get3A_289 = arith.index_cast %add3A_288 : i32 to index
      %get3A_290 = arith.constant 32 : index
      %get3A_291 = tpu.vector_load %arg13[%get3A_289, %get3A_290] {strides = array<i32>} : memref<240x64xf32, #tpu.memory_space<vmem>>, vector<1x16xf32>,
      %get3A_292 = vector.shape_cast %get3A_291 : vector<1x16xf32> to vector<16xf32>
      %add3A_293 = arith.addf %get3A_286, %get3A_292 : vector<16xf32>
      %add3A_294 = arith.constant 160 : i32
      %add3A_295 = arith.addi %add3A_294, %scan3A_229 : i32
      %get3A_296 = arith.index_cast %add3A_295 : i32 to index
      %get3A_297 = arith.constant 32 : index
      %get3A_298 = tpu.vector_load %arg13[%get3A_296, %get3A_297] {strides = array<i32>} : memref<240x64xf32, #tpu.memory_space<vmem>>, vector<1x16xf32>,
      %get3A_299 = vector.shape_cast %get3A_298 : vector<1x16xf32> to vector<16xf32>
      %add3A_300 = arith.addf %add3A_293, %get3A_299 : vector<16xf32>
      %max3A_301 = arith.constant 0.000000e+00 : f32
      %max3A_302 = vector.broadcast %max3A_301 : f32 to vector<16xf32>
      %max3A_303 = arith.maximumf %add3A_300, %max3A_302 : vector<16xf32>
      %add3A_304 = arith.constant 80 : i32
      %add3A_305 = arith.addi %add3A_304, %scan3A_229 : i32
      %swap3A_306 = arith.index_cast %add3A_305 : i32 to index
      %swap3A_307 = arith.constant 32 : index
      %swap3A_308 = tpu.vector_load %arg13[%swap3A_306, %swap3A_307] {strides = array<i32>} : memref<240x64xf32, #tpu.memory_space<vmem>>, vector<1x16xf32>,
      %swap3A_309 = vector.shape_cast %swap3A_308 : vector<1x16xf32> to vector<16xf32>
      %swap3A_310 = vector.shape_cast %max3A_303 : vector<16xf32> to vector<1x16xf32>
      tpu.vector_store %arg13[%swap3A_306, %swap3A_307], %swap3A_310 {strides = array<i32>} : memref<240x64xf32, #tpu.memory_space<vmem>>, vector<1x16xf32>,
      %get3A_311 = arith.index_cast %scan3A_229 : i32 to index
      %get3A_312 = arith.constant 48 : index
      %get3A_313 = tpu.vector_load %arg13[%get3A_311, %get3A_312] {strides = array<i32>} : memref<240x64xf32, #tpu.memory_space<vmem>>, vector<1x16xf32>,
      %get3A_314 = vector.shape_cast %get3A_313 : vector<1x16xf32> to vector<16xf32>
      %add3A_315 = arith.constant 80 : i32
      %add3A_316 = arith.addi %add3A_315, %scan3A_229 : i32
      %get3A_317 = arith.index_cast %add3A_316 : i32 to index
      %get3A_318 = arith.constant 48 : index
      %get3A_319 = tpu.vector_load %arg13[%get3A_317, %get3A_318] {strides = array<i32>} : memref<240x64xf32, #tpu.memory_space<vmem>>, vector<1x16xf32>,
      %get3A_320 = vector.shape_cast %get3A_319 : vector<1x16xf32> to vector<16xf32>
      %add3A_321 = arith.addf %get3A_314, %get3A_320 : vector<16xf32>
      %add3A_322 = arith.constant 160 : i32
      %add3A_323 = arith.addi %add3A_322, %scan3A_229 : i32
      %get3A_324 = arith.index_cast %add3A_323 : i32 to index
      %get3A_325 = arith.constant 48 : index
      %get3A_326 = tpu.vector_load %arg13[%get3A_324, %get3A_325] {strides = array<i32>} : memref<240x64xf32, #tpu.memory_space<vmem>>, vector<1x16xf32>,
      %get3A_327 = vector.shape_cast %get3A_326 : vector<1x16xf32> to vector<16xf32>
      %add3A_328 = arith.addf %add3A_321, %get3A_327 : vector<16xf32>
      %max3A_329 = arith.constant 0.000000e+00 : f32
      %max3A_330 = vector.broadcast %max3A_329 : f32 to vector<16xf32>
      %max3A_331 = arith.maximumf %add3A_328, %max3A_330 : vector<16xf32>
      %add3A_332 = arith.constant 80 : i32
      %add3A_333 = arith.addi %add3A_332, %scan3A_229 : i32
      %swap3A_334 = arith.index_cast %add3A_333 : i32 to index
      %swap3A_335 = arith.constant 48 : index
      %swap3A_336 = tpu.vector_load %arg13[%swap3A_334, %swap3A_335] {strides = array<i32>} : memref<240x64xf32, #tpu.memory_space<vmem>>, vector<1x16xf32>,
      %swap3A_337 = vector.shape_cast %swap3A_336 : vector<1x16xf32> to vector<16xf32>
      %swap3A_338 = vector.shape_cast %max3A_331 : vector<16xf32> to vector<1x16xf32>
      tpu.vector_store %arg13[%swap3A_334, %swap3A_335], %swap3A_338 {strides = array<i32>} : memref<240x64xf32, #tpu.memory_space<vmem>>, vector<1x16xf32>,
      %scan3A_339 = arith.constant 1 : i32
      %scan3A_340 = arith.addi %scan3A_229, %scan3A_339 : i32
      %get3A_341 = arith.index_cast %scan3A_340 : i32 to index
      %get3A_342 = arith.constant 0 : index
      %get3A_343 = tpu.vector_load %arg13[%get3A_341, %get3A_342] {strides = array<i32>} : memref<240x64xf32, #tpu.memory_space<vmem>>, vector<1x16xf32>,
      %get3A_344 = vector.shape_cast %get3A_343 : vector<1x16xf32> to vector<16xf32>
      %add3A_345 = arith.constant 80 : i32
      %add3A_346 = arith.addi %add3A_345, %scan3A_340 : i32
      %get3A_347 = arith.index_cast %add3A_346 : i32 to index
      %get3A_348 = arith.constant 0 : index
      %get3A_349 = tpu.vector_load %arg13[%get3A_347, %get3A_348] {strides = array<i32>} : memref<240x64xf32, #tpu.memory_space<vmem>>, vector<1x16xf32>,
      %get3A_350 = vector.shape_cast %get3A_349 : vector<1x16xf32> to vector<16xf32>
      %add3A_351 = arith.addf %get3A_344, %get3A_350 : vector<16xf32>
      %add3A_352 = arith.constant 160 : i32
      %add3A_353 = arith.addi %add3A_352, %scan3A_340 : i32
      %get3A_354 = arith.index_cast %add3A_353 : i32 to index
      %get3A_355 = arith.constant 0 : index
      %get3A_356 = tpu.vector_load %arg13[%get3A_354, %get3A_355] {strides = array<i32>} : memref<240x64xf32, #tpu.memory_space<vmem>>, vector<1x16xf32>,
      %get3A_357 = vector.shape_cast %get3A_356 : vector<1x16xf32> to vector<16xf32>
      %add3A_358 = arith.addf %add3A_351, %get3A_357 : vector<16xf32>
      %max3A_359 = arith.constant 0.000000e+00 : f32
      %max3A_360 = vector.broadcast %max3A_359 : f32 to vector<16xf32>
      %max3A_361 = arith.maximumf %add3A_358, %max3A_360 : vector<16xf32>
      %add3A_362 = arith.constant 80 : i32
      %add3A_363 = arith.addi %add3A_362, %scan3A_340 : i32
      %swap3A_364 = arith.index_cast %add3A_363 : i32 to index
      %swap3A_365 = arith.constant 0 : index
      %swap3A_366 = tpu.vector_load %arg13[%swap3A_364, %swap3A_365] {strides = array<i32>} : memref<240x64xf32, #tpu.memory_space<vmem>>, vector<1x16xf32>,
      %swap3A_367 = vector.shape_cast %swap3A_366 : vector<1x16xf32> to vector<16xf32>
      %swap3A_368 = vector.shape_cast %max3A_361 : vector<16xf32> to vector<1x16xf32>
      tpu.vector_store %arg13[%swap3A_364, %swap3A_365], %swap3A_368 {strides = array<i32>} : memref<240x64xf32, #tpu.memory_space<vmem>>, vector<1x16xf32>,
      %get3A_369 = arith.index_cast %scan3A_340 : i32 to index
      %get3A_370 = arith.constant 16 : index
      %get3A_371 = tpu.vector_load %arg13[%get3A_369, %get3A_370] {strides = array<i32>} : memref<240x64xf32, #tpu.memory_space<vmem>>, vector<1x16xf32>,
      %get3A_372 = vector.shape_cast %get3A_371 : vector<1x16xf32> to vector<16xf32>
      %add3A_373 = arith.constant 80 : i32
      %add3A_374 = arith.addi %add3A_373, %scan3A_340 : i32
      %get3A_375 = arith.index_cast %add3A_374 : i32 to index
      %get3A_376 = arith.constant 16 : index
      %get3A_377 = tpu.vector_load %arg13[%get3A_375, %get3A_376] {strides = array<i32>} : memref<240x64xf32, #tpu.memory_space<vmem>>, vector<1x16xf32>,
      %get3A_378 = vector.shape_cast %get3A_377 : vector<1x16xf32> to vector<16xf32>
      %add3A_379 = arith.addf %get3A_372, %get3A_378 : vector<16xf32>
      %add3A_380 = arith.constant 160 : i32
      %add3A_381 = arith.addi %add3A_380, %scan3A_340 : i32
      %get3A_382 = arith.index_cast %add3A_381 : i32 to index
      %get3A_383 = arith.constant 16 : index
      %get3A_384 = tpu.vector_load %arg13[%get3A_382, %get3A_383] {strides = array<i32>} : memref<240x64xf32, #tpu.memory_space<vmem>>, vector<1x16xf32>,
      %get3A_385 = vector.shape_cast %get3A_384 : vector<1x16xf32> to vector<16xf32>
      %add3A_386 = arith.addf %add3A_379, %get3A_385 : vector<16xf32>
      %max3A_387 = arith.constant 0.000000e+00 : f32
      %max3A_388 = vector.broadcast %max3A_387 : f32 to vector<16xf32>
      %max3A_389 = arith.maximumf %add3A_386, %max3A_388 : vector<16xf32>
      %add3A_390 = arith.constant 80 : i32
      %add3A_391 = arith.addi %add3A_390, %scan3A_340 : i32
      %swap3A_392 = arith.index_cast %add3A_391 : i32 to index
      %swap3A_393 = arith.constant 16 : index
      %swap3A_394 = tpu.vector_load %arg13[%swap3A_392, %swap3A_393] {strides = array<i32>} : memref<240x64xf32, #tpu.memory_space<vmem>>, vector<1x16xf32>,
      %swap3A_395 = vector.shape_cast %swap3A_394 : vector<1x16xf32> to vector<16xf32>
      %swap3A_396 = vector.shape_cast %max3A_389 : vector<16xf32> to vector<1x16xf32>
      tpu.vector_store %arg13[%swap3A_392, %swap3A_393], %swap3A_396 {strides = array<i32>} : memref<240x64xf32, #tpu.memory_space<vmem>>, vector<1x16xf32>,
      %get3A_397 = arith.index_cast %scan3A_340 : i32 to index
      %get3A_398 = arith.constant 32 : index
      %get3A_399 = tpu.vector_load %arg13[%get3A_397, %get3A_398] {strides = array<i32>} : memref<240x64xf32, #tpu.memory_space<vmem>>, vector<1x16xf32>,
      %get3A_400 = vector.shape_cast %get3A_399 : vector<1x16xf32> to vector<16xf32>
      %add3A_401 = arith.constant 80 : i32
      %add3A_402 = arith.addi %add3A_401, %scan3A_340 : i32
      %get3A_403 = arith.index_cast %add3A_402 : i32 to index
      %get3A_404 = arith.constant 32 : index
      %get3A_405 = tpu.vector_load %arg13[%get3A_403, %get3A_404] {strides = array<i32>} : memref<240x64xf32, #tpu.memory_space<vmem>>, vector<1x16xf32>,
      %get3A_406 = vector.shape_cast %get3A_405 : vector<1x16xf32> to vector<16xf32>
      %add3A_407 = arith.addf %get3A_400, %get3A_406 : vector<16xf32>
      %add3A_408 = arith.constant 160 : i32
      %add3A_409 = arith.addi %add3A_408, %scan3A_340 : i32
      %get3A_410 = arith.index_cast %add3A_409 : i32 to index
      %get3A_411 = arith.constant 32 : index
      %get3A_412 = tpu.vector_load %arg13[%get3A_410, %get3A_411] {strides = array<i32>} : memref<240x64xf32, #tpu.memory_space<vmem>>, vector<1x16xf32>,
      %get3A_413 = vector.shape_cast %get3A_412 : vector<1x16xf32> to vector<16xf32>
      %add3A_414 = arith.addf %add3A_407, %get3A_413 : vector<16xf32>
      %max3A_415 = arith.constant 0.000000e+00 : f32
      %max3A_416 = vector.broadcast %max3A_415 : f32 to vector<16xf32>
      %max3A_417 = arith.maximumf %add3A_414, %max3A_416 : vector<16xf32>
      %add3A_418 = arith.constant 80 : i32
      %add3A_419 = arith.addi %add3A_418, %scan3A_340 : i32
      %swap3A_420 = arith.index_cast %add3A_419 : i32 to index
      %swap3A_421 = arith.constant 32 : index
      %swap3A_422 = tpu.vector_load %arg13[%swap3A_420, %swap3A_421] {strides = array<i32>} : memref<240x64xf32, #tpu.memory_space<vmem>>, vector<1x16xf32>,
      %swap3A_423 = vector.shape_cast %swap3A_422 : vector<1x16xf32> to vector<16xf32>
      %swap3A_424 = vector.shape_cast %max3A_417 : vector<16xf32> to vector<1x16xf32>
      tpu.vector_store %arg13[%swap3A_420, %swap3A_421], %swap3A_424 {strides = array<i32>} : memref<240x64xf32, #tpu.memory_space<vmem>>, vector<1x16xf32>,
      %get3A_425 = arith.index_cast %scan3A_340 : i32 to index
      %get3A_426 = arith.constant 48 : index
      %get3A_427 = tpu.vector_load %arg13[%get3A_425, %get3A_426] {strides = array<i32>} : memref<240x64xf32, #tpu.memory_space<vmem>>, vector<1x16xf32>,
      %get3A_428 = vector.shape_cast %get3A_427 : vector<1x16xf32> to vector<16xf32>
      %add3A_429 = arith.constant 80 : i32
      %add3A_430 = arith.addi %add3A_429, %scan3A_340 : i32
      %get3A_431 = arith.index_cast %add3A_430 : i32 to index
      %get3A_432 = arith.constant 48 : index
      %get3A_433 = tpu.vector_load %arg13[%get3A_431, %get3A_432] {strides = array<i32>} : memref<240x64xf32, #tpu.memory_space<vmem>>, vector<1x16xf32>,
      %get3A_434 = vector.shape_cast %get3A_433 : vector<1x16xf32> to vector<16xf32>
      %add3A_435 = arith.addf %get3A_428, %get3A_434 : vector<16xf32>
      %add3A_436 = arith.constant 160 : i32
      %add3A_437 = arith.addi %add3A_436, %scan3A_340 : i32
      %get3A_438 = arith.index_cast %add3A_437 : i32 to index
      %get3A_439 = arith.constant 48 : index
      %get3A_440 = tpu.vector_load %arg13[%get3A_438, %get3A_439] {strides = array<i32>} : memref<240x64xf32, #tpu.memory_space<vmem>>, vector<1x16xf32>,
      %get3A_441 = vector.shape_cast %get3A_440 : vector<1x16xf32> to vector<16xf32>
      %add3A_442 = arith.addf %add3A_435, %get3A_441 : vector<16xf32>
      %max3A_443 = arith.constant 0.000000e+00 : f32
      %max3A_444 = vector.broadcast %max3A_443 : f32 to vector<16xf32>
      %max3A_445 = arith.maximumf %add3A_442, %max3A_444 : vector<16xf32>
      %add3A_446 = arith.constant 80 : i32
      %add3A_447 = arith.addi %add3A_446, %scan3A_340 : i32
      %swap3A_448 = arith.index_cast %add3A_447 : i32 to index
      %swap3A_449 = arith.constant 48 : index
      %swap3A_450 = tpu.vector_load %arg13[%swap3A_448, %swap3A_449] {strides = array<i32>} : memref<240x64xf32, #tpu.memory_space<vmem>>, vector<1x16xf32>,
      %swap3A_451 = vector.shape_cast %swap3A_450 : vector<1x16xf32> to vector<16xf32>
      %swap3A_452 = vector.shape_cast %max3A_445 : vector<16xf32> to vector<1x16xf32>
      tpu.vector_store %arg13[%swap3A_448, %swap3A_449], %swap3A_452 {strides = array<i32>} : memref<240x64xf32, #tpu.memory_space<vmem>>, vector<1x16xf32>,
    }
    %scan3A_98 = arith.constant 80 : i32
    %run_scoped3A_99 = arith.constant 124 : i32
    "tpu.region"() ({
      %run_scoped3A_229 = tpu.sem_alloc : memref<!tpu.dma_semaphore, #tpu.memory_space<semaphore_mem>>
      %dma_start3A_230 = arith.constant 80 : i32
      %dma_start3A_231 = arith.constant 0 : i32
      %dma_start3A_232 = tpu.memref_slice %arg13[%dma_start3A_230, %dma_start3A_231] : memref<240x64xf32, #tpu.memory_space<vmem>> -> memref<80x64xf32, #tpu.memory_space<vmem>>
      %dma_start3A_233 = arith.constant 0 : i32
      %dma_start3A_234 = tpu.memref_slice %arg11[%run_scoped3A_99, %dma_start3A_233] : memref<125x80xi32, #tpu.memory_space<vmem>> -> memref<1x80xi32, #tpu.memory_space<vmem>>
      %dma_start3A_235 = tpu.memref_squeeze %dma_start3A_234 : memref<1x80xi32, #tpu.memory_space<vmem>> -> memref<80xi32, #tpu.memory_space<vmem>>
      %dma_start3A_236 = arith.constant 0 : i32
      %dma_start3A_237 = arith.constant 0 : i32
      %dma_start3A_238 = tpu.memref_slice %arg15[%dma_start3A_236, %dma_start3A_237] : memref<10000x64xf32, #tpu.memory_space<vmem_shared>> -> memref<10000x64xf32, #tpu.memory_space<vmem_shared>>
      tpu.enqueue_indirect_dma source(%dma_start3A_232 : memref<80x64xf32, #tpu.memory_space<vmem>>) target(%dma_start3A_238 : memref<10000x64xf32, #tpu.memory_space<vmem_shared>>) offsets(%dma_start3A_235 : memref<80xi32, #tpu.memory_space<vmem>>) semaphore(%run_scoped3A_229 : memref<!tpu.dma_semaphore, #tpu.memory_space<semaphore_mem>>) {add = true}
      %dma_wait3A_239 = arith.constant 80 : i32
      %dma_wait3A_240 = arith.constant 0 : i32
      %dma_wait3A_241 = tpu.memref_slice %arg13[%dma_wait3A_239, %dma_wait3A_240] : memref<240x64xf32, #tpu.memory_space<vmem>> -> memref<80x64xf32, #tpu.memory_space<vmem>>
      %dma_wait3A_242 = arith.constant 0 : i32
      %dma_wait3A_243 = tpu.memref_slice %arg11[%run_scoped3A_99, %dma_wait3A_242] : memref<125x80xi32, #tpu.memory_space<vmem>> -> memref<1x80xi32, #tpu.memory_space<vmem>>
      %dma_wait3A_244 = tpu.memref_squeeze %dma_wait3A_243 : memref<1x80xi32, #tpu.memory_space<vmem>> -> memref<80xi32, #tpu.memory_space<vmem>>
      %dma_wait3A_245 = arith.constant 0 : i32
      %dma_wait3A_246 = arith.constant 0 : i32
      %dma_wait3A_247 = tpu.memref_slice %arg15[%dma_wait3A_245, %dma_wait3A_246] : memref<10000x64xf32, #tpu.memory_space<vmem_shared>> -> memref<10000x64xf32, #tpu.memory_space<vmem_shared>>
      tpu.wait_indirect_dma semaphore(%run_scoped3A_229 : memref<!tpu.dma_semaphore, #tpu.memory_space<semaphore_mem>>) src(%dma_wait3A_241 : memref<80x64xf32, #tpu.memory_space<vmem>>) dst(%dma_wait3A_247 : memref<10000x64xf32, #tpu.memory_space<vmem_shared>>)
      tpu.yield
    }) : () -> ()
    %dma_wait3A_100 = arith.constant 0 : i32
    %dma_wait3A_101 = arith.constant 80 : i32
    %dma_wait3A_102 = arith.constant 0 : i32
    %dma_wait3A_103 = tpu.memref_slice %arg14[%dma_wait3A_101, %dma_wait3A_102] : memref<240x64xf32, #tpu.memory_space<vmem>> -> memref<80x64xf32, #tpu.memory_space<vmem>>
    %dma_wait3A_104 = arith.constant 0 : i32
    %dma_wait3A_105 = tpu.memref_slice %arg11[%dma_wait3A_100, %dma_wait3A_104] : memref<125x80xi32, #tpu.memory_space<vmem>> -> memref<1x80xi32, #tpu.memory_space<vmem>>
    %dma_wait3A_106 = tpu.memref_squeeze %dma_wait3A_105 : memref<1x80xi32, #tpu.memory_space<vmem>> -> memref<80xi32, #tpu.memory_space<vmem>>
    %dma_wait3A_107 = arith.constant 0 : i32
    %dma_wait3A_108 = arith.constant 0 : i32
    %dma_wait3A_109 = tpu.memref_slice %arg15[%dma_wait3A_107, %dma_wait3A_108] : memref<10000x64xf32, #tpu.memory_space<vmem_shared>> -> memref<10000x64xf32, #tpu.memory_space<vmem_shared>>
    tpu.wait_indirect_dma semaphore(%arg21 : memref<!tpu.dma_semaphore, #tpu.memory_space<semaphore_mem>>) src(%dma_wait3A_103 : memref<80x64xf32, #tpu.memory_space<vmem>>) dst(%dma_wait3A_109 : memref<10000x64xf32, #tpu.memory_space<vmem_shared>>)
    %run_scoped3A_110 = arith.constant 1 : i32
    "tpu.region"() ({
      %run_scoped3A_229 = tpu.sem_alloc : memref<!tpu.dma_semaphore, #tpu.memory_space<semaphore_mem>>
      %dma_start3A_230 = arith.constant 0 : i32
      %dma_start3A_231 = arith.constant 0 : i32
      %dma_start3A_232 = tpu.memref_slice %arg4[%arg0, %arg1, %run_scoped3A_110, %dma_start3A_230, %dma_start3A_231] : memref<2x16x2x125x80xi32, #tpu.memory_space<hbm>> -> memref<1x1x1x125x80xi32, #tpu.memory_space<hbm>>
      %dma_start3A_233 = tpu.memref_squeeze %dma_start3A_232 : memref<1x1x1x125x80xi32, #tpu.memory_space<hbm>> -> memref<125x80xi32, #tpu.memory_space<hbm>>
      %dma_start3A_234 = arith.constant 0 : i32
      %dma_start3A_235 = arith.constant 0 : i32
      %dma_start3A_236 = tpu.memref_slice %arg4[%arg0, %arg1, %run_scoped3A_110, %dma_start3A_234, %dma_start3A_235] : memref<2x16x2x125x80xi32, #tpu.memory_space<hbm>> -> memref<1x1x1x125x80xi32, #tpu.memory_space<hbm>>
      %dma_start3A_237 = tpu.memref_squeeze %dma_start3A_236 : memref<1x1x1x125x80xi32, #tpu.memory_space<hbm>> -> memref<125x80xi32, #tpu.memory_space<hbm>>
      tpu.enqueue_dma source(%dma_start3A_237 : memref<125x80xi32, #tpu.memory_space<hbm>>) target(%arg9 : memref<125x80xi32, #tpu.memory_space<vmem>>) target_semaphore(%run_scoped3A_229 : memref<!tpu.dma_semaphore, #tpu.memory_space<semaphore_mem>>)
      %dma_wait3A_238 = arith.constant 0 : i32
      %dma_wait3A_239 = arith.constant 0 : i32
      %dma_wait3A_240 = tpu.memref_slice %arg4[%arg0, %arg1, %run_scoped3A_110, %dma_wait3A_238, %dma_wait3A_239] : memref<2x16x2x125x80xi32, #tpu.memory_space<hbm>> -> memref<1x1x1x125x80xi32, #tpu.memory_space<hbm>>
      %dma_wait3A_241 = tpu.memref_squeeze %dma_wait3A_240 : memref<1x1x1x125x80xi32, #tpu.memory_space<hbm>> -> memref<125x80xi32, #tpu.memory_space<hbm>>
      %dma_wait3A_242 = arith.constant 0 : i32
      %dma_wait3A_243 = arith.constant 0 : i32
      %dma_wait3A_244 = tpu.memref_slice %arg4[%arg0, %arg1, %run_scoped3A_110, %dma_wait3A_242, %dma_wait3A_243] : memref<2x16x2x125x80xi32, #tpu.memory_space<hbm>> -> memref<1x1x1x125x80xi32, #tpu.memory_space<hbm>>
      %dma_wait3A_245 = tpu.memref_squeeze %dma_wait3A_244 : memref<1x1x1x125x80xi32, #tpu.memory_space<hbm>> -> memref<125x80xi32, #tpu.memory_space<hbm>>
      tpu.wait_dma2 semaphore(%run_scoped3A_229 : memref<!tpu.dma_semaphore, #tpu.memory_space<semaphore_mem>>) src(%dma_wait3A_245 : memref<125x80xi32, #tpu.memory_space<hbm>>) dst(%arg9 : memref<125x80xi32, #tpu.memory_space<vmem>>)
      tpu.yield
    }) : () -> ()
    %run_scoped3A_111 = arith.constant 1 : i32
    "tpu.region"() ({
      %run_scoped3A_229 = tpu.sem_alloc : memref<!tpu.dma_semaphore, #tpu.memory_space<semaphore_mem>>
      %dma_start3A_230 = arith.constant 0 : i32
      %dma_start3A_231 = arith.constant 0 : i32
      %dma_start3A_232 = tpu.memref_slice %arg5[%arg0, %arg1, %run_scoped3A_111, %dma_start3A_230, %dma_start3A_231] : memref<2x16x2x125x80xi32, #tpu.memory_space<hbm>> -> memref<1x1x1x125x80xi32, #tpu.memory_space<hbm>>
      %dma_start3A_233 = tpu.memref_squeeze %dma_start3A_232 : memref<1x1x1x125x80xi32, #tpu.memory_space<hbm>> -> memref<125x80xi32, #tpu.memory_space<hbm>>
      %dma_start3A_234 = arith.constant 0 : i32
      %dma_start3A_235 = arith.constant 0 : i32
      %dma_start3A_236 = tpu.memref_slice %arg5[%arg0, %arg1, %run_scoped3A_111, %dma_start3A_234, %dma_start3A_235] : memref<2x16x2x125x80xi32, #tpu.memory_space<hbm>> -> memref<1x1x1x125x80xi32, #tpu.memory_space<hbm>>
      %dma_start3A_237 = tpu.memref_squeeze %dma_start3A_236 : memref<1x1x1x125x80xi32, #tpu.memory_space<hbm>> -> memref<125x80xi32, #tpu.memory_space<hbm>>
      tpu.enqueue_dma source(%dma_start3A_237 : memref<125x80xi32, #tpu.memory_space<hbm>>) target(%arg10 : memref<125x80xi32, #tpu.memory_space<vmem>>) target_semaphore(%run_scoped3A_229 : memref<!tpu.dma_semaphore, #tpu.memory_space<semaphore_mem>>)
      %dma_wait3A_238 = arith.constant 0 : i32
      %dma_wait3A_239 = arith.constant 0 : i32
      %dma_wait3A_240 = tpu.memref_slice %arg5[%arg0, %arg1, %run_scoped3A_111, %dma_wait3A_238, %dma_wait3A_239] : memref<2x16x2x125x80xi32, #tpu.memory_space<hbm>> -> memref<1x1x1x125x80xi32, #tpu.memory_space<hbm>>
      %dma_wait3A_241 = tpu.memref_squeeze %dma_wait3A_240 : memref<1x1x1x125x80xi32, #tpu.memory_space<hbm>> -> memref<125x80xi32, #tpu.memory_space<hbm>>
      %dma_wait3A_242 = arith.constant 0 : i32
      %dma_wait3A_243 = arith.constant 0 : i32
      %dma_wait3A_244 = tpu.memref_slice %arg5[%arg0, %arg1, %run_scoped3A_111, %dma_wait3A_242, %dma_wait3A_243] : memref<2x16x2x125x80xi32, #tpu.memory_space<hbm>> -> memref<1x1x1x125x80xi32, #tpu.memory_space<hbm>>
      %dma_wait3A_245 = tpu.memref_squeeze %dma_wait3A_244 : memref<1x1x1x125x80xi32, #tpu.memory_space<hbm>> -> memref<125x80xi32, #tpu.memory_space<hbm>>
      tpu.wait_dma2 semaphore(%run_scoped3A_229 : memref<!tpu.dma_semaphore, #tpu.memory_space<semaphore_mem>>) src(%dma_wait3A_245 : memref<125x80xi32, #tpu.memory_space<hbm>>) dst(%arg10 : memref<125x80xi32, #tpu.memory_space<vmem>>)
      tpu.yield
    }) : () -> ()
    %run_scoped3A_112 = arith.constant 1 : i32
    "tpu.region"() ({
      %run_scoped3A_229 = tpu.sem_alloc : memref<!tpu.dma_semaphore, #tpu.memory_space<semaphore_mem>>
      %dma_start3A_230 = arith.constant 0 : i32
      %dma_start3A_231 = arith.constant 0 : i32
      %dma_start3A_232 = tpu.memref_slice %arg6[%arg1, %run_scoped3A_112, %dma_start3A_230, %dma_start3A_231] : memref<16x2x125x80xi32, #tpu.memory_space<hbm>> -> memref<1x1x125x80xi32, #tpu.memory_space<hbm>>
      %dma_start3A_233 = tpu.memref_squeeze %dma_start3A_232 : memref<1x1x125x80xi32, #tpu.memory_space<hbm>> -> memref<125x80xi32, #tpu.memory_space<hbm>>
      %dma_start3A_234 = arith.constant 0 : i32
      %dma_start3A_235 = arith.constant 0 : i32
      %dma_start3A_236 = tpu.memref_slice %arg6[%arg1, %run_scoped3A_112, %dma_start3A_234, %dma_start3A_235] : memref<16x2x125x80xi32, #tpu.memory_space<hbm>> -> memref<1x1x125x80xi32, #tpu.memory_space<hbm>>
      %dma_start3A_237 = tpu.memref_squeeze %dma_start3A_236 : memref<1x1x125x80xi32, #tpu.memory_space<hbm>> -> memref<125x80xi32, #tpu.memory_space<hbm>>
      tpu.enqueue_dma source(%dma_start3A_237 : memref<125x80xi32, #tpu.memory_space<hbm>>) target(%arg11 : memref<125x80xi32, #tpu.memory_space<vmem>>) target_semaphore(%run_scoped3A_229 : memref<!tpu.dma_semaphore, #tpu.memory_space<semaphore_mem>>)
      %dma_wait3A_238 = arith.constant 0 : i32
      %dma_wait3A_239 = arith.constant 0 : i32
      %dma_wait3A_240 = tpu.memref_slice %arg6[%arg1, %run_scoped3A_112, %dma_wait3A_238, %dma_wait3A_239] : memref<16x2x125x80xi32, #tpu.memory_space<hbm>> -> memref<1x1x125x80xi32, #tpu.memory_space<hbm>>
      %dma_wait3A_241 = tpu.memref_squeeze %dma_wait3A_240 : memref<1x1x125x80xi32, #tpu.memory_space<hbm>> -> memref<125x80xi32, #tpu.memory_space<hbm>>
      %dma_wait3A_242 = arith.constant 0 : i32
      %dma_wait3A_243 = arith.constant 0 : i32
      %dma_wait3A_244 = tpu.memref_slice %arg6[%arg1, %run_scoped3A_112, %dma_wait3A_242, %dma_wait3A_243] : memref<16x2x125x80xi32, #tpu.memory_space<hbm>> -> memref<1x1x125x80xi32, #tpu.memory_space<hbm>>
      %dma_wait3A_245 = tpu.memref_squeeze %dma_wait3A_244 : memref<1x1x125x80xi32, #tpu.memory_space<hbm>> -> memref<125x80xi32, #tpu.memory_space<hbm>>
      tpu.wait_dma2 semaphore(%run_scoped3A_229 : memref<!tpu.dma_semaphore, #tpu.memory_space<semaphore_mem>>) src(%dma_wait3A_245 : memref<125x80xi32, #tpu.memory_space<hbm>>) dst(%arg11 : memref<125x80xi32, #tpu.memory_space<vmem>>)
      tpu.yield
    }) : () -> ()
    %mul3A_113 = arith.constant 20000 : i32
    %mul3A_114 = arith.muli %arg1, %mul3A_113 : i32
    %add3A_115 = arith.constant 10000 : i32
    %add3A_116 = arith.addi %mul3A_114, %add3A_115 : i32
    %add3A_117 = arith.constant 0 : i32
    %add3A_118 = arith.addi %add3A_116, %add3A_117 : i32
    %dma_start3A_119 = arith.constant 0 : i32
    %dma_start3A_120 = arith.constant 0 : i32
    %dma_start3A_121 = tpu.memref_slice %arg12[%dma_start3A_119, %dma_start3A_120] : memref<240x64xf32, #tpu.memory_space<vmem>> -> memref<80x64xf32, #tpu.memory_space<vmem>>
    %dma_start3A_122 = tpu.memref_slice %arg3[%add3A_118, %mul3A_6] : memref<320000x128xf32, #tpu.memory_space<hbm>> -> memref<80x64xf32, #tpu.memory_space<hbm>>
    %dma_start3A_123 = arith.constant 0 : i32
    %dma_start3A_124 = arith.constant 0 : i32
    %dma_start3A_125 = tpu.memref_slice %arg12[%dma_start3A_123, %dma_start3A_124] : memref<240x64xf32, #tpu.memory_space<vmem>> -> memref<80x64xf32, #tpu.memory_space<vmem>>
    %dma_start3A_126 = tpu.memref_slice %arg3[%add3A_118, %mul3A_6] : memref<320000x128xf32, #tpu.memory_space<hbm>> -> memref<80x64xf32, #tpu.memory_space<hbm>>
    tpu.enqueue_dma source(%dma_start3A_126 : memref<80x64xf32, #tpu.memory_space<hbm>>) target(%dma_start3A_125 : memref<80x64xf32, #tpu.memory_space<vmem>>) target_semaphore(%arg16 : memref<!tpu.dma_semaphore, #tpu.memory_space<semaphore_mem>>)
    %dma_start3A_127 = arith.constant 0 : i32
    %dma_start3A_128 = arith.constant 80 : i32
    %dma_start3A_129 = arith.constant 0 : i32
    %dma_start3A_130 = tpu.memref_slice %arg12[%dma_start3A_128, %dma_start3A_129] : memref<240x64xf32, #tpu.memory_space<vmem>> -> memref<80x64xf32, #tpu.memory_space<vmem>>
    %dma_start3A_131 = arith.constant 0 : i32
    %dma_start3A_132 = tpu.memref_slice %arg9[%dma_start3A_127, %dma_start3A_131] : memref<125x80xi32, #tpu.memory_space<vmem>> -> memref<1x80xi32, #tpu.memory_space<vmem>>
    %dma_start3A_133 = tpu.memref_squeeze %dma_start3A_132 : memref<1x80xi32, #tpu.memory_space<vmem>> -> memref<80xi32, #tpu.memory_space<vmem>>
    %dma_start3A_134 = arith.constant 0 : i32
    %dma_start3A_135 = arith.constant 0 : i32
    %dma_start3A_136 = tpu.memref_slice %arg2[%dma_start3A_134, %dma_start3A_135] : memref<40000x64xf32, #tpu.memory_space<hbm>> -> memref<40000x64xf32, #tpu.memory_space<hbm>>
    tpu.enqueue_indirect_dma source(%dma_start3A_136 : memref<40000x64xf32, #tpu.memory_space<hbm>>) target(%dma_start3A_130 : memref<80x64xf32, #tpu.memory_space<vmem>>) offsets(%dma_start3A_133 : memref<80xi32, #tpu.memory_space<vmem>>) semaphore(%arg16 : memref<!tpu.dma_semaphore, #tpu.memory_space<semaphore_mem>>)
    %dma_start3A_137 = arith.constant 0 : i32
    %dma_start3A_138 = arith.constant 160 : i32
    %dma_start3A_139 = arith.constant 0 : i32
    %dma_start3A_140 = tpu.memref_slice %arg12[%dma_start3A_138, %dma_start3A_139] : memref<240x64xf32, #tpu.memory_space<vmem>> -> memref<80x64xf32, #tpu.memory_space<vmem>>
    %dma_start3A_141 = arith.constant 0 : i32
    %dma_start3A_142 = tpu.memref_slice %arg10[%dma_start3A_137, %dma_start3A_141] : memref<125x80xi32, #tpu.memory_space<vmem>> -> memref<1x80xi32, #tpu.memory_space<vmem>>
    %dma_start3A_143 = tpu.memref_squeeze %dma_start3A_142 : memref<1x80xi32, #tpu.memory_space<vmem>> -> memref<80xi32, #tpu.memory_space<vmem>>
    %dma_start3A_144 = arith.constant 0 : i32
    %dma_start3A_145 = arith.constant 0 : i32
    %dma_start3A_146 = tpu.memref_slice %arg2[%dma_start3A_144, %dma_start3A_145] : memref<40000x64xf32, #tpu.memory_space<hbm>> -> memref<40000x64xf32, #tpu.memory_space<hbm>>
    tpu.enqueue_indirect_dma source(%dma_start3A_146 : memref<40000x64xf32, #tpu.memory_space<hbm>>) target(%dma_start3A_140 : memref<80x64xf32, #tpu.memory_space<vmem>>) offsets(%dma_start3A_143 : memref<80xi32, #tpu.memory_space<vmem>>) semaphore(%arg16 : memref<!tpu.dma_semaphore, #tpu.memory_space<semaphore_mem>>)
    %add3A_147 = arith.constant 80 : i32
    %add3A_148 = arith.addi %add3A_116, %add3A_147 : i32
    %dma_start3A_149 = arith.constant 0 : i32
    %dma_start3A_150 = arith.constant 0 : i32
    %dma_start3A_151 = tpu.memref_slice %arg13[%dma_start3A_149, %dma_start3A_150] : memref<240x64xf32, #tpu.memory_space<vmem>> -> memref<80x64xf32, #tpu.memory_space<vmem>>
    %dma_start3A_152 = tpu.memref_slice %arg3[%add3A_148, %mul3A_6] : memref<320000x128xf32, #tpu.memory_space<hbm>> -> memref<80x64xf32, #tpu.memory_space<hbm>>
    %dma_start3A_153 = arith.constant 0 : i32
    %dma_start3A_154 = arith.constant 0 : i32
    %dma_start3A_155 = tpu.memref_slice %arg13[%dma_start3A_153, %dma_start3A_154] : memref<240x64xf32, #tpu.memory_space<vmem>> -> memref<80x64xf32, #tpu.memory_space<vmem>>
    %dma_start3A_156 = tpu.memref_slice %arg3[%add3A_148, %mul3A_6] : memref<320000x128xf32, #tpu.memory_space<hbm>> -> memref<80x64xf32, #tpu.memory_space<hbm>>
    tpu.enqueue_dma source(%dma_start3A_156 : memref<80x64xf32, #tpu.memory_space<hbm>>) target(%dma_start3A_155 : memref<80x64xf32, #tpu.memory_space<vmem>>) target_semaphore(%arg17 : memref<!tpu.dma_semaphore, #tpu.memory_space<semaphore_mem>>)
    %dma_start3A_157 = arith.constant 1 : i32
    %dma_start3A_158 = arith.constant 80 : i32
    %dma_start3A_159 = arith.constant 0 : i32
    %dma_start3A_160 = tpu.memref_slice %arg13[%dma_start3A_158, %dma_start3A_159] : memref<240x64xf32, #tpu.memory_space<vmem>> -> memref<80x64xf32, #tpu.memory_space<vmem>>
    %dma_start3A_161 = arith.constant 0 : i32
    %dma_start3A_162 = tpu.memref_slice %arg9[%dma_start3A_157, %dma_start3A_161] : memref<125x80xi32, #tpu.memory_space<vmem>> -> memref<1x80xi32, #tpu.memory_space<vmem>>
    %dma_start3A_163 = tpu.memref_squeeze %dma_start3A_162 : memref<1x80xi32, #tpu.memory_space<vmem>> -> memref<80xi32, #tpu.memory_space<vmem>>
    %dma_start3A_164 = arith.constant 0 : i32
    %dma_start3A_165 = arith.constant 0 : i32
    %dma_start3A_166 = tpu.memref_slice %arg2[%dma_start3A_164, %dma_start3A_165] : memref<40000x64xf32, #tpu.memory_space<hbm>> -> memref<40000x64xf32, #tpu.memory_space<hbm>>
    tpu.enqueue_indirect_dma source(%dma_start3A_166 : memref<40000x64xf32, #tpu.memory_space<hbm>>) target(%dma_start3A_160 : memref<80x64xf32, #tpu.memory_space<vmem>>) offsets(%dma_start3A_163 : memref<80xi32, #tpu.memory_space<vmem>>) semaphore(%arg17 : memref<!tpu.dma_semaphore, #tpu.memory_space<semaphore_mem>>)
    %dma_start3A_167 = arith.constant 1 : i32
    %dma_start3A_168 = arith.constant 160 : i32
    %dma_start3A_169 = arith.constant 0 : i32
    %dma_start3A_170 = tpu.memref_slice %arg13[%dma_start3A_168, %dma_start3A_169] : memref<240x64xf32, #tpu.memory_space<vmem>> -> memref<80x64xf32, #tpu.memory_space<vmem>>
    %dma_start3A_171 = arith.constant 0 : i32
    %dma_start3A_172 = tpu.memref_slice %arg10[%dma_start3A_167, %dma_start3A_171] : memref<125x80xi32, #tpu.memory_space<vmem>> -> memref<1x80xi32, #tpu.memory_space<vmem>>
    %dma_start3A_173 = tpu.memref_squeeze %dma_start3A_172 : memref<1x80xi32, #tpu.memory_space<vmem>> -> memref<80xi32, #tpu.memory_space<vmem>>
    %dma_start3A_174 = arith.constant 0 : i32
    %dma_start3A_175 = arith.constant 0 : i32
    %dma_start3A_176 = tpu.memref_slice %arg2[%dma_start3A_174, %dma_start3A_175] : memref<40000x64xf32, #tpu.memory_space<hbm>> -> memref<40000x64xf32, #tpu.memory_space<hbm>>
    tpu.enqueue_indirect_dma source(%dma_start3A_176 : memref<40000x64xf32, #tpu.memory_space<hbm>>) target(%dma_start3A_170 : memref<80x64xf32, #tpu.memory_space<vmem>>) offsets(%dma_start3A_173 : memref<80xi32, #tpu.memory_space<vmem>>) semaphore(%arg17 : memref<!tpu.dma_semaphore, #tpu.memory_space<semaphore_mem>>)
    %scan3A_177 = arith.constant 0 : i32
    %scan3A_178 = arith.constant 41 : i32
    %scan3A_179 = arith.addi %scan3A_177, %scan3A_178 : i32
    %scan3A_180 = arith.constant 1 : i32
    scf.for %scan3A_229 = %scan3A_177 to %scan3A_179 step %scan3A_180  : i32 {
      %mul3A_230 = arith.constant 3 : i32
      %mul3A_231 = arith.muli %scan3A_229, %mul3A_230 : i32
      %add3A_232 = arith.constant 0 : i32
      %add3A_233 = arith.addi %add3A_232, %mul3A_231 : i32
      %add3A_234 = arith.constant 0 : i32
      %add3A_235 = arith.addi %add3A_233, %add3A_234 : i32
      %dma_wait3A_236 = arith.constant 0 : i32
      %dma_wait3A_237 = arith.constant 0 : i32
      %dma_wait3A_238 = tpu.memref_slice %arg2[%dma_wait3A_236, %dma_wait3A_237] : memref<40000x64xf32, #tpu.memory_space<hbm>> -> memref<240x64xf32, #tpu.memory_space<hbm>>
      %dma_wait3A_239 = arith.constant 0 : i32
      %dma_wait3A_240 = arith.constant 0 : i32
      %dma_wait3A_241 = tpu.memref_slice %arg2[%dma_wait3A_239, %dma_wait3A_240] : memref<40000x64xf32, #tpu.memory_space<hbm>> -> memref<240x64xf32, #tpu.memory_space<hbm>>
      tpu.wait_dma2 semaphore(%arg16 : memref<!tpu.dma_semaphore, #tpu.memory_space<semaphore_mem>>) src(%dma_wait3A_241 : memref<240x64xf32, #tpu.memory_space<hbm>>) dst(%arg12 : memref<240x64xf32, #tpu.memory_space<vmem>>)
      %scan3A_242 = arith.constant 0 : i32
      %scan3A_243 = arith.constant 0 : i32
      %scan3A_244 = arith.constant 80 : i32
      %scan3A_245 = arith.addi %scan3A_243, %scan3A_244 : i32
      %scan3A_246 = arith.constant 2 : i32
      scf.for %scan3A_338 = %scan3A_243 to %scan3A_245 step %scan3A_246  : i32 {
        %get3A = arith.index_cast %scan3A_338 : i32 to index
        %get3A_339 = arith.constant 0 : index
        %get3A_340 = tpu.vector_load %arg12[%get3A, %get3A_339] {strides = array<i32>} : memref<240x64xf32, #tpu.memory_space<vmem>>, vector<1x16xf32>,
        %get3A_341 = vector.shape_cast %get3A_340 : vector<1x16xf32> to vector<16xf32>
        %add3A_342 = arith.constant 80 : i32
        %add3A_343 = arith.addi %add3A_342, %scan3A_338 : i32
        %get3A_344 = arith.index_cast %add3A_343 : i32 to index
        %get3A_345 = arith.constant 0 : index
        %get3A_346 = tpu.vector_load %arg12[%get3A_344, %get3A_345] {strides = array<i32>} : memref<240x64xf32, #tpu.memory_space<vmem>>, vector<1x16xf32>,
        %get3A_347 = vector.shape_cast %get3A_346 : vector<1x16xf32> to vector<16xf32>
        %add3A_348 = arith.addf %get3A_341, %get3A_347 : vector<16xf32>
        %add3A_349 = arith.constant 160 : i32
        %add3A_350 = arith.addi %add3A_349, %scan3A_338 : i32
        %get3A_351 = arith.index_cast %add3A_350 : i32 to index
        %get3A_352 = arith.constant 0 : index
        %get3A_353 = tpu.vector_load %arg12[%get3A_351, %get3A_352] {strides = array<i32>} : memref<240x64xf32, #tpu.memory_space<vmem>>, vector<1x16xf32>,
        %get3A_354 = vector.shape_cast %get3A_353 : vector<1x16xf32> to vector<16xf32>
        %add3A_355 = arith.addf %add3A_348, %get3A_354 : vector<16xf32>
        %max3A = arith.constant 0.000000e+00 : f32
        %max3A_356 = vector.broadcast %max3A : f32 to vector<16xf32>
        %max3A_357 = arith.maximumf %add3A_355, %max3A_356 : vector<16xf32>
        %add3A_358 = arith.constant 80 : i32
        %add3A_359 = arith.addi %add3A_358, %scan3A_338 : i32
        %swap3A = arith.index_cast %add3A_359 : i32 to index
        %swap3A_360 = arith.constant 0 : index
        %swap3A_361 = tpu.vector_load %arg12[%swap3A, %swap3A_360] {strides = array<i32>} : memref<240x64xf32, #tpu.memory_space<vmem>>, vector<1x16xf32>,
        %swap3A_362 = vector.shape_cast %swap3A_361 : vector<1x16xf32> to vector<16xf32>
        %swap3A_363 = vector.shape_cast %max3A_357 : vector<16xf32> to vector<1x16xf32>
        tpu.vector_store %arg12[%swap3A, %swap3A_360], %swap3A_363 {strides = array<i32>} : memref<240x64xf32, #tpu.memory_space<vmem>>, vector<1x16xf32>,
        %get3A_364 = arith.index_cast %scan3A_338 : i32 to index
        %get3A_365 = arith.constant 16 : index
        %get3A_366 = tpu.vector_load %arg12[%get3A_364, %get3A_365] {strides = array<i32>} : memref<240x64xf32, #tpu.memory_space<vmem>>, vector<1x16xf32>,
        %get3A_367 = vector.shape_cast %get3A_366 : vector<1x16xf32> to vector<16xf32>
        %add3A_368 = arith.constant 80 : i32
        %add3A_369 = arith.addi %add3A_368, %scan3A_338 : i32
        %get3A_370 = arith.index_cast %add3A_369 : i32 to index
        %get3A_371 = arith.constant 16 : index
        %get3A_372 = tpu.vector_load %arg12[%get3A_370, %get3A_371] {strides = array<i32>} : memref<240x64xf32, #tpu.memory_space<vmem>>, vector<1x16xf32>,
        %get3A_373 = vector.shape_cast %get3A_372 : vector<1x16xf32> to vector<16xf32>
        %add3A_374 = arith.addf %get3A_367, %get3A_373 : vector<16xf32>
        %add3A_375 = arith.constant 160 : i32
        %add3A_376 = arith.addi %add3A_375, %scan3A_338 : i32
        %get3A_377 = arith.index_cast %add3A_376 : i32 to index
        %get3A_378 = arith.constant 16 : index
        %get3A_379 = tpu.vector_load %arg12[%get3A_377, %get3A_378] {strides = array<i32>} : memref<240x64xf32, #tpu.memory_space<vmem>>, vector<1x16xf32>,
        %get3A_380 = vector.shape_cast %get3A_379 : vector<1x16xf32> to vector<16xf32>
        %add3A_381 = arith.addf %add3A_374, %get3A_380 : vector<16xf32>
        %max3A_382 = arith.constant 0.000000e+00 : f32
        %max3A_383 = vector.broadcast %max3A_382 : f32 to vector<16xf32>
        %max3A_384 = arith.maximumf %add3A_381, %max3A_383 : vector<16xf32>
        %add3A_385 = arith.constant 80 : i32
        %add3A_386 = arith.addi %add3A_385, %scan3A_338 : i32
        %swap3A_387 = arith.index_cast %add3A_386 : i32 to index
        %swap3A_388 = arith.constant 16 : index
        %swap3A_389 = tpu.vector_load %arg12[%swap3A_387, %swap3A_388] {strides = array<i32>} : memref<240x64xf32, #tpu.memory_space<vmem>>, vector<1x16xf32>,
        %swap3A_390 = vector.shape_cast %swap3A_389 : vector<1x16xf32> to vector<16xf32>
        %swap3A_391 = vector.shape_cast %max3A_384 : vector<16xf32> to vector<1x16xf32>
        tpu.vector_store %arg12[%swap3A_387, %swap3A_388], %swap3A_391 {strides = array<i32>} : memref<240x64xf32, #tpu.memory_space<vmem>>, vector<1x16xf32>,
        %get3A_392 = arith.index_cast %scan3A_338 : i32 to index
        %get3A_393 = arith.constant 32 : index
        %get3A_394 = tpu.vector_load %arg12[%get3A_392, %get3A_393] {strides = array<i32>} : memref<240x64xf32, #tpu.memory_space<vmem>>, vector<1x16xf32>,
        %get3A_395 = vector.shape_cast %get3A_394 : vector<1x16xf32> to vector<16xf32>
        %add3A_396 = arith.constant 80 : i32
        %add3A_397 = arith.addi %add3A_396, %scan3A_338 : i32
        %get3A_398 = arith.index_cast %add3A_397 : i32 to index
        %get3A_399 = arith.constant 32 : index
        %get3A_400 = tpu.vector_load %arg12[%get3A_398, %get3A_399] {strides = array<i32>} : memref<240x64xf32, #tpu.memory_space<vmem>>, vector<1x16xf32>,
        %get3A_401 = vector.shape_cast %get3A_400 : vector<1x16xf32> to vector<16xf32>
        %add3A_402 = arith.addf %get3A_395, %get3A_401 : vector<16xf32>
        %add3A_403 = arith.constant 160 : i32
        %add3A_404 = arith.addi %add3A_403, %scan3A_338 : i32
        %get3A_405 = arith.index_cast %add3A_404 : i32 to index
        %get3A_406 = arith.constant 32 : index
        %get3A_407 = tpu.vector_load %arg12[%get3A_405, %get3A_406] {strides = array<i32>} : memref<240x64xf32, #tpu.memory_space<vmem>>, vector<1x16xf32>,
        %get3A_408 = vector.shape_cast %get3A_407 : vector<1x16xf32> to vector<16xf32>
        %add3A_409 = arith.addf %add3A_402, %get3A_408 : vector<16xf32>
        %max3A_410 = arith.constant 0.000000e+00 : f32
        %max3A_411 = vector.broadcast %max3A_410 : f32 to vector<16xf32>
        %max3A_412 = arith.maximumf %add3A_409, %max3A_411 : vector<16xf32>
        %add3A_413 = arith.constant 80 : i32
        %add3A_414 = arith.addi %add3A_413, %scan3A_338 : i32
        %swap3A_415 = arith.index_cast %add3A_414 : i32 to index
        %swap3A_416 = arith.constant 32 : index
        %swap3A_417 = tpu.vector_load %arg12[%swap3A_415, %swap3A_416] {strides = array<i32>} : memref<240x64xf32, #tpu.memory_space<vmem>>, vector<1x16xf32>,
        %swap3A_418 = vector.shape_cast %swap3A_417 : vector<1x16xf32> to vector<16xf32>
        %swap3A_419 = vector.shape_cast %max3A_412 : vector<16xf32> to vector<1x16xf32>
        tpu.vector_store %arg12[%swap3A_415, %swap3A_416], %swap3A_419 {strides = array<i32>} : memref<240x64xf32, #tpu.memory_space<vmem>>, vector<1x16xf32>,
        %get3A_420 = arith.index_cast %scan3A_338 : i32 to index
        %get3A_421 = arith.constant 48 : index
        %get3A_422 = tpu.vector_load %arg12[%get3A_420, %get3A_421] {strides = array<i32>} : memref<240x64xf32, #tpu.memory_space<vmem>>, vector<1x16xf32>,
        %get3A_423 = vector.shape_cast %get3A_422 : vector<1x16xf32> to vector<16xf32>
        %add3A_424 = arith.constant 80 : i32
        %add3A_425 = arith.addi %add3A_424, %scan3A_338 : i32
        %get3A_426 = arith.index_cast %add3A_425 : i32 to index
        %get3A_427 = arith.constant 48 : index
        %get3A_428 = tpu.vector_load %arg12[%get3A_426, %get3A_427] {strides = array<i32>} : memref<240x64xf32, #tpu.memory_space<vmem>>, vector<1x16xf32>,
        %get3A_429 = vector.shape_cast %get3A_428 : vector<1x16xf32> to vector<16xf32>
        %add3A_430 = arith.addf %get3A_423, %get3A_429 : vector<16xf32>
        %add3A_431 = arith.constant 160 : i32
        %add3A_432 = arith.addi %add3A_431, %scan3A_338 : i32
        %get3A_433 = arith.index_cast %add3A_432 : i32 to index
        %get3A_434 = arith.constant 48 : index
        %get3A_435 = tpu.vector_load %arg12[%get3A_433, %get3A_434] {strides = array<i32>} : memref<240x64xf32, #tpu.memory_space<vmem>>, vector<1x16xf32>,
        %get3A_436 = vector.shape_cast %get3A_435 : vector<1x16xf32> to vector<16xf32>
        %add3A_437 = arith.addf %add3A_430, %get3A_436 : vector<16xf32>
        %max3A_438 = arith.constant 0.000000e+00 : f32
        %max3A_439 = vector.broadcast %max3A_438 : f32 to vector<16xf32>
        %max3A_440 = arith.maximumf %add3A_437, %max3A_439 : vector<16xf32>
        %add3A_441 = arith.constant 80 : i32
        %add3A_442 = arith.addi %add3A_441, %scan3A_338 : i32
        %swap3A_443 = arith.index_cast %add3A_442 : i32 to index
        %swap3A_444 = arith.constant 48 : index
        %swap3A_445 = tpu.vector_load %arg12[%swap3A_443, %swap3A_444] {strides = array<i32>} : memref<240x64xf32, #tpu.memory_space<vmem>>, vector<1x16xf32>,
        %swap3A_446 = vector.shape_cast %swap3A_445 : vector<1x16xf32> to vector<16xf32>
        %swap3A_447 = vector.shape_cast %max3A_440 : vector<16xf32> to vector<1x16xf32>
        tpu.vector_store %arg12[%swap3A_443, %swap3A_444], %swap3A_447 {strides = array<i32>} : memref<240x64xf32, #tpu.memory_space<vmem>>, vector<1x16xf32>,
        %scan3A_448 = arith.constant 1 : i32
        %scan3A_449 = arith.addi %scan3A_338, %scan3A_448 : i32
        %get3A_450 = arith.index_cast %scan3A_449 : i32 to index
        %get3A_451 = arith.constant 0 : index
        %get3A_452 = tpu.vector_load %arg12[%get3A_450, %get3A_451] {strides = array<i32>} : memref<240x64xf32, #tpu.memory_space<vmem>>, vector<1x16xf32>,
        %get3A_453 = vector.shape_cast %get3A_452 : vector<1x16xf32> to vector<16xf32>
        %add3A_454 = arith.constant 80 : i32
        %add3A_455 = arith.addi %add3A_454, %scan3A_449 : i32
        %get3A_456 = arith.index_cast %add3A_455 : i32 to index
        %get3A_457 = arith.constant 0 : index
        %get3A_458 = tpu.vector_load %arg12[%get3A_456, %get3A_457] {strides = array<i32>} : memref<240x64xf32, #tpu.memory_space<vmem>>, vector<1x16xf32>,
        %get3A_459 = vector.shape_cast %get3A_458 : vector<1x16xf32> to vector<16xf32>
        %add3A_460 = arith.addf %get3A_453, %get3A_459 : vector<16xf32>
        %add3A_461 = arith.constant 160 : i32
        %add3A_462 = arith.addi %add3A_461, %scan3A_449 : i32
        %get3A_463 = arith.index_cast %add3A_462 : i32 to index
        %get3A_464 = arith.constant 0 : index
        %get3A_465 = tpu.vector_load %arg12[%get3A_463, %get3A_464] {strides = array<i32>} : memref<240x64xf32, #tpu.memory_space<vmem>>, vector<1x16xf32>,
        %get3A_466 = vector.shape_cast %get3A_465 : vector<1x16xf32> to vector<16xf32>
        %add3A_467 = arith.addf %add3A_460, %get3A_466 : vector<16xf32>
        %max3A_468 = arith.constant 0.000000e+00 : f32
        %max3A_469 = vector.broadcast %max3A_468 : f32 to vector<16xf32>
        %max3A_470 = arith.maximumf %add3A_467, %max3A_469 : vector<16xf32>
        %add3A_471 = arith.constant 80 : i32
        %add3A_472 = arith.addi %add3A_471, %scan3A_449 : i32
        %swap3A_473 = arith.index_cast %add3A_472 : i32 to index
        %swap3A_474 = arith.constant 0 : index
        %swap3A_475 = tpu.vector_load %arg12[%swap3A_473, %swap3A_474] {strides = array<i32>} : memref<240x64xf32, #tpu.memory_space<vmem>>, vector<1x16xf32>,
        %swap3A_476 = vector.shape_cast %swap3A_475 : vector<1x16xf32> to vector<16xf32>
        %swap3A_477 = vector.shape_cast %max3A_470 : vector<16xf32> to vector<1x16xf32>
        tpu.vector_store %arg12[%swap3A_473, %swap3A_474], %swap3A_477 {strides = array<i32>} : memref<240x64xf32, #tpu.memory_space<vmem>>, vector<1x16xf32>,
        %get3A_478 = arith.index_cast %scan3A_449 : i32 to index
        %get3A_479 = arith.constant 16 : index
        %get3A_480 = tpu.vector_load %arg12[%get3A_478, %get3A_479] {strides = array<i32>} : memref<240x64xf32, #tpu.memory_space<vmem>>, vector<1x16xf32>,
        %get3A_481 = vector.shape_cast %get3A_480 : vector<1x16xf32> to vector<16xf32>
        %add3A_482 = arith.constant 80 : i32
        %add3A_483 = arith.addi %add3A_482, %scan3A_449 : i32
        %get3A_484 = arith.index_cast %add3A_483 : i32 to index
        %get3A_485 = arith.constant 16 : index
        %get3A_486 = tpu.vector_load %arg12[%get3A_484, %get3A_485] {strides = array<i32>} : memref<240x64xf32, #tpu.memory_space<vmem>>, vector<1x16xf32>,
        %get3A_487 = vector.shape_cast %get3A_486 : vector<1x16xf32> to vector<16xf32>
        %add3A_488 = arith.addf %get3A_481, %get3A_487 : vector<16xf32>
        %add3A_489 = arith.constant 160 : i32
        %add3A_490 = arith.addi %add3A_489, %scan3A_449 : i32
        %get3A_491 = arith.index_cast %add3A_490 : i32 to index
        %get3A_492 = arith.constant 16 : index
        %get3A_493 = tpu.vector_load %arg12[%get3A_491, %get3A_492] {strides = array<i32>} : memref<240x64xf32, #tpu.memory_space<vmem>>, vector<1x16xf32>,
        %get3A_494 = vector.shape_cast %get3A_493 : vector<1x16xf32> to vector<16xf32>
        %add3A_495 = arith.addf %add3A_488, %get3A_494 : vector<16xf32>
        %max3A_496 = arith.constant 0.000000e+00 : f32
        %max3A_497 = vector.broadcast %max3A_496 : f32 to vector<16xf32>
        %max3A_498 = arith.maximumf %add3A_495, %max3A_497 : vector<16xf32>
        %add3A_499 = arith.constant 80 : i32
        %add3A_500 = arith.addi %add3A_499, %scan3A_449 : i32
        %swap3A_501 = arith.index_cast %add3A_500 : i32 to index
        %swap3A_502 = arith.constant 16 : index
        %swap3A_503 = tpu.vector_load %arg12[%swap3A_501, %swap3A_502] {strides = array<i32>} : memref<240x64xf32, #tpu.memory_space<vmem>>, vector<1x16xf32>,
        %swap3A_504 = vector.shape_cast %swap3A_503 : vector<1x16xf32> to vector<16xf32>
        %swap3A_505 = vector.shape_cast %max3A_498 : vector<16xf32> to vector<1x16xf32>
        tpu.vector_store %arg12[%swap3A_501, %swap3A_502], %swap3A_505 {strides = array<i32>} : memref<240x64xf32, #tpu.memory_space<vmem>>, vector<1x16xf32>,
        %get3A_506 = arith.index_cast %scan3A_449 : i32 to index
        %get3A_507 = arith.constant 32 : index
        %get3A_508 = tpu.vector_load %arg12[%get3A_506, %get3A_507] {strides = array<i32>} : memref<240x64xf32, #tpu.memory_space<vmem>>, vector<1x16xf32>,
        %get3A_509 = vector.shape_cast %get3A_508 : vector<1x16xf32> to vector<16xf32>
        %add3A_510 = arith.constant 80 : i32
        %add3A_511 = arith.addi %add3A_510, %scan3A_449 : i32
        %get3A_512 = arith.index_cast %add3A_511 : i32 to index
        %get3A_513 = arith.constant 32 : index
        %get3A_514 = tpu.vector_load %arg12[%get3A_512, %get3A_513] {strides = array<i32>} : memref<240x64xf32, #tpu.memory_space<vmem>>, vector<1x16xf32>,
        %get3A_515 = vector.shape_cast %get3A_514 : vector<1x16xf32> to vector<16xf32>
        %add3A_516 = arith.addf %get3A_509, %get3A_515 : vector<16xf32>
        %add3A_517 = arith.constant 160 : i32
        %add3A_518 = arith.addi %add3A_517, %scan3A_449 : i32
        %get3A_519 = arith.index_cast %add3A_518 : i32 to index
        %get3A_520 = arith.constant 32 : index
        %get3A_521 = tpu.vector_load %arg12[%get3A_519, %get3A_520] {strides = array<i32>} : memref<240x64xf32, #tpu.memory_space<vmem>>, vector<1x16xf32>,
        %get3A_522 = vector.shape_cast %get3A_521 : vector<1x16xf32> to vector<16xf32>
        %add3A_523 = arith.addf %add3A_516, %get3A_522 : vector<16xf32>
        %max3A_524 = arith.constant 0.000000e+00 : f32
        %max3A_525 = vector.broadcast %max3A_524 : f32 to vector<16xf32>
        %max3A_526 = arith.maximumf %add3A_523, %max3A_525 : vector<16xf32>
        %add3A_527 = arith.constant 80 : i32
        %add3A_528 = arith.addi %add3A_527, %scan3A_449 : i32
        %swap3A_529 = arith.index_cast %add3A_528 : i32 to index
        %swap3A_530 = arith.constant 32 : index
        %swap3A_531 = tpu.vector_load %arg12[%swap3A_529, %swap3A_530] {strides = array<i32>} : memref<240x64xf32, #tpu.memory_space<vmem>>, vector<1x16xf32>,
        %swap3A_532 = vector.shape_cast %swap3A_531 : vector<1x16xf32> to vector<16xf32>
        %swap3A_533 = vector.shape_cast %max3A_526 : vector<16xf32> to vector<1x16xf32>
        tpu.vector_store %arg12[%swap3A_529, %swap3A_530], %swap3A_533 {strides = array<i32>} : memref<240x64xf32, #tpu.memory_space<vmem>>, vector<1x16xf32>,
        %get3A_534 = arith.index_cast %scan3A_449 : i32 to index
        %get3A_535 = arith.constant 48 : index
        %get3A_536 = tpu.vector_load %arg12[%get3A_534, %get3A_535] {strides = array<i32>} : memref<240x64xf32, #tpu.memory_space<vmem>>, vector<1x16xf32>,
        %get3A_537 = vector.shape_cast %get3A_536 : vector<1x16xf32> to vector<16xf32>
        %add3A_538 = arith.constant 80 : i32
        %add3A_539 = arith.addi %add3A_538, %scan3A_449 : i32
        %get3A_540 = arith.index_cast %add3A_539 : i32 to index
        %get3A_541 = arith.constant 48 : index
        %get3A_542 = tpu.vector_load %arg12[%get3A_540, %get3A_541] {strides = array<i32>} : memref<240x64xf32, #tpu.memory_space<vmem>>, vector<1x16xf32>,
        %get3A_543 = vector.shape_cast %get3A_542 : vector<1x16xf32> to vector<16xf32>
        %add3A_544 = arith.addf %get3A_537, %get3A_543 : vector<16xf32>
        %add3A_545 = arith.constant 160 : i32
        %add3A_546 = arith.addi %add3A_545, %scan3A_449 : i32
        %get3A_547 = arith.index_cast %add3A_546 : i32 to index
        %get3A_548 = arith.constant 48 : index
        %get3A_549 = tpu.vector_load %arg12[%get3A_547, %get3A_548] {strides = array<i32>} : memref<240x64xf32, #tpu.memory_space<vmem>>, vector<1x16xf32>,
        %get3A_550 = vector.shape_cast %get3A_549 : vector<1x16xf32> to vector<16xf32>
        %add3A_551 = arith.addf %add3A_544, %get3A_550 : vector<16xf32>
        %max3A_552 = arith.constant 0.000000e+00 : f32
        %max3A_553 = vector.broadcast %max3A_552 : f32 to vector<16xf32>
        %max3A_554 = arith.maximumf %add3A_551, %max3A_553 : vector<16xf32>
        %add3A_555 = arith.constant 80 : i32
        %add3A_556 = arith.addi %add3A_555, %scan3A_449 : i32
        %swap3A_557 = arith.index_cast %add3A_556 : i32 to index
        %swap3A_558 = arith.constant 48 : index
        %swap3A_559 = tpu.vector_load %arg12[%swap3A_557, %swap3A_558] {strides = array<i32>} : memref<240x64xf32, #tpu.memory_space<vmem>>, vector<1x16xf32>,
        %swap3A_560 = vector.shape_cast %swap3A_559 : vector<1x16xf32> to vector<16xf32>
        %swap3A_561 = vector.shape_cast %max3A_554 : vector<16xf32> to vector<1x16xf32>
        tpu.vector_store %arg12[%swap3A_557, %swap3A_558], %swap3A_561 {strides = array<i32>} : memref<240x64xf32, #tpu.memory_space<vmem>>, vector<1x16xf32>,
      }
      %scan3A_247 = arith.constant 80 : i32
      %dma_start3A_248 = arith.constant 80 : i32
      %dma_start3A_249 = arith.constant 0 : i32
      %dma_start3A_250 = tpu.memref_slice %arg12[%dma_start3A_248, %dma_start3A_249] : memref<240x64xf32, #tpu.memory_space<vmem>> -> memref<80x64xf32, #tpu.memory_space<vmem>>
      %dma_start3A_251 = arith.constant 0 : i32
      %dma_start3A_252 = tpu.memref_slice %arg11[%add3A_235, %dma_start3A_251] : memref<125x80xi32, #tpu.memory_space<vmem>> -> memref<1x80xi32, #tpu.memory_space<vmem>>
      %dma_start3A_253 = tpu.memref_squeeze %dma_start3A_252 : memref<1x80xi32, #tpu.memory_space<vmem>> -> memref<80xi32, #tpu.memory_space<vmem>>
      %dma_start3A_254 = arith.constant 0 : i32
      %dma_start3A_255 = arith.constant 0 : i32
      %dma_start3A_256 = tpu.memref_slice %arg15[%dma_start3A_254, %dma_start3A_255] : memref<10000x64xf32, #tpu.memory_space<vmem_shared>> -> memref<10000x64xf32, #tpu.memory_space<vmem_shared>>
      tpu.enqueue_indirect_dma source(%dma_start3A_250 : memref<80x64xf32, #tpu.memory_space<vmem>>) target(%dma_start3A_256 : memref<10000x64xf32, #tpu.memory_space<vmem_shared>>) offsets(%dma_start3A_253 : memref<80xi32, #tpu.memory_space<vmem>>) semaphore(%arg19 : memref<!tpu.dma_semaphore, #tpu.memory_space<semaphore_mem>>) {add = true}
      %ge3A = arith.constant 1 : i32
      %ge3A_257 = arith.cmpi sge, %add3A_235, %ge3A : i32
      %convert_element_type3A_258 = arith.extui %ge3A_257 : i1 to i32
      %cond3A_259 = arith.constant 0 : i32
      %cond3A_260 = arith.cmpi ne, %convert_element_type3A_258, %cond3A_259 : i32
      scf.if %cond3A_260 {
        %dma_wait3A_338 = arith.constant 80 : i32
        %dma_wait3A_339 = arith.constant 0 : i32
        %dma_wait3A_340 = tpu.memref_slice %arg14[%dma_wait3A_338, %dma_wait3A_339] : memref<240x64xf32, #tpu.memory_space<vmem>> -> memref<80x64xf32, #tpu.memory_space<vmem>>
        %dma_wait3A_341 = arith.constant 0 : i32
        %dma_wait3A_342 = tpu.memref_slice %arg11[%add3A_235, %dma_wait3A_341] : memref<125x80xi32, #tpu.memory_space<vmem>> -> memref<1x80xi32, #tpu.memory_space<vmem>>
        %dma_wait3A_343 = tpu.memref_squeeze %dma_wait3A_342 : memref<1x80xi32, #tpu.memory_space<vmem>> -> memref<80xi32, #tpu.memory_space<vmem>>
        %dma_wait3A_344 = arith.constant 0 : i32
        %dma_wait3A_345 = arith.constant 0 : i32
        %dma_wait3A_346 = tpu.memref_slice %arg15[%dma_wait3A_344, %dma_wait3A_345] : memref<10000x64xf32, #tpu.memory_space<vmem_shared>> -> memref<10000x64xf32, #tpu.memory_space<vmem_shared>>
        tpu.wait_indirect_dma semaphore(%arg21 : memref<!tpu.dma_semaphore, #tpu.memory_space<semaphore_mem>>) src(%dma_wait3A_340 : memref<80x64xf32, #tpu.memory_space<vmem>>) dst(%dma_wait3A_346 : memref<10000x64xf32, #tpu.memory_space<vmem_shared>>)
      } else {
      }
      %add3A_261 = arith.constant 2 : i32
      %add3A_262 = arith.addi %add3A_235, %add3A_261 : i32
      %lt3A_263 = arith.constant 125 : i32
      %lt3A_264 = arith.cmpi slt, %add3A_262, %lt3A_263 : i32
      %convert_element_type3A_265 = arith.extui %lt3A_264 : i1 to i32
      %cond3A_266 = arith.constant 0 : i32
      %cond3A_267 = arith.cmpi ne, %convert_element_type3A_265, %cond3A_266 : i32
      scf.if %cond3A_267 {
        %add3A_338 = arith.constant 2 : i32
        %add3A_339 = arith.addi %add3A_235, %add3A_338 : i32
        %mul3A_340 = arith.constant 80 : i32
        %mul3A_341 = arith.muli %add3A_339, %mul3A_340 : i32
        %add3A_342 = arith.addi %add3A_116, %mul3A_341 : i32
        %dma_start3A_343 = arith.constant 0 : i32
        %dma_start3A_344 = arith.constant 0 : i32
        %dma_start3A_345 = tpu.memref_slice %arg14[%dma_start3A_343, %dma_start3A_344] : memref<240x64xf32, #tpu.memory_space<vmem>> -> memref<80x64xf32, #tpu.memory_space<vmem>>
        %dma_start3A_346 = tpu.memref_slice %arg3[%add3A_342, %mul3A_6] : memref<320000x128xf32, #tpu.memory_space<hbm>> -> memref<80x64xf32, #tpu.memory_space<hbm>>
        %dma_start3A_347 = arith.constant 0 : i32
        %dma_start3A_348 = arith.constant 0 : i32
        %dma_start3A_349 = tpu.memref_slice %arg14[%dma_start3A_347, %dma_start3A_348] : memref<240x64xf32, #tpu.memory_space<vmem>> -> memref<80x64xf32, #tpu.memory_space<vmem>>
        %dma_start3A_350 = tpu.memref_slice %arg3[%add3A_342, %mul3A_6] : memref<320000x128xf32, #tpu.memory_space<hbm>> -> memref<80x64xf32, #tpu.memory_space<hbm>>
        tpu.enqueue_dma source(%dma_start3A_350 : memref<80x64xf32, #tpu.memory_space<hbm>>) target(%dma_start3A_349 : memref<80x64xf32, #tpu.memory_space<vmem>>) target_semaphore(%arg18 : memref<!tpu.dma_semaphore, #tpu.memory_space<semaphore_mem>>)
        %dma_start3A_351 = arith.constant 80 : i32
        %dma_start3A_352 = arith.constant 0 : i32
        %dma_start3A_353 = tpu.memref_slice %arg14[%dma_start3A_351, %dma_start3A_352] : memref<240x64xf32, #tpu.memory_space<vmem>> -> memref<80x64xf32, #tpu.memory_space<vmem>>
        %dma_start3A_354 = arith.constant 0 : i32
        %dma_start3A_355 = tpu.memref_slice %arg9[%add3A_339, %dma_start3A_354] : memref<125x80xi32, #tpu.memory_space<vmem>> -> memref<1x80xi32, #tpu.memory_space<vmem>>
        %dma_start3A_356 = tpu.memref_squeeze %dma_start3A_355 : memref<1x80xi32, #tpu.memory_space<vmem>> -> memref<80xi32, #tpu.memory_space<vmem>>
        %dma_start3A_357 = arith.constant 0 : i32
        %dma_start3A_358 = arith.constant 0 : i32
        %dma_start3A_359 = tpu.memref_slice %arg2[%dma_start3A_357, %dma_start3A_358] : memref<40000x64xf32, #tpu.memory_space<hbm>> -> memref<40000x64xf32, #tpu.memory_space<hbm>>
        tpu.enqueue_indirect_dma source(%dma_start3A_359 : memref<40000x64xf32, #tpu.memory_space<hbm>>) target(%dma_start3A_353 : memref<80x64xf32, #tpu.memory_space<vmem>>) offsets(%dma_start3A_356 : memref<80xi32, #tpu.memory_space<vmem>>) semaphore(%arg18 : memref<!tpu.dma_semaphore, #tpu.memory_space<semaphore_mem>>)
        %dma_start3A_360 = arith.constant 160 : i32
        %dma_start3A_361 = arith.constant 0 : i32
        %dma_start3A_362 = tpu.memref_slice %arg14[%dma_start3A_360, %dma_start3A_361] : memref<240x64xf32, #tpu.memory_space<vmem>> -> memref<80x64xf32, #tpu.memory_space<vmem>>
        %dma_start3A_363 = arith.constant 0 : i32
        %dma_start3A_364 = tpu.memref_slice %arg10[%add3A_339, %dma_start3A_363] : memref<125x80xi32, #tpu.memory_space<vmem>> -> memref<1x80xi32, #tpu.memory_space<vmem>>
        %dma_start3A_365 = tpu.memref_squeeze %dma_start3A_364 : memref<1x80xi32, #tpu.memory_space<vmem>> -> memref<80xi32, #tpu.memory_space<vmem>>
        %dma_start3A_366 = arith.constant 0 : i32
        %dma_start3A_367 = arith.constant 0 : i32
        %dma_start3A_368 = tpu.memref_slice %arg2[%dma_start3A_366, %dma_start3A_367] : memref<40000x64xf32, #tpu.memory_space<hbm>> -> memref<40000x64xf32, #tpu.memory_space<hbm>>
        tpu.enqueue_indirect_dma source(%dma_start3A_368 : memref<40000x64xf32, #tpu.memory_space<hbm>>) target(%dma_start3A_362 : memref<80x64xf32, #tpu.memory_space<vmem>>) offsets(%dma_start3A_365 : memref<80xi32, #tpu.memory_space<vmem>>) semaphore(%arg18 : memref<!tpu.dma_semaphore, #tpu.memory_space<semaphore_mem>>)
      } else {
      }
      %add3A_268 = arith.constant 1 : i32
      %add3A_269 = arith.addi %add3A_233, %add3A_268 : i32
      %dma_wait3A_270 = arith.constant 0 : i32
      %dma_wait3A_271 = arith.constant 0 : i32
      %dma_wait3A_272 = tpu.memref_slice %arg2[%dma_wait3A_270, %dma_wait3A_271] : memref<40000x64xf32, #tpu.memory_space<hbm>> -> memref<240x64xf32, #tpu.memory_space<hbm>>
      %dma_wait3A_273 = arith.constant 0 : i32
      %dma_wait3A_274 = arith.constant 0 : i32
      %dma_wait3A_275 = tpu.memref_slice %arg2[%dma_wait3A_273, %dma_wait3A_274] : memref<40000x64xf32, #tpu.memory_space<hbm>> -> memref<240x64xf32, #tpu.memory_space<hbm>>
      tpu.wait_dma2 semaphore(%arg17 : memref<!tpu.dma_semaphore, #tpu.memory_space<semaphore_mem>>) src(%dma_wait3A_275 : memref<240x64xf32, #tpu.memory_space<hbm>>) dst(%arg13 : memref<240x64xf32, #tpu.memory_space<vmem>>)
      %scan3A_276 = arith.constant 0 : i32
      %scan3A_277 = arith.constant 0 : i32
      %scan3A_278 = arith.constant 80 : i32
      %scan3A_279 = arith.addi %scan3A_277, %scan3A_278 : i32
      %scan3A_280 = arith.constant 2 : i32
      scf.for %scan3A_338 = %scan3A_277 to %scan3A_279 step %scan3A_280  : i32 {
        %get3A = arith.index_cast %scan3A_338 : i32 to index
        %get3A_339 = arith.constant 0 : index
        %get3A_340 = tpu.vector_load %arg13[%get3A, %get3A_339] {strides = array<i32>} : memref<240x64xf32, #tpu.memory_space<vmem>>, vector<1x16xf32>,
        %get3A_341 = vector.shape_cast %get3A_340 : vector<1x16xf32> to vector<16xf32>
        %add3A_342 = arith.constant 80 : i32
        %add3A_343 = arith.addi %add3A_342, %scan3A_338 : i32
        %get3A_344 = arith.index_cast %add3A_343 : i32 to index
        %get3A_345 = arith.constant 0 : index
        %get3A_346 = tpu.vector_load %arg13[%get3A_344, %get3A_345] {strides = array<i32>} : memref<240x64xf32, #tpu.memory_space<vmem>>, vector<1x16xf32>,
        %get3A_347 = vector.shape_cast %get3A_346 : vector<1x16xf32> to vector<16xf32>
        %add3A_348 = arith.addf %get3A_341, %get3A_347 : vector<16xf32>
        %add3A_349 = arith.constant 160 : i32
        %add3A_350 = arith.addi %add3A_349, %scan3A_338 : i32
        %get3A_351 = arith.index_cast %add3A_350 : i32 to index
        %get3A_352 = arith.constant 0 : index
        %get3A_353 = tpu.vector_load %arg13[%get3A_351, %get3A_352] {strides = array<i32>} : memref<240x64xf32, #tpu.memory_space<vmem>>, vector<1x16xf32>,
        %get3A_354 = vector.shape_cast %get3A_353 : vector<1x16xf32> to vector<16xf32>
        %add3A_355 = arith.addf %add3A_348, %get3A_354 : vector<16xf32>
        %max3A = arith.constant 0.000000e+00 : f32
        %max3A_356 = vector.broadcast %max3A : f32 to vector<16xf32>
        %max3A_357 = arith.maximumf %add3A_355, %max3A_356 : vector<16xf32>
        %add3A_358 = arith.constant 80 : i32
        %add3A_359 = arith.addi %add3A_358, %scan3A_338 : i32
        %swap3A = arith.index_cast %add3A_359 : i32 to index
        %swap3A_360 = arith.constant 0 : index
        %swap3A_361 = tpu.vector_load %arg13[%swap3A, %swap3A_360] {strides = array<i32>} : memref<240x64xf32, #tpu.memory_space<vmem>>, vector<1x16xf32>,
        %swap3A_362 = vector.shape_cast %swap3A_361 : vector<1x16xf32> to vector<16xf32>
        %swap3A_363 = vector.shape_cast %max3A_357 : vector<16xf32> to vector<1x16xf32>
        tpu.vector_store %arg13[%swap3A, %swap3A_360], %swap3A_363 {strides = array<i32>} : memref<240x64xf32, #tpu.memory_space<vmem>>, vector<1x16xf32>,
        %get3A_364 = arith.index_cast %scan3A_338 : i32 to index
        %get3A_365 = arith.constant 16 : index
        %get3A_366 = tpu.vector_load %arg13[%get3A_364, %get3A_365] {strides = array<i32>} : memref<240x64xf32, #tpu.memory_space<vmem>>, vector<1x16xf32>,
        %get3A_367 = vector.shape_cast %get3A_366 : vector<1x16xf32> to vector<16xf32>
        %add3A_368 = arith.constant 80 : i32
        %add3A_369 = arith.addi %add3A_368, %scan3A_338 : i32
        %get3A_370 = arith.index_cast %add3A_369 : i32 to index
        %get3A_371 = arith.constant 16 : index
        %get3A_372 = tpu.vector_load %arg13[%get3A_370, %get3A_371] {strides = array<i32>} : memref<240x64xf32, #tpu.memory_space<vmem>>, vector<1x16xf32>,
        %get3A_373 = vector.shape_cast %get3A_372 : vector<1x16xf32> to vector<16xf32>
        %add3A_374 = arith.addf %get3A_367, %get3A_373 : vector<16xf32>
        %add3A_375 = arith.constant 160 : i32
        %add3A_376 = arith.addi %add3A_375, %scan3A_338 : i32
        %get3A_377 = arith.index_cast %add3A_376 : i32 to index
        %get3A_378 = arith.constant 16 : index
        %get3A_379 = tpu.vector_load %arg13[%get3A_377, %get3A_378] {strides = array<i32>} : memref<240x64xf32, #tpu.memory_space<vmem>>, vector<1x16xf32>,
        %get3A_380 = vector.shape_cast %get3A_379 : vector<1x16xf32> to vector<16xf32>
        %add3A_381 = arith.addf %add3A_374, %get3A_380 : vector<16xf32>
        %max3A_382 = arith.constant 0.000000e+00 : f32
        %max3A_383 = vector.broadcast %max3A_382 : f32 to vector<16xf32>
        %max3A_384 = arith.maximumf %add3A_381, %max3A_383 : vector<16xf32>
        %add3A_385 = arith.constant 80 : i32
        %add3A_386 = arith.addi %add3A_385, %scan3A_338 : i32
        %swap3A_387 = arith.index_cast %add3A_386 : i32 to index
        %swap3A_388 = arith.constant 16 : index
        %swap3A_389 = tpu.vector_load %arg13[%swap3A_387, %swap3A_388] {strides = array<i32>} : memref<240x64xf32, #tpu.memory_space<vmem>>, vector<1x16xf32>,
        %swap3A_390 = vector.shape_cast %swap3A_389 : vector<1x16xf32> to vector<16xf32>
        %swap3A_391 = vector.shape_cast %max3A_384 : vector<16xf32> to vector<1x16xf32>
        tpu.vector_store %arg13[%swap3A_387, %swap3A_388], %swap3A_391 {strides = array<i32>} : memref<240x64xf32, #tpu.memory_space<vmem>>, vector<1x16xf32>,
        %get3A_392 = arith.index_cast %scan3A_338 : i32 to index
        %get3A_393 = arith.constant 32 : index
        %get3A_394 = tpu.vector_load %arg13[%get3A_392, %get3A_393] {strides = array<i32>} : memref<240x64xf32, #tpu.memory_space<vmem>>, vector<1x16xf32>,
        %get3A_395 = vector.shape_cast %get3A_394 : vector<1x16xf32> to vector<16xf32>
        %add3A_396 = arith.constant 80 : i32
        %add3A_397 = arith.addi %add3A_396, %scan3A_338 : i32
        %get3A_398 = arith.index_cast %add3A_397 : i32 to index
        %get3A_399 = arith.constant 32 : index
        %get3A_400 = tpu.vector_load %arg13[%get3A_398, %get3A_399] {strides = array<i32>} : memref<240x64xf32, #tpu.memory_space<vmem>>, vector<1x16xf32>,
        %get3A_401 = vector.shape_cast %get3A_400 : vector<1x16xf32> to vector<16xf32>
        %add3A_402 = arith.addf %get3A_395, %get3A_401 : vector<16xf32>
        %add3A_403 = arith.constant 160 : i32
        %add3A_404 = arith.addi %add3A_403, %scan3A_338 : i32
        %get3A_405 = arith.index_cast %add3A_404 : i32 to index
        %get3A_406 = arith.constant 32 : index
        %get3A_407 = tpu.vector_load %arg13[%get3A_405, %get3A_406] {strides = array<i32>} : memref<240x64xf32, #tpu.memory_space<vmem>>, vector<1x16xf32>,
        %get3A_408 = vector.shape_cast %get3A_407 : vector<1x16xf32> to vector<16xf32>
        %add3A_409 = arith.addf %add3A_402, %get3A_408 : vector<16xf32>
        %max3A_410 = arith.constant 0.000000e+00 : f32
        %max3A_411 = vector.broadcast %max3A_410 : f32 to vector<16xf32>
        %max3A_412 = arith.maximumf %add3A_409, %max3A_411 : vector<16xf32>
        %add3A_413 = arith.constant 80 : i32
        %add3A_414 = arith.addi %add3A_413, %scan3A_338 : i32
        %swap3A_415 = arith.index_cast %add3A_414 : i32 to index
        %swap3A_416 = arith.constant 32 : index
        %swap3A_417 = tpu.vector_load %arg13[%swap3A_415, %swap3A_416] {strides = array<i32>} : memref<240x64xf32, #tpu.memory_space<vmem>>, vector<1x16xf32>,
        %swap3A_418 = vector.shape_cast %swap3A_417 : vector<1x16xf32> to vector<16xf32>
        %swap3A_419 = vector.shape_cast %max3A_412 : vector<16xf32> to vector<1x16xf32>
        tpu.vector_store %arg13[%swap3A_415, %swap3A_416], %swap3A_419 {strides = array<i32>} : memref<240x64xf32, #tpu.memory_space<vmem>>, vector<1x16xf32>,
        %get3A_420 = arith.index_cast %scan3A_338 : i32 to index
        %get3A_421 = arith.constant 48 : index
        %get3A_422 = tpu.vector_load %arg13[%get3A_420, %get3A_421] {strides = array<i32>} : memref<240x64xf32, #tpu.memory_space<vmem>>, vector<1x16xf32>,
        %get3A_423 = vector.shape_cast %get3A_422 : vector<1x16xf32> to vector<16xf32>
        %add3A_424 = arith.constant 80 : i32
        %add3A_425 = arith.addi %add3A_424, %scan3A_338 : i32
        %get3A_426 = arith.index_cast %add3A_425 : i32 to index
        %get3A_427 = arith.constant 48 : index
        %get3A_428 = tpu.vector_load %arg13[%get3A_426, %get3A_427] {strides = array<i32>} : memref<240x64xf32, #tpu.memory_space<vmem>>, vector<1x16xf32>,
        %get3A_429 = vector.shape_cast %get3A_428 : vector<1x16xf32> to vector<16xf32>
        %add3A_430 = arith.addf %get3A_423, %get3A_429 : vector<16xf32>
        %add3A_431 = arith.constant 160 : i32
        %add3A_432 = arith.addi %add3A_431, %scan3A_338 : i32
        %get3A_433 = arith.index_cast %add3A_432 : i32 to index
        %get3A_434 = arith.constant 48 : index
        %get3A_435 = tpu.vector_load %arg13[%get3A_433, %get3A_434] {strides = array<i32>} : memref<240x64xf32, #tpu.memory_space<vmem>>, vector<1x16xf32>,
        %get3A_436 = vector.shape_cast %get3A_435 : vector<1x16xf32> to vector<16xf32>
        %add3A_437 = arith.addf %add3A_430, %get3A_436 : vector<16xf32>
        %max3A_438 = arith.constant 0.000000e+00 : f32
        %max3A_439 = vector.broadcast %max3A_438 : f32 to vector<16xf32>
        %max3A_440 = arith.maximumf %add3A_437, %max3A_439 : vector<16xf32>
        %add3A_441 = arith.constant 80 : i32
        %add3A_442 = arith.addi %add3A_441, %scan3A_338 : i32
        %swap3A_443 = arith.index_cast %add3A_442 : i32 to index
        %swap3A_444 = arith.constant 48 : index
        %swap3A_445 = tpu.vector_load %arg13[%swap3A_443, %swap3A_444] {strides = array<i32>} : memref<240x64xf32, #tpu.memory_space<vmem>>, vector<1x16xf32>,
        %swap3A_446 = vector.shape_cast %swap3A_445 : vector<1x16xf32> to vector<16xf32>
        %swap3A_447 = vector.shape_cast %max3A_440 : vector<16xf32> to vector<1x16xf32>
        tpu.vector_store %arg13[%swap3A_443, %swap3A_444], %swap3A_447 {strides = array<i32>} : memref<240x64xf32, #tpu.memory_space<vmem>>, vector<1x16xf32>,
        %scan3A_448 = arith.constant 1 : i32
        %scan3A_449 = arith.addi %scan3A_338, %scan3A_448 : i32
        %get3A_450 = arith.index_cast %scan3A_449 : i32 to index
        %get3A_451 = arith.constant 0 : index
        %get3A_452 = tpu.vector_load %arg13[%get3A_450, %get3A_451] {strides = array<i32>} : memref<240x64xf32, #tpu.memory_space<vmem>>, vector<1x16xf32>,
        %get3A_453 = vector.shape_cast %get3A_452 : vector<1x16xf32> to vector<16xf32>
        %add3A_454 = arith.constant 80 : i32
        %add3A_455 = arith.addi %add3A_454, %scan3A_449 : i32
        %get3A_456 = arith.index_cast %add3A_455 : i32 to index
        %get3A_457 = arith.constant 0 : index
        %get3A_458 = tpu.vector_load %arg13[%get3A_456, %get3A_457] {strides = array<i32>} : memref<240x64xf32, #tpu.memory_space<vmem>>, vector<1x16xf32>,
        %get3A_459 = vector.shape_cast %get3A_458 : vector<1x16xf32> to vector<16xf32>
        %add3A_460 = arith.addf %get3A_453, %get3A_459 : vector<16xf32>
        %add3A_461 = arith.constant 160 : i32
        %add3A_462 = arith.addi %add3A_461, %scan3A_449 : i32
        %get3A_463 = arith.index_cast %add3A_462 : i32 to index
        %get3A_464 = arith.constant 0 : index
        %get3A_465 = tpu.vector_load %arg13[%get3A_463, %get3A_464] {strides = array<i32>} : memref<240x64xf32, #tpu.memory_space<vmem>>, vector<1x16xf32>,
        %get3A_466 = vector.shape_cast %get3A_465 : vector<1x16xf32> to vector<16xf32>
        %add3A_467 = arith.addf %add3A_460, %get3A_466 : vector<16xf32>
        %max3A_468 = arith.constant 0.000000e+00 : f32
        %max3A_469 = vector.broadcast %max3A_468 : f32 to vector<16xf32>
        %max3A_470 = arith.maximumf %add3A_467, %max3A_469 : vector<16xf32>
        %add3A_471 = arith.constant 80 : i32
        %add3A_472 = arith.addi %add3A_471, %scan3A_449 : i32
        %swap3A_473 = arith.index_cast %add3A_472 : i32 to index
        %swap3A_474 = arith.constant 0 : index
        %swap3A_475 = tpu.vector_load %arg13[%swap3A_473, %swap3A_474] {strides = array<i32>} : memref<240x64xf32, #tpu.memory_space<vmem>>, vector<1x16xf32>,
        %swap3A_476 = vector.shape_cast %swap3A_475 : vector<1x16xf32> to vector<16xf32>
        %swap3A_477 = vector.shape_cast %max3A_470 : vector<16xf32> to vector<1x16xf32>
        tpu.vector_store %arg13[%swap3A_473, %swap3A_474], %swap3A_477 {strides = array<i32>} : memref<240x64xf32, #tpu.memory_space<vmem>>, vector<1x16xf32>,
        %get3A_478 = arith.index_cast %scan3A_449 : i32 to index
        %get3A_479 = arith.constant 16 : index
        %get3A_480 = tpu.vector_load %arg13[%get3A_478, %get3A_479] {strides = array<i32>} : memref<240x64xf32, #tpu.memory_space<vmem>>, vector<1x16xf32>,
        %get3A_481 = vector.shape_cast %get3A_480 : vector<1x16xf32> to vector<16xf32>
        %add3A_482 = arith.constant 80 : i32
        %add3A_483 = arith.addi %add3A_482, %scan3A_449 : i32
        %get3A_484 = arith.index_cast %add3A_483 : i32 to index
        %get3A_485 = arith.constant 16 : index
        %get3A_486 = tpu.vector_load %arg13[%get3A_484, %get3A_485] {strides = array<i32>} : memref<240x64xf32, #tpu.memory_space<vmem>>, vector<1x16xf32>,
        %get3A_487 = vector.shape_cast %get3A_486 : vector<1x16xf32> to vector<16xf32>
        %add3A_488 = arith.addf %get3A_481, %get3A_487 : vector<16xf32>
        %add3A_489 = arith.constant 160 : i32
        %add3A_490 = arith.addi %add3A_489, %scan3A_449 : i32
        %get3A_491 = arith.index_cast %add3A_490 : i32 to index
        %get3A_492 = arith.constant 16 : index
        %get3A_493 = tpu.vector_load %arg13[%get3A_491, %get3A_492] {strides = array<i32>} : memref<240x64xf32, #tpu.memory_space<vmem>>, vector<1x16xf32>,
        %get3A_494 = vector.shape_cast %get3A_493 : vector<1x16xf32> to vector<16xf32>
        %add3A_495 = arith.addf %add3A_488, %get3A_494 : vector<16xf32>
        %max3A_496 = arith.constant 0.000000e+00 : f32
        %max3A_497 = vector.broadcast %max3A_496 : f32 to vector<16xf32>
        %max3A_498 = arith.maximumf %add3A_495, %max3A_497 : vector<16xf32>
        %add3A_499 = arith.constant 80 : i32
        %add3A_500 = arith.addi %add3A_499, %scan3A_449 : i32
        %swap3A_501 = arith.index_cast %add3A_500 : i32 to index
        %swap3A_502 = arith.constant 16 : index
        %swap3A_503 = tpu.vector_load %arg13[%swap3A_501, %swap3A_502] {strides = array<i32>} : memref<240x64xf32, #tpu.memory_space<vmem>>, vector<1x16xf32>,
        %swap3A_504 = vector.shape_cast %swap3A_503 : vector<1x16xf32> to vector<16xf32>
        %swap3A_505 = vector.shape_cast %max3A_498 : vector<16xf32> to vector<1x16xf32>
        tpu.vector_store %arg13[%swap3A_501, %swap3A_502], %swap3A_505 {strides = array<i32>} : memref<240x64xf32, #tpu.memory_space<vmem>>, vector<1x16xf32>,
        %get3A_506 = arith.index_cast %scan3A_449 : i32 to index
        %get3A_507 = arith.constant 32 : index
        %get3A_508 = tpu.vector_load %arg13[%get3A_506, %get3A_507] {strides = array<i32>} : memref<240x64xf32, #tpu.memory_space<vmem>>, vector<1x16xf32>,
        %get3A_509 = vector.shape_cast %get3A_508 : vector<1x16xf32> to vector<16xf32>
        %add3A_510 = arith.constant 80 : i32
        %add3A_511 = arith.addi %add3A_510, %scan3A_449 : i32
        %get3A_512 = arith.index_cast %add3A_511 : i32 to index
        %get3A_513 = arith.constant 32 : index
        %get3A_514 = tpu.vector_load %arg13[%get3A_512, %get3A_513] {strides = array<i32>} : memref<240x64xf32, #tpu.memory_space<vmem>>, vector<1x16xf32>,
        %get3A_515 = vector.shape_cast %get3A_514 : vector<1x16xf32> to vector<16xf32>
        %add3A_516 = arith.addf %get3A_509, %get3A_515 : vector<16xf32>
        %add3A_517 = arith.constant 160 : i32
        %add3A_518 = arith.addi %add3A_517, %scan3A_449 : i32
        %get3A_519 = arith.index_cast %add3A_518 : i32 to index
        %get3A_520 = arith.constant 32 : index
        %get3A_521 = tpu.vector_load %arg13[%get3A_519, %get3A_520] {strides = array<i32>} : memref<240x64xf32, #tpu.memory_space<vmem>>, vector<1x16xf32>,
        %get3A_522 = vector.shape_cast %get3A_521 : vector<1x16xf32> to vector<16xf32>
        %add3A_523 = arith.addf %add3A_516, %get3A_522 : vector<16xf32>
        %max3A_524 = arith.constant 0.000000e+00 : f32
        %max3A_525 = vector.broadcast %max3A_524 : f32 to vector<16xf32>
        %max3A_526 = arith.maximumf %add3A_523, %max3A_525 : vector<16xf32>
        %add3A_527 = arith.constant 80 : i32
        %add3A_528 = arith.addi %add3A_527, %scan3A_449 : i32
        %swap3A_529 = arith.index_cast %add3A_528 : i32 to index
        %swap3A_530 = arith.constant 32 : index
        %swap3A_531 = tpu.vector_load %arg13[%swap3A_529, %swap3A_530] {strides = array<i32>} : memref<240x64xf32, #tpu.memory_space<vmem>>, vector<1x16xf32>,
        %swap3A_532 = vector.shape_cast %swap3A_531 : vector<1x16xf32> to vector<16xf32>
        %swap3A_533 = vector.shape_cast %max3A_526 : vector<16xf32> to vector<1x16xf32>
        tpu.vector_store %arg13[%swap3A_529, %swap3A_530], %swap3A_533 {strides = array<i32>} : memref<240x64xf32, #tpu.memory_space<vmem>>, vector<1x16xf32>,
        %get3A_534 = arith.index_cast %scan3A_449 : i32 to index
        %get3A_535 = arith.constant 48 : index
        %get3A_536 = tpu.vector_load %arg13[%get3A_534, %get3A_535] {strides = array<i32>} : memref<240x64xf32, #tpu.memory_space<vmem>>, vector<1x16xf32>,
        %get3A_537 = vector.shape_cast %get3A_536 : vector<1x16xf32> to vector<16xf32>
        %add3A_538 = arith.constant 80 : i32
        %add3A_539 = arith.addi %add3A_538, %scan3A_449 : i32
        %get3A_540 = arith.index_cast %add3A_539 : i32 to index
        %get3A_541 = arith.constant 48 : index
        %get3A_542 = tpu.vector_load %arg13[%get3A_540, %get3A_541] {strides = array<i32>} : memref<240x64xf32, #tpu.memory_space<vmem>>, vector<1x16xf32>,
        %get3A_543 = vector.shape_cast %get3A_542 : vector<1x16xf32> to vector<16xf32>
        %add3A_544 = arith.addf %get3A_537, %get3A_543 : vector<16xf32>
        %add3A_545 = arith.constant 160 : i32
        %add3A_546 = arith.addi %add3A_545, %scan3A_449 : i32
        %get3A_547 = arith.index_cast %add3A_546 : i32 to index
        %get3A_548 = arith.constant 48 : index
        %get3A_549 = tpu.vector_load %arg13[%get3A_547, %get3A_548] {strides = array<i32>} : memref<240x64xf32, #tpu.memory_space<vmem>>, vector<1x16xf32>,
        %get3A_550 = vector.shape_cast %get3A_549 : vector<1x16xf32> to vector<16xf32>
        %add3A_551 = arith.addf %add3A_544, %get3A_550 : vector<16xf32>
        %max3A_552 = arith.constant 0.000000e+00 : f32
        %max3A_553 = vector.broadcast %max3A_552 : f32 to vector<16xf32>
        %max3A_554 = arith.maximumf %add3A_551, %max3A_553 : vector<16xf32>
        %add3A_555 = arith.constant 80 : i32
        %add3A_556 = arith.addi %add3A_555, %scan3A_449 : i32
        %swap3A_557 = arith.index_cast %add3A_556 : i32 to index
        %swap3A_558 = arith.constant 48 : index
        %swap3A_559 = tpu.vector_load %arg13[%swap3A_557, %swap3A_558] {strides = array<i32>} : memref<240x64xf32, #tpu.memory_space<vmem>>, vector<1x16xf32>,
        %swap3A_560 = vector.shape_cast %swap3A_559 : vector<1x16xf32> to vector<16xf32>
        %swap3A_561 = vector.shape_cast %max3A_554 : vector<16xf32> to vector<1x16xf32>
        tpu.vector_store %arg13[%swap3A_557, %swap3A_558], %swap3A_561 {strides = array<i32>} : memref<240x64xf32, #tpu.memory_space<vmem>>, vector<1x16xf32>,
      }
      %scan3A_281 = arith.constant 80 : i32
      %dma_start3A_282 = arith.constant 80 : i32
      %dma_start3A_283 = arith.constant 0 : i32
      %dma_start3A_284 = tpu.memref_slice %arg13[%dma_start3A_282, %dma_start3A_283] : memref<240x64xf32, #tpu.memory_space<vmem>> -> memref<80x64xf32, #tpu.memory_space<vmem>>
      %dma_start3A_285 = arith.constant 0 : i32
      %dma_start3A_286 = tpu.memref_slice %arg11[%add3A_269, %dma_start3A_285] : memref<125x80xi32, #tpu.memory_space<vmem>> -> memref<1x80xi32, #tpu.memory_space<vmem>>
      %dma_start3A_287 = tpu.memref_squeeze %dma_start3A_286 : memref<1x80xi32, #tpu.memory_space<vmem>> -> memref<80xi32, #tpu.memory_space<vmem>>
      %dma_start3A_288 = arith.constant 0 : i32
      %dma_start3A_289 = arith.constant 0 : i32
      %dma_start3A_290 = tpu.memref_slice %arg15[%dma_start3A_288, %dma_start3A_289] : memref<10000x64xf32, #tpu.memory_space<vmem_shared>> -> memref<10000x64xf32, #tpu.memory_space<vmem_shared>>
      tpu.enqueue_indirect_dma source(%dma_start3A_284 : memref<80x64xf32, #tpu.memory_space<vmem>>) target(%dma_start3A_290 : memref<10000x64xf32, #tpu.memory_space<vmem_shared>>) offsets(%dma_start3A_287 : memref<80xi32, #tpu.memory_space<vmem>>) semaphore(%arg20 : memref<!tpu.dma_semaphore, #tpu.memory_space<semaphore_mem>>) {add = true}
      %ge3A_291 = arith.constant 1 : i32
      %ge3A_292 = arith.cmpi sge, %add3A_269, %ge3A_291 : i32
      %convert_element_type3A_293 = arith.extui %ge3A_292 : i1 to i32
      %cond3A_294 = arith.constant 0 : i32
      %cond3A_295 = arith.cmpi ne, %convert_element_type3A_293, %cond3A_294 : i32
      scf.if %cond3A_295 {
        %dma_wait3A_338 = arith.constant 80 : i32
        %dma_wait3A_339 = arith.constant 0 : i32
        %dma_wait3A_340 = tpu.memref_slice %arg12[%dma_wait3A_338, %dma_wait3A_339] : memref<240x64xf32, #tpu.memory_space<vmem>> -> memref<80x64xf32, #tpu.memory_space<vmem>>
        %dma_wait3A_341 = arith.constant 0 : i32
        %dma_wait3A_342 = tpu.memref_slice %arg11[%add3A_269, %dma_wait3A_341] : memref<125x80xi32, #tpu.memory_space<vmem>> -> memref<1x80xi32, #tpu.memory_space<vmem>>
        %dma_wait3A_343 = tpu.memref_squeeze %dma_wait3A_342 : memref<1x80xi32, #tpu.memory_space<vmem>> -> memref<80xi32, #tpu.memory_space<vmem>>
        %dma_wait3A_344 = arith.constant 0 : i32
        %dma_wait3A_345 = arith.constant 0 : i32
        %dma_wait3A_346 = tpu.memref_slice %arg15[%dma_wait3A_344, %dma_wait3A_345] : memref<10000x64xf32, #tpu.memory_space<vmem_shared>> -> memref<10000x64xf32, #tpu.memory_space<vmem_shared>>
        tpu.wait_indirect_dma semaphore(%arg19 : memref<!tpu.dma_semaphore, #tpu.memory_space<semaphore_mem>>) src(%dma_wait3A_340 : memref<80x64xf32, #tpu.memory_space<vmem>>) dst(%dma_wait3A_346 : memref<10000x64xf32, #tpu.memory_space<vmem_shared>>)
      } else {
      }
      %add3A_296 = arith.constant 2 : i32
      %add3A_297 = arith.addi %add3A_269, %add3A_296 : i32
      %lt3A_298 = arith.constant 125 : i32
      %lt3A_299 = arith.cmpi slt, %add3A_297, %lt3A_298 : i32
      %convert_element_type3A_300 = arith.extui %lt3A_299 : i1 to i32
      %cond3A_301 = arith.constant 0 : i32
      %cond3A_302 = arith.cmpi ne, %convert_element_type3A_300, %cond3A_301 : i32
      scf.if %cond3A_302 {
        %add3A_338 = arith.constant 2 : i32
        %add3A_339 = arith.addi %add3A_269, %add3A_338 : i32
        %mul3A_340 = arith.constant 80 : i32
        %mul3A_341 = arith.muli %add3A_339, %mul3A_340 : i32
        %add3A_342 = arith.addi %add3A_116, %mul3A_341 : i32
        %dma_start3A_343 = arith.constant 0 : i32
        %dma_start3A_344 = arith.constant 0 : i32
        %dma_start3A_345 = tpu.memref_slice %arg12[%dma_start3A_343, %dma_start3A_344] : memref<240x64xf32, #tpu.memory_space<vmem>> -> memref<80x64xf32, #tpu.memory_space<vmem>>
        %dma_start3A_346 = tpu.memref_slice %arg3[%add3A_342, %mul3A_6] : memref<320000x128xf32, #tpu.memory_space<hbm>> -> memref<80x64xf32, #tpu.memory_space<hbm>>
        %dma_start3A_347 = arith.constant 0 : i32
        %dma_start3A_348 = arith.constant 0 : i32
        %dma_start3A_349 = tpu.memref_slice %arg12[%dma_start3A_347, %dma_start3A_348] : memref<240x64xf32, #tpu.memory_space<vmem>> -> memref<80x64xf32, #tpu.memory_space<vmem>>
        %dma_start3A_350 = tpu.memref_slice %arg3[%add3A_342, %mul3A_6] : memref<320000x128xf32, #tpu.memory_space<hbm>> -> memref<80x64xf32, #tpu.memory_space<hbm>>
        tpu.enqueue_dma source(%dma_start3A_350 : memref<80x64xf32, #tpu.memory_space<hbm>>) target(%dma_start3A_349 : memref<80x64xf32, #tpu.memory_space<vmem>>) target_semaphore(%arg16 : memref<!tpu.dma_semaphore, #tpu.memory_space<semaphore_mem>>)
        %dma_start3A_351 = arith.constant 80 : i32
        %dma_start3A_352 = arith.constant 0 : i32
        %dma_start3A_353 = tpu.memref_slice %arg12[%dma_start3A_351, %dma_start3A_352] : memref<240x64xf32, #tpu.memory_space<vmem>> -> memref<80x64xf32, #tpu.memory_space<vmem>>
        %dma_start3A_354 = arith.constant 0 : i32
        %dma_start3A_355 = tpu.memref_slice %arg9[%add3A_339, %dma_start3A_354] : memref<125x80xi32, #tpu.memory_space<vmem>> -> memref<1x80xi32, #tpu.memory_space<vmem>>
        %dma_start3A_356 = tpu.memref_squeeze %dma_start3A_355 : memref<1x80xi32, #tpu.memory_space<vmem>> -> memref<80xi32, #tpu.memory_space<vmem>>
        %dma_start3A_357 = arith.constant 0 : i32
        %dma_start3A_358 = arith.constant 0 : i32
        %dma_start3A_359 = tpu.memref_slice %arg2[%dma_start3A_357, %dma_start3A_358] : memref<40000x64xf32, #tpu.memory_space<hbm>> -> memref<40000x64xf32, #tpu.memory_space<hbm>>
        tpu.enqueue_indirect_dma source(%dma_start3A_359 : memref<40000x64xf32, #tpu.memory_space<hbm>>) target(%dma_start3A_353 : memref<80x64xf32, #tpu.memory_space<vmem>>) offsets(%dma_start3A_356 : memref<80xi32, #tpu.memory_space<vmem>>) semaphore(%arg16 : memref<!tpu.dma_semaphore, #tpu.memory_space<semaphore_mem>>)
        %dma_start3A_360 = arith.constant 160 : i32
        %dma_start3A_361 = arith.constant 0 : i32
        %dma_start3A_362 = tpu.memref_slice %arg12[%dma_start3A_360, %dma_start3A_361] : memref<240x64xf32, #tpu.memory_space<vmem>> -> memref<80x64xf32, #tpu.memory_space<vmem>>
        %dma_start3A_363 = arith.constant 0 : i32
        %dma_start3A_364 = tpu.memref_slice %arg10[%add3A_339, %dma_start3A_363] : memref<125x80xi32, #tpu.memory_space<vmem>> -> memref<1x80xi32, #tpu.memory_space<vmem>>
        %dma_start3A_365 = tpu.memref_squeeze %dma_start3A_364 : memref<1x80xi32, #tpu.memory_space<vmem>> -> memref<80xi32, #tpu.memory_space<vmem>>
        %dma_start3A_366 = arith.constant 0 : i32
        %dma_start3A_367 = arith.constant 0 : i32
        %dma_start3A_368 = tpu.memref_slice %arg2[%dma_start3A_366, %dma_start3A_367] : memref<40000x64xf32, #tpu.memory_space<hbm>> -> memref<40000x64xf32, #tpu.memory_space<hbm>>
        tpu.enqueue_indirect_dma source(%dma_start3A_368 : memref<40000x64xf32, #tpu.memory_space<hbm>>) target(%dma_start3A_362 : memref<80x64xf32, #tpu.memory_space<vmem>>) offsets(%dma_start3A_365 : memref<80xi32, #tpu.memory_space<vmem>>) semaphore(%arg16 : memref<!tpu.dma_semaphore, #tpu.memory_space<semaphore_mem>>)
      } else {
      }
      %add3A_303 = arith.constant 2 : i32
      %add3A_304 = arith.addi %add3A_233, %add3A_303 : i32
      %dma_wait3A_305 = arith.constant 0 : i32
      %dma_wait3A_306 = arith.constant 0 : i32
      %dma_wait3A_307 = tpu.memref_slice %arg2[%dma_wait3A_305, %dma_wait3A_306] : memref<40000x64xf32, #tpu.memory_space<hbm>> -> memref<240x64xf32, #tpu.memory_space<hbm>>
      %dma_wait3A_308 = arith.constant 0 : i32
      %dma_wait3A_309 = arith.constant 0 : i32
      %dma_wait3A_310 = tpu.memref_slice %arg2[%dma_wait3A_308, %dma_wait3A_309] : memref<40000x64xf32, #tpu.memory_space<hbm>> -> memref<240x64xf32, #tpu.memory_space<hbm>>
      tpu.wait_dma2 semaphore(%arg18 : memref<!tpu.dma_semaphore, #tpu.memory_space<semaphore_mem>>) src(%dma_wait3A_310 : memref<240x64xf32, #tpu.memory_space<hbm>>) dst(%arg14 : memref<240x64xf32, #tpu.memory_space<vmem>>)
      %scan3A_311 = arith.constant 0 : i32
      %scan3A_312 = arith.constant 0 : i32
      %scan3A_313 = arith.constant 80 : i32
      %scan3A_314 = arith.addi %scan3A_312, %scan3A_313 : i32
      %scan3A_315 = arith.constant 2 : i32
      scf.for %scan3A_338 = %scan3A_312 to %scan3A_314 step %scan3A_315  : i32 {
        %get3A = arith.index_cast %scan3A_338 : i32 to index
        %get3A_339 = arith.constant 0 : index
        %get3A_340 = tpu.vector_load %arg14[%get3A, %get3A_339] {strides = array<i32>} : memref<240x64xf32, #tpu.memory_space<vmem>>, vector<1x16xf32>,
        %get3A_341 = vector.shape_cast %get3A_340 : vector<1x16xf32> to vector<16xf32>
        %add3A_342 = arith.constant 80 : i32
        %add3A_343 = arith.addi %add3A_342, %scan3A_338 : i32
        %get3A_344 = arith.index_cast %add3A_343 : i32 to index
        %get3A_345 = arith.constant 0 : index
        %get3A_346 = tpu.vector_load %arg14[%get3A_344, %get3A_345] {strides = array<i32>} : memref<240x64xf32, #tpu.memory_space<vmem>>, vector<1x16xf32>,
        %get3A_347 = vector.shape_cast %get3A_346 : vector<1x16xf32> to vector<16xf32>
        %add3A_348 = arith.addf %get3A_341, %get3A_347 : vector<16xf32>
        %add3A_349 = arith.constant 160 : i32
        %add3A_350 = arith.addi %add3A_349, %scan3A_338 : i32
        %get3A_351 = arith.index_cast %add3A_350 : i32 to index
        %get3A_352 = arith.constant 0 : index
        %get3A_353 = tpu.vector_load %arg14[%get3A_351, %get3A_352] {strides = array<i32>} : memref<240x64xf32, #tpu.memory_space<vmem>>, vector<1x16xf32>,
        %get3A_354 = vector.shape_cast %get3A_353 : vector<1x16xf32> to vector<16xf32>
        %add3A_355 = arith.addf %add3A_348, %get3A_354 : vector<16xf32>
        %max3A = arith.constant 0.000000e+00 : f32
        %max3A_356 = vector.broadcast %max3A : f32 to vector<16xf32>
        %max3A_357 = arith.maximumf %add3A_355, %max3A_356 : vector<16xf32>
        %add3A_358 = arith.constant 80 : i32
        %add3A_359 = arith.addi %add3A_358, %scan3A_338 : i32
        %swap3A = arith.index_cast %add3A_359 : i32 to index
        %swap3A_360 = arith.constant 0 : index
        %swap3A_361 = tpu.vector_load %arg14[%swap3A, %swap3A_360] {strides = array<i32>} : memref<240x64xf32, #tpu.memory_space<vmem>>, vector<1x16xf32>,
        %swap3A_362 = vector.shape_cast %swap3A_361 : vector<1x16xf32> to vector<16xf32>
        %swap3A_363 = vector.shape_cast %max3A_357 : vector<16xf32> to vector<1x16xf32>
        tpu.vector_store %arg14[%swap3A, %swap3A_360], %swap3A_363 {strides = array<i32>} : memref<240x64xf32, #tpu.memory_space<vmem>>, vector<1x16xf32>,
        %get3A_364 = arith.index_cast %scan3A_338 : i32 to index
        %get3A_365 = arith.constant 16 : index
        %get3A_366 = tpu.vector_load %arg14[%get3A_364, %get3A_365] {strides = array<i32>} : memref<240x64xf32, #tpu.memory_space<vmem>>, vector<1x16xf32>,
        %get3A_367 = vector.shape_cast %get3A_366 : vector<1x16xf32> to vector<16xf32>
        %add3A_368 = arith.constant 80 : i32
        %add3A_369 = arith.addi %add3A_368, %scan3A_338 : i32
        %get3A_370 = arith.index_cast %add3A_369 : i32 to index
        %get3A_371 = arith.constant 16 : index
        %get3A_372 = tpu.vector_load %arg14[%get3A_370, %get3A_371] {strides = array<i32>} : memref<240x64xf32, #tpu.memory_space<vmem>>, vector<1x16xf32>,
        %get3A_373 = vector.shape_cast %get3A_372 : vector<1x16xf32> to vector<16xf32>
        %add3A_374 = arith.addf %get3A_367, %get3A_373 : vector<16xf32>
        %add3A_375 = arith.constant 160 : i32
        %add3A_376 = arith.addi %add3A_375, %scan3A_338 : i32
        %get3A_377 = arith.index_cast %add3A_376 : i32 to index
        %get3A_378 = arith.constant 16 : index
        %get3A_379 = tpu.vector_load %arg14[%get3A_377, %get3A_378] {strides = array<i32>} : memref<240x64xf32, #tpu.memory_space<vmem>>, vector<1x16xf32>,
        %get3A_380 = vector.shape_cast %get3A_379 : vector<1x16xf32> to vector<16xf32>
        %add3A_381 = arith.addf %add3A_374, %get3A_380 : vector<16xf32>
        %max3A_382 = arith.constant 0.000000e+00 : f32
        %max3A_383 = vector.broadcast %max3A_382 : f32 to vector<16xf32>
        %max3A_384 = arith.maximumf %add3A_381, %max3A_383 : vector<16xf32>
        %add3A_385 = arith.constant 80 : i32
        %add3A_386 = arith.addi %add3A_385, %scan3A_338 : i32
        %swap3A_387 = arith.index_cast %add3A_386 : i32 to index
        %swap3A_388 = arith.constant 16 : index
        %swap3A_389 = tpu.vector_load %arg14[%swap3A_387, %swap3A_388] {strides = array<i32>} : memref<240x64xf32, #tpu.memory_space<vmem>>, vector<1x16xf32>,
        %swap3A_390 = vector.shape_cast %swap3A_389 : vector<1x16xf32> to vector<16xf32>
        %swap3A_391 = vector.shape_cast %max3A_384 : vector<16xf32> to vector<1x16xf32>
        tpu.vector_store %arg14[%swap3A_387, %swap3A_388], %swap3A_391 {strides = array<i32>} : memref<240x64xf32, #tpu.memory_space<vmem>>, vector<1x16xf32>,
        %get3A_392 = arith.index_cast %scan3A_338 : i32 to index
        %get3A_393 = arith.constant 32 : index
        %get3A_394 = tpu.vector_load %arg14[%get3A_392, %get3A_393] {strides = array<i32>} : memref<240x64xf32, #tpu.memory_space<vmem>>, vector<1x16xf32>,
        %get3A_395 = vector.shape_cast %get3A_394 : vector<1x16xf32> to vector<16xf32>
        %add3A_396 = arith.constant 80 : i32
        %add3A_397 = arith.addi %add3A_396, %scan3A_338 : i32
        %get3A_398 = arith.index_cast %add3A_397 : i32 to index
        %get3A_399 = arith.constant 32 : index
        %get3A_400 = tpu.vector_load %arg14[%get3A_398, %get3A_399] {strides = array<i32>} : memref<240x64xf32, #tpu.memory_space<vmem>>, vector<1x16xf32>,
        %get3A_401 = vector.shape_cast %get3A_400 : vector<1x16xf32> to vector<16xf32>
        %add3A_402 = arith.addf %get3A_395, %get3A_401 : vector<16xf32>
        %add3A_403 = arith.constant 160 : i32
        %add3A_404 = arith.addi %add3A_403, %scan3A_338 : i32
        %get3A_405 = arith.index_cast %add3A_404 : i32 to index
        %get3A_406 = arith.constant 32 : index
        %get3A_407 = tpu.vector_load %arg14[%get3A_405, %get3A_406] {strides = array<i32>} : memref<240x64xf32, #tpu.memory_space<vmem>>, vector<1x16xf32>,
        %get3A_408 = vector.shape_cast %get3A_407 : vector<1x16xf32> to vector<16xf32>
        %add3A_409 = arith.addf %add3A_402, %get3A_408 : vector<16xf32>
        %max3A_410 = arith.constant 0.000000e+00 : f32
        %max3A_411 = vector.broadcast %max3A_410 : f32 to vector<16xf32>
        %max3A_412 = arith.maximumf %add3A_409, %max3A_411 : vector<16xf32>
        %add3A_413 = arith.constant 80 : i32
        %add3A_414 = arith.addi %add3A_413, %scan3A_338 : i32
        %swap3A_415 = arith.index_cast %add3A_414 : i32 to index
        %swap3A_416 = arith.constant 32 : index
        %swap3A_417 = tpu.vector_load %arg14[%swap3A_415, %swap3A_416] {strides = array<i32>} : memref<240x64xf32, #tpu.memory_space<vmem>>, vector<1x16xf32>,
        %swap3A_418 = vector.shape_cast %swap3A_417 : vector<1x16xf32> to vector<16xf32>
        %swap3A_419 = vector.shape_cast %max3A_412 : vector<16xf32> to vector<1x16xf32>
        tpu.vector_store %arg14[%swap3A_415, %swap3A_416], %swap3A_419 {strides = array<i32>} : memref<240x64xf32, #tpu.memory_space<vmem>>, vector<1x16xf32>,
        %get3A_420 = arith.index_cast %scan3A_338 : i32 to index
        %get3A_421 = arith.constant 48 : index
        %get3A_422 = tpu.vector_load %arg14[%get3A_420, %get3A_421] {strides = array<i32>} : memref<240x64xf32, #tpu.memory_space<vmem>>, vector<1x16xf32>,
        %get3A_423 = vector.shape_cast %get3A_422 : vector<1x16xf32> to vector<16xf32>
        %add3A_424 = arith.constant 80 : i32
        %add3A_425 = arith.addi %add3A_424, %scan3A_338 : i32
        %get3A_426 = arith.index_cast %add3A_425 : i32 to index
        %get3A_427 = arith.constant 48 : index
        %get3A_428 = tpu.vector_load %arg14[%get3A_426, %get3A_427] {strides = array<i32>} : memref<240x64xf32, #tpu.memory_space<vmem>>, vector<1x16xf32>,
        %get3A_429 = vector.shape_cast %get3A_428 : vector<1x16xf32> to vector<16xf32>
        %add3A_430 = arith.addf %get3A_423, %get3A_429 : vector<16xf32>
        %add3A_431 = arith.constant 160 : i32
        %add3A_432 = arith.addi %add3A_431, %scan3A_338 : i32
        %get3A_433 = arith.index_cast %add3A_432 : i32 to index
        %get3A_434 = arith.constant 48 : index
        %get3A_435 = tpu.vector_load %arg14[%get3A_433, %get3A_434] {strides = array<i32>} : memref<240x64xf32, #tpu.memory_space<vmem>>, vector<1x16xf32>,
        %get3A_436 = vector.shape_cast %get3A_435 : vector<1x16xf32> to vector<16xf32>
        %add3A_437 = arith.addf %add3A_430, %get3A_436 : vector<16xf32>
        %max3A_438 = arith.constant 0.000000e+00 : f32
        %max3A_439 = vector.broadcast %max3A_438 : f32 to vector<16xf32>
        %max3A_440 = arith.maximumf %add3A_437, %max3A_439 : vector<16xf32>
        %add3A_441 = arith.constant 80 : i32
        %add3A_442 = arith.addi %add3A_441, %scan3A_338 : i32
        %swap3A_443 = arith.index_cast %add3A_442 : i32 to index
        %swap3A_444 = arith.constant 48 : index
        %swap3A_445 = tpu.vector_load %arg14[%swap3A_443, %swap3A_444] {strides = array<i32>} : memref<240x64xf32, #tpu.memory_space<vmem>>, vector<1x16xf32>,
        %swap3A_446 = vector.shape_cast %swap3A_445 : vector<1x16xf32> to vector<16xf32>
        %swap3A_447 = vector.shape_cast %max3A_440 : vector<16xf32> to vector<1x16xf32>
        tpu.vector_store %arg14[%swap3A_443, %swap3A_444], %swap3A_447 {strides = array<i32>} : memref<240x64xf32, #tpu.memory_space<vmem>>, vector<1x16xf32>,
        %scan3A_448 = arith.constant 1 : i32
        %scan3A_449 = arith.addi %scan3A_338, %scan3A_448 : i32
        %get3A_450 = arith.index_cast %scan3A_449 : i32 to index
        %get3A_451 = arith.constant 0 : index
        %get3A_452 = tpu.vector_load %arg14[%get3A_450, %get3A_451] {strides = array<i32>} : memref<240x64xf32, #tpu.memory_space<vmem>>, vector<1x16xf32>,
        %get3A_453 = vector.shape_cast %get3A_452 : vector<1x16xf32> to vector<16xf32>
        %add3A_454 = arith.constant 80 : i32
        %add3A_455 = arith.addi %add3A_454, %scan3A_449 : i32
        %get3A_456 = arith.index_cast %add3A_455 : i32 to index
        %get3A_457 = arith.constant 0 : index
        %get3A_458 = tpu.vector_load %arg14[%get3A_456, %get3A_457] {strides = array<i32>} : memref<240x64xf32, #tpu.memory_space<vmem>>, vector<1x16xf32>,
        %get3A_459 = vector.shape_cast %get3A_458 : vector<1x16xf32> to vector<16xf32>
        %add3A_460 = arith.addf %get3A_453, %get3A_459 : vector<16xf32>
        %add3A_461 = arith.constant 160 : i32
        %add3A_462 = arith.addi %add3A_461, %scan3A_449 : i32
        %get3A_463 = arith.index_cast %add3A_462 : i32 to index
        %get3A_464 = arith.constant 0 : index
        %get3A_465 = tpu.vector_load %arg14[%get3A_463, %get3A_464] {strides = array<i32>} : memref<240x64xf32, #tpu.memory_space<vmem>>, vector<1x16xf32>,
        %get3A_466 = vector.shape_cast %get3A_465 : vector<1x16xf32> to vector<16xf32>
        %add3A_467 = arith.addf %add3A_460, %get3A_466 : vector<16xf32>
        %max3A_468 = arith.constant 0.000000e+00 : f32
        %max3A_469 = vector.broadcast %max3A_468 : f32 to vector<16xf32>
        %max3A_470 = arith.maximumf %add3A_467, %max3A_469 : vector<16xf32>
        %add3A_471 = arith.constant 80 : i32
        %add3A_472 = arith.addi %add3A_471, %scan3A_449 : i32
        %swap3A_473 = arith.index_cast %add3A_472 : i32 to index
        %swap3A_474 = arith.constant 0 : index
        %swap3A_475 = tpu.vector_load %arg14[%swap3A_473, %swap3A_474] {strides = array<i32>} : memref<240x64xf32, #tpu.memory_space<vmem>>, vector<1x16xf32>,
        %swap3A_476 = vector.shape_cast %swap3A_475 : vector<1x16xf32> to vector<16xf32>
        %swap3A_477 = vector.shape_cast %max3A_470 : vector<16xf32> to vector<1x16xf32>
        tpu.vector_store %arg14[%swap3A_473, %swap3A_474], %swap3A_477 {strides = array<i32>} : memref<240x64xf32, #tpu.memory_space<vmem>>, vector<1x16xf32>,
        %get3A_478 = arith.index_cast %scan3A_449 : i32 to index
        %get3A_479 = arith.constant 16 : index
        %get3A_480 = tpu.vector_load %arg14[%get3A_478, %get3A_479] {strides = array<i32>} : memref<240x64xf32, #tpu.memory_space<vmem>>, vector<1x16xf32>,
        %get3A_481 = vector.shape_cast %get3A_480 : vector<1x16xf32> to vector<16xf32>
        %add3A_482 = arith.constant 80 : i32
        %add3A_483 = arith.addi %add3A_482, %scan3A_449 : i32
        %get3A_484 = arith.index_cast %add3A_483 : i32 to index
        %get3A_485 = arith.constant 16 : index
        %get3A_486 = tpu.vector_load %arg14[%get3A_484, %get3A_485] {strides = array<i32>} : memref<240x64xf32, #tpu.memory_space<vmem>>, vector<1x16xf32>,
        %get3A_487 = vector.shape_cast %get3A_486 : vector<1x16xf32> to vector<16xf32>
        %add3A_488 = arith.addf %get3A_481, %get3A_487 : vector<16xf32>
        %add3A_489 = arith.constant 160 : i32
        %add3A_490 = arith.addi %add3A_489, %scan3A_449 : i32
        %get3A_491 = arith.index_cast %add3A_490 : i32 to index
        %get3A_492 = arith.constant 16 : index
        %get3A_493 = tpu.vector_load %arg14[%get3A_491, %get3A_492] {strides = array<i32>} : memref<240x64xf32, #tpu.memory_space<vmem>>, vector<1x16xf32>,
        %get3A_494 = vector.shape_cast %get3A_493 : vector<1x16xf32> to vector<16xf32>
        %add3A_495 = arith.addf %add3A_488, %get3A_494 : vector<16xf32>
        %max3A_496 = arith.constant 0.000000e+00 : f32
        %max3A_497 = vector.broadcast %max3A_496 : f32 to vector<16xf32>
        %max3A_498 = arith.maximumf %add3A_495, %max3A_497 : vector<16xf32>
        %add3A_499 = arith.constant 80 : i32
        %add3A_500 = arith.addi %add3A_499, %scan3A_449 : i32
        %swap3A_501 = arith.index_cast %add3A_500 : i32 to index
        %swap3A_502 = arith.constant 16 : index
        %swap3A_503 = tpu.vector_load %arg14[%swap3A_501, %swap3A_502] {strides = array<i32>} : memref<240x64xf32, #tpu.memory_space<vmem>>, vector<1x16xf32>,
        %swap3A_504 = vector.shape_cast %swap3A_503 : vector<1x16xf32> to vector<16xf32>
        %swap3A_505 = vector.shape_cast %max3A_498 : vector<16xf32> to vector<1x16xf32>
        tpu.vector_store %arg14[%swap3A_501, %swap3A_502], %swap3A_505 {strides = array<i32>} : memref<240x64xf32, #tpu.memory_space<vmem>>, vector<1x16xf32>,
        %get3A_506 = arith.index_cast %scan3A_449 : i32 to index
        %get3A_507 = arith.constant 32 : index
        %get3A_508 = tpu.vector_load %arg14[%get3A_506, %get3A_507] {strides = array<i32>} : memref<240x64xf32, #tpu.memory_space<vmem>>, vector<1x16xf32>,
        %get3A_509 = vector.shape_cast %get3A_508 : vector<1x16xf32> to vector<16xf32>
        %add3A_510 = arith.constant 80 : i32
        %add3A_511 = arith.addi %add3A_510, %scan3A_449 : i32
        %get3A_512 = arith.index_cast %add3A_511 : i32 to index
        %get3A_513 = arith.constant 32 : index
        %get3A_514 = tpu.vector_load %arg14[%get3A_512, %get3A_513] {strides = array<i32>} : memref<240x64xf32, #tpu.memory_space<vmem>>, vector<1x16xf32>,
        %get3A_515 = vector.shape_cast %get3A_514 : vector<1x16xf32> to vector<16xf32>
        %add3A_516 = arith.addf %get3A_509, %get3A_515 : vector<16xf32>
        %add3A_517 = arith.constant 160 : i32
        %add3A_518 = arith.addi %add3A_517, %scan3A_449 : i32
        %get3A_519 = arith.index_cast %add3A_518 : i32 to index
        %get3A_520 = arith.constant 32 : index
        %get3A_521 = tpu.vector_load %arg14[%get3A_519, %get3A_520] {strides = array<i32>} : memref<240x64xf32, #tpu.memory_space<vmem>>, vector<1x16xf32>,
        %get3A_522 = vector.shape_cast %get3A_521 : vector<1x16xf32> to vector<16xf32>
        %add3A_523 = arith.addf %add3A_516, %get3A_522 : vector<16xf32>
        %max3A_524 = arith.constant 0.000000e+00 : f32
        %max3A_525 = vector.broadcast %max3A_524 : f32 to vector<16xf32>
        %max3A_526 = arith.maximumf %add3A_523, %max3A_525 : vector<16xf32>
        %add3A_527 = arith.constant 80 : i32
        %add3A_528 = arith.addi %add3A_527, %scan3A_449 : i32
        %swap3A_529 = arith.index_cast %add3A_528 : i32 to index
        %swap3A_530 = arith.constant 32 : index
        %swap3A_531 = tpu.vector_load %arg14[%swap3A_529, %swap3A_530] {strides = array<i32>} : memref<240x64xf32, #tpu.memory_space<vmem>>, vector<1x16xf32>,
        %swap3A_532 = vector.shape_cast %swap3A_531 : vector<1x16xf32> to vector<16xf32>
        %swap3A_533 = vector.shape_cast %max3A_526 : vector<16xf32> to vector<1x16xf32>
        tpu.vector_store %arg14[%swap3A_529, %swap3A_530], %swap3A_533 {strides = array<i32>} : memref<240x64xf32, #tpu.memory_space<vmem>>, vector<1x16xf32>,
        %get3A_534 = arith.index_cast %scan3A_449 : i32 to index
        %get3A_535 = arith.constant 48 : index
        %get3A_536 = tpu.vector_load %arg14[%get3A_534, %get3A_535] {strides = array<i32>} : memref<240x64xf32, #tpu.memory_space<vmem>>, vector<1x16xf32>,
        %get3A_537 = vector.shape_cast %get3A_536 : vector<1x16xf32> to vector<16xf32>
        %add3A_538 = arith.constant 80 : i32
        %add3A_539 = arith.addi %add3A_538, %scan3A_449 : i32
        %get3A_540 = arith.index_cast %add3A_539 : i32 to index
        %get3A_541 = arith.constant 48 : index
        %get3A_542 = tpu.vector_load %arg14[%get3A_540, %get3A_541] {strides = array<i32>} : memref<240x64xf32, #tpu.memory_space<vmem>>, vector<1x16xf32>,
        %get3A_543 = vector.shape_cast %get3A_542 : vector<1x16xf32> to vector<16xf32>
        %add3A_544 = arith.addf %get3A_537, %get3A_543 : vector<16xf32>
        %add3A_545 = arith.constant 160 : i32
        %add3A_546 = arith.addi %add3A_545, %scan3A_449 : i32
        %get3A_547 = arith.index_cast %add3A_546 : i32 to index
        %get3A_548 = arith.constant 48 : index
        %get3A_549 = tpu.vector_load %arg14[%get3A_547, %get3A_548] {strides = array<i32>} : memref<240x64xf32, #tpu.memory_space<vmem>>, vector<1x16xf32>,
        %get3A_550 = vector.shape_cast %get3A_549 : vector<1x16xf32> to vector<16xf32>
        %add3A_551 = arith.addf %add3A_544, %get3A_550 : vector<16xf32>
        %max3A_552 = arith.constant 0.000000e+00 : f32
        %max3A_553 = vector.broadcast %max3A_552 : f32 to vector<16xf32>
        %max3A_554 = arith.maximumf %add3A_551, %max3A_553 : vector<16xf32>
        %add3A_555 = arith.constant 80 : i32
        %add3A_556 = arith.addi %add3A_555, %scan3A_449 : i32
        %swap3A_557 = arith.index_cast %add3A_556 : i32 to index
        %swap3A_558 = arith.constant 48 : index
        %swap3A_559 = tpu.vector_load %arg14[%swap3A_557, %swap3A_558] {strides = array<i32>} : memref<240x64xf32, #tpu.memory_space<vmem>>, vector<1x16xf32>,
        %swap3A_560 = vector.shape_cast %swap3A_559 : vector<1x16xf32> to vector<16xf32>
        %swap3A_561 = vector.shape_cast %max3A_554 : vector<16xf32> to vector<1x16xf32>
        tpu.vector_store %arg14[%swap3A_557, %swap3A_558], %swap3A_561 {strides = array<i32>} : memref<240x64xf32, #tpu.memory_space<vmem>>, vector<1x16xf32>,
      }
      %scan3A_316 = arith.constant 80 : i32
      %dma_start3A_317 = arith.constant 80 : i32
      %dma_start3A_318 = arith.constant 0 : i32
      %dma_start3A_319 = tpu.memref_slice %arg14[%dma_start3A_317, %dma_start3A_318] : memref<240x64xf32, #tpu.memory_space<vmem>> -> memref<80x64xf32, #tpu.memory_space<vmem>>
      %dma_start3A_320 = arith.constant 0 : i32
      %dma_start3A_321 = tpu.memref_slice %arg11[%add3A_304, %dma_start3A_320] : memref<125x80xi32, #tpu.memory_space<vmem>> -> memref<1x80xi32, #tpu.memory_space<vmem>>
      %dma_start3A_322 = tpu.memref_squeeze %dma_start3A_321 : memref<1x80xi32, #tpu.memory_space<vmem>> -> memref<80xi32, #tpu.memory_space<vmem>>
      %dma_start3A_323 = arith.constant 0 : i32
      %dma_start3A_324 = arith.constant 0 : i32
      %dma_start3A_325 = tpu.memref_slice %arg15[%dma_start3A_323, %dma_start3A_324] : memref<10000x64xf32, #tpu.memory_space<vmem_shared>> -> memref<10000x64xf32, #tpu.memory_space<vmem_shared>>
      tpu.enqueue_indirect_dma source(%dma_start3A_319 : memref<80x64xf32, #tpu.memory_space<vmem>>) target(%dma_start3A_325 : memref<10000x64xf32, #tpu.memory_space<vmem_shared>>) offsets(%dma_start3A_322 : memref<80xi32, #tpu.memory_space<vmem>>) semaphore(%arg21 : memref<!tpu.dma_semaphore, #tpu.memory_space<semaphore_mem>>) {add = true}
      %ge3A_326 = arith.constant 1 : i32
      %ge3A_327 = arith.cmpi sge, %add3A_304, %ge3A_326 : i32
      %convert_element_type3A_328 = arith.extui %ge3A_327 : i1 to i32
      %cond3A_329 = arith.constant 0 : i32
      %cond3A_330 = arith.cmpi ne, %convert_element_type3A_328, %cond3A_329 : i32
      scf.if %cond3A_330 {
        %dma_wait3A_338 = arith.constant 80 : i32
        %dma_wait3A_339 = arith.constant 0 : i32
        %dma_wait3A_340 = tpu.memref_slice %arg13[%dma_wait3A_338, %dma_wait3A_339] : memref<240x64xf32, #tpu.memory_space<vmem>> -> memref<80x64xf32, #tpu.memory_space<vmem>>
        %dma_wait3A_341 = arith.constant 0 : i32
        %dma_wait3A_342 = tpu.memref_slice %arg11[%add3A_304, %dma_wait3A_341] : memref<125x80xi32, #tpu.memory_space<vmem>> -> memref<1x80xi32, #tpu.memory_space<vmem>>
        %dma_wait3A_343 = tpu.memref_squeeze %dma_wait3A_342 : memref<1x80xi32, #tpu.memory_space<vmem>> -> memref<80xi32, #tpu.memory_space<vmem>>
        %dma_wait3A_344 = arith.constant 0 : i32
        %dma_wait3A_345 = arith.constant 0 : i32
        %dma_wait3A_346 = tpu.memref_slice %arg15[%dma_wait3A_344, %dma_wait3A_345] : memref<10000x64xf32, #tpu.memory_space<vmem_shared>> -> memref<10000x64xf32, #tpu.memory_space<vmem_shared>>
        tpu.wait_indirect_dma semaphore(%arg20 : memref<!tpu.dma_semaphore, #tpu.memory_space<semaphore_mem>>) src(%dma_wait3A_340 : memref<80x64xf32, #tpu.memory_space<vmem>>) dst(%dma_wait3A_346 : memref<10000x64xf32, #tpu.memory_space<vmem_shared>>)
      } else {
      }
      %add3A_331 = arith.constant 2 : i32
      %add3A_332 = arith.addi %add3A_304, %add3A_331 : i32
      %lt3A_333 = arith.constant 125 : i32
      %lt3A_334 = arith.cmpi slt, %add3A_332, %lt3A_333 : i32
      %convert_element_type3A_335 = arith.extui %lt3A_334 : i1 to i32
      %cond3A_336 = arith.constant 0 : i32
      %cond3A_337 = arith.cmpi ne, %convert_element_type3A_335, %cond3A_336 : i32
      scf.if %cond3A_337 {
        %add3A_338 = arith.constant 2 : i32
        %add3A_339 = arith.addi %add3A_304, %add3A_338 : i32
        %mul3A_340 = arith.constant 80 : i32
        %mul3A_341 = arith.muli %add3A_339, %mul3A_340 : i32
        %add3A_342 = arith.addi %add3A_116, %mul3A_341 : i32
        %dma_start3A_343 = arith.constant 0 : i32
        %dma_start3A_344 = arith.constant 0 : i32
        %dma_start3A_345 = tpu.memref_slice %arg13[%dma_start3A_343, %dma_start3A_344] : memref<240x64xf32, #tpu.memory_space<vmem>> -> memref<80x64xf32, #tpu.memory_space<vmem>>
        %dma_start3A_346 = tpu.memref_slice %arg3[%add3A_342, %mul3A_6] : memref<320000x128xf32, #tpu.memory_space<hbm>> -> memref<80x64xf32, #tpu.memory_space<hbm>>
        %dma_start3A_347 = arith.constant 0 : i32
        %dma_start3A_348 = arith.constant 0 : i32
        %dma_start3A_349 = tpu.memref_slice %arg13[%dma_start3A_347, %dma_start3A_348] : memref<240x64xf32, #tpu.memory_space<vmem>> -> memref<80x64xf32, #tpu.memory_space<vmem>>
        %dma_start3A_350 = tpu.memref_slice %arg3[%add3A_342, %mul3A_6] : memref<320000x128xf32, #tpu.memory_space<hbm>> -> memref<80x64xf32, #tpu.memory_space<hbm>>
        tpu.enqueue_dma source(%dma_start3A_350 : memref<80x64xf32, #tpu.memory_space<hbm>>) target(%dma_start3A_349 : memref<80x64xf32, #tpu.memory_space<vmem>>) target_semaphore(%arg17 : memref<!tpu.dma_semaphore, #tpu.memory_space<semaphore_mem>>)
        %dma_start3A_351 = arith.constant 80 : i32
        %dma_start3A_352 = arith.constant 0 : i32
        %dma_start3A_353 = tpu.memref_slice %arg13[%dma_start3A_351, %dma_start3A_352] : memref<240x64xf32, #tpu.memory_space<vmem>> -> memref<80x64xf32, #tpu.memory_space<vmem>>
        %dma_start3A_354 = arith.constant 0 : i32
        %dma_start3A_355 = tpu.memref_slice %arg9[%add3A_339, %dma_start3A_354] : memref<125x80xi32, #tpu.memory_space<vmem>> -> memref<1x80xi32, #tpu.memory_space<vmem>>
        %dma_start3A_356 = tpu.memref_squeeze %dma_start3A_355 : memref<1x80xi32, #tpu.memory_space<vmem>> -> memref<80xi32, #tpu.memory_space<vmem>>
        %dma_start3A_357 = arith.constant 0 : i32
        %dma_start3A_358 = arith.constant 0 : i32
        %dma_start3A_359 = tpu.memref_slice %arg2[%dma_start3A_357, %dma_start3A_358] : memref<40000x64xf32, #tpu.memory_space<hbm>> -> memref<40000x64xf32, #tpu.memory_space<hbm>>
        tpu.enqueue_indirect_dma source(%dma_start3A_359 : memref<40000x64xf32, #tpu.memory_space<hbm>>) target(%dma_start3A_353 : memref<80x64xf32, #tpu.memory_space<vmem>>) offsets(%dma_start3A_356 : memref<80xi32, #tpu.memory_space<vmem>>) semaphore(%arg17 : memref<!tpu.dma_semaphore, #tpu.memory_space<semaphore_mem>>)
        %dma_start3A_360 = arith.constant 160 : i32
        %dma_start3A_361 = arith.constant 0 : i32
        %dma_start3A_362 = tpu.memref_slice %arg13[%dma_start3A_360, %dma_start3A_361] : memref<240x64xf32, #tpu.memory_space<vmem>> -> memref<80x64xf32, #tpu.memory_space<vmem>>
        %dma_start3A_363 = arith.constant 0 : i32
        %dma_start3A_364 = tpu.memref_slice %arg10[%add3A_339, %dma_start3A_363] : memref<125x80xi32, #tpu.memory_space<vmem>> -> memref<1x80xi32, #tpu.memory_space<vmem>>
        %dma_start3A_365 = tpu.memref_squeeze %dma_start3A_364 : memref<1x80xi32, #tpu.memory_space<vmem>> -> memref<80xi32, #tpu.memory_space<vmem>>
        %dma_start3A_366 = arith.constant 0 : i32
        %dma_start3A_367 = arith.constant 0 : i32
        %dma_start3A_368 = tpu.memref_slice %arg2[%dma_start3A_366, %dma_start3A_367] : memref<40000x64xf32, #tpu.memory_space<hbm>> -> memref<40000x64xf32, #tpu.memory_space<hbm>>
        tpu.enqueue_indirect_dma source(%dma_start3A_368 : memref<40000x64xf32, #tpu.memory_space<hbm>>) target(%dma_start3A_362 : memref<80x64xf32, #tpu.memory_space<vmem>>) offsets(%dma_start3A_365 : memref<80xi32, #tpu.memory_space<vmem>>) semaphore(%arg17 : memref<!tpu.dma_semaphore, #tpu.memory_space<semaphore_mem>>)
      } else {
      }
    }
    %scan3A_181 = arith.constant 41 : i32
    %dma_wait3A_182 = arith.constant 0 : i32
    %dma_wait3A_183 = arith.constant 0 : i32
    %dma_wait3A_184 = tpu.memref_slice %arg2[%dma_wait3A_182, %dma_wait3A_183] : memref<40000x64xf32, #tpu.memory_space<hbm>> -> memref<240x64xf32, #tpu.memory_space<hbm>>
    %dma_wait3A_185 = arith.constant 0 : i32
    %dma_wait3A_186 = arith.constant 0 : i32
    %dma_wait3A_187 = tpu.memref_slice %arg2[%dma_wait3A_185, %dma_wait3A_186] : memref<40000x64xf32, #tpu.memory_space<hbm>> -> memref<240x64xf32, #tpu.memory_space<hbm>>
    tpu.wait_dma2 semaphore(%arg16 : memref<!tpu.dma_semaphore, #tpu.memory_space<semaphore_mem>>) src(%dma_wait3A_187 : memref<240x64xf32, #tpu.memory_space<hbm>>) dst(%arg12 : memref<240x64xf32, #tpu.memory_space<vmem>>)
    %scan3A_188 = arith.constant 0 : i32
    %scan3A_189 = arith.constant 0 : i32
    %scan3A_190 = arith.constant 80 : i32
    %scan3A_191 = arith.addi %scan3A_189, %scan3A_190 : i32
    %scan3A_192 = arith.constant 2 : i32
    scf.for %scan3A_229 = %scan3A_189 to %scan3A_191 step %scan3A_192  : i32 {
      %get3A = arith.index_cast %scan3A_229 : i32 to index
      %get3A_230 = arith.constant 0 : index
      %get3A_231 = tpu.vector_load %arg12[%get3A, %get3A_230] {strides = array<i32>} : memref<240x64xf32, #tpu.memory_space<vmem>>, vector<1x16xf32>,
      %get3A_232 = vector.shape_cast %get3A_231 : vector<1x16xf32> to vector<16xf32>
      %add3A_233 = arith.constant 80 : i32
      %add3A_234 = arith.addi %add3A_233, %scan3A_229 : i32
      %get3A_235 = arith.index_cast %add3A_234 : i32 to index
      %get3A_236 = arith.constant 0 : index
      %get3A_237 = tpu.vector_load %arg12[%get3A_235, %get3A_236] {strides = array<i32>} : memref<240x64xf32, #tpu.memory_space<vmem>>, vector<1x16xf32>,
      %get3A_238 = vector.shape_cast %get3A_237 : vector<1x16xf32> to vector<16xf32>
      %add3A_239 = arith.addf %get3A_232, %get3A_238 : vector<16xf32>
      %add3A_240 = arith.constant 160 : i32
      %add3A_241 = arith.addi %add3A_240, %scan3A_229 : i32
      %get3A_242 = arith.index_cast %add3A_241 : i32 to index
      %get3A_243 = arith.constant 0 : index
      %get3A_244 = tpu.vector_load %arg12[%get3A_242, %get3A_243] {strides = array<i32>} : memref<240x64xf32, #tpu.memory_space<vmem>>, vector<1x16xf32>,
      %get3A_245 = vector.shape_cast %get3A_244 : vector<1x16xf32> to vector<16xf32>
      %add3A_246 = arith.addf %add3A_239, %get3A_245 : vector<16xf32>
      %max3A = arith.constant 0.000000e+00 : f32
      %max3A_247 = vector.broadcast %max3A : f32 to vector<16xf32>
      %max3A_248 = arith.maximumf %add3A_246, %max3A_247 : vector<16xf32>
      %add3A_249 = arith.constant 80 : i32
      %add3A_250 = arith.addi %add3A_249, %scan3A_229 : i32
      %swap3A = arith.index_cast %add3A_250 : i32 to index
      %swap3A_251 = arith.constant 0 : index
      %swap3A_252 = tpu.vector_load %arg12[%swap3A, %swap3A_251] {strides = array<i32>} : memref<240x64xf32, #tpu.memory_space<vmem>>, vector<1x16xf32>,
      %swap3A_253 = vector.shape_cast %swap3A_252 : vector<1x16xf32> to vector<16xf32>
      %swap3A_254 = vector.shape_cast %max3A_248 : vector<16xf32> to vector<1x16xf32>
      tpu.vector_store %arg12[%swap3A, %swap3A_251], %swap3A_254 {strides = array<i32>} : memref<240x64xf32, #tpu.memory_space<vmem>>, vector<1x16xf32>,
      %get3A_255 = arith.index_cast %scan3A_229 : i32 to index
      %get3A_256 = arith.constant 16 : index
      %get3A_257 = tpu.vector_load %arg12[%get3A_255, %get3A_256] {strides = array<i32>} : memref<240x64xf32, #tpu.memory_space<vmem>>, vector<1x16xf32>,
      %get3A_258 = vector.shape_cast %get3A_257 : vector<1x16xf32> to vector<16xf32>
      %add3A_259 = arith.constant 80 : i32
      %add3A_260 = arith.addi %add3A_259, %scan3A_229 : i32
      %get3A_261 = arith.index_cast %add3A_260 : i32 to index
      %get3A_262 = arith.constant 16 : index
      %get3A_263 = tpu.vector_load %arg12[%get3A_261, %get3A_262] {strides = array<i32>} : memref<240x64xf32, #tpu.memory_space<vmem>>, vector<1x16xf32>,
      %get3A_264 = vector.shape_cast %get3A_263 : vector<1x16xf32> to vector<16xf32>
      %add3A_265 = arith.addf %get3A_258, %get3A_264 : vector<16xf32>
      %add3A_266 = arith.constant 160 : i32
      %add3A_267 = arith.addi %add3A_266, %scan3A_229 : i32
      %get3A_268 = arith.index_cast %add3A_267 : i32 to index
      %get3A_269 = arith.constant 16 : index
      %get3A_270 = tpu.vector_load %arg12[%get3A_268, %get3A_269] {strides = array<i32>} : memref<240x64xf32, #tpu.memory_space<vmem>>, vector<1x16xf32>,
      %get3A_271 = vector.shape_cast %get3A_270 : vector<1x16xf32> to vector<16xf32>
      %add3A_272 = arith.addf %add3A_265, %get3A_271 : vector<16xf32>
      %max3A_273 = arith.constant 0.000000e+00 : f32
      %max3A_274 = vector.broadcast %max3A_273 : f32 to vector<16xf32>
      %max3A_275 = arith.maximumf %add3A_272, %max3A_274 : vector<16xf32>
      %add3A_276 = arith.constant 80 : i32
      %add3A_277 = arith.addi %add3A_276, %scan3A_229 : i32
      %swap3A_278 = arith.index_cast %add3A_277 : i32 to index
      %swap3A_279 = arith.constant 16 : index
      %swap3A_280 = tpu.vector_load %arg12[%swap3A_278, %swap3A_279] {strides = array<i32>} : memref<240x64xf32, #tpu.memory_space<vmem>>, vector<1x16xf32>,
      %swap3A_281 = vector.shape_cast %swap3A_280 : vector<1x16xf32> to vector<16xf32>
      %swap3A_282 = vector.shape_cast %max3A_275 : vector<16xf32> to vector<1x16xf32>
      tpu.vector_store %arg12[%swap3A_278, %swap3A_279], %swap3A_282 {strides = array<i32>} : memref<240x64xf32, #tpu.memory_space<vmem>>, vector<1x16xf32>,
      %get3A_283 = arith.index_cast %scan3A_229 : i32 to index
      %get3A_284 = arith.constant 32 : index
      %get3A_285 = tpu.vector_load %arg12[%get3A_283, %get3A_284] {strides = array<i32>} : memref<240x64xf32, #tpu.memory_space<vmem>>, vector<1x16xf32>,
      %get3A_286 = vector.shape_cast %get3A_285 : vector<1x16xf32> to vector<16xf32>
      %add3A_287 = arith.constant 80 : i32
      %add3A_288 = arith.addi %add3A_287, %scan3A_229 : i32
      %get3A_289 = arith.index_cast %add3A_288 : i32 to index
      %get3A_290 = arith.constant 32 : index
      %get3A_291 = tpu.vector_load %arg12[%get3A_289, %get3A_290] {strides = array<i32>} : memref<240x64xf32, #tpu.memory_space<vmem>>, vector<1x16xf32>,
      %get3A_292 = vector.shape_cast %get3A_291 : vector<1x16xf32> to vector<16xf32>
      %add3A_293 = arith.addf %get3A_286, %get3A_292 : vector<16xf32>
      %add3A_294 = arith.constant 160 : i32
      %add3A_295 = arith.addi %add3A_294, %scan3A_229 : i32
      %get3A_296 = arith.index_cast %add3A_295 : i32 to index
      %get3A_297 = arith.constant 32 : index
      %get3A_298 = tpu.vector_load %arg12[%get3A_296, %get3A_297] {strides = array<i32>} : memref<240x64xf32, #tpu.memory_space<vmem>>, vector<1x16xf32>,
      %get3A_299 = vector.shape_cast %get3A_298 : vector<1x16xf32> to vector<16xf32>
      %add3A_300 = arith.addf %add3A_293, %get3A_299 : vector<16xf32>
      %max3A_301 = arith.constant 0.000000e+00 : f32
      %max3A_302 = vector.broadcast %max3A_301 : f32 to vector<16xf32>
      %max3A_303 = arith.maximumf %add3A_300, %max3A_302 : vector<16xf32>
      %add3A_304 = arith.constant 80 : i32
      %add3A_305 = arith.addi %add3A_304, %scan3A_229 : i32
      %swap3A_306 = arith.index_cast %add3A_305 : i32 to index
      %swap3A_307 = arith.constant 32 : index
      %swap3A_308 = tpu.vector_load %arg12[%swap3A_306, %swap3A_307] {strides = array<i32>} : memref<240x64xf32, #tpu.memory_space<vmem>>, vector<1x16xf32>,
      %swap3A_309 = vector.shape_cast %swap3A_308 : vector<1x16xf32> to vector<16xf32>
      %swap3A_310 = vector.shape_cast %max3A_303 : vector<16xf32> to vector<1x16xf32>
      tpu.vector_store %arg12[%swap3A_306, %swap3A_307], %swap3A_310 {strides = array<i32>} : memref<240x64xf32, #tpu.memory_space<vmem>>, vector<1x16xf32>,
      %get3A_311 = arith.index_cast %scan3A_229 : i32 to index
      %get3A_312 = arith.constant 48 : index
      %get3A_313 = tpu.vector_load %arg12[%get3A_311, %get3A_312] {strides = array<i32>} : memref<240x64xf32, #tpu.memory_space<vmem>>, vector<1x16xf32>,
      %get3A_314 = vector.shape_cast %get3A_313 : vector<1x16xf32> to vector<16xf32>
      %add3A_315 = arith.constant 80 : i32
      %add3A_316 = arith.addi %add3A_315, %scan3A_229 : i32
      %get3A_317 = arith.index_cast %add3A_316 : i32 to index
      %get3A_318 = arith.constant 48 : index
      %get3A_319 = tpu.vector_load %arg12[%get3A_317, %get3A_318] {strides = array<i32>} : memref<240x64xf32, #tpu.memory_space<vmem>>, vector<1x16xf32>,
      %get3A_320 = vector.shape_cast %get3A_319 : vector<1x16xf32> to vector<16xf32>
      %add3A_321 = arith.addf %get3A_314, %get3A_320 : vector<16xf32>
      %add3A_322 = arith.constant 160 : i32
      %add3A_323 = arith.addi %add3A_322, %scan3A_229 : i32
      %get3A_324 = arith.index_cast %add3A_323 : i32 to index
      %get3A_325 = arith.constant 48 : index
      %get3A_326 = tpu.vector_load %arg12[%get3A_324, %get3A_325] {strides = array<i32>} : memref<240x64xf32, #tpu.memory_space<vmem>>, vector<1x16xf32>,
      %get3A_327 = vector.shape_cast %get3A_326 : vector<1x16xf32> to vector<16xf32>
      %add3A_328 = arith.addf %add3A_321, %get3A_327 : vector<16xf32>
      %max3A_329 = arith.constant 0.000000e+00 : f32
      %max3A_330 = vector.broadcast %max3A_329 : f32 to vector<16xf32>
      %max3A_331 = arith.maximumf %add3A_328, %max3A_330 : vector<16xf32>
      %add3A_332 = arith.constant 80 : i32
      %add3A_333 = arith.addi %add3A_332, %scan3A_229 : i32
      %swap3A_334 = arith.index_cast %add3A_333 : i32 to index
      %swap3A_335 = arith.constant 48 : index
      %swap3A_336 = tpu.vector_load %arg12[%swap3A_334, %swap3A_335] {strides = array<i32>} : memref<240x64xf32, #tpu.memory_space<vmem>>, vector<1x16xf32>,
      %swap3A_337 = vector.shape_cast %swap3A_336 : vector<1x16xf32> to vector<16xf32>
      %swap3A_338 = vector.shape_cast %max3A_331 : vector<16xf32> to vector<1x16xf32>
      tpu.vector_store %arg12[%swap3A_334, %swap3A_335], %swap3A_338 {strides = array<i32>} : memref<240x64xf32, #tpu.memory_space<vmem>>, vector<1x16xf32>,
      %scan3A_339 = arith.constant 1 : i32
      %scan3A_340 = arith.addi %scan3A_229, %scan3A_339 : i32
      %get3A_341 = arith.index_cast %scan3A_340 : i32 to index
      %get3A_342 = arith.constant 0 : index
      %get3A_343 = tpu.vector_load %arg12[%get3A_341, %get3A_342] {strides = array<i32>} : memref<240x64xf32, #tpu.memory_space<vmem>>, vector<1x16xf32>,
      %get3A_344 = vector.shape_cast %get3A_343 : vector<1x16xf32> to vector<16xf32>
      %add3A_345 = arith.constant 80 : i32
      %add3A_346 = arith.addi %add3A_345, %scan3A_340 : i32
      %get3A_347 = arith.index_cast %add3A_346 : i32 to index
      %get3A_348 = arith.constant 0 : index
      %get3A_349 = tpu.vector_load %arg12[%get3A_347, %get3A_348] {strides = array<i32>} : memref<240x64xf32, #tpu.memory_space<vmem>>, vector<1x16xf32>,
      %get3A_350 = vector.shape_cast %get3A_349 : vector<1x16xf32> to vector<16xf32>
      %add3A_351 = arith.addf %get3A_344, %get3A_350 : vector<16xf32>
      %add3A_352 = arith.constant 160 : i32
      %add3A_353 = arith.addi %add3A_352, %scan3A_340 : i32
      %get3A_354 = arith.index_cast %add3A_353 : i32 to index
      %get3A_355 = arith.constant 0 : index
      %get3A_356 = tpu.vector_load %arg12[%get3A_354, %get3A_355] {strides = array<i32>} : memref<240x64xf32, #tpu.memory_space<vmem>>, vector<1x16xf32>,
      %get3A_357 = vector.shape_cast %get3A_356 : vector<1x16xf32> to vector<16xf32>
      %add3A_358 = arith.addf %add3A_351, %get3A_357 : vector<16xf32>
      %max3A_359 = arith.constant 0.000000e+00 : f32
      %max3A_360 = vector.broadcast %max3A_359 : f32 to vector<16xf32>
      %max3A_361 = arith.maximumf %add3A_358, %max3A_360 : vector<16xf32>
      %add3A_362 = arith.constant 80 : i32
      %add3A_363 = arith.addi %add3A_362, %scan3A_340 : i32
      %swap3A_364 = arith.index_cast %add3A_363 : i32 to index
      %swap3A_365 = arith.constant 0 : index
      %swap3A_366 = tpu.vector_load %arg12[%swap3A_364, %swap3A_365] {strides = array<i32>} : memref<240x64xf32, #tpu.memory_space<vmem>>, vector<1x16xf32>,
      %swap3A_367 = vector.shape_cast %swap3A_366 : vector<1x16xf32> to vector<16xf32>
      %swap3A_368 = vector.shape_cast %max3A_361 : vector<16xf32> to vector<1x16xf32>
      tpu.vector_store %arg12[%swap3A_364, %swap3A_365], %swap3A_368 {strides = array<i32>} : memref<240x64xf32, #tpu.memory_space<vmem>>, vector<1x16xf32>,
      %get3A_369 = arith.index_cast %scan3A_340 : i32 to index
      %get3A_370 = arith.constant 16 : index
      %get3A_371 = tpu.vector_load %arg12[%get3A_369, %get3A_370] {strides = array<i32>} : memref<240x64xf32, #tpu.memory_space<vmem>>, vector<1x16xf32>,
      %get3A_372 = vector.shape_cast %get3A_371 : vector<1x16xf32> to vector<16xf32>
      %add3A_373 = arith.constant 80 : i32
      %add3A_374 = arith.addi %add3A_373, %scan3A_340 : i32
      %get3A_375 = arith.index_cast %add3A_374 : i32 to index
      %get3A_376 = arith.constant 16 : index
      %get3A_377 = tpu.vector_load %arg12[%get3A_375, %get3A_376] {strides = array<i32>} : memref<240x64xf32, #tpu.memory_space<vmem>>, vector<1x16xf32>,
      %get3A_378 = vector.shape_cast %get3A_377 : vector<1x16xf32> to vector<16xf32>
      %add3A_379 = arith.addf %get3A_372, %get3A_378 : vector<16xf32>
      %add3A_380 = arith.constant 160 : i32
      %add3A_381 = arith.addi %add3A_380, %scan3A_340 : i32
      %get3A_382 = arith.index_cast %add3A_381 : i32 to index
      %get3A_383 = arith.constant 16 : index
      %get3A_384 = tpu.vector_load %arg12[%get3A_382, %get3A_383] {strides = array<i32>} : memref<240x64xf32, #tpu.memory_space<vmem>>, vector<1x16xf32>,
      %get3A_385 = vector.shape_cast %get3A_384 : vector<1x16xf32> to vector<16xf32>
      %add3A_386 = arith.addf %add3A_379, %get3A_385 : vector<16xf32>
      %max3A_387 = arith.constant 0.000000e+00 : f32
      %max3A_388 = vector.broadcast %max3A_387 : f32 to vector<16xf32>
      %max3A_389 = arith.maximumf %add3A_386, %max3A_388 : vector<16xf32>
      %add3A_390 = arith.constant 80 : i32
      %add3A_391 = arith.addi %add3A_390, %scan3A_340 : i32
      %swap3A_392 = arith.index_cast %add3A_391 : i32 to index
      %swap3A_393 = arith.constant 16 : index
      %swap3A_394 = tpu.vector_load %arg12[%swap3A_392, %swap3A_393] {strides = array<i32>} : memref<240x64xf32, #tpu.memory_space<vmem>>, vector<1x16xf32>,
      %swap3A_395 = vector.shape_cast %swap3A_394 : vector<1x16xf32> to vector<16xf32>
      %swap3A_396 = vector.shape_cast %max3A_389 : vector<16xf32> to vector<1x16xf32>
      tpu.vector_store %arg12[%swap3A_392, %swap3A_393], %swap3A_396 {strides = array<i32>} : memref<240x64xf32, #tpu.memory_space<vmem>>, vector<1x16xf32>,
      %get3A_397 = arith.index_cast %scan3A_340 : i32 to index
      %get3A_398 = arith.constant 32 : index
      %get3A_399 = tpu.vector_load %arg12[%get3A_397, %get3A_398] {strides = array<i32>} : memref<240x64xf32, #tpu.memory_space<vmem>>, vector<1x16xf32>,
      %get3A_400 = vector.shape_cast %get3A_399 : vector<1x16xf32> to vector<16xf32>
      %add3A_401 = arith.constant 80 : i32
      %add3A_402 = arith.addi %add3A_401, %scan3A_340 : i32
      %get3A_403 = arith.index_cast %add3A_402 : i32 to index
      %get3A_404 = arith.constant 32 : index
      %get3A_405 = tpu.vector_load %arg12[%get3A_403, %get3A_404] {strides = array<i32>} : memref<240x64xf32, #tpu.memory_space<vmem>>, vector<1x16xf32>,
      %get3A_406 = vector.shape_cast %get3A_405 : vector<1x16xf32> to vector<16xf32>
      %add3A_407 = arith.addf %get3A_400, %get3A_406 : vector<16xf32>
      %add3A_408 = arith.constant 160 : i32
      %add3A_409 = arith.addi %add3A_408, %scan3A_340 : i32
      %get3A_410 = arith.index_cast %add3A_409 : i32 to index
      %get3A_411 = arith.constant 32 : index
      %get3A_412 = tpu.vector_load %arg12[%get3A_410, %get3A_411] {strides = array<i32>} : memref<240x64xf32, #tpu.memory_space<vmem>>, vector<1x16xf32>,
      %get3A_413 = vector.shape_cast %get3A_412 : vector<1x16xf32> to vector<16xf32>
      %add3A_414 = arith.addf %add3A_407, %get3A_413 : vector<16xf32>
      %max3A_415 = arith.constant 0.000000e+00 : f32
      %max3A_416 = vector.broadcast %max3A_415 : f32 to vector<16xf32>
      %max3A_417 = arith.maximumf %add3A_414, %max3A_416 : vector<16xf32>
      %add3A_418 = arith.constant 80 : i32
      %add3A_419 = arith.addi %add3A_418, %scan3A_340 : i32
      %swap3A_420 = arith.index_cast %add3A_419 : i32 to index
      %swap3A_421 = arith.constant 32 : index
      %swap3A_422 = tpu.vector_load %arg12[%swap3A_420, %swap3A_421] {strides = array<i32>} : memref<240x64xf32, #tpu.memory_space<vmem>>, vector<1x16xf32>,
      %swap3A_423 = vector.shape_cast %swap3A_422 : vector<1x16xf32> to vector<16xf32>
      %swap3A_424 = vector.shape_cast %max3A_417 : vector<16xf32> to vector<1x16xf32>
      tpu.vector_store %arg12[%swap3A_420, %swap3A_421], %swap3A_424 {strides = array<i32>} : memref<240x64xf32, #tpu.memory_space<vmem>>, vector<1x16xf32>,
      %get3A_425 = arith.index_cast %scan3A_340 : i32 to index
      %get3A_426 = arith.constant 48 : index
      %get3A_427 = tpu.vector_load %arg12[%get3A_425, %get3A_426] {strides = array<i32>} : memref<240x64xf32, #tpu.memory_space<vmem>>, vector<1x16xf32>,
      %get3A_428 = vector.shape_cast %get3A_427 : vector<1x16xf32> to vector<16xf32>
      %add3A_429 = arith.constant 80 : i32
      %add3A_430 = arith.addi %add3A_429, %scan3A_340 : i32
      %get3A_431 = arith.index_cast %add3A_430 : i32 to index
      %get3A_432 = arith.constant 48 : index
      %get3A_433 = tpu.vector_load %arg12[%get3A_431, %get3A_432] {strides = array<i32>} : memref<240x64xf32, #tpu.memory_space<vmem>>, vector<1x16xf32>,
      %get3A_434 = vector.shape_cast %get3A_433 : vector<1x16xf32> to vector<16xf32>
      %add3A_435 = arith.addf %get3A_428, %get3A_434 : vector<16xf32>
      %add3A_436 = arith.constant 160 : i32
      %add3A_437 = arith.addi %add3A_436, %scan3A_340 : i32
      %get3A_438 = arith.index_cast %add3A_437 : i32 to index
      %get3A_439 = arith.constant 48 : index
      %get3A_440 = tpu.vector_load %arg12[%get3A_438, %get3A_439] {strides = array<i32>} : memref<240x64xf32, #tpu.memory_space<vmem>>, vector<1x16xf32>,
      %get3A_441 = vector.shape_cast %get3A_440 : vector<1x16xf32> to vector<16xf32>
      %add3A_442 = arith.addf %add3A_435, %get3A_441 : vector<16xf32>
      %max3A_443 = arith.constant 0.000000e+00 : f32
      %max3A_444 = vector.broadcast %max3A_443 : f32 to vector<16xf32>
      %max3A_445 = arith.maximumf %add3A_442, %max3A_444 : vector<16xf32>
      %add3A_446 = arith.constant 80 : i32
      %add3A_447 = arith.addi %add3A_446, %scan3A_340 : i32
      %swap3A_448 = arith.index_cast %add3A_447 : i32 to index
      %swap3A_449 = arith.constant 48 : index
      %swap3A_450 = tpu.vector_load %arg12[%swap3A_448, %swap3A_449] {strides = array<i32>} : memref<240x64xf32, #tpu.memory_space<vmem>>, vector<1x16xf32>,
      %swap3A_451 = vector.shape_cast %swap3A_450 : vector<1x16xf32> to vector<16xf32>
      %swap3A_452 = vector.shape_cast %max3A_445 : vector<16xf32> to vector<1x16xf32>
      tpu.vector_store %arg12[%swap3A_448, %swap3A_449], %swap3A_452 {strides = array<i32>} : memref<240x64xf32, #tpu.memory_space<vmem>>, vector<1x16xf32>,
    }
    %scan3A_193 = arith.constant 80 : i32
    %run_scoped3A_194 = arith.constant 123 : i32
    "tpu.region"() ({
      %run_scoped3A_229 = tpu.sem_alloc : memref<!tpu.dma_semaphore, #tpu.memory_space<semaphore_mem>>
      %dma_start3A_230 = arith.constant 80 : i32
      %dma_start3A_231 = arith.constant 0 : i32
      %dma_start3A_232 = tpu.memref_slice %arg12[%dma_start3A_230, %dma_start3A_231] : memref<240x64xf32, #tpu.memory_space<vmem>> -> memref<80x64xf32, #tpu.memory_space<vmem>>
      %dma_start3A_233 = arith.constant 0 : i32
      %dma_start3A_234 = tpu.memref_slice %arg11[%run_scoped3A_194, %dma_start3A_233] : memref<125x80xi32, #tpu.memory_space<vmem>> -> memref<1x80xi32, #tpu.memory_space<vmem>>
      %dma_start3A_235 = tpu.memref_squeeze %dma_start3A_234 : memref<1x80xi32, #tpu.memory_space<vmem>> -> memref<80xi32, #tpu.memory_space<vmem>>
      %dma_start3A_236 = arith.constant 0 : i32
      %dma_start3A_237 = arith.constant 0 : i32
      %dma_start3A_238 = tpu.memref_slice %arg15[%dma_start3A_236, %dma_start3A_237] : memref<10000x64xf32, #tpu.memory_space<vmem_shared>> -> memref<10000x64xf32, #tpu.memory_space<vmem_shared>>
      tpu.enqueue_indirect_dma source(%dma_start3A_232 : memref<80x64xf32, #tpu.memory_space<vmem>>) target(%dma_start3A_238 : memref<10000x64xf32, #tpu.memory_space<vmem_shared>>) offsets(%dma_start3A_235 : memref<80xi32, #tpu.memory_space<vmem>>) semaphore(%run_scoped3A_229 : memref<!tpu.dma_semaphore, #tpu.memory_space<semaphore_mem>>) {add = true}
      %dma_wait3A_239 = arith.constant 80 : i32
      %dma_wait3A_240 = arith.constant 0 : i32
      %dma_wait3A_241 = tpu.memref_slice %arg12[%dma_wait3A_239, %dma_wait3A_240] : memref<240x64xf32, #tpu.memory_space<vmem>> -> memref<80x64xf32, #tpu.memory_space<vmem>>
      %dma_wait3A_242 = arith.constant 0 : i32
      %dma_wait3A_243 = tpu.memref_slice %arg11[%run_scoped3A_194, %dma_wait3A_242] : memref<125x80xi32, #tpu.memory_space<vmem>> -> memref<1x80xi32, #tpu.memory_space<vmem>>
      %dma_wait3A_244 = tpu.memref_squeeze %dma_wait3A_243 : memref<1x80xi32, #tpu.memory_space<vmem>> -> memref<80xi32, #tpu.memory_space<vmem>>
      %dma_wait3A_245 = arith.constant 0 : i32
      %dma_wait3A_246 = arith.constant 0 : i32
      %dma_wait3A_247 = tpu.memref_slice %arg15[%dma_wait3A_245, %dma_wait3A_246] : memref<10000x64xf32, #tpu.memory_space<vmem_shared>> -> memref<10000x64xf32, #tpu.memory_space<vmem_shared>>
      tpu.wait_indirect_dma semaphore(%run_scoped3A_229 : memref<!tpu.dma_semaphore, #tpu.memory_space<semaphore_mem>>) src(%dma_wait3A_241 : memref<80x64xf32, #tpu.memory_space<vmem>>) dst(%dma_wait3A_247 : memref<10000x64xf32, #tpu.memory_space<vmem_shared>>)
      tpu.yield
    }) : () -> ()
    %dma_wait3A_195 = arith.constant 0 : i32
    %dma_wait3A_196 = arith.constant 0 : i32
    %dma_wait3A_197 = tpu.memref_slice %arg2[%dma_wait3A_195, %dma_wait3A_196] : memref<40000x64xf32, #tpu.memory_space<hbm>> -> memref<240x64xf32, #tpu.memory_space<hbm>>
    %dma_wait3A_198 = arith.constant 0 : i32
    %dma_wait3A_199 = arith.constant 0 : i32
    %dma_wait3A_200 = tpu.memref_slice %arg2[%dma_wait3A_198, %dma_wait3A_199] : memref<40000x64xf32, #tpu.memory_space<hbm>> -> memref<240x64xf32, #tpu.memory_space<hbm>>
    tpu.wait_dma2 semaphore(%arg17 : memref<!tpu.dma_semaphore, #tpu.memory_space<semaphore_mem>>) src(%dma_wait3A_200 : memref<240x64xf32, #tpu.memory_space<hbm>>) dst(%arg13 : memref<240x64xf32, #tpu.memory_space<vmem>>)
    %scan3A_201 = arith.constant 0 : i32
    %scan3A_202 = arith.constant 0 : i32
    %scan3A_203 = arith.constant 80 : i32
    %scan3A_204 = arith.addi %scan3A_202, %scan3A_203 : i32
    %scan3A_205 = arith.constant 2 : i32
    scf.for %scan3A_229 = %scan3A_202 to %scan3A_204 step %scan3A_205  : i32 {
      %get3A = arith.index_cast %scan3A_229 : i32 to index
      %get3A_230 = arith.constant 0 : index
      %get3A_231 = tpu.vector_load %arg13[%get3A, %get3A_230] {strides = array<i32>} : memref<240x64xf32, #tpu.memory_space<vmem>>, vector<1x16xf32>,
      %get3A_232 = vector.shape_cast %get3A_231 : vector<1x16xf32> to vector<16xf32>
      %add3A_233 = arith.constant 80 : i32
      %add3A_234 = arith.addi %add3A_233, %scan3A_229 : i32
      %get3A_235 = arith.index_cast %add3A_234 : i32 to index
      %get3A_236 = arith.constant 0 : index
      %get3A_237 = tpu.vector_load %arg13[%get3A_235, %get3A_236] {strides = array<i32>} : memref<240x64xf32, #tpu.memory_space<vmem>>, vector<1x16xf32>,
      %get3A_238 = vector.shape_cast %get3A_237 : vector<1x16xf32> to vector<16xf32>
      %add3A_239 = arith.addf %get3A_232, %get3A_238 : vector<16xf32>
      %add3A_240 = arith.constant 160 : i32
      %add3A_241 = arith.addi %add3A_240, %scan3A_229 : i32
      %get3A_242 = arith.index_cast %add3A_241 : i32 to index
      %get3A_243 = arith.constant 0 : index
      %get3A_244 = tpu.vector_load %arg13[%get3A_242, %get3A_243] {strides = array<i32>} : memref<240x64xf32, #tpu.memory_space<vmem>>, vector<1x16xf32>,
      %get3A_245 = vector.shape_cast %get3A_244 : vector<1x16xf32> to vector<16xf32>
      %add3A_246 = arith.addf %add3A_239, %get3A_245 : vector<16xf32>
      %max3A = arith.constant 0.000000e+00 : f32
      %max3A_247 = vector.broadcast %max3A : f32 to vector<16xf32>
      %max3A_248 = arith.maximumf %add3A_246, %max3A_247 : vector<16xf32>
      %add3A_249 = arith.constant 80 : i32
      %add3A_250 = arith.addi %add3A_249, %scan3A_229 : i32
      %swap3A = arith.index_cast %add3A_250 : i32 to index
      %swap3A_251 = arith.constant 0 : index
      %swap3A_252 = tpu.vector_load %arg13[%swap3A, %swap3A_251] {strides = array<i32>} : memref<240x64xf32, #tpu.memory_space<vmem>>, vector<1x16xf32>,
      %swap3A_253 = vector.shape_cast %swap3A_252 : vector<1x16xf32> to vector<16xf32>
      %swap3A_254 = vector.shape_cast %max3A_248 : vector<16xf32> to vector<1x16xf32>
      tpu.vector_store %arg13[%swap3A, %swap3A_251], %swap3A_254 {strides = array<i32>} : memref<240x64xf32, #tpu.memory_space<vmem>>, vector<1x16xf32>,
      %get3A_255 = arith.index_cast %scan3A_229 : i32 to index
      %get3A_256 = arith.constant 16 : index
      %get3A_257 = tpu.vector_load %arg13[%get3A_255, %get3A_256] {strides = array<i32>} : memref<240x64xf32, #tpu.memory_space<vmem>>, vector<1x16xf32>,
      %get3A_258 = vector.shape_cast %get3A_257 : vector<1x16xf32> to vector<16xf32>
      %add3A_259 = arith.constant 80 : i32
      %add3A_260 = arith.addi %add3A_259, %scan3A_229 : i32
      %get3A_261 = arith.index_cast %add3A_260 : i32 to index
      %get3A_262 = arith.constant 16 : index
      %get3A_263 = tpu.vector_load %arg13[%get3A_261, %get3A_262] {strides = array<i32>} : memref<240x64xf32, #tpu.memory_space<vmem>>, vector<1x16xf32>,
      %get3A_264 = vector.shape_cast %get3A_263 : vector<1x16xf32> to vector<16xf32>
      %add3A_265 = arith.addf %get3A_258, %get3A_264 : vector<16xf32>
      %add3A_266 = arith.constant 160 : i32
      %add3A_267 = arith.addi %add3A_266, %scan3A_229 : i32
      %get3A_268 = arith.index_cast %add3A_267 : i32 to index
      %get3A_269 = arith.constant 16 : index
      %get3A_270 = tpu.vector_load %arg13[%get3A_268, %get3A_269] {strides = array<i32>} : memref<240x64xf32, #tpu.memory_space<vmem>>, vector<1x16xf32>,
      %get3A_271 = vector.shape_cast %get3A_270 : vector<1x16xf32> to vector<16xf32>
      %add3A_272 = arith.addf %add3A_265, %get3A_271 : vector<16xf32>
      %max3A_273 = arith.constant 0.000000e+00 : f32
      %max3A_274 = vector.broadcast %max3A_273 : f32 to vector<16xf32>
      %max3A_275 = arith.maximumf %add3A_272, %max3A_274 : vector<16xf32>
      %add3A_276 = arith.constant 80 : i32
      %add3A_277 = arith.addi %add3A_276, %scan3A_229 : i32
      %swap3A_278 = arith.index_cast %add3A_277 : i32 to index
      %swap3A_279 = arith.constant 16 : index
      %swap3A_280 = tpu.vector_load %arg13[%swap3A_278, %swap3A_279] {strides = array<i32>} : memref<240x64xf32, #tpu.memory_space<vmem>>, vector<1x16xf32>,
      %swap3A_281 = vector.shape_cast %swap3A_280 : vector<1x16xf32> to vector<16xf32>
      %swap3A_282 = vector.shape_cast %max3A_275 : vector<16xf32> to vector<1x16xf32>
      tpu.vector_store %arg13[%swap3A_278, %swap3A_279], %swap3A_282 {strides = array<i32>} : memref<240x64xf32, #tpu.memory_space<vmem>>, vector<1x16xf32>,
      %get3A_283 = arith.index_cast %scan3A_229 : i32 to index
      %get3A_284 = arith.constant 32 : index
      %get3A_285 = tpu.vector_load %arg13[%get3A_283, %get3A_284] {strides = array<i32>} : memref<240x64xf32, #tpu.memory_space<vmem>>, vector<1x16xf32>,
      %get3A_286 = vector.shape_cast %get3A_285 : vector<1x16xf32> to vector<16xf32>
      %add3A_287 = arith.constant 80 : i32
      %add3A_288 = arith.addi %add3A_287, %scan3A_229 : i32
      %get3A_289 = arith.index_cast %add3A_288 : i32 to index
      %get3A_290 = arith.constant 32 : index
      %get3A_291 = tpu.vector_load %arg13[%get3A_289, %get3A_290] {strides = array<i32>} : memref<240x64xf32, #tpu.memory_space<vmem>>, vector<1x16xf32>,
      %get3A_292 = vector.shape_cast %get3A_291 : vector<1x16xf32> to vector<16xf32>
      %add3A_293 = arith.addf %get3A_286, %get3A_292 : vector<16xf32>
      %add3A_294 = arith.constant 160 : i32
      %add3A_295 = arith.addi %add3A_294, %scan3A_229 : i32
      %get3A_296 = arith.index_cast %add3A_295 : i32 to index
      %get3A_297 = arith.constant 32 : index
      %get3A_298 = tpu.vector_load %arg13[%get3A_296, %get3A_297] {strides = array<i32>} : memref<240x64xf32, #tpu.memory_space<vmem>>, vector<1x16xf32>,
      %get3A_299 = vector.shape_cast %get3A_298 : vector<1x16xf32> to vector<16xf32>
      %add3A_300 = arith.addf %add3A_293, %get3A_299 : vector<16xf32>
      %max3A_301 = arith.constant 0.000000e+00 : f32
      %max3A_302 = vector.broadcast %max3A_301 : f32 to vector<16xf32>
      %max3A_303 = arith.maximumf %add3A_300, %max3A_302 : vector<16xf32>
      %add3A_304 = arith.constant 80 : i32
      %add3A_305 = arith.addi %add3A_304, %scan3A_229 : i32
      %swap3A_306 = arith.index_cast %add3A_305 : i32 to index
      %swap3A_307 = arith.constant 32 : index
      %swap3A_308 = tpu.vector_load %arg13[%swap3A_306, %swap3A_307] {strides = array<i32>} : memref<240x64xf32, #tpu.memory_space<vmem>>, vector<1x16xf32>,
      %swap3A_309 = vector.shape_cast %swap3A_308 : vector<1x16xf32> to vector<16xf32>
      %swap3A_310 = vector.shape_cast %max3A_303 : vector<16xf32> to vector<1x16xf32>
      tpu.vector_store %arg13[%swap3A_306, %swap3A_307], %swap3A_310 {strides = array<i32>} : memref<240x64xf32, #tpu.memory_space<vmem>>, vector<1x16xf32>,
      %get3A_311 = arith.index_cast %scan3A_229 : i32 to index
      %get3A_312 = arith.constant 48 : index
      %get3A_313 = tpu.vector_load %arg13[%get3A_311, %get3A_312] {strides = array<i32>} : memref<240x64xf32, #tpu.memory_space<vmem>>, vector<1x16xf32>,
      %get3A_314 = vector.shape_cast %get3A_313 : vector<1x16xf32> to vector<16xf32>
      %add3A_315 = arith.constant 80 : i32
      %add3A_316 = arith.addi %add3A_315, %scan3A_229 : i32
      %get3A_317 = arith.index_cast %add3A_316 : i32 to index
      %get3A_318 = arith.constant 48 : index
      %get3A_319 = tpu.vector_load %arg13[%get3A_317, %get3A_318] {strides = array<i32>} : memref<240x64xf32, #tpu.memory_space<vmem>>, vector<1x16xf32>,
      %get3A_320 = vector.shape_cast %get3A_319 : vector<1x16xf32> to vector<16xf32>
      %add3A_321 = arith.addf %get3A_314, %get3A_320 : vector<16xf32>
      %add3A_322 = arith.constant 160 : i32
      %add3A_323 = arith.addi %add3A_322, %scan3A_229 : i32
      %get3A_324 = arith.index_cast %add3A_323 : i32 to index
      %get3A_325 = arith.constant 48 : index
      %get3A_326 = tpu.vector_load %arg13[%get3A_324, %get3A_325] {strides = array<i32>} : memref<240x64xf32, #tpu.memory_space<vmem>>, vector<1x16xf32>,
      %get3A_327 = vector.shape_cast %get3A_326 : vector<1x16xf32> to vector<16xf32>
      %add3A_328 = arith.addf %add3A_321, %get3A_327 : vector<16xf32>
      %max3A_329 = arith.constant 0.000000e+00 : f32
      %max3A_330 = vector.broadcast %max3A_329 : f32 to vector<16xf32>
      %max3A_331 = arith.maximumf %add3A_328, %max3A_330 : vector<16xf32>
      %add3A_332 = arith.constant 80 : i32
      %add3A_333 = arith.addi %add3A_332, %scan3A_229 : i32
      %swap3A_334 = arith.index_cast %add3A_333 : i32 to index
      %swap3A_335 = arith.constant 48 : index
      %swap3A_336 = tpu.vector_load %arg13[%swap3A_334, %swap3A_335] {strides = array<i32>} : memref<240x64xf32, #tpu.memory_space<vmem>>, vector<1x16xf32>,
      %swap3A_337 = vector.shape_cast %swap3A_336 : vector<1x16xf32> to vector<16xf32>
      %swap3A_338 = vector.shape_cast %max3A_331 : vector<16xf32> to vector<1x16xf32>
      tpu.vector_store %arg13[%swap3A_334, %swap3A_335], %swap3A_338 {strides = array<i32>} : memref<240x64xf32, #tpu.memory_space<vmem>>, vector<1x16xf32>,
      %scan3A_339 = arith.constant 1 : i32
      %scan3A_340 = arith.addi %scan3A_229, %scan3A_339 : i32
      %get3A_341 = arith.index_cast %scan3A_340 : i32 to index
      %get3A_342 = arith.constant 0 : index
      %get3A_343 = tpu.vector_load %arg13[%get3A_341, %get3A_342] {strides = array<i32>} : memref<240x64xf32, #tpu.memory_space<vmem>>, vector<1x16xf32>,
      %get3A_344 = vector.shape_cast %get3A_343 : vector<1x16xf32> to vector<16xf32>
      %add3A_345 = arith.constant 80 : i32
      %add3A_346 = arith.addi %add3A_345, %scan3A_340 : i32
      %get3A_347 = arith.index_cast %add3A_346 : i32 to index
      %get3A_348 = arith.constant 0 : index
      %get3A_349 = tpu.vector_load %arg13[%get3A_347, %get3A_348] {strides = array<i32>} : memref<240x64xf32, #tpu.memory_space<vmem>>, vector<1x16xf32>,
      %get3A_350 = vector.shape_cast %get3A_349 : vector<1x16xf32> to vector<16xf32>
      %add3A_351 = arith.addf %get3A_344, %get3A_350 : vector<16xf32>
      %add3A_352 = arith.constant 160 : i32
      %add3A_353 = arith.addi %add3A_352, %scan3A_340 : i32
      %get3A_354 = arith.index_cast %add3A_353 : i32 to index
      %get3A_355 = arith.constant 0 : index
      %get3A_356 = tpu.vector_load %arg13[%get3A_354, %get3A_355] {strides = array<i32>} : memref<240x64xf32, #tpu.memory_space<vmem>>, vector<1x16xf32>,
      %get3A_357 = vector.shape_cast %get3A_356 : vector<1x16xf32> to vector<16xf32>
      %add3A_358 = arith.addf %add3A_351, %get3A_357 : vector<16xf32>
      %max3A_359 = arith.constant 0.000000e+00 : f32
      %max3A_360 = vector.broadcast %max3A_359 : f32 to vector<16xf32>
      %max3A_361 = arith.maximumf %add3A_358, %max3A_360 : vector<16xf32>
      %add3A_362 = arith.constant 80 : i32
      %add3A_363 = arith.addi %add3A_362, %scan3A_340 : i32
      %swap3A_364 = arith.index_cast %add3A_363 : i32 to index
      %swap3A_365 = arith.constant 0 : index
      %swap3A_366 = tpu.vector_load %arg13[%swap3A_364, %swap3A_365] {strides = array<i32>} : memref<240x64xf32, #tpu.memory_space<vmem>>, vector<1x16xf32>,
      %swap3A_367 = vector.shape_cast %swap3A_366 : vector<1x16xf32> to vector<16xf32>
      %swap3A_368 = vector.shape_cast %max3A_361 : vector<16xf32> to vector<1x16xf32>
      tpu.vector_store %arg13[%swap3A_364, %swap3A_365], %swap3A_368 {strides = array<i32>} : memref<240x64xf32, #tpu.memory_space<vmem>>, vector<1x16xf32>,
      %get3A_369 = arith.index_cast %scan3A_340 : i32 to index
      %get3A_370 = arith.constant 16 : index
      %get3A_371 = tpu.vector_load %arg13[%get3A_369, %get3A_370] {strides = array<i32>} : memref<240x64xf32, #tpu.memory_space<vmem>>, vector<1x16xf32>,
      %get3A_372 = vector.shape_cast %get3A_371 : vector<1x16xf32> to vector<16xf32>
      %add3A_373 = arith.constant 80 : i32
      %add3A_374 = arith.addi %add3A_373, %scan3A_340 : i32
      %get3A_375 = arith.index_cast %add3A_374 : i32 to index
      %get3A_376 = arith.constant 16 : index
      %get3A_377 = tpu.vector_load %arg13[%get3A_375, %get3A_376] {strides = array<i32>} : memref<240x64xf32, #tpu.memory_space<vmem>>, vector<1x16xf32>,
      %get3A_378 = vector.shape_cast %get3A_377 : vector<1x16xf32> to vector<16xf32>
      %add3A_379 = arith.addf %get3A_372, %get3A_378 : vector<16xf32>
      %add3A_380 = arith.constant 160 : i32
      %add3A_381 = arith.addi %add3A_380, %scan3A_340 : i32
      %get3A_382 = arith.index_cast %add3A_381 : i32 to index
      %get3A_383 = arith.constant 16 : index
      %get3A_384 = tpu.vector_load %arg13[%get3A_382, %get3A_383] {strides = array<i32>} : memref<240x64xf32, #tpu.memory_space<vmem>>, vector<1x16xf32>,
      %get3A_385 = vector.shape_cast %get3A_384 : vector<1x16xf32> to vector<16xf32>
      %add3A_386 = arith.addf %add3A_379, %get3A_385 : vector<16xf32>
      %max3A_387 = arith.constant 0.000000e+00 : f32
      %max3A_388 = vector.broadcast %max3A_387 : f32 to vector<16xf32>
      %max3A_389 = arith.maximumf %add3A_386, %max3A_388 : vector<16xf32>
      %add3A_390 = arith.constant 80 : i32
      %add3A_391 = arith.addi %add3A_390, %scan3A_340 : i32
      %swap3A_392 = arith.index_cast %add3A_391 : i32 to index
      %swap3A_393 = arith.constant 16 : index
      %swap3A_394 = tpu.vector_load %arg13[%swap3A_392, %swap3A_393] {strides = array<i32>} : memref<240x64xf32, #tpu.memory_space<vmem>>, vector<1x16xf32>,
      %swap3A_395 = vector.shape_cast %swap3A_394 : vector<1x16xf32> to vector<16xf32>
      %swap3A_396 = vector.shape_cast %max3A_389 : vector<16xf32> to vector<1x16xf32>
      tpu.vector_store %arg13[%swap3A_392, %swap3A_393], %swap3A_396 {strides = array<i32>} : memref<240x64xf32, #tpu.memory_space<vmem>>, vector<1x16xf32>,
      %get3A_397 = arith.index_cast %scan3A_340 : i32 to index
      %get3A_398 = arith.constant 32 : index
      %get3A_399 = tpu.vector_load %arg13[%get3A_397, %get3A_398] {strides = array<i32>} : memref<240x64xf32, #tpu.memory_space<vmem>>, vector<1x16xf32>,
      %get3A_400 = vector.shape_cast %get3A_399 : vector<1x16xf32> to vector<16xf32>
      %add3A_401 = arith.constant 80 : i32
      %add3A_402 = arith.addi %add3A_401, %scan3A_340 : i32
      %get3A_403 = arith.index_cast %add3A_402 : i32 to index
      %get3A_404 = arith.constant 32 : index
      %get3A_405 = tpu.vector_load %arg13[%get3A_403, %get3A_404] {strides = array<i32>} : memref<240x64xf32, #tpu.memory_space<vmem>>, vector<1x16xf32>,
      %get3A_406 = vector.shape_cast %get3A_405 : vector<1x16xf32> to vector<16xf32>
      %add3A_407 = arith.addf %get3A_400, %get3A_406 : vector<16xf32>
      %add3A_408 = arith.constant 160 : i32
      %add3A_409 = arith.addi %add3A_408, %scan3A_340 : i32
      %get3A_410 = arith.index_cast %add3A_409 : i32 to index
      %get3A_411 = arith.constant 32 : index
      %get3A_412 = tpu.vector_load %arg13[%get3A_410, %get3A_411] {strides = array<i32>} : memref<240x64xf32, #tpu.memory_space<vmem>>, vector<1x16xf32>,
      %get3A_413 = vector.shape_cast %get3A_412 : vector<1x16xf32> to vector<16xf32>
      %add3A_414 = arith.addf %add3A_407, %get3A_413 : vector<16xf32>
      %max3A_415 = arith.constant 0.000000e+00 : f32
      %max3A_416 = vector.broadcast %max3A_415 : f32 to vector<16xf32>
      %max3A_417 = arith.maximumf %add3A_414, %max3A_416 : vector<16xf32>
      %add3A_418 = arith.constant 80 : i32
      %add3A_419 = arith.addi %add3A_418, %scan3A_340 : i32
      %swap3A_420 = arith.index_cast %add3A_419 : i32 to index
      %swap3A_421 = arith.constant 32 : index
      %swap3A_422 = tpu.vector_load %arg13[%swap3A_420, %swap3A_421] {strides = array<i32>} : memref<240x64xf32, #tpu.memory_space<vmem>>, vector<1x16xf32>,
      %swap3A_423 = vector.shape_cast %swap3A_422 : vector<1x16xf32> to vector<16xf32>
      %swap3A_424 = vector.shape_cast %max3A_417 : vector<16xf32> to vector<1x16xf32>
      tpu.vector_store %arg13[%swap3A_420, %swap3A_421], %swap3A_424 {strides = array<i32>} : memref<240x64xf32, #tpu.memory_space<vmem>>, vector<1x16xf32>,
      %get3A_425 = arith.index_cast %scan3A_340 : i32 to index
      %get3A_426 = arith.constant 48 : index
      %get3A_427 = tpu.vector_load %arg13[%get3A_425, %get3A_426] {strides = array<i32>} : memref<240x64xf32, #tpu.memory_space<vmem>>, vector<1x16xf32>,
      %get3A_428 = vector.shape_cast %get3A_427 : vector<1x16xf32> to vector<16xf32>
      %add3A_429 = arith.constant 80 : i32
      %add3A_430 = arith.addi %add3A_429, %scan3A_340 : i32
      %get3A_431 = arith.index_cast %add3A_430 : i32 to index
      %get3A_432 = arith.constant 48 : index
      %get3A_433 = tpu.vector_load %arg13[%get3A_431, %get3A_432] {strides = array<i32>} : memref<240x64xf32, #tpu.memory_space<vmem>>, vector<1x16xf32>,
      %get3A_434 = vector.shape_cast %get3A_433 : vector<1x16xf32> to vector<16xf32>
      %add3A_435 = arith.addf %get3A_428, %get3A_434 : vector<16xf32>
      %add3A_436 = arith.constant 160 : i32
      %add3A_437 = arith.addi %add3A_436, %scan3A_340 : i32
      %get3A_438 = arith.index_cast %add3A_437 : i32 to index
      %get3A_439 = arith.constant 48 : index
      %get3A_440 = tpu.vector_load %arg13[%get3A_438, %get3A_439] {strides = array<i32>} : memref<240x64xf32, #tpu.memory_space<vmem>>, vector<1x16xf32>,
      %get3A_441 = vector.shape_cast %get3A_440 : vector<1x16xf32> to vector<16xf32>
      %add3A_442 = arith.addf %add3A_435, %get3A_441 : vector<16xf32>
      %max3A_443 = arith.constant 0.000000e+00 : f32
      %max3A_444 = vector.broadcast %max3A_443 : f32 to vector<16xf32>
      %max3A_445 = arith.maximumf %add3A_442, %max3A_444 : vector<16xf32>
      %add3A_446 = arith.constant 80 : i32
      %add3A_447 = arith.addi %add3A_446, %scan3A_340 : i32
      %swap3A_448 = arith.index_cast %add3A_447 : i32 to index
      %swap3A_449 = arith.constant 48 : index
      %swap3A_450 = tpu.vector_load %arg13[%swap3A_448, %swap3A_449] {strides = array<i32>} : memref<240x64xf32, #tpu.memory_space<vmem>>, vector<1x16xf32>,
      %swap3A_451 = vector.shape_cast %swap3A_450 : vector<1x16xf32> to vector<16xf32>
      %swap3A_452 = vector.shape_cast %max3A_445 : vector<16xf32> to vector<1x16xf32>
      tpu.vector_store %arg13[%swap3A_448, %swap3A_449], %swap3A_452 {strides = array<i32>} : memref<240x64xf32, #tpu.memory_space<vmem>>, vector<1x16xf32>,
    }
    %scan3A_206 = arith.constant 80 : i32
    %run_scoped3A_207 = arith.constant 124 : i32
    "tpu.region"() ({
      %run_scoped3A_229 = tpu.sem_alloc : memref<!tpu.dma_semaphore, #tpu.memory_space<semaphore_mem>>
      %dma_start3A_230 = arith.constant 80 : i32
      %dma_start3A_231 = arith.constant 0 : i32
      %dma_start3A_232 = tpu.memref_slice %arg13[%dma_start3A_230, %dma_start3A_231] : memref<240x64xf32, #tpu.memory_space<vmem>> -> memref<80x64xf32, #tpu.memory_space<vmem>>
      %dma_start3A_233 = arith.constant 0 : i32
      %dma_start3A_234 = tpu.memref_slice %arg11[%run_scoped3A_207, %dma_start3A_233] : memref<125x80xi32, #tpu.memory_space<vmem>> -> memref<1x80xi32, #tpu.memory_space<vmem>>
      %dma_start3A_235 = tpu.memref_squeeze %dma_start3A_234 : memref<1x80xi32, #tpu.memory_space<vmem>> -> memref<80xi32, #tpu.memory_space<vmem>>
      %dma_start3A_236 = arith.constant 0 : i32
      %dma_start3A_237 = arith.constant 0 : i32
      %dma_start3A_238 = tpu.memref_slice %arg15[%dma_start3A_236, %dma_start3A_237] : memref<10000x64xf32, #tpu.memory_space<vmem_shared>> -> memref<10000x64xf32, #tpu.memory_space<vmem_shared>>
      tpu.enqueue_indirect_dma source(%dma_start3A_232 : memref<80x64xf32, #tpu.memory_space<vmem>>) target(%dma_start3A_238 : memref<10000x64xf32, #tpu.memory_space<vmem_shared>>) offsets(%dma_start3A_235 : memref<80xi32, #tpu.memory_space<vmem>>) semaphore(%run_scoped3A_229 : memref<!tpu.dma_semaphore, #tpu.memory_space<semaphore_mem>>) {add = true}
      %dma_wait3A_239 = arith.constant 80 : i32
      %dma_wait3A_240 = arith.constant 0 : i32
      %dma_wait3A_241 = tpu.memref_slice %arg13[%dma_wait3A_239, %dma_wait3A_240] : memref<240x64xf32, #tpu.memory_space<vmem>> -> memref<80x64xf32, #tpu.memory_space<vmem>>
      %dma_wait3A_242 = arith.constant 0 : i32
      %dma_wait3A_243 = tpu.memref_slice %arg11[%run_scoped3A_207, %dma_wait3A_242] : memref<125x80xi32, #tpu.memory_space<vmem>> -> memref<1x80xi32, #tpu.memory_space<vmem>>
      %dma_wait3A_244 = tpu.memref_squeeze %dma_wait3A_243 : memref<1x80xi32, #tpu.memory_space<vmem>> -> memref<80xi32, #tpu.memory_space<vmem>>
      %dma_wait3A_245 = arith.constant 0 : i32
      %dma_wait3A_246 = arith.constant 0 : i32
      %dma_wait3A_247 = tpu.memref_slice %arg15[%dma_wait3A_245, %dma_wait3A_246] : memref<10000x64xf32, #tpu.memory_space<vmem_shared>> -> memref<10000x64xf32, #tpu.memory_space<vmem_shared>>
      tpu.wait_indirect_dma semaphore(%run_scoped3A_229 : memref<!tpu.dma_semaphore, #tpu.memory_space<semaphore_mem>>) src(%dma_wait3A_241 : memref<80x64xf32, #tpu.memory_space<vmem>>) dst(%dma_wait3A_247 : memref<10000x64xf32, #tpu.memory_space<vmem_shared>>)
      tpu.yield
    }) : () -> ()
    %dma_wait3A_208 = arith.constant 0 : i32
    %dma_wait3A_209 = arith.constant 80 : i32
    %dma_wait3A_210 = arith.constant 0 : i32
    %dma_wait3A_211 = tpu.memref_slice %arg14[%dma_wait3A_209, %dma_wait3A_210] : memref<240x64xf32, #tpu.memory_space<vmem>> -> memref<80x64xf32, #tpu.memory_space<vmem>>
    %dma_wait3A_212 = arith.constant 0 : i32
    %dma_wait3A_213 = tpu.memref_slice %arg11[%dma_wait3A_208, %dma_wait3A_212] : memref<125x80xi32, #tpu.memory_space<vmem>> -> memref<1x80xi32, #tpu.memory_space<vmem>>
    %dma_wait3A_214 = tpu.memref_squeeze %dma_wait3A_213 : memref<1x80xi32, #tpu.memory_space<vmem>> -> memref<80xi32, #tpu.memory_space<vmem>>
    %dma_wait3A_215 = arith.constant 0 : i32
    %dma_wait3A_216 = arith.constant 0 : i32
    %dma_wait3A_217 = tpu.memref_slice %arg15[%dma_wait3A_215, %dma_wait3A_216] : memref<10000x64xf32, #tpu.memory_space<vmem_shared>> -> memref<10000x64xf32, #tpu.memory_space<vmem_shared>>
    tpu.wait_indirect_dma semaphore(%arg21 : memref<!tpu.dma_semaphore, #tpu.memory_space<semaphore_mem>>) src(%dma_wait3A_211 : memref<80x64xf32, #tpu.memory_space<vmem>>) dst(%dma_wait3A_217 : memref<10000x64xf32, #tpu.memory_space<vmem_shared>>)
    %barrier3A_218 = arith.constant 0 : index
    tpu.barrier barrier_id(%barrier3A_218)
    %lt3A_219 = arith.constant 15 : i32
    %lt3A_220 = arith.cmpi slt, %arg1, %lt3A_219 : i32
    %convert_element_type3A_221 = arith.extui %lt3A_220 : i1 to i32
    %cond3A_222 = arith.constant 0 : i32
    %cond3A_223 = arith.cmpi ne, %convert_element_type3A_221, %cond3A_222 : i32
    scf.if %cond3A_223 {
      %mul3A_229 = arith.constant 632 : i32
      %mul3A_230 = arith.muli %arg1, %mul3A_229 : i32
      %mul3A_231 = arith.constant 632 : i32
      %mul3A_232 = arith.muli %arg1, %mul3A_231 : i32
      "tpu.region"() ({
        %run_scoped3A_233 = tpu.sem_alloc : memref<!tpu.dma_semaphore, #tpu.memory_space<semaphore_mem>>
        %dma_start3A_234 = arith.constant 0 : i32
        %dma_start3A_235 = tpu.memref_slice %arg8[%arg0, %mul3A_232, %dma_start3A_234] : memref<2x10000x64xf32, #tpu.memory_space<hbm>> -> memref<1x632x64xf32, #tpu.memory_space<hbm>>
        %dma_start3A_236 = tpu.memref_squeeze %dma_start3A_235 : memref<1x632x64xf32, #tpu.memory_space<hbm>> -> memref<632x64xf32, #tpu.memory_space<hbm>>
        %dma_start3A_237 = arith.constant 0 : i32
        %dma_start3A_238 = tpu.memref_slice %arg15[%mul3A_230, %dma_start3A_237] : memref<10000x64xf32, #tpu.memory_space<vmem_shared>> -> memref<632x64xf32, #tpu.memory_space<vmem_shared>>
        tpu.enqueue_dma source(%dma_start3A_238 : memref<632x64xf32, #tpu.memory_space<vmem_shared>>) target(%dma_start3A_236 : memref<632x64xf32, #tpu.memory_space<hbm>>) target_semaphore(%run_scoped3A_233 : memref<!tpu.dma_semaphore, #tpu.memory_space<semaphore_mem>>)
        %dma_wait3A_239 = arith.constant 0 : i32
        %dma_wait3A_240 = tpu.memref_slice %arg8[%arg0, %mul3A_232, %dma_wait3A_239] : memref<2x10000x64xf32, #tpu.memory_space<hbm>> -> memref<1x632x64xf32, #tpu.memory_space<hbm>>
        %dma_wait3A_241 = tpu.memref_squeeze %dma_wait3A_240 : memref<1x632x64xf32, #tpu.memory_space<hbm>> -> memref<632x64xf32, #tpu.memory_space<hbm>>
        %dma_wait3A_242 = arith.constant 0 : i32
        %dma_wait3A_243 = tpu.memref_slice %arg15[%mul3A_230, %dma_wait3A_242] : memref<10000x64xf32, #tpu.memory_space<vmem_shared>> -> memref<632x64xf32, #tpu.memory_space<vmem_shared>>
        tpu.wait_dma2 semaphore(%run_scoped3A_233 : memref<!tpu.dma_semaphore, #tpu.memory_space<semaphore_mem>>) src(%dma_wait3A_243 : memref<632x64xf32, #tpu.memory_space<vmem_shared>>) dst(%dma_wait3A_241 : memref<632x64xf32, #tpu.memory_space<hbm>>)
        tpu.yield
      }) : () -> ()
    } else {
    }
    %eq3A_224 = arith.constant 15 : i32
    %eq3A_225 = arith.cmpi eq, %arg1, %eq3A_224 : i32
    %convert_element_type3A_226 = arith.extui %eq3A_225 : i1 to i32
    %cond3A_227 = arith.constant 0 : i32
    %cond3A_228 = arith.cmpi ne, %convert_element_type3A_226, %cond3A_227 : i32
    scf.if %cond3A_228 {
      "tpu.region"() ({
        %run_scoped3A_229 = tpu.sem_alloc : memref<!tpu.dma_semaphore, #tpu.memory_space<semaphore_mem>>
        %dma_start3A_230 = arith.constant 9480 : i32
        %dma_start3A_231 = arith.constant 0 : i32
        %dma_start3A_232 = tpu.memref_slice %arg8[%arg0, %dma_start3A_230, %dma_start3A_231] : memref<2x10000x64xf32, #tpu.memory_space<hbm>> -> memref<1x520x64xf32, #tpu.memory_space<hbm>>
        %dma_start3A_233 = tpu.memref_squeeze %dma_start3A_232 : memref<1x520x64xf32, #tpu.memory_space<hbm>> -> memref<520x64xf32, #tpu.memory_space<hbm>>
        %dma_start3A_234 = arith.constant 9480 : i32
        %dma_start3A_235 = arith.constant 0 : i32
        %dma_start3A_236 = tpu.memref_slice %arg15[%dma_start3A_234, %dma_start3A_235] : memref<10000x64xf32, #tpu.memory_space<vmem_shared>> -> memref<520x64xf32, #tpu.memory_space<vmem_shared>>
        tpu.enqueue_dma source(%dma_start3A_236 : memref<520x64xf32, #tpu.memory_space<vmem_shared>>) target(%dma_start3A_233 : memref<520x64xf32, #tpu.memory_space<hbm>>) target_semaphore(%run_scoped3A_229 : memref<!tpu.dma_semaphore, #tpu.memory_space<semaphore_mem>>)
        %dma_wait3A_237 = arith.constant 9480 : i32
        %dma_wait3A_238 = arith.constant 0 : i32
        %dma_wait3A_239 = tpu.memref_slice %arg8[%arg0, %dma_wait3A_237, %dma_wait3A_238] : memref<2x10000x64xf32, #tpu.memory_space<hbm>> -> memref<1x520x64xf32, #tpu.memory_space<hbm>>
        %dma_wait3A_240 = tpu.memref_squeeze %dma_wait3A_239 : memref<1x520x64xf32, #tpu.memory_space<hbm>> -> memref<520x64xf32, #tpu.memory_space<hbm>>
        %dma_wait3A_241 = arith.constant 9480 : i32
        %dma_wait3A_242 = arith.constant 0 : i32
        %dma_wait3A_243 = tpu.memref_slice %arg15[%dma_wait3A_241, %dma_wait3A_242] : memref<10000x64xf32, #tpu.memory_space<vmem_shared>> -> memref<520x64xf32, #tpu.memory_space<vmem_shared>>
        tpu.wait_dma2 semaphore(%run_scoped3A_229 : memref<!tpu.dma_semaphore, #tpu.memory_space<semaphore_mem>>) src(%dma_wait3A_243 : memref<520x64xf32, #tpu.memory_space<vmem_shared>>) dst(%dma_wait3A_240 : memref<520x64xf32, #tpu.memory_space<hbm>>)
        tpu.yield
      }) : () -> ()
    } else {
    }
    return
  }
}

module attributes {stable_mosaic.version = 14 : i64} {
  func.func @_proj_body(%arg0: i32, %arg1: memref<1000x128xf32, #tpu.memory_space<vmem>>, %arg2: memref<128x256xf32, #tpu.memory_space<vmem>>, %arg3: memref<1x128xf32, #tpu.memory_space<vmem>>, %arg4: memref<4x1000x64xf32, #tpu.memory_space<vmem>>) attributes {dimension_semantics = [#tpu.dimension_semantics<arbitrary>], iteration_bounds = array<i64: 10>, scalar_prefetch = 0 : i64, scratch_operands = 0 : i64, tpu.core_type = #tpu.core_type<tc>, window_params = [{transform_indices = @transform_0, window_bounds = array<i64: 1000, 128>}, {pipeline_mode = #tpu.pipeline_mode<synchronous>, transform_indices = @transform_1, window_bounds = array<i64: 128, 256>}, {pipeline_mode = #tpu.pipeline_mode<synchronous>, transform_indices = @transform_2, window_bounds = array<i64: 1, 128>}, {transform_indices = @transform_3, window_bounds = array<i64: 4, 1000, 64>}]} {
    %get3A = arith.constant 0 : index
    %get3A_0 = arith.constant 0 : index
    %get3A_1 = vector.load %arg1[%get3A, %get3A_0] : memref<1000x128xf32, #tpu.memory_space<vmem>>, vector<1000x128xf32>
    %get3A_2 = arith.constant 0 : index
    %get3A_3 = arith.constant 0 : index
    %get3A_4 = vector.load %arg2[%get3A_2, %get3A_3] : memref<128x256xf32, #tpu.memory_space<vmem>>, vector<128x256xf32>
    %get3A_5 = arith.constant 0 : index
    %get3A_6 = arith.constant 0 : index
    %get3A_7 = vector.load %arg3[%get3A_5, %get3A_6] : memref<1x128xf32, #tpu.memory_space<vmem>>, vector<1x128xf32>
    %slice3A = vector.extract_strided_slice %get3A_4 {offsets = [0, 0], sizes = [128, 128], strides = [1, 1]} : vector<128x256xf32> to vector<128x128xf32>
    %dot_general3A = arith.constant dense<0.000000e+00> : vector<1000x128xf32>
    %dot_general3A_8 = tpu.matmul %get3A_1, %slice3A, %dot_general3A {dimension_numbers = #tpu.dot_dimension_numbers<[1], [0], [0], [1], [0, 0, 1, 1], [], []>, precision = #tpu.contract_precision<fp32>, transpose_lhs_hint = false} : vector<1000x128xf32>, vector<128x128xf32>, vector<1000x128xf32> -> vector<1000x128xf32>
    %slice3A_9 = vector.extract_strided_slice %get3A_4 {offsets = [0, 128], sizes = [128, 128], strides = [1, 1]} : vector<128x256xf32> to vector<128x128xf32>
    %dot_general3A_10 = arith.constant dense<0.000000e+00> : vector<1000x128xf32>
    %dot_general3A_11 = tpu.matmul %get3A_1, %slice3A_9, %dot_general3A_10 {dimension_numbers = #tpu.dot_dimension_numbers<[1], [0], [0], [1], [0, 0, 1, 1], [], []>, precision = #tpu.contract_precision<fp32>, transpose_lhs_hint = false} : vector<1000x128xf32>, vector<128x128xf32>, vector<1000x128xf32> -> vector<1000x128xf32>
    %add3A = vector.broadcast %get3A_7 : vector<1x128xf32> to vector<1000x128xf32>
    %add3A_12 = arith.addf %dot_general3A_11, %add3A : vector<1000x128xf32>
    %slice3A_13 = vector.extract_strided_slice %dot_general3A_8 {offsets = [0, 0], sizes = [1000, 64], strides = [1, 1]} : vector<1000x128xf32> to vector<1000x64xf32>
    %swap3A = arith.constant 0 : index
    %swap3A_14 = arith.constant 0 : index
    %swap3A_15 = arith.constant 0 : index
    %swap3A_16 = vector.load %arg4[%swap3A, %swap3A_14, %swap3A_15] : memref<4x1000x64xf32, #tpu.memory_space<vmem>>, vector<1x1000x64xf32>
    %swap3A_17 = vector.shape_cast %swap3A_16 : vector<1x1000x64xf32> to vector<1000x64xf32>
    %swap3A_18 = vector.shape_cast %slice3A_13 : vector<1000x64xf32> to vector<1x1000x64xf32>
    tpu.vector_store %arg4[%swap3A, %swap3A_14, %swap3A_15], %swap3A_18 {strides = array<i32>} : memref<4x1000x64xf32, #tpu.memory_space<vmem>>, vector<1x1000x64xf32>,
    %slice3A_19 = vector.extract_strided_slice %add3A_12 {offsets = [0, 0], sizes = [1000, 64], strides = [1, 1]} : vector<1000x128xf32> to vector<1000x64xf32>
    %swap3A_20 = arith.constant 1 : index
    %swap3A_21 = arith.constant 0 : index
    %swap3A_22 = arith.constant 0 : index
    %swap3A_23 = vector.load %arg4[%swap3A_20, %swap3A_21, %swap3A_22] : memref<4x1000x64xf32, #tpu.memory_space<vmem>>, vector<1x1000x64xf32>
    %swap3A_24 = vector.shape_cast %swap3A_23 : vector<1x1000x64xf32> to vector<1000x64xf32>
    %swap3A_25 = vector.shape_cast %slice3A_19 : vector<1000x64xf32> to vector<1x1000x64xf32>
    tpu.vector_store %arg4[%swap3A_20, %swap3A_21, %swap3A_22], %swap3A_25 {strides = array<i32>} : memref<4x1000x64xf32, #tpu.memory_space<vmem>>, vector<1x1000x64xf32>,
    %slice3A_26 = vector.extract_strided_slice %dot_general3A_8 {offsets = [0, 64], sizes = [1000, 64], strides = [1, 1]} : vector<1000x128xf32> to vector<1000x64xf32>
    %swap3A_27 = arith.constant 2 : index
    %swap3A_28 = arith.constant 0 : index
    %swap3A_29 = arith.constant 0 : index
    %swap3A_30 = vector.load %arg4[%swap3A_27, %swap3A_28, %swap3A_29] : memref<4x1000x64xf32, #tpu.memory_space<vmem>>, vector<1x1000x64xf32>
    %swap3A_31 = vector.shape_cast %swap3A_30 : vector<1x1000x64xf32> to vector<1000x64xf32>
    %swap3A_32 = vector.shape_cast %slice3A_26 : vector<1000x64xf32> to vector<1x1000x64xf32>
    tpu.vector_store %arg4[%swap3A_27, %swap3A_28, %swap3A_29], %swap3A_32 {strides = array<i32>} : memref<4x1000x64xf32, #tpu.memory_space<vmem>>, vector<1x1000x64xf32>,
    %slice3A_33 = vector.extract_strided_slice %add3A_12 {offsets = [0, 64], sizes = [1000, 64], strides = [1, 1]} : vector<1000x128xf32> to vector<1000x64xf32>
    %swap3A_34 = arith.constant 3 : index
    %swap3A_35 = arith.constant 0 : index
    %swap3A_36 = arith.constant 0 : index
    %swap3A_37 = vector.load %arg4[%swap3A_34, %swap3A_35, %swap3A_36] : memref<4x1000x64xf32, #tpu.memory_space<vmem>>, vector<1x1000x64xf32>
    %swap3A_38 = vector.shape_cast %swap3A_37 : vector<1x1000x64xf32> to vector<1000x64xf32>
    %swap3A_39 = vector.shape_cast %slice3A_33 : vector<1000x64xf32> to vector<1x1000x64xf32>
    tpu.vector_store %arg4[%swap3A_34, %swap3A_35, %swap3A_36], %swap3A_39 {strides = array<i32>} : memref<4x1000x64xf32, #tpu.memory_space<vmem>>, vector<1x1000x64xf32>,
    return
  }
  func.func @transform_0(%arg0: i32) -> (i32, i32) {
    %c0_i32 = arith.constant 0 : i32
    %c0_i32_0 = arith.constant 0 : i32
    return %arg0, %c0_i32 : i32, i32
  }
  func.func @transform_1(%arg0: i32) -> (i32, i32) {
    %c0_i32 = arith.constant 0 : i32
    %c0_i32_0 = arith.constant 0 : i32
    %c0_i32_1 = arith.constant 0 : i32
    return %c0_i32, %c0_i32_0 : i32, i32
  }
  func.func @transform_2(%arg0: i32) -> (i32, i32) {
    %c0_i32 = arith.constant 0 : i32
    %c0_i32_0 = arith.constant 0 : i32
    %c0_i32_1 = arith.constant 0 : i32
    return %c0_i32, %c0_i32_0 : i32, i32
  }
  func.func @transform_3(%arg0: i32) -> (i32, i32, i32) {
    %c0_i32 = arith.constant 0 : i32
    %c0_i32_0 = arith.constant 0 : i32
    %c0_i32_1 = arith.constant 0 : i32
    return %c0_i32, %arg0, %c0_i32_0 : i32, i32, i32
  }
}

module attributes {stable_mosaic.version = 14 : i64} {
  func.func @_edge_proj_body(%arg0: i32, %arg1: memref<4000x16xf32, #tpu.memory_space<vmem>>, %arg2: memref<16x128xf32, #tpu.memory_space<vmem>>, %arg3: memref<4000x128xf32, #tpu.memory_space<vmem>>) attributes {dimension_semantics = [#tpu.dimension_semantics<arbitrary>], iteration_bounds = array<i64: 80>, scalar_prefetch = 0 : i64, scratch_operands = 0 : i64, tpu.core_type = #tpu.core_type<tc>, window_params = [{transform_indices = @transform_0, window_bounds = array<i64: 4000, 16>}, {pipeline_mode = #tpu.pipeline_mode<synchronous>, transform_indices = @transform_1, window_bounds = array<i64: 16, 128>}, {transform_indices = @transform_2, window_bounds = array<i64: 4000, 128>}]} {
    %get3A = arith.constant 0 : index
    %get3A_0 = arith.constant 0 : index
    %get3A_1 = vector.load %arg1[%get3A, %get3A_0] : memref<4000x16xf32, #tpu.memory_space<vmem>>, vector<4000x16xf32>
    %get3A_2 = arith.constant 0 : index
    %get3A_3 = arith.constant 0 : index
    %get3A_4 = vector.load %arg2[%get3A_2, %get3A_3] : memref<16x128xf32, #tpu.memory_space<vmem>>, vector<16x128xf32>
    %dot_general3A = arith.constant dense<0.000000e+00> : vector<4000x128xf32>
    %dot_general3A_5 = tpu.matmul %get3A_1, %get3A_4, %dot_general3A {dimension_numbers = #tpu.dot_dimension_numbers<[1], [0], [0], [1], [0, 0, 1, 1], [], []>, precision = #tpu.contract_precision<fp32>, transpose_lhs_hint = false} : vector<4000x16xf32>, vector<16x128xf32>, vector<4000x128xf32> -> vector<4000x128xf32>
    %swap3A = arith.constant 0 : index
    %swap3A_6 = arith.constant 0 : index
    %swap3A_7 = vector.load %arg3[%swap3A, %swap3A_6] : memref<4000x128xf32, #tpu.memory_space<vmem>>, vector<4000x128xf32>
    tpu.vector_store %arg3[%swap3A, %swap3A_6], %dot_general3A_5 {strides = array<i32>} : memref<4000x128xf32, #tpu.memory_space<vmem>>, vector<4000x128xf32>,
    return
  }
  func.func @transform_0(%arg0: i32) -> (i32, i32) {
    %c0_i32 = arith.constant 0 : i32
    %c0_i32_0 = arith.constant 0 : i32
    return %arg0, %c0_i32 : i32, i32
  }
  func.func @transform_1(%arg0: i32) -> (i32, i32) {
    %c0_i32 = arith.constant 0 : i32
    %c0_i32_0 = arith.constant 0 : i32
    %c0_i32_1 = arith.constant 0 : i32
    return %c0_i32, %c0_i32_0 : i32, i32
  }
  func.func @transform_2(%arg0: i32) -> (i32, i32) {
    %c0_i32 = arith.constant 0 : i32
    %c0_i32_0 = arith.constant 0 : i32
    return %arg0, %c0_i32 : i32, i32
  }
}

module attributes {stable_mosaic.version = 14 : i64} {
  func.func @_node_body(%arg0: i32, %arg1: memref<1000x128xf32, #tpu.memory_space<vmem>>, %arg2: memref<2x1000x64xf32, #tpu.memory_space<vmem>>, %arg3: memref<256x128xf32, #tpu.memory_space<vmem>>, %arg4: memref<1x128xf32, #tpu.memory_space<vmem>>, %arg5: memref<1000x128xf32, #tpu.memory_space<vmem>>) attributes {dimension_semantics = [#tpu.dimension_semantics<arbitrary>], iteration_bounds = array<i64: 10>, scalar_prefetch = 0 : i64, scratch_operands = 0 : i64, tpu.core_type = #tpu.core_type<tc>, window_params = [{transform_indices = @transform_0, window_bounds = array<i64: 1000, 128>}, {transform_indices = @transform_1, window_bounds = array<i64: 2, 1000, 64>}, {pipeline_mode = #tpu.pipeline_mode<synchronous>, transform_indices = @transform_2, window_bounds = array<i64: 256, 128>}, {pipeline_mode = #tpu.pipeline_mode<synchronous>, transform_indices = @transform_3, window_bounds = array<i64: 1, 128>}, {transform_indices = @transform_4, window_bounds = array<i64: 1000, 128>}]} {
    %get3A = arith.constant 0 : index
    %get3A_0 = arith.constant 0 : index
    %get3A_1 = arith.constant 0 : index
    %get3A_2 = vector.load %arg2[%get3A, %get3A_0, %get3A_1] : memref<2x1000x64xf32, #tpu.memory_space<vmem>>, vector<1x1000x64xf32>
    %get3A_3 = vector.shape_cast %get3A_2 : vector<1x1000x64xf32> to vector<1000x64xf32>
    %get3A_4 = arith.constant 1 : index
    %get3A_5 = arith.constant 0 : index
    %get3A_6 = arith.constant 0 : index
    %get3A_7 = vector.load %arg2[%get3A_4, %get3A_5, %get3A_6] : memref<2x1000x64xf32, #tpu.memory_space<vmem>>, vector<1x1000x64xf32>
    %get3A_8 = vector.shape_cast %get3A_7 : vector<1x1000x64xf32> to vector<1000x64xf32>
    %concatenate3A = tpu.concatenate %get3A_3, %get3A_8 in 1 : vector<1000x64xf32>, vector<1000x64xf32> -> vector<1000x128xf32>
    %get3A_9 = arith.constant 0 : index
    %get3A_10 = arith.constant 0 : index
    %get3A_11 = vector.load %arg3[%get3A_9, %get3A_10] : memref<256x128xf32, #tpu.memory_space<vmem>>, vector<256x128xf32>
    %get3A_12 = arith.constant 0 : index
    %get3A_13 = arith.constant 0 : index
    %get3A_14 = vector.load %arg1[%get3A_12, %get3A_13] : memref<1000x128xf32, #tpu.memory_space<vmem>>, vector<1000x128xf32>
    %slice3A = vector.extract_strided_slice %get3A_11 {offsets = [0, 0], sizes = [128, 128], strides = [1, 1]} : vector<256x128xf32> to vector<128x128xf32>
    %dot_general3A = arith.constant dense<0.000000e+00> : vector<1000x128xf32>
    %dot_general3A_15 = tpu.matmul %get3A_14, %slice3A, %dot_general3A {dimension_numbers = #tpu.dot_dimension_numbers<[1], [0], [0], [1], [0, 0, 1, 1], [], []>, precision = #tpu.contract_precision<fp32>, transpose_lhs_hint = false} : vector<1000x128xf32>, vector<128x128xf32>, vector<1000x128xf32> -> vector<1000x128xf32>
    %slice3A_16 = vector.extract_strided_slice %get3A_11 {offsets = [128, 0], sizes = [128, 128], strides = [1, 1]} : vector<256x128xf32> to vector<128x128xf32>
    %dot_general3A_17 = arith.constant dense<0.000000e+00> : vector<1000x128xf32>
    %dot_general3A_18 = tpu.matmul %concatenate3A, %slice3A_16, %dot_general3A_17 {dimension_numbers = #tpu.dot_dimension_numbers<[1], [0], [0], [1], [0, 0, 1, 1], [], []>, precision = #tpu.contract_precision<fp32>, transpose_lhs_hint = false} : vector<1000x128xf32>, vector<128x128xf32>, vector<1000x128xf32> -> vector<1000x128xf32>
    %add3A = arith.addf %dot_general3A_15, %dot_general3A_18 : vector<1000x128xf32>
    %get3A_19 = arith.constant 0 : index
    %get3A_20 = arith.constant 0 : index
    %get3A_21 = vector.load %arg4[%get3A_19, %get3A_20] : memref<1x128xf32, #tpu.memory_space<vmem>>, vector<1x128xf32>
    %add3A_22 = vector.broadcast %get3A_21 : vector<1x128xf32> to vector<1000x128xf32>
    %add3A_23 = arith.addf %add3A, %add3A_22 : vector<1000x128xf32>
    %max3A = arith.constant 0.000000e+00 : f32
    %max3A_24 = vector.broadcast %max3A : f32 to vector<1000x128xf32>
    %max3A_25 = arith.maximumf %add3A_23, %max3A_24 : vector<1000x128xf32>
    %swap3A = arith.constant 0 : index
    %swap3A_26 = arith.constant 0 : index
    %swap3A_27 = vector.load %arg5[%swap3A, %swap3A_26] : memref<1000x128xf32, #tpu.memory_space<vmem>>, vector<1000x128xf32>
    tpu.vector_store %arg5[%swap3A, %swap3A_26], %max3A_25 {strides = array<i32>} : memref<1000x128xf32, #tpu.memory_space<vmem>>, vector<1000x128xf32>,
    return
  }
  func.func @transform_0(%arg0: i32) -> (i32, i32) {
    %c0_i32 = arith.constant 0 : i32
    %c0_i32_0 = arith.constant 0 : i32
    return %arg0, %c0_i32 : i32, i32
  }
  func.func @transform_1(%arg0: i32) -> (i32, i32, i32) {
    %c0_i32 = arith.constant 0 : i32
    %c0_i32_0 = arith.constant 0 : i32
    %c0_i32_1 = arith.constant 0 : i32
    return %c0_i32, %arg0, %c0_i32_0 : i32, i32, i32
  }
  func.func @transform_2(%arg0: i32) -> (i32, i32) {
    %c0_i32 = arith.constant 0 : i32
    %c0_i32_0 = arith.constant 0 : i32
    %c0_i32_1 = arith.constant 0 : i32
    return %c0_i32, %c0_i32_0 : i32, i32
  }
  func.func @transform_3(%arg0: i32) -> (i32, i32) {
    %c0_i32 = arith.constant 0 : i32
    %c0_i32_0 = arith.constant 0 : i32
    %c0_i32_1 = arith.constant 0 : i32
    return %c0_i32, %c0_i32_0 : i32, i32
  }
  func.func @transform_4(%arg0: i32) -> (i32, i32) {
    %c0_i32 = arith.constant 0 : i32
    %c0_i32_0 = arith.constant 0 : i32
    return %arg0, %c0_i32 : i32, i32
  }
}

</mosaic_0001>

<sc_bundles>
// kernel: kernel.6.cloned.1.call-start
scs
__scs_entry_jumppad:
0x0: {  	(pc) =	sbr.rel $0x88, $3  }
0x1: {  	(tag) =	ssettag $0x0;
	lr =	simm.s32 $0x1  }
0x2: {  	[smem:$0x3F9A] =	sst lr;
	_ =	strace $0xD0000000  }
0x3: {  	_ = 	snop  }
0x4: {  	_ = 	snop  }
0x5: {  	_ = 	snop  }
0x6: {  	_ = 	snop  }
0x7: {  	_ = 	snop  }
__scs_overlays_trampoline_lowered:
0x8: {  	[smem:$0x3FA9] =	sst s0  }
0x9: {  	[smem:$0x3FAA] =	sst s1  }
0xa: {  	[smem:$0x3FAB] =	sst s2  }
0xb: {  	[smem:$0x3FAC] =	sst s3  }
0xc: {  	[smem:$0x3FAD] =	sst s4  }
0xd: {  	[smem:$0x3FAE] =	sst s5  }
0xe: {  	[smem:$0x3FAF] =	sst s6  }
0xf: {  	[smem:$0x3FB0] =	sst s7  }
0x10: {  	[smem:$0x3FB1] =	sst s8  }
0x11: {  	[smem:$0x3FB2] =	sst s9;
	s0 =	simm.s32 @!p0 $0x0  }
0x12: {  	s1 =	sld [smem:$0x3F98];
	s0 =	simm.s32 @p0 $0x1  }
0x13: {  	[smem:$0x3FB3] =	sst s0;
	s0 =	simm.s32 @!p1 $0x0  }
0x14: {  	s2 =	sld [smem:$0x3F97];
	s0 =	simm.s32 @p1 $0x1  }
0x15: {  	[smem:$0x3FB4] =	sst s0;
	s0 =	simm.s32 @!p2 $0x0  }
0x16: {  	s3 =	sld [smem:$0x3FDB];
	s0 =	simm.s32 @p2 $0x1  }
0x17: {  	s4 =	simm.s32 $0x1BF5;
	[smem:$0x3FB6] =	sst s0  }
0x18: {  	s0 =	sld [smem:$0x3F99];
	_ =	swait.ge [sflag:s4], $0x0  }
0x19: {  	s7 =	sld [smem:$0x3F9A]  }
0x1a: {  	s8 =	sadd.s32 $0xFFFFE003, lr  }
0x1b: {  	s9 =	sadd.s32 $0xFFFFFEF7, lr;
	s5 =	simm.s32 $0xFFFFFFFF;
	p2 =	slt.u32 s8, $0xFFFFF086  }
0x1c: {  	p1 =	slt.u32 s9, $0xF7A;
	s5 =	simm.s32 @!p2 $0x0  }
0x1d: {  	s5 =	simm.s32 @p1 $0x1;
	p0 =	seq.s32 s7, s2  }
0x1e: {  	s7 =	smul.u32 @!p0 $0xF7A, s2;
	p2 =	seq.s32 @!p0 s5, $0x0  }
0x1f: {  	s9 =	smul.u32 $0xF7A, s1;
	s8 =	simm.s32 @!p0 $0x1BF5;
	p2 =	por !p2, p0  }
0x20: {  	[sflag:s8] =	ssyncset.s32 @!p0 $0xFFFFF086;
	s6 =	sadd.s32 @!p0 s3, s7;
	s7 =	simm.s32 @!p0 $0x108  }
0x21: {  	s3 =	sadd.s32 s3, s9;
	s6 =	sadd.s32 @!p0 $0x88, s6;
	s7 =	simm.s32 @p2 $0x1082  }
0x22: {  	[simem:s7], [sflag:s8] =	dma.local @!p0 [hbm:s6], $0xF7A  }
0x23: {  	s9 =	sor.u32 $0xD0000000, s2;
	s6 =	simm.s32 $0x108;
	_ =	swait.ge @!p0 [sflag:s8], $0x0  }
0x24: {  	s3 =	sadd.s32 $0x88, s3;
	s6 =	simm.s32 @!p1 $0x1082;
	[sflag:s4] =	ssyncset.s32 $0xFFFFF086  }
0x25: {  	[simem:s6], [sflag:s4] =	dma.local [hbm:s3], $0xF7A  }
0x26: {  	[smem:$0x3F9A] =	sst s1;
	(tag) =	ssettag s2;
	_ =	strace s9  }
0x27: {  	s1 =	sld [smem:$0x3FAA]  }
0x28: {  	s2 =	sld [smem:$0x3FAB]  }
0x29: {  	s4 =	sld [smem:$0x3FAD]  }
0x2a: {  	p0 =	seq.s32 s5, $0x0;
	s5 =	sld [smem:$0x3FAE]  }
0x2b: {  	s6 =	sld [smem:$0x3FAF]  }
0x2c: {  	s7 =	sld [smem:$0x3FB0]  }
0x2d: {  	s3 =	simm.s32 $0x108;
	s8 =	sld [smem:$0x3FB1]  }
0x2e: {  	s3 =	simm.s32 @!p0 $0x1082;
	s9 =	sld [smem:$0x3FB2]  }
0x2f: {  	lr =	sadd.s32 s0, s3;
	s0 =	sld [smem:$0x3FA9]  }
0x30: {  	s3 =	sld [smem:$0x3FAC]  }
0x31: {  	[smem:$0x3FB5] =	sst s10  }
0x32: {  	s10 =	sld [smem:$0x3FB3];
	_ =	sdelay $0x3  }
0x33: {  	p0 =	seq.s32 s10, $0x1;
	s10 =	sld [smem:$0x3FB5];
	_ =	sdelay $0x3  }
0x34: {  	[smem:$0x3FB5] =	sst s10  }
0x35: {  	s10 =	sld [smem:$0x3FB4];
	_ =	sdelay $0x3  }
0x36: {  	p1 =	seq.s32 s10, $0x1;
	s10 =	sld [smem:$0x3FB5];
	_ =	sdelay $0x3  }
0x37: {  	[smem:$0x3FB5] =	sst s10  }
0x38: {  	s10 =	sld [smem:$0x3FB6]  }
0x39: {  	_ = 	snop;
	(pc) =	sbr.ind lr, $3  }
0x3a: {  	_ = 	snop  }
0x3b: {  	_ = 	snop  }
0x3c: {  	p2 =	seq.s32 s10, $0x1;
	s10 =	sld [smem:$0x3FB5]  }
0x3d: {  	_ =	shalt  }
0x3e: {  	_ =	shalt  }
0x3f: {  	_ =	shalt  }
0x40: {  	_ =	shalt  }
0x41: {  	_ =	shalt  }
0x42: {  	_ =	shalt  }
0x43: {  	_ =	shalt  }
0x44: {  	_ =	shalt  }
0x45: {  	_ =	shalt  }
0x46: {  	_ =	shalt  }
0x47: {  	_ =	shalt  }
0x48: {  	_ =	shalt  }
0x49: {  	_ =	shalt  }
0x4a: {  	_ =	shalt  }
0x4b: {  	_ =	shalt  }
0x4c: {  	_ =	shalt  }
0x4d: {  	_ =	shalt  }
0x4e: {  	_ =	shalt  }
0x4f: {  	_ =	shalt  }
0x50: {  	_ =	shalt  }
0x51: {  	_ =	shalt  }
0x52: {  	_ =	shalt  }
0x53: {  	_ =	shalt  }
0x54: {  	_ =	shalt  }
0x55: {  	_ =	shalt  }
0x56: {  	_ =	shalt  }
0x57: {  	_ =	shalt  }
0x58: {  	_ =	shalt  }
0x59: {  	_ =	shalt  }
0x5a: {  	_ =	shalt  }
0x5b: {  	_ =	shalt  }
0x5c: {  	_ =	shalt  }
0x5d: {  	_ =	shalt  }
0x5e: {  	_ =	shalt  }
0x5f: {  	_ =	shalt  }
0x60: {  	_ =	shalt  }
0x61: {  	_ =	shalt  }
0x62: {  	_ =	shalt  }
0x63: {  	_ =	shalt  }
0x64: {  	_ =	shalt  }
0x65: {  	_ =	shalt  }
0x66: {  	_ =	shalt  }
0x67: {  	_ =	shalt  }
0x68: {  	_ =	shalt  }
0x69: {  	_ =	shalt  }
0x6a: {  	_ =	shalt  }
0x6b: {  	_ =	shalt  }
0x6c: {  	_ =	shalt  }
0x6d: {  	_ =	shalt  }
0x6e: {  	_ =	shalt  }
0x6f: {  	_ =	shalt  }
0x70: {  	_ =	shalt  }
0x71: {  	_ =	shalt  }
0x72: {  	_ =	shalt  }
0x73: {  	_ =	shalt  }
0x74: {  	_ =	shalt  }
0x75: {  	_ =	shalt  }
0x76: {  	_ =	shalt  }
0x77: {  	_ =	shalt  }
0x78: {  	_ =	shalt  }
0x79: {  	_ =	shalt  }
0x7a: {  	_ =	shalt  }
0x7b: {  	_ =	shalt  }
0x7c: {  	_ =	shalt  }
0x7d: {  	_ =	shalt  }
0x7e: {  	_ =	shalt  }
0x7f: {  	_ =	shalt  }
0x80: {  	_ =	shalt  }
0x81: {  	_ =	shalt  }
0x82: {  	_ =	shalt  }
0x83: {  	_ =	shalt  }
0x84: {  	_ =	shalt  }
0x85: {  	_ =	shalt  }
0x86: {  	_ =	shalt  }
0x87: {  	_ =	shalt  }
.Lfunc_end0:
.L_simem_size_0:
called_computation_lowered:
.L_overlay_start_0:
0x88: {  	s2 =	sld [smem:$0x3FD9]  }
0x89: {  	s3 =	sld [smem:$0x3FFE];
	_ =	sdelay $0x1  }
0x8a: {  	s1 =	srdreg.scid  }
0x8b: {  	s0 =	sand.u32 $0x1, s1  }
0x8c: {  	s17 =	sshll.u32 s0, $0xA;
	s2 =	sadd.s32 s3, s2  }
0x8d: {  	s2 =	sadd.s32 s2, s17  }
0x8e: {  	[smem:$0x3FC1] =	sst s2  }
0x8f: {  	_ = 	snop  }
0x90: {  	s2 =	sld [smem:$0x3FD0];
	(tm) =	ssettm $0x1  }
0x91: {  	s18 =	sld [smem:$0x3FFB];
	_ =	sdelay $0x3  }
0x92: {  	_ =	strace s18  }
0x93: {  	s3 =	sld [smem:$0x3FFC];
	_ =	sdelay $0x3  }
0x94: {  	_ =	strace s3  }
0x95: {  	s3 =	sld [smem:$0x3FFD];
	_ =	sdelay $0x3  }
0x96: {  	_ =	strace s3  }
0x97: {  	_ =	strace $0x8FFFFFFF  }
0x98: {  	s19 =	sld [smem:$0x3FDB];
	_ =	sdelay $0x1  }
0x99: {  	s4 =	simm.s32 $_scs_section_size  }
0x9a: {  	s5 =	simm.s32 $_size__tile_overlayer_lowered;
	s6 =	simm.s32 $_tile_overlayer_lowered  }
0x9b: {  	s22 =	simm.s32 $0x1BFF;
	s21 =	sshll.u32 s6, $0x1;
	s3 =	sadd.s32 s4, s19  }
0x9c: {  	s7 =	simm.s32 $0x0;
	s20 =	sshll.u32 s5, $0x1;
	s5 =	sadd.s32 s21, s3  }
0x9d: {  	[timem:s7], [sflag:s22] =	dma.local [hbm:s5], s20  }
0x9e: {  	_ =	swait.ge [sflag:s22], s20  }
0x9f: {  	s4 =	ssub.s32 $0x0, s20;
	[sflag:s22] =	ssyncset.done $0x0  }
0xa0: {  	[sflag:s22] =	ssyncadd.s32 s4;
	_ =	sdelay $0x1  }
0xa1: {  	s23 =	simm.s32 $0x1B8B  }
0xa2: {  	_ =	swait.ge [sflag:s23], $0x1  }
0xa3: {  	[sflag:s23] =	ssyncset.done $0x0  }
0xa4: {  	s25 =	simm.s32 $0x1B8E;
	s24 =	sld [smem:$0x3FFE];
	[sflag:s23] =	ssyncadd.s32 $0xFFFFFFFF  }
0xa5: {  	s26 =	simm.s32 $execute0_lowered;
	[smem:$0x3FD2] =	sst s25  }
0xa6: {  	s5 =	sshll.u32 s26, $0x1;
	_ =	strace $0x80000046;
	[dreg:$0x1] =	wrdreg $0xFFFFFFFF  }
0xa7: {  	s28 =	simm.s32 $_size_execute0_lowered;
	s3 =	sadd.s32 s3, s5;
	[dreg:$0x0] =	wrdreg $0x0  }
0xa8: {  	s5 =	sshll.u32 s28, $0x1;
	[dreg:$0x2] =	wrdreg s3  }
0xa9: {  	[dreg:$0x3] =	wrdreg s5  }
0xaa: {  	[dreg:$0x4] =	wrdreg $0xC0  }
0xab: {  	_ =	task [dreg:s7], $0x5FFFF  }
0xac: {  	[dreg:$0x1] =	wrdreg $0xFFFFFFFF  }
0xad: {  	[dreg:$0x0] =	wrdreg $0x60  }
0xae: {  	[dreg:$0x2] =	wrdreg s24  }
0xaf: {  	[dreg:$0x3] =	wrdreg s2  }
0xb0: {  	[dreg:$0x4] =	wrdreg $0x129300  }
0xb1: {  	[dreg:$0x5] =	wrdreg $0x9  }
0xb2: {  	_ =	task.clear_ibuf [dreg:s7], $0x6FFFF;
	_ =	strace $0x90000046  }
0xb3: {  	s29 =	simm.s32 $0x9;
	_ =	strace $0x80000048  }
0xb4: {  	_ =	swait.ge [sflag:s29], $0x1  }
0xb5: {  	[sflag:s29] =	ssyncadd.s32 $0xFFFFFFFF  }
0xb6: {  	_ =	strace $0x90000048  }
0xb7: {  	_ =	sfence  }
0xb8: {  	s30 =	sld [smem:$0x0];
	_ =	sdelay $0x2  }
0xb9: {  	s31 =	sshll.u32 s1, $0xD;
	s1 =	sshrl.u32 s1, $0x2  }
0xba: {  	s3 =	sand.u32 $0x4000, s31;
	s1 =	sadd.s32 s1, s30  }
0xbb: {  	s0 =	sor.u32 s3, s0;
	s1 =	sshll.u32 s1, $0x11  }
0xbc: {  	s0 =	sor.u32 s1, s0  }
0xbd: {  	s0 =	sadd.s32 $0x8F2B, s0  }
0xbe: {  	[sflag:s0] =	ssyncadd.remote.s32 $0x1  }
0xbf: {  	_ =	sfence.sel $0xFFFF  }
0xc0: {  	[dreg:$0x0] =	wrdreg $0xFFFFFFFF;
	(pc) =	sbr.abs _section_cstart, $3  }
0xc1: {  	[dreg:$0x1] =	wrdreg $0xFFFFFFFF  }
0xc2: {  	_ =	task.clear_ibuf [dreg:s7], $0x2FFFF;
	_ =	strace $0x9FFFFFFF  }
0xc3: {  	(tm) =	ssettm $0x7FFFFFFF  }
tec
execute0_lowered:
.L_overlay_start_1:
0x0: {  	(tag) =	ssettag $0x1  }
0x1: {  	s0 =	rddreg [dreg:$0x0]  }
0x2: {  	s2 =	rddreg [dreg:$0x1]  }
0x3: {  	s1 =	rddreg [dreg:$0x2];
	s3 =	simm.s32 $0x0  }
0x4: {  	s12 =	srdreg.scid;
	s17 =	stileid.u32;
	s30 =	simm.s32 $0x40  }
0x5: {  	s31 =	simm.s32 $0x80;
	s29 =	simm.s32 $0xD930;
	[smem:$0x7FF] =	sst s3  }
0x6: {  	s4 =	sadd.s32 $0x9D000, s0;
	s3 =	sand.u32 $0x1, s12;
	s7 =	smul.u32 $0x27800, s17  }
0x7: {  	s5 =	sadd.s32 $0x5CD200, s0;
	s8 =	sadd.s32 $0xAA00, s0;
	s11 =	sadd.s32 $0x1E400, s0  }
0x8: {  	s6 =	smul.u32 $0x4E20, s17;
	s12 =	sadd.s32 $0xC00, s0;
	s0 =	sadd.s32 $0x31E00, s0  }
0x9: {  	s14 =	sadd.s32 $0x94200, s1;
	p0 =	seq.s32 s17, $0xF;
	_ =	strace $0x80000047  }
0xa: {  	s9 =	smul.u32 $0x4E200, s3;
	s10 =	ssub.s32 $0x2, s3;
	[dreg:$0x4] =	wrdreg s0  }
0xb: {  	[dreg:$0x5] =	wrdreg s14;
	s13 =	sshrl.u32 s10, $0x1;
	s7 =	sshrl.u32 s7, $0x2  }
0xc: {  	s16 =	sshrl.u32 s6, $0x3;
	s0 =	ssub.s32 s10, s13;
	s13 =	smul.u32 $0x271000, s17  }
0xd: {  	s9 =	sadd.s32 s6, s9;
	s10 =	sshll.u32 s3, $0x6;
	s3 =	smul.u32 $0x9C400, s3  }
0xe: {  	s7 =	sadd.s32 s7, s1;
	s18 =	sadd.s32 s12, s16;
	s16 =	smul.u32 $0x9E00, s17  }
0xf: {  	s17 =	simm.s32 $0x10130;
	s9 =	sshrl.u32 s9, $0x3;
	[dreg:$0x8] =	wrdreg s18  }
0x10: {  	s0 =	smax.u32 s0, $0x1;
	s18 =	simm.s32 $0x11530;
	s15 =	sadd.s32 s8, s9  }
0x11: {  	s14 =	sadd.s32 s11, s9;
	s9 =	sadd.s32 $0x4E2, s9;
	[dreg:$0x12] =	wrdreg s0  }
0x12: {  	s21 =	sadd.s32 s16, s3;
	s3 =	sshrl.u32 s3, $0x3;
	[dreg:$0x6] =	wrdreg s15  }
0x13: {  	s0 =	sshrl.u32 @!p0 s7, $0x3;
	[dreg:$0x7] =	wrdreg s14;
	s15 =	sor.u32 s10, s13  }
0x14: {  	s13 =	sadd.s32 $0x2710, s6;
	s8 =	sadd.s32 s8, s9;
	[dreg:$0x13] =	wrdreg s0  }
0x15: {  	s9 =	sadd.s32 s11, s9;
	s11 =	simm.s32 $0xB130;
	[dreg:$0xa] =	wrdreg s8  }
0x16: {  	s19 =	sshrl.u32 s15, $0x3;
	s20 =	sshrl.u32 s13, $0x3;
	[dreg:$0xb] =	wrdreg s9  }
0x17: {  	s22 =	sadd.s32 $0x2800, s15;
	s23 =	sshll.u32 s13, $0x7;
	s25 =	sadd.s32 $0x13B000, s15  }
0x18: {  	s9 =	simm.s32 $0x9D30;
	s15 =	simm.s32 $0x1;
	s14 =	sadd.s32 s5, s19  }
0x19: {  	s8 =	sadd.s32 s12, s20;
	s24 =	sshrl.u32 s22, $0x3;
	s26 =	sshrl.u32 s25, $0x3  }
0x1a: {  	s12 =	simm.s32 $0xC530;
	s19 =	simm.s32 $0x4;
	[dreg:$0x9] =	wrdreg s14  }
0x1b: {  	s20 =	simm.s32 $0x3;
	[dreg:$0xc] =	wrdreg s8;
	s8 =	sshrl.u32 s21, $0x3  }
0x1c: {  	s28 =	sadd.s32 s5, s26;
	s26 =	simm.s32 $0x7;
	s14 =	simm.s32 $0x2  }
0x1d: {  	s8 =	sadd.s32 s2, s8;
	s2 =	sadd.s32 s2, s3;
	[dreg:$0x10] =	wrdreg s28  }
0x1e: {  	s3 =	sor.u32 s10, s23;
	[dreg:$0xd] =	wrdreg s8;
	s8 =	sadd.s32 s5, s24  }
0x1f: {  	s3 =	sshrl.u32 s3, $0x3;
	s2 =	sadd.s32 $0x12840, s2;
	[dreg:$0xe] =	wrdreg s8  }
0x20: {  	s21 =	simm.s32 $0x5;
	s3 =	sadd.s32 s5, s3;
	[dreg:$0x11] =	wrdreg s2  }
0x21: {  	s23 =	simm.s32 $0x0;
	[dreg:$0xf] =	wrdreg s3;
	s3 =	sadd.s32 s16, s1  }
0x22: {  	s2 =	simm.s32 $0x50;
	s8 =	simm.s32 $0x8930;
	s0 =	sshrl.u32 @!p0 s3, $0x3  }
0x23: {  	s16 =	simm.s32 $0xED30;
	[dreg:$0x14] =	wrdreg s0;
	s0 =	simm.s32 $0x7530  }
.LBB2_1:
0x24: {  	s3 =	rddreg [dreg:$0x5]  }
0x25: {  	s22 =	rddreg [dreg:$0x4];
	s7 =	sshrl.u32 @p0 s3, $0x3  }
0x26: {  	s3 =	simm.s32 @p0 $0x1FC7;
	[dreg:$0x15] =	wrdreg s7  }
0x27: {  	[spmem:s7], [sflag:s3] =	dma.local @p0 [hbm:s22], $0x1040  }
0x28: {  	s3 =	simm.s32 @p0 $0x7  }
0x29: {  	s7 =	stileid.u32;
	_ =	swait.ge @p0 [sflag:s3], $0x1040  }
0x2a: {  	s7 =	sshll.u32 @!p0 s7, $0x6;
	[sflag:s3] =	ssyncset.done @p0 $0x0  }
0x2b: {  	s7 =	sor.u32 @!p0 $0x1C07, s7;
	[sflag:s3] =	ssyncadd.s32 @p0 $0xFFFFEFC0;
	s3 =	rddreg [dreg:$0x13]  }
0x2c: {  	[dreg:$0x16] =	wrdreg s7  }
0x2d: {  	[spmem:s3], [sflag:s7] =	dma.local @!p0 [hbm:s22], $0x13C0  }
0x2e: {  	s3 =	simm.s32 @!p0 $0x7  }
0x2f: {  	_ =	swait.ge @!p0 [sflag:s3], $0x13C0  }
0x30: {  	[sflag:s3] =	ssyncset.done @!p0 $0x0  }
0x31: {  	[sflag:s3] =	ssyncadd.s32 @!p0 $0xFFFFEC40  }
0x32: {  	[bflag:$0x0] =	sbarrier.arrive $0xFFFF  }
0x33: {  	s3 =	simm.s32 $0x0;
	s22 =	rddreg [dreg:$0x6]  }
0x34: {  	[tilespmem:s3], [sflag:$0x7] =	stream.linear.gather [hbm4b:s22+s3], $0x2710, $0x38;
	[tilespmem:$0x1C570] =	vst v63  }
0x35: {  	_ =	swait.ge [sflag:s26], $0x2710  }
0x36: {  	[sflag:s26] =	ssyncset.done $0x0  }
0x37: {  	s25 =	simm.s32 $0x2710;
	s24 =	rddreg [dreg:$0x7];
	[sflag:s26] =	ssyncadd.s32 $0xFFFFD8F0  }
0x38: {  	[tilespmem:s25], [sflag:$0x7] =	stream.linear.gather [hbm4b:s24+s3], $0x2710, $0x38;
	[tilespmem:$0x1C570] =	vst v63  }
0x39: {  	_ =	swait.ge [sflag:s26], $0x2710  }
0x3a: {  	[sflag:s26] =	ssyncset.done $0x0  }
0x3b: {  	s24 =	simm.s32 $0x4E20;
	s28 =	rddreg [dreg:$0x8];
	[sflag:s26] =	ssyncadd.s32 $0xFFFFD8F0  }
0x3c: {  	[tilespmem:s24], [sflag:$0x7] =	stream.linear.gather [hbm4b:s28+s3], $0x2710, $0x38;
	[tilespmem:$0x1C570] =	vst v63  }
0x3d: {  	_ =	swait.ge [sflag:s26], $0x2710  }
0x3e: {  	[sflag:s26] =	ssyncset.done $0x0  }
0x3f: {  	s24 =	rddreg [dreg:$0x9];
	[sflag:s26] =	ssyncadd.s32 $0xFFFFD8F0  }
0x40: {  	[tilespmem:s0], [sflag:$0x1] =	stream.strided.gather [hbm4b:s24+s30], $0x1400, s31, s30, $0x38;
	[tilespmem:$0x1C570] =	vst v63  }
0x41: {  	_ = 	snop  }
0x42: {  	[tilespmem:s8], [sflag:$0x1] =	stream.indirect.gather [hbm4b:s4+s2], $0x40, s3, s2, $0xb8;
	[tilespmem:$0x1C570] =	vst v63  }
0x43: {  	_ = 	snop  }
0x44: {  	[tilespmem:s9], [sflag:$0x1] =	stream.indirect.gather [hbm4b:s4+s2], $0x40, s25, s2, $0xb8;
	[tilespmem:$0x1C570] =	vst v63  }
0x45: {  	s25 =	rddreg [dreg:$0xe]  }
0x46: {  	[tilespmem:s11], [sflag:$0x2] =	stream.strided.gather [hbm4b:s25+s30], $0x1400, s31, s30, $0x38;
	[tilespmem:$0x1C570] =	vst v63  }
0x47: {  	_ = 	snop  }
0x48: {  	[tilespmem:s12], [sflag:$0x2] =	stream.indirect.gather [hbm4b:s4+s2], $0x40, s2, s2, $0xb8;
	[tilespmem:$0x1C570] =	vst v63  }
0x49: {  	s28 =	simm.s32 $0x2760;
	s3 =	simm.s32 $0x0  }
0x4a: {  	[tilespmem:s29], [sflag:$0x2] =	stream.indirect.gather [hbm4b:s4+s2], $0x40, s28, s2, $0xb8;
	[tilespmem:$0x1C570] =	vst v63  }
.LBB2_2:
0x4b: {  	_ =	swait.ge [sflag:s15], $0x3C00  }
0x4c: {  	[sflag:s15] =	ssyncset.done $0x0  }
0x4d: {  	s22 =	simm.s32 $0x8970;
	[sflag:s15] =	ssyncadd.s32 $0xFFFFC400  }
0x4e: {  	v0 =	vld [tilespmem:s22+$0x13C0]  }
0x4f: {  	v2 =	vld [tilespmem:s22+$0x13D0]  }
0x50: {  	v3 =	vld [tilespmem:s22+$0x13E0]  }
0x51: {  	v5 =	vld [tilespmem:s22+$0x1400]  }
0x52: {  	v7 =	vld [tilespmem:s22+$0x1410]  }
0x53: {  	v1 =	vld [tilespmem:s22+$0xFFFFEBC0]  }
0x54: {  	v4 =	vld [tilespmem:s22+$0xFFFFEBD0]  }
0x55: {  	v6 =	vld [tilespmem:s22+$0xFFFFEBE0]  }
0x56: {  	v8 =	vld [tilespmem:s22+$0xFFFFEC00]  }
0x57: {  	v9 =	vld [tilespmem:s22+$0xFFFFEC10]  }
0x58: {  	v10 =	vld [tilespmem:s22+$0xFFFFEC20]  }
0x59: {  	v11 =	vld [tilespmem:s22+$0xFFFFFFC0]  }
0x5a: {  	v12 =	vld [tilespmem:s22+$0xFFFFEC30]  }
0x5b: {  	v13 =	vld [tilespmem:s22+$0xFFFFFFD0]  }
0x5c: {  	v14 =	vld [tilespmem:s22+$0xFFFFFFE0]  }
0x5d: {  	v15 =	vld [tilespmem:s22+$0x0]  }
0x5e: {  	v16 =	vld [tilespmem:s22+$0x10]  }
0x5f: {  	v1 =	vadd.f32 v11, v1;
	v11 =	vld [tilespmem:s22+$0x20]  }
0x60: {  	v61 =	vld [tilespmem:s22+$0x30];
	v4 =	vadd.f32 v13, v4  }
0x61: {  	v6 =	vadd.f32 v14, v6;
	v17 =	vadd.f32 v0, v1;
	v1 =	vld [tilespmem:s22+$0x1420]  }
0x62: {  	v8 =	vadd.f32 v15, v8;
	v4 =	vadd.f32 v2, v4;
	v0 =	vld [tilespmem:s22+$0x1430]  }
0x63: {  	v63 =	vadd.f32 v16, v9;
	v3 =	vadd.f32 v3, v6;
	v2 =	vld [tilespmem:s22+$0xFFFFEBF0];
	v62 =	vmax.f32 v17, $0.0e+00  }
0x64: {  	v5 =	vadd.f32 v5, v8;
	v9 =	vmax.f32 v4, $0.0e+00;
	v4 =	vld [tilespmem:s22+$0xFFFFFFF0];
	[tilespmem:s22+$0xFFFFFFC0] =	vst v62;
	v6 =	vadd.f32 v11, v10  }
0x65: {  	s7 =	simm.s32 $0x0;
	s24 =	simm.s32 $0x89F0;
	v7 =	vadd.f32 v7, v63;
	v8 =	vadd.f32 v61, v12;
	[tilespmem:s22+$0xFFFFFFD0] =	vst v9;
	v9 =	vmax.f32 v3, $0.0e+00;
	v3 =	vld [tilespmem:s22+$0x13F0]  }
.LBB2_3:
0x66: {  	v10 =	vld [tilespmem:s24+$0x13C0];
	[tilespmem:s22+$0xFFFFFFE0] =	vst v9;
	v5 =	vmax.f32 v5, $0.0e+00;
	v1 =	vadd.f32 v1, v6  }
0x67: {  	v6 =	vld [tilespmem:s24+$0x13D0];
	[tilespmem:s22+$0x0] =	vst v5;
	v5 =	vmax.f32 v7, $0.0e+00;
	v0 =	vadd.f32 v0, v8  }
0x68: {  	v7 =	vld [tilespmem:s24+$0x13E0];
	[tilespmem:s22+$0x10] =	vst v5;
	v1 =	vmax.f32 v1, $0.0e+00  }
0x69: {  	v5 =	vld [tilespmem:s24+$0x1400];
	v2 =	vadd.f32 v4, v2;
	[tilespmem:s22+$0x20] =	vst v1;
	v0 =	vmax.f32 v0, $0.0e+00  }
0x6a: {  	v8 =	vld [tilespmem:s24+$0x1410];
	[tilespmem:s22+$0x30] =	vst v0  }
0x6b: {  	v0 =	vld [tilespmem:s24+$0xFFFFEBC0];
	v1 =	vadd.f32 v3, v2  }
0x6c: {  	v2 =	vld [tilespmem:s24+$0xFFFFEBD0]  }
0x6d: {  	v3 =	vld [tilespmem:s24+$0xFFFFEBE0];
	v1 =	vmax.f32 v1, $0.0e+00  }
0x6e: {  	v4 =	vld [tilespmem:s24+$0xFFFFEC00];
	[tilespmem:s22+$0xFFFFFFF0] =	vst v1;
	s22 =	smov.u32 s24  }
0x6f: {  	v9 =	vld [tilespmem:s24+$0xFFFFEC10]  }
0x70: {  	v11 =	vld [tilespmem:s24+$0xFFFFEC20]  }
0x71: {  	v12 =	vld [tilespmem:s24+$0xFFFFEC30]  }
0x72: {  	v1 =	vld [tilespmem:s24+$0xFFFFFFC0]  }
0x73: {  	v13 =	vld [tilespmem:s24+$0xFFFFFFD0]  }
0x74: {  	v14 =	vld [tilespmem:s24+$0xFFFFFFE0]  }
0x75: {  	v15 =	vld [tilespmem:s24+$0x0]  }
0x76: {  	v16 =	vld [tilespmem:s24+$0x10]  }
0x77: {  	s7 =	sadd.s32 $0x2, s7;
	v0 =	vadd.f32 v1, v0;
	v17 =	vld [tilespmem:s24+$0x20]  }
0x78: {  	p1 =	slt.u32 s7, $0x4E;
	v2 =	vadd.f32 v13, v2;
	v13 =	vld [tilespmem:s24+$0x30]  }
.Ltmp0:
0x79: {  	v10 =	vadd.f32 v10, v0;
	v3 =	vadd.f32 v14, v3;
	v1 =	vld [tilespmem:s24+$0x1420];
	(pc) =	sbr.rel @p1 .LBB2_3-.Ltmp0, $4  }
0x7a: {  	v6 =	vadd.f32 v6, v2;
	v14 =	vadd.f32 v15, v4;
	v0 =	vld [tilespmem:s24+$0x1430]  }
0x7b: {  	v4 =	vmax.f32 v10, $0.0e+00;
	v3 =	vadd.f32 v7, v3;
	v2 =	vld [tilespmem:s24+$0xFFFFEBF0];
	v7 =	vadd.f32 v16, v9  }
0x7c: {  	[tilespmem:s24+$0xFFFFFFC0] =	vst v4;
	v9 =	vmax.f32 v6, $0.0e+00;
	v4 =	vld [tilespmem:s24+$0xFFFFFFF0];
	v5 =	vadd.f32 v5, v14;
	v6 =	vadd.f32 v17, v11  }
0x7d: {  	s24 =	sadd.s32 $0x80, s24;
	[tilespmem:s22+$0xFFFFFFD0] =	vst v9;
	v9 =	vmax.f32 v3, $0.0e+00;
	v3 =	vld [tilespmem:s22+$0x13F0];
	v7 =	vadd.f32 v8, v7;
	v8 =	vadd.f32 v13, v12  }
0x7e: {  	_ =	sdelay $0x1  }
0x7f: {  	v1 =	vadd.f32 v1, v6  }
0x80: {  	[tilespmem:s22+$0xFFFFFFE0] =	vst v9;
	v5 =	vmax.f32 v5, $0.0e+00;
	s7 =	smul.u32 $0x3, s3;
	v2 =	vadd.f32 v4, v2  }
0x81: {  	s24 =	smul.u32 $0x3C0, s3;
	[tilespmem:s22+$0x0] =	vst v5;
	v0 =	vadd.f32 v0, v8;
	v1 =	vmax.f32 v1, $0.0e+00  }
0x82: {  	s7 =	sadd.s32 $0x2, s7;
	v4 =	vmax.f32 v7, $0.0e+00;
	[tilespmem:s22+$0x20] =	vst v1;
	v2 =	vadd.f32 v3, v2  }
0x83: {  	s28 =	sshra.s32 s24, $0x2;
	v0 =	vmax.f32 v0, $0.0e+00;
	s24 =	smul.u32 $0x50, s7;
	[tilespmem:s22+$0x10] =	vst v4  }
0x84: {  	[tilespmem:s22+$0x30] =	vst v0;
	v0 =	vmax.f32 v2, $0.0e+00  }
0x85: {  	p1 =	seq.s32 s3, $0x0;
	s25 =	sadd.s32 $0x4E20, s28;
	[tilespmem:s22+$0xFFFFFFF0] =	vst v0;
	s22 =	sadd.s32 s6, s24  }
0x86: {  	[spmem:s1] =	stream.indirect.scatter.add.f32 [tilespmem:s8], [sflag:$0x4], $0x40, s25, s2, $0xb8;
	[tilespmem:$0x1C570] =	vst v63  }
0x87: {  	s25 =	simm.s32 @!p1 $0x6;
	s22 =	sshll.u32 s22, $0x7  }
0x88: {  	_ =	swait.ge @!p1 [sflag:s25], $0x1400;
	s22 =	sor.u32 s10, s22  }
0x89: {  	[sflag:s25] =	ssyncset.done @!p1 $0x0;
	s22 =	sshrl.u32 s22, $0x3  }
0x8a: {  	[sflag:s25] =	ssyncadd.s32 @!p1 $0xFFFFEC00;
	s22 =	sadd.s32 s5, s22  }
0x8b: {  	[tilespmem:s16], [sflag:$0x3] =	stream.strided.gather [hbm4b:s22+s30], $0x1400, s31, s30, $0x38;
	[tilespmem:$0x1C570] =	vst v63  }
0x8c: {  	_ = 	snop  }
0x8d: {  	[tilespmem:s17], [sflag:$0x3] =	stream.indirect.gather [hbm4b:s4+s2], $0x40, s24, s2, $0xb8;
	[tilespmem:$0x1C570] =	vst v63  }
0x8e: {  	s25 =	sadd.s32 $0x2710, s24  }
0x8f: {  	[tilespmem:s18], [sflag:$0x3] =	stream.indirect.gather [hbm4b:s4+s2], $0x40, s25, s2, $0xb8;
	[tilespmem:$0x1C570] =	vst v63  }
0x90: {  	_ =	swait.ge [sflag:s14], $0x3C00  }
0x91: {  	[sflag:s14] =	ssyncset.done $0x0  }
0x92: {  	s22 =	simm.s32 $0xC570;
	[sflag:s14] =	ssyncadd.s32 $0xFFFFC400  }
0x93: {  	v0 =	vld [tilespmem:s22+$0x13C0]  }
0x94: {  	v2 =	vld [tilespmem:s22+$0x13D0]  }
0x95: {  	v3 =	vld [tilespmem:s22+$0x13E0]  }
0x96: {  	v5 =	vld [tilespmem:s22+$0x1400]  }
0x97: {  	v7 =	vld [tilespmem:s22+$0x1410]  }
0x98: {  	v1 =	vld [tilespmem:s22+$0xFFFFEBC0]  }
0x99: {  	v4 =	vld [tilespmem:s22+$0xFFFFEBD0]  }
0x9a: {  	v6 =	vld [tilespmem:s22+$0xFFFFEBE0]  }
0x9b: {  	v8 =	vld [tilespmem:s22+$0xFFFFEC00]  }
0x9c: {  	v9 =	vld [tilespmem:s22+$0xFFFFEC10]  }
0x9d: {  	v10 =	vld [tilespmem:s22+$0xFFFFEC20]  }
0x9e: {  	v11 =	vld [tilespmem:s22+$0xFFFFFFC0]  }
0x9f: {  	v12 =	vld [tilespmem:s22+$0xFFFFEC30]  }
0xa0: {  	v13 =	vld [tilespmem:s22+$0xFFFFFFD0]  }
0xa1: {  	v14 =	vld [tilespmem:s22+$0xFFFFFFE0]  }
0xa2: {  	v15 =	vld [tilespmem:s22+$0x0]  }
0xa3: {  	v16 =	vld [tilespmem:s22+$0x10]  }
0xa4: {  	v1 =	vadd.f32 v11, v1;
	v11 =	vld [tilespmem:s22+$0x20]  }
0xa5: {  	v61 =	vld [tilespmem:s22+$0x30];
	v4 =	vadd.f32 v13, v4  }
0xa6: {  	v6 =	vadd.f32 v14, v6;
	v17 =	vadd.f32 v0, v1;
	v1 =	vld [tilespmem:s22+$0x1420]  }
0xa7: {  	v8 =	vadd.f32 v15, v8;
	v4 =	vadd.f32 v2, v4;
	v0 =	vld [tilespmem:s22+$0x1430]  }
0xa8: {  	v63 =	vadd.f32 v16, v9;
	v3 =	vadd.f32 v3, v6;
	v2 =	vld [tilespmem:s22+$0xFFFFEBF0];
	v62 =	vmax.f32 v17, $0.0e+00  }
0xa9: {  	v5 =	vadd.f32 v5, v8;
	v9 =	vmax.f32 v4, $0.0e+00;
	v4 =	vld [tilespmem:s22+$0xFFFFFFF0];
	[tilespmem:s22+$0xFFFFFFC0] =	vst v62;
	v6 =	vadd.f32 v11, v10  }
0xaa: {  	s24 =	simm.s32 $0x0;
	s25 =	simm.s32 $0xC5F0;
	v7 =	vadd.f32 v7, v63;
	v8 =	vadd.f32 v61, v12;
	[tilespmem:s22+$0xFFFFFFD0] =	vst v9;
	v9 =	vmax.f32 v3, $0.0e+00;
	v3 =	vld [tilespmem:s22+$0x13F0]  }
.LBB2_5:
0xab: {  	v10 =	vld [tilespmem:s25+$0x13C0];
	[tilespmem:s22+$0xFFFFFFE0] =	vst v9;
	v5 =	vmax.f32 v5, $0.0e+00;
	v1 =	vadd.f32 v1, v6  }
0xac: {  	v6 =	vld [tilespmem:s25+$0x13D0];
	[tilespmem:s22+$0x0] =	vst v5;
	v5 =	vmax.f32 v7, $0.0e+00;
	v0 =	vadd.f32 v0, v8  }
0xad: {  	v7 =	vld [tilespmem:s25+$0x13E0];
	[tilespmem:s22+$0x10] =	vst v5;
	v1 =	vmax.f32 v1, $0.0e+00  }
0xae: {  	v5 =	vld [tilespmem:s25+$0x1400];
	v2 =	vadd.f32 v4, v2;
	[tilespmem:s22+$0x20] =	vst v1;
	v0 =	vmax.f32 v0, $0.0e+00  }
0xaf: {  	v8 =	vld [tilespmem:s25+$0x1410];
	[tilespmem:s22+$0x30] =	vst v0  }
0xb0: {  	v0 =	vld [tilespmem:s25+$0xFFFFEBC0];
	v1 =	vadd.f32 v3, v2  }
0xb1: {  	v2 =	vld [tilespmem:s25+$0xFFFFEBD0]  }
0xb2: {  	v3 =	vld [tilespmem:s25+$0xFFFFEBE0];
	v1 =	vmax.f32 v1, $0.0e+00  }
0xb3: {  	v4 =	vld [tilespmem:s25+$0xFFFFEC00];
	[tilespmem:s22+$0xFFFFFFF0] =	vst v1;
	s22 =	smov.u32 s25  }
0xb4: {  	v9 =	vld [tilespmem:s25+$0xFFFFEC10]  }
0xb5: {  	v11 =	vld [tilespmem:s25+$0xFFFFEC20]  }
0xb6: {  	v12 =	vld [tilespmem:s25+$0xFFFFEC30]  }
0xb7: {  	v1 =	vld [tilespmem:s25+$0xFFFFFFC0]  }
0xb8: {  	v13 =	vld [tilespmem:s25+$0xFFFFFFD0]  }
0xb9: {  	v14 =	vld [tilespmem:s25+$0xFFFFFFE0]  }
0xba: {  	v15 =	vld [tilespmem:s25+$0x0]  }
0xbb: {  	v16 =	vld [tilespmem:s25+$0x10]  }
0xbc: {  	s24 =	sadd.s32 $0x2, s24;
	v0 =	vadd.f32 v1, v0;
	v17 =	vld [tilespmem:s25+$0x20]  }
0xbd: {  	p1 =	slt.u32 s24, $0x4E;
	v2 =	vadd.f32 v13, v2;
	v13 =	vld [tilespmem:s25+$0x30]  }
.Ltmp1:
0xbe: {  	v10 =	vadd.f32 v10, v0;
	v3 =	vadd.f32 v14, v3;
	v1 =	vld [tilespmem:s25+$0x1420];
	(pc) =	sbr.rel @p1 .LBB2_5-.Ltmp1, $4  }
0xbf: {  	v6 =	vadd.f32 v6, v2;
	v14 =	vadd.f32 v15, v4;
	v0 =	vld [tilespmem:s25+$0x1430]  }
0xc0: {  	v4 =	vmax.f32 v10, $0.0e+00;
	v3 =	vadd.f32 v7, v3;
	v2 =	vld [tilespmem:s25+$0xFFFFEBF0];
	v7 =	vadd.f32 v16, v9  }
0xc1: {  	[tilespmem:s25+$0xFFFFFFC0] =	vst v4;
	v9 =	vmax.f32 v6, $0.0e+00;
	v4 =	vld [tilespmem:s25+$0xFFFFFFF0];
	v5 =	vadd.f32 v5, v14;
	v6 =	vadd.f32 v17, v11  }
0xc2: {  	s25 =	sadd.s32 $0x80, s25;
	[tilespmem:s22+$0xFFFFFFD0] =	vst v9;
	v9 =	vmax.f32 v3, $0.0e+00;
	v3 =	vld [tilespmem:s22+$0x13F0];
	v7 =	vadd.f32 v8, v7;
	v8 =	vadd.f32 v13, v12  }
0xc3: {  	_ =	sdelay $0x1  }
0xc4: {  	v1 =	vadd.f32 v1, v6  }
0xc5: {  	[tilespmem:s22+$0xFFFFFFE0] =	vst v9;
	v5 =	vmax.f32 v5, $0.0e+00;
	v2 =	vadd.f32 v4, v2  }
0xc6: {  	[tilespmem:s22+$0x0] =	vst v5;
	v0 =	vadd.f32 v0, v8;
	v1 =	vmax.f32 v1, $0.0e+00  }
0xc7: {  	v4 =	vmax.f32 v7, $0.0e+00;
	[tilespmem:s22+$0x20] =	vst v1;
	v2 =	vadd.f32 v3, v2  }
0xc8: {  	s24 =	sadd.s32 $0x4E70, s28;
	s28 =	smul.u32 $0xF0, s3;
	v0 =	vmax.f32 v0, $0.0e+00;
	[tilespmem:s22+$0x10] =	vst v4  }
0xc9: {  	[tilespmem:s22+$0x30] =	vst v0;
	v0 =	vmax.f32 v2, $0.0e+00  }
0xca: {  	s25 =	sadd.s32 $0xF0, s28;
	[tilespmem:s22+$0xFFFFFFF0] =	vst v0  }
0xcb: {  	[spmem:s1] =	stream.indirect.scatter.add.f32 [tilespmem:s12], [sflag:$0x5], $0x40, s24, s2, $0xb8;
	[tilespmem:$0x1C570] =	vst v63  }
0xcc: {  	s24 =	sadd.s32 s6, s25  }
0xcd: {  	s24 =	sshll.u32 s24, $0x7  }
0xce: {  	_ =	swait.ge [sflag:s19], $0x1400;
	s24 =	sor.u32 s10, s24  }
0xcf: {  	[sflag:s19] =	ssyncset.done $0x0;
	s24 =	sshrl.u32 s24, $0x3  }
0xd0: {  	[sflag:s19] =	ssyncadd.s32 $0xFFFFEC00;
	s24 =	sadd.s32 s5, s24  }
0xd1: {  	[tilespmem:s0], [sflag:$0x1] =	stream.strided.gather [hbm4b:s24+s30], $0x1400, s31, s30, $0x38;
	[tilespmem:$0x1C570] =	vst v63  }
0xd2: {  	_ = 	snop  }
0xd3: {  	[tilespmem:s8], [sflag:$0x1] =	stream.indirect.gather [hbm4b:s4+s2], $0x40, s25, s2, $0xb8;
	[tilespmem:$0x1C570] =	vst v63  }
0xd4: {  	s25 =	sadd.s32 $0x2800, s28  }
0xd5: {  	[tilespmem:s9], [sflag:$0x1] =	stream.indirect.gather [hbm4b:s4+s2], $0x40, s25, s2, $0xb8;
	[tilespmem:$0x1C570] =	vst v63  }
0xd6: {  	_ =	swait.ge [sflag:s20], $0x3C00  }
0xd7: {  	[sflag:s20] =	ssyncset.done $0x0  }
0xd8: {  	s22 =	simm.s32 $0x10170;
	[sflag:s20] =	ssyncadd.s32 $0xFFFFC400  }
0xd9: {  	v0 =	vld [tilespmem:s22+$0x13C0]  }
0xda: {  	v2 =	vld [tilespmem:s22+$0x13D0]  }
0xdb: {  	v3 =	vld [tilespmem:s22+$0x13E0]  }
0xdc: {  	v5 =	vld [tilespmem:s22+$0x1400]  }
0xdd: {  	v7 =	vld [tilespmem:s22+$0x1410]  }
0xde: {  	v1 =	vld [tilespmem:s22+$0xFFFFEBC0]  }
0xdf: {  	v4 =	vld [tilespmem:s22+$0xFFFFEBD0]  }
0xe0: {  	v6 =	vld [tilespmem:s22+$0xFFFFEBE0]  }
0xe1: {  	v8 =	vld [tilespmem:s22+$0xFFFFEC00]  }
0xe2: {  	v9 =	vld [tilespmem:s22+$0xFFFFEC10]  }
0xe3: {  	v10 =	vld [tilespmem:s22+$0xFFFFEC20]  }
0xe4: {  	v11 =	vld [tilespmem:s22+$0xFFFFFFC0]  }
0xe5: {  	v12 =	vld [tilespmem:s22+$0xFFFFEC30]  }
0xe6: {  	v13 =	vld [tilespmem:s22+$0xFFFFFFD0]  }
0xe7: {  	v14 =	vld [tilespmem:s22+$0xFFFFFFE0]  }
0xe8: {  	v15 =	vld [tilespmem:s22+$0x0]  }
0xe9: {  	v16 =	vld [tilespmem:s22+$0x10]  }
0xea: {  	v1 =	vadd.f32 v11, v1;
	v11 =	vld [tilespmem:s22+$0x20]  }
0xeb: {  	v61 =	vld [tilespmem:s22+$0x30];
	v4 =	vadd.f32 v13, v4  }
0xec: {  	v6 =	vadd.f32 v14, v6;
	v17 =	vadd.f32 v0, v1;
	v1 =	vld [tilespmem:s22+$0x1420]  }
0xed: {  	v8 =	vadd.f32 v15, v8;
	v4 =	vadd.f32 v2, v4;
	v0 =	vld [tilespmem:s22+$0x1430]  }
0xee: {  	v63 =	vadd.f32 v16, v9;
	v3 =	vadd.f32 v3, v6;
	v2 =	vld [tilespmem:s22+$0xFFFFEBF0];
	v62 =	vmax.f32 v17, $0.0e+00  }
0xef: {  	v5 =	vadd.f32 v5, v8;
	v9 =	vmax.f32 v4, $0.0e+00;
	v4 =	vld [tilespmem:s22+$0xFFFFFFF0];
	[tilespmem:s22+$0xFFFFFFC0] =	vst v62;
	v6 =	vadd.f32 v11, v10  }
0xf0: {  	s24 =	simm.s32 $0x0;
	s25 =	simm.s32 $0x101F0;
	v7 =	vadd.f32 v7, v63;
	v8 =	vadd.f32 v61, v12;
	[tilespmem:s22+$0xFFFFFFD0] =	vst v9;
	v9 =	vmax.f32 v3, $0.0e+00;
	v3 =	vld [tilespmem:s22+$0x13F0]  }
.LBB2_7:
0xf1: {  	v10 =	vld [tilespmem:s25+$0x13C0];
	[tilespmem:s22+$0xFFFFFFE0] =	vst v9;
	v5 =	vmax.f32 v5, $0.0e+00;
	v1 =	vadd.f32 v1, v6  }
0xf2: {  	v6 =	vld [tilespmem:s25+$0x13D0];
	[tilespmem:s22+$0x0] =	vst v5;
	v5 =	vmax.f32 v7, $0.0e+00;
	v0 =	vadd.f32 v0, v8  }
0xf3: {  	v7 =	vld [tilespmem:s25+$0x13E0];
	[tilespmem:s22+$0x10] =	vst v5;
	v1 =	vmax.f32 v1, $0.0e+00  }
0xf4: {  	v5 =	vld [tilespmem:s25+$0x1400];
	v2 =	vadd.f32 v4, v2;
	[tilespmem:s22+$0x20] =	vst v1;
	v0 =	vmax.f32 v0, $0.0e+00  }
0xf5: {  	v8 =	vld [tilespmem:s25+$0x1410];
	[tilespmem:s22+$0x30] =	vst v0  }
0xf6: {  	v0 =	vld [tilespmem:s25+$0xFFFFEBC0];
	v1 =	vadd.f32 v3, v2  }
0xf7: {  	v2 =	vld [tilespmem:s25+$0xFFFFEBD0]  }
0xf8: {  	v3 =	vld [tilespmem:s25+$0xFFFFEBE0];
	v1 =	vmax.f32 v1, $0.0e+00  }
0xf9: {  	v4 =	vld [tilespmem:s25+$0xFFFFEC00];
	[tilespmem:s22+$0xFFFFFFF0] =	vst v1;
	s22 =	smov.u32 s25  }
0xfa: {  	v9 =	vld [tilespmem:s25+$0xFFFFEC10]  }
0xfb: {  	v11 =	vld [tilespmem:s25+$0xFFFFEC20]  }
0xfc: {  	v12 =	vld [tilespmem:s25+$0xFFFFEC30]  }
0xfd: {  	v1 =	vld [tilespmem:s25+$0xFFFFFFC0]  }
0xfe: {  	v13 =	vld [tilespmem:s25+$0xFFFFFFD0]  }
0xff: {  	v14 =	vld [tilespmem:s25+$0xFFFFFFE0]  }
0x100: {  	v15 =	vld [tilespmem:s25+$0x0]  }
0x101: {  	v16 =	vld [tilespmem:s25+$0x10]  }
0x102: {  	s24 =	sadd.s32 $0x2, s24;
	v0 =	vadd.f32 v1, v0;
	v17 =	vld [tilespmem:s25+$0x20]  }
0x103: {  	p1 =	slt.u32 s24, $0x4E;
	v2 =	vadd.f32 v13, v2;
	v13 =	vld [tilespmem:s25+$0x30]  }
.Ltmp2:
0x104: {  	v10 =	vadd.f32 v10, v0;
	v3 =	vadd.f32 v14, v3;
	v1 =	vld [tilespmem:s25+$0x1420];
	(pc) =	sbr.rel @p1 .LBB2_7-.Ltmp2, $4  }
0x105: {  	v6 =	vadd.f32 v6, v2;
	v14 =	vadd.f32 v15, v4;
	v0 =	vld [tilespmem:s25+$0x1430]  }
0x106: {  	v4 =	vmax.f32 v10, $0.0e+00;
	v3 =	vadd.f32 v7, v3;
	v2 =	vld [tilespmem:s25+$0xFFFFEBF0];
	v7 =	vadd.f32 v16, v9  }
0x107: {  	[tilespmem:s25+$0xFFFFFFC0] =	vst v4;
	v9 =	vmax.f32 v6, $0.0e+00;
	v4 =	vld [tilespmem:s25+$0xFFFFFFF0];
	v5 =	vadd.f32 v5, v14;
	v6 =	vadd.f32 v17, v11  }
0x108: {  	s25 =	sadd.s32 $0x80, s25;
	[tilespmem:s22+$0xFFFFFFD0] =	vst v9;
	v9 =	vmax.f32 v3, $0.0e+00;
	v3 =	vld [tilespmem:s22+$0x13F0];
	v7 =	vadd.f32 v8, v7;
	v8 =	vadd.f32 v13, v12  }
0x109: {  	_ =	sdelay $0x2  }
0x10a: {  	[tilespmem:s22+$0xFFFFFFE0] =	vst v9;
	v5 =	vmax.f32 v5, $0.0e+00;
	v1 =	vadd.f32 v1, v6;
	v2 =	vadd.f32 v4, v2  }
0x10b: {  	[tilespmem:s22+$0x0] =	vst v5;
	v62 =	vmax.f32 v7, $0.0e+00;
	v0 =	vadd.f32 v0, v8  }
0x10c: {  	s7 =	smul.u32 $0x140, s7;
	[tilespmem:s22+$0x10] =	vst v62;
	v1 =	vmax.f32 v1, $0.0e+00;
	v2 =	vadd.f32 v3, v2  }
0x10d: {  	s24 =	sadd.s32 $0x140, s28;
	[tilespmem:s22+$0x20] =	vst v1;
	v0 =	vmax.f32 v0, $0.0e+00  }
0x10e: {  	s25 =	sadd.s32 s6, s24;
	s7 =	sshra.s32 s7, $0x2;
	[tilespmem:s22+$0x30] =	vst v0;
	v63 =	vmax.f32 v2, $0.0e+00  }
0x10f: {  	s7 =	sadd.s32 $0x4E20, s7;
	[tilespmem:s22+$0xFFFFFFF0] =	vst v63;
	s22 =	sshll.u32 s25, $0x7  }
0x110: {  	[spmem:s1] =	stream.indirect.scatter.add.f32 [tilespmem:s17], [sflag:$0x6], $0x40, s7, s2, $0xb8;
	[tilespmem:$0x1C570] =	vst v63  }
0x111: {  	s22 =	sor.u32 s10, s22;
	_ =	swait.ge [sflag:s21], $0x1400  }
0x112: {  	s3 =	sadd.s32 $0x1, s3;
	s22 =	sshrl.u32 s22, $0x3;
	[sflag:s21] =	ssyncset.done $0x0  }
0x113: {  	p1 =	sne.s32 s3, $0x29;
	s22 =	sadd.s32 s5, s22;
	[sflag:s21] =	ssyncadd.s32 $0xFFFFEC00  }
0x114: {  	[tilespmem:s11], [sflag:$0x2] =	stream.strided.gather [hbm4b:s22+s30], $0x1400, s31, s30, $0x38;
	[tilespmem:$0x1C570] =	vst v63  }
.Ltmp3:
0x115: {  	_ = 	snop;
	(pc) =	sbr.rel @p1 .LBB2_2-.Ltmp3, $4  }
0x116: {  	_ = 	snop  }
0x117: {  	[tilespmem:s12], [sflag:$0x2] =	stream.indirect.gather [hbm4b:s4+s2], $0x40, s24, s2, $0xb8;
	[tilespmem:$0x1C570] =	vst v63  }
0x118: {  	s28 =	sadd.s32 $0x2850, s28  }
0x119: {  	[tilespmem:s29], [sflag:$0x2] =	stream.indirect.gather [hbm4b:s4+s2], $0x40, s28, s2, $0xb8;
	[tilespmem:$0x1C570] =	vst v63  }
0x11a: {  	_ =	swait.ge [sflag:s15], $0x3C00  }
0x11b: {  	[sflag:s15] =	ssyncset.done $0x0  }
0x11c: {  	s3 =	simm.s32 $0x8970;
	[sflag:s15] =	ssyncadd.s32 $0xFFFFC400  }
0x11d: {  	v0 =	vld [tilespmem:s3+$0x13C0]  }
0x11e: {  	v2 =	vld [tilespmem:s3+$0x13D0]  }
0x11f: {  	v3 =	vld [tilespmem:s3+$0x13E0]  }
0x120: {  	v5 =	vld [tilespmem:s3+$0x1400]  }
0x121: {  	v7 =	vld [tilespmem:s3+$0x1410]  }
0x122: {  	v1 =	vld [tilespmem:s3+$0xFFFFEBC0]  }
0x123: {  	v4 =	vld [tilespmem:s3+$0xFFFFEBD0]  }
0x124: {  	v6 =	vld [tilespmem:s3+$0xFFFFEBE0]  }
0x125: {  	v8 =	vld [tilespmem:s3+$0xFFFFEC00]  }
0x126: {  	v9 =	vld [tilespmem:s3+$0xFFFFEC10]  }
0x127: {  	v10 =	vld [tilespmem:s3+$0xFFFFEC20]  }
0x128: {  	v11 =	vld [tilespmem:s3+$0xFFFFFFC0]  }
0x129: {  	v12 =	vld [tilespmem:s3+$0xFFFFEC30]  }
0x12a: {  	v13 =	vld [tilespmem:s3+$0xFFFFFFD0]  }
0x12b: {  	v14 =	vld [tilespmem:s3+$0xFFFFFFE0]  }
0x12c: {  	v15 =	vld [tilespmem:s3+$0x0]  }
0x12d: {  	v16 =	vld [tilespmem:s3+$0x10]  }
0x12e: {  	v1 =	vadd.f32 v11, v1;
	v11 =	vld [tilespmem:s3+$0x20]  }
0x12f: {  	v61 =	vld [tilespmem:s3+$0x30];
	v4 =	vadd.f32 v13, v4  }
0x130: {  	v6 =	vadd.f32 v14, v6;
	v17 =	vadd.f32 v0, v1;
	v1 =	vld [tilespmem:s3+$0x1420]  }
0x131: {  	v8 =	vadd.f32 v15, v8;
	v4 =	vadd.f32 v2, v4;
	v0 =	vld [tilespmem:s3+$0x1430]  }
0x132: {  	v63 =	vadd.f32 v16, v9;
	v3 =	vadd.f32 v3, v6;
	v2 =	vld [tilespmem:s3+$0xFFFFEBF0];
	v62 =	vmax.f32 v17, $0.0e+00  }
0x133: {  	v5 =	vadd.f32 v5, v8;
	v9 =	vmax.f32 v4, $0.0e+00;
	v4 =	vld [tilespmem:s3+$0xFFFFFFF0];
	[tilespmem:s3+$0xFFFFFFC0] =	vst v62;
	v6 =	vadd.f32 v11, v10  }
0x134: {  	s7 =	simm.s32 $0x0;
	s22 =	simm.s32 $0x89F0;
	v7 =	vadd.f32 v7, v63;
	v8 =	vadd.f32 v61, v12;
	[tilespmem:s3+$0xFFFFFFD0] =	vst v9;
	v9 =	vmax.f32 v3, $0.0e+00;
	v3 =	vld [tilespmem:s3+$0x13F0]  }
.LBB2_10:
0x135: {  	v10 =	vld [tilespmem:s22+$0x13C0];
	[tilespmem:s3+$0xFFFFFFE0] =	vst v9;
	v5 =	vmax.f32 v5, $0.0e+00;
	v1 =	vadd.f32 v1, v6  }
0x136: {  	v6 =	vld [tilespmem:s22+$0x13D0];
	[tilespmem:s3+$0x0] =	vst v5;
	v5 =	vmax.f32 v7, $0.0e+00;
	v0 =	vadd.f32 v0, v8  }
0x137: {  	v7 =	vld [tilespmem:s22+$0x13E0];
	[tilespmem:s3+$0x10] =	vst v5;
	v1 =	vmax.f32 v1, $0.0e+00  }
0x138: {  	v5 =	vld [tilespmem:s22+$0x1400];
	v2 =	vadd.f32 v4, v2;
	[tilespmem:s3+$0x20] =	vst v1;
	v0 =	vmax.f32 v0, $0.0e+00  }
0x139: {  	v8 =	vld [tilespmem:s22+$0x1410];
	[tilespmem:s3+$0x30] =	vst v0  }
0x13a: {  	v0 =	vld [tilespmem:s22+$0xFFFFEBC0];
	v1 =	vadd.f32 v3, v2  }
0x13b: {  	v2 =	vld [tilespmem:s22+$0xFFFFEBD0]  }
0x13c: {  	v3 =	vld [tilespmem:s22+$0xFFFFEBE0];
	v1 =	vmax.f32 v1, $0.0e+00  }
0x13d: {  	v4 =	vld [tilespmem:s22+$0xFFFFEC00];
	[tilespmem:s3+$0xFFFFFFF0] =	vst v1;
	s3 =	smov.u32 s22  }
0x13e: {  	v9 =	vld [tilespmem:s22+$0xFFFFEC10]  }
0x13f: {  	v11 =	vld [tilespmem:s22+$0xFFFFEC20]  }
0x140: {  	v12 =	vld [tilespmem:s22+$0xFFFFEC30]  }
0x141: {  	v1 =	vld [tilespmem:s22+$0xFFFFFFC0]  }
0x142: {  	v13 =	vld [tilespmem:s22+$0xFFFFFFD0]  }
0x143: {  	v14 =	vld [tilespmem:s22+$0xFFFFFFE0]  }
0x144: {  	v15 =	vld [tilespmem:s22+$0x0]  }
0x145: {  	v16 =	vld [tilespmem:s22+$0x10]  }
0x146: {  	s7 =	sadd.s32 $0x2, s7;
	v0 =	vadd.f32 v1, v0;
	v17 =	vld [tilespmem:s22+$0x20]  }
0x147: {  	p1 =	slt.u32 s7, $0x4E;
	v2 =	vadd.f32 v13, v2;
	v13 =	vld [tilespmem:s22+$0x30]  }
.Ltmp4:
0x148: {  	v10 =	vadd.f32 v10, v0;
	v3 =	vadd.f32 v14, v3;
	v1 =	vld [tilespmem:s22+$0x1420];
	(pc) =	sbr.rel @p1 .LBB2_10-.Ltmp4, $4  }
0x149: {  	v6 =	vadd.f32 v6, v2;
	v14 =	vadd.f32 v15, v4;
	v0 =	vld [tilespmem:s22+$0x1430]  }
0x14a: {  	v4 =	vmax.f32 v10, $0.0e+00;
	v3 =	vadd.f32 v7, v3;
	v2 =	vld [tilespmem:s22+$0xFFFFEBF0];
	v7 =	vadd.f32 v16, v9  }
0x14b: {  	[tilespmem:s22+$0xFFFFFFC0] =	vst v4;
	v9 =	vmax.f32 v6, $0.0e+00;
	v4 =	vld [tilespmem:s22+$0xFFFFFFF0];
	v5 =	vadd.f32 v5, v14;
	v6 =	vadd.f32 v17, v11  }
0x14c: {  	s22 =	sadd.s32 $0x80, s22;
	[tilespmem:s3+$0xFFFFFFD0] =	vst v9;
	v9 =	vmax.f32 v3, $0.0e+00;
	v3 =	vld [tilespmem:s3+$0x13F0];
	v7 =	vadd.f32 v8, v7;
	v8 =	vadd.f32 v13, v12  }
0x14d: {  	_ =	sdelay $0x1  }
0x14e: {  	v1 =	vadd.f32 v1, v6  }
0x14f: {  	[tilespmem:s3+$0xFFFFFFE0] =	vst v9;
	v5 =	vmax.f32 v5, $0.0e+00;
	v2 =	vadd.f32 v4, v2  }
0x150: {  	[tilespmem:s3+$0x0] =	vst v5;
	v0 =	vadd.f32 v0, v8;
	v1 =	vmax.f32 v1, $0.0e+00  }
0x151: {  	v4 =	vmax.f32 v7, $0.0e+00;
	[tilespmem:s3+$0x20] =	vst v1;
	v2 =	vadd.f32 v3, v2  }
0x152: {  	v0 =	vmax.f32 v0, $0.0e+00;
	[tilespmem:s3+$0x10] =	vst v4  }
0x153: {  	[tilespmem:s3+$0x30] =	vst v0;
	v0 =	vmax.f32 v2, $0.0e+00  }
0x154: {  	s28 =	simm.s32 $0x7490;
	[tilespmem:s3+$0xFFFFFFF0] =	vst v0  }
0x155: {  	[spmem:s1] =	stream.indirect.scatter.add.f32 [tilespmem:s8], [sflag:$0x7], $0x40, s28, s2, $0xb8;
	[tilespmem:$0x1C570] =	vst v63  }
0x156: {  	_ =	swait.ge [sflag:s26], $0x1400  }
0x157: {  	[sflag:s26] =	ssyncset.done $0x0  }
0x158: {  	[sflag:s26] =	ssyncadd.s32 $0xFFFFEC00  }
0x159: {  	_ =	swait.ge [sflag:s14], $0x3C00  }
0x15a: {  	[sflag:s14] =	ssyncset.done $0x0  }
0x15b: {  	s3 =	simm.s32 $0xC570;
	[sflag:s14] =	ssyncadd.s32 $0xFFFFC400  }
0x15c: {  	v0 =	vld [tilespmem:s3+$0x13C0]  }
0x15d: {  	v2 =	vld [tilespmem:s3+$0x13D0]  }
0x15e: {  	v3 =	vld [tilespmem:s3+$0x13E0]  }
0x15f: {  	v5 =	vld [tilespmem:s3+$0x1400]  }
0x160: {  	v7 =	vld [tilespmem:s3+$0x1410]  }
0x161: {  	v1 =	vld [tilespmem:s3+$0xFFFFEBC0]  }
0x162: {  	v4 =	vld [tilespmem:s3+$0xFFFFEBD0]  }
0x163: {  	v6 =	vld [tilespmem:s3+$0xFFFFEBE0]  }
0x164: {  	v8 =	vld [tilespmem:s3+$0xFFFFEC00]  }
0x165: {  	v9 =	vld [tilespmem:s3+$0xFFFFEC10]  }
0x166: {  	v10 =	vld [tilespmem:s3+$0xFFFFEC20]  }
0x167: {  	v11 =	vld [tilespmem:s3+$0xFFFFFFC0]  }
0x168: {  	v12 =	vld [tilespmem:s3+$0xFFFFEC30]  }
0x169: {  	v13 =	vld [tilespmem:s3+$0xFFFFFFD0]  }
0x16a: {  	v14 =	vld [tilespmem:s3+$0xFFFFFFE0]  }
0x16b: {  	v15 =	vld [tilespmem:s3+$0x0]  }
0x16c: {  	v16 =	vld [tilespmem:s3+$0x10]  }
0x16d: {  	v1 =	vadd.f32 v11, v1;
	v11 =	vld [tilespmem:s3+$0x20]  }
0x16e: {  	v61 =	vld [tilespmem:s3+$0x30];
	v4 =	vadd.f32 v13, v4  }
0x16f: {  	v6 =	vadd.f32 v14, v6;
	v17 =	vadd.f32 v0, v1;
	v1 =	vld [tilespmem:s3+$0x1420]  }
0x170: {  	v8 =	vadd.f32 v15, v8;
	v4 =	vadd.f32 v2, v4;
	v0 =	vld [tilespmem:s3+$0x1430]  }
0x171: {  	v63 =	vadd.f32 v16, v9;
	v3 =	vadd.f32 v3, v6;
	v2 =	vld [tilespmem:s3+$0xFFFFEBF0];
	v62 =	vmax.f32 v17, $0.0e+00  }
0x172: {  	v5 =	vadd.f32 v5, v8;
	v9 =	vmax.f32 v4, $0.0e+00;
	v4 =	vld [tilespmem:s3+$0xFFFFFFF0];
	[tilespmem:s3+$0xFFFFFFC0] =	vst v62;
	v6 =	vadd.f32 v11, v10  }
0x173: {  	s7 =	simm.s32 $0x0;
	s22 =	simm.s32 $0xC5F0;
	v7 =	vadd.f32 v7, v63;
	v8 =	vadd.f32 v61, v12;
	[tilespmem:s3+$0xFFFFFFD0] =	vst v9;
	v9 =	vmax.f32 v3, $0.0e+00;
	v3 =	vld [tilespmem:s3+$0x13F0]  }
.LBB2_12:
0x174: {  	v10 =	vld [tilespmem:s22+$0x13C0];
	[tilespmem:s3+$0xFFFFFFE0] =	vst v9;
	v5 =	vmax.f32 v5, $0.0e+00;
	v1 =	vadd.f32 v1, v6  }
0x175: {  	v6 =	vld [tilespmem:s22+$0x13D0];
	[tilespmem:s3+$0x0] =	vst v5;
	v5 =	vmax.f32 v7, $0.0e+00;
	v0 =	vadd.f32 v0, v8  }
0x176: {  	v7 =	vld [tilespmem:s22+$0x13E0];
	[tilespmem:s3+$0x10] =	vst v5;
	v1 =	vmax.f32 v1, $0.0e+00  }
0x177: {  	v5 =	vld [tilespmem:s22+$0x1400];
	v2 =	vadd.f32 v4, v2;
	[tilespmem:s3+$0x20] =	vst v1;
	v0 =	vmax.f32 v0, $0.0e+00  }
0x178: {  	v8 =	vld [tilespmem:s22+$0x1410];
	[tilespmem:s3+$0x30] =	vst v0  }
0x179: {  	v0 =	vld [tilespmem:s22+$0xFFFFEBC0];
	v1 =	vadd.f32 v3, v2  }
0x17a: {  	v2 =	vld [tilespmem:s22+$0xFFFFEBD0]  }
0x17b: {  	v3 =	vld [tilespmem:s22+$0xFFFFEBE0];
	v1 =	vmax.f32 v1, $0.0e+00  }
0x17c: {  	v4 =	vld [tilespmem:s22+$0xFFFFEC00];
	[tilespmem:s3+$0xFFFFFFF0] =	vst v1;
	s3 =	smov.u32 s22  }
0x17d: {  	v9 =	vld [tilespmem:s22+$0xFFFFEC10]  }
0x17e: {  	v11 =	vld [tilespmem:s22+$0xFFFFEC20]  }
0x17f: {  	v12 =	vld [tilespmem:s22+$0xFFFFEC30]  }
0x180: {  	v1 =	vld [tilespmem:s22+$0xFFFFFFC0]  }
0x181: {  	v13 =	vld [tilespmem:s22+$0xFFFFFFD0]  }
0x182: {  	v14 =	vld [tilespmem:s22+$0xFFFFFFE0]  }
0x183: {  	v15 =	vld [tilespmem:s22+$0x0]  }
0x184: {  	v16 =	vld [tilespmem:s22+$0x10]  }
0x185: {  	s7 =	sadd.s32 $0x2, s7;
	v0 =	vadd.f32 v1, v0;
	v17 =	vld [tilespmem:s22+$0x20]  }
0x186: {  	p1 =	slt.u32 s7, $0x4E;
	v2 =	vadd.f32 v13, v2;
	v13 =	vld [tilespmem:s22+$0x30]  }
.Ltmp5:
0x187: {  	v10 =	vadd.f32 v10, v0;
	v3 =	vadd.f32 v14, v3;
	v1 =	vld [tilespmem:s22+$0x1420];
	(pc) =	sbr.rel @p1 .LBB2_12-.Ltmp5, $4  }
0x188: {  	v6 =	vadd.f32 v6, v2;
	v14 =	vadd.f32 v15, v4;
	v0 =	vld [tilespmem:s22+$0x1430]  }
0x189: {  	v4 =	vmax.f32 v10, $0.0e+00;
	v3 =	vadd.f32 v7, v3;
	v2 =	vld [tilespmem:s22+$0xFFFFEBF0];
	v7 =	vadd.f32 v16, v9  }
0x18a: {  	[tilespmem:s22+$0xFFFFFFC0] =	vst v4;
	v9 =	vmax.f32 v6, $0.0e+00;
	v4 =	vld [tilespmem:s22+$0xFFFFFFF0];
	v5 =	vadd.f32 v5, v14;
	v6 =	vadd.f32 v17, v11  }
0x18b: {  	s22 =	sadd.s32 $0x80, s22;
	[tilespmem:s3+$0xFFFFFFD0] =	vst v9;
	v9 =	vmax.f32 v3, $0.0e+00;
	v3 =	vld [tilespmem:s3+$0x13F0];
	v7 =	vadd.f32 v8, v7;
	v8 =	vadd.f32 v13, v12  }
0x18c: {  	_ =	sdelay $0x2  }
0x18d: {  	[tilespmem:s3+$0xFFFFFFE0] =	vst v9;
	v5 =	vmax.f32 v5, $0.0e+00;
	v1 =	vadd.f32 v1, v6;
	v2 =	vadd.f32 v4, v2  }
0x18e: {  	[tilespmem:s3+$0x0] =	vst v5;
	v62 =	vmax.f32 v7, $0.0e+00;
	v0 =	vadd.f32 v0, v8  }
0x18f: {  	[tilespmem:s3+$0x10] =	vst v62;
	v1 =	vmax.f32 v1, $0.0e+00;
	v2 =	vadd.f32 v3, v2  }
0x190: {  	[tilespmem:s3+$0x20] =	vst v1;
	v0 =	vmax.f32 v0, $0.0e+00  }
0x191: {  	[tilespmem:s3+$0x30] =	vst v0;
	v63 =	vmax.f32 v2, $0.0e+00  }
0x192: {  	s22 =	simm.s32 $0x74E0;
	[tilespmem:s3+$0xFFFFFFF0] =	vst v63  }
0x193: {  	[spmem:s1] =	stream.indirect.scatter.add.f32 [tilespmem:s12], [sflag:$0x7], $0x40, s22, s2, $0xb8;
	[tilespmem:$0x1C570] =	vst v63  }
0x194: {  	_ =	swait.ge [sflag:s26], $0x1400  }
0x195: {  	[sflag:s26] =	ssyncset.done $0x0  }
0x196: {  	s24 =	simm.s32 $0x6;
	[sflag:s26] =	ssyncadd.s32 $0xFFFFEC00  }
0x197: {  	_ =	swait.ge [sflag:s24], $0x1400  }
0x198: {  	[sflag:s24] =	ssyncset.done $0x0  }
0x199: {  	s3 =	simm.s32 $0x0;
	s7 =	rddreg [dreg:$0xa];
	[sflag:s24] =	ssyncadd.s32 $0xFFFFEC00  }
0x19a: {  	[tilespmem:s3], [sflag:$0x7] =	stream.linear.gather [hbm4b:s7+s3], $0x2710, $0x38;
	[tilespmem:$0x1C570] =	vst v63  }
0x19b: {  	_ =	swait.ge [sflag:s26], $0x2710  }
0x19c: {  	[sflag:s26] =	ssyncset.done $0x0  }
0x19d: {  	s22 =	simm.s32 $0x2710;
	s25 =	rddreg [dreg:$0xb];
	[sflag:s26] =	ssyncadd.s32 $0xFFFFD8F0  }
0x19e: {  	[tilespmem:s22], [sflag:$0x7] =	stream.linear.gather [hbm4b:s25+s3], $0x2710, $0x38;
	[tilespmem:$0x1C570] =	vst v63  }
0x19f: {  	_ =	swait.ge [sflag:s26], $0x2710  }
0x1a0: {  	[sflag:s26] =	ssyncset.done $0x0  }
0x1a1: {  	s24 =	simm.s32 $0x4E20;
	s28 =	rddreg [dreg:$0xc];
	[sflag:s26] =	ssyncadd.s32 $0xFFFFD8F0  }
0x1a2: {  	[tilespmem:s24], [sflag:$0x7] =	stream.linear.gather [hbm4b:s28+s3], $0x2710, $0x38;
	[tilespmem:$0x1C570] =	vst v63  }
0x1a3: {  	_ =	swait.ge [sflag:s26], $0x2710  }
0x1a4: {  	[sflag:s26] =	ssyncset.done $0x0  }
0x1a5: {  	s24 =	rddreg [dreg:$0xf];
	[sflag:s26] =	ssyncadd.s32 $0xFFFFD8F0  }
0x1a6: {  	[tilespmem:s0], [sflag:$0x1] =	stream.strided.gather [hbm4b:s24+s30], $0x1400, s31, s30, $0x38;
	[tilespmem:$0x1C570] =	vst v63  }
0x1a7: {  	_ = 	snop  }
0x1a8: {  	[tilespmem:s8], [sflag:$0x1] =	stream.indirect.gather [hbm4b:s4+s2], $0x40, s3, s2, $0xb8;
	[tilespmem:$0x1C570] =	vst v63  }
0x1a9: {  	_ = 	snop  }
0x1aa: {  	[tilespmem:s9], [sflag:$0x1] =	stream.indirect.gather [hbm4b:s4+s2], $0x40, s22, s2, $0xb8;
	[tilespmem:$0x1C570] =	vst v63  }
0x1ab: {  	s25 =	rddreg [dreg:$0x10]  }
0x1ac: {  	[tilespmem:s11], [sflag:$0x2] =	stream.strided.gather [hbm4b:s25+s30], $0x1400, s31, s30, $0x38;
	[tilespmem:$0x1C570] =	vst v63  }
0x1ad: {  	_ = 	snop  }
0x1ae: {  	[tilespmem:s12], [sflag:$0x2] =	stream.indirect.gather [hbm4b:s4+s2], $0x40, s2, s2, $0xb8;
	[tilespmem:$0x1C570] =	vst v63  }
0x1af: {  	s28 =	simm.s32 $0x2760  }
0x1b0: {  	[tilespmem:s29], [sflag:$0x2] =	stream.indirect.gather [hbm4b:s4+s2], $0x40, s28, s2, $0xb8;
	[tilespmem:$0x1C570] =	vst v63  }
.LBB2_14:
0x1b1: {  	_ =	swait.ge [sflag:s15], $0x3C00  }
0x1b2: {  	[sflag:s15] =	ssyncset.done $0x0  }
0x1b3: {  	s22 =	simm.s32 $0x8970;
	[sflag:s15] =	ssyncadd.s32 $0xFFFFC400  }
0x1b4: {  	v0 =	vld [tilespmem:s22+$0x13C0]  }
0x1b5: {  	v2 =	vld [tilespmem:s22+$0x13D0]  }
0x1b6: {  	v3 =	vld [tilespmem:s22+$0x13E0]  }
0x1b7: {  	v5 =	vld [tilespmem:s22+$0x1400]  }
0x1b8: {  	v7 =	vld [tilespmem:s22+$0x1410]  }
0x1b9: {  	v1 =	vld [tilespmem:s22+$0xFFFFEBC0]  }
0x1ba: {  	v4 =	vld [tilespmem:s22+$0xFFFFEBD0]  }
0x1bb: {  	v6 =	vld [tilespmem:s22+$0xFFFFEBE0]  }
0x1bc: {  	v8 =	vld [tilespmem:s22+$0xFFFFEC00]  }
0x1bd: {  	v9 =	vld [tilespmem:s22+$0xFFFFEC10]  }
0x1be: {  	v10 =	vld [tilespmem:s22+$0xFFFFEC20]  }
0x1bf: {  	v11 =	vld [tilespmem:s22+$0xFFFFFFC0]  }
0x1c0: {  	v12 =	vld [tilespmem:s22+$0xFFFFEC30]  }
0x1c1: {  	v13 =	vld [tilespmem:s22+$0xFFFFFFD0]  }
0x1c2: {  	v14 =	vld [tilespmem:s22+$0xFFFFFFE0]  }
0x1c3: {  	v15 =	vld [tilespmem:s22+$0x0]  }
0x1c4: {  	v16 =	vld [tilespmem:s22+$0x10]  }
0x1c5: {  	v1 =	vadd.f32 v11, v1;
	v11 =	vld [tilespmem:s22+$0x20]  }
0x1c6: {  	v61 =	vld [tilespmem:s22+$0x30];
	v4 =	vadd.f32 v13, v4  }
0x1c7: {  	v6 =	vadd.f32 v14, v6;
	v17 =	vadd.f32 v0, v1;
	v1 =	vld [tilespmem:s22+$0x1420]  }
0x1c8: {  	v8 =	vadd.f32 v15, v8;
	v4 =	vadd.f32 v2, v4;
	v0 =	vld [tilespmem:s22+$0x1430]  }
0x1c9: {  	v63 =	vadd.f32 v16, v9;
	v3 =	vadd.f32 v3, v6;
	v2 =	vld [tilespmem:s22+$0xFFFFEBF0];
	v62 =	vmax.f32 v17, $0.0e+00  }
0x1ca: {  	v5 =	vadd.f32 v5, v8;
	v9 =	vmax.f32 v4, $0.0e+00;
	v4 =	vld [tilespmem:s22+$0xFFFFFFF0];
	[tilespmem:s22+$0xFFFFFFC0] =	vst v62;
	v6 =	vadd.f32 v11, v10  }
0x1cb: {  	s7 =	simm.s32 $0x0;
	s24 =	simm.s32 $0x89F0;
	v7 =	vadd.f32 v7, v63;
	v8 =	vadd.f32 v61, v12;
	[tilespmem:s22+$0xFFFFFFD0] =	vst v9;
	v9 =	vmax.f32 v3, $0.0e+00;
	v3 =	vld [tilespmem:s22+$0x13F0]  }
.LBB2_15:
0x1cc: {  	v10 =	vld [tilespmem:s24+$0x13C0];
	[tilespmem:s22+$0xFFFFFFE0] =	vst v9;
	v5 =	vmax.f32 v5, $0.0e+00;
	v1 =	vadd.f32 v1, v6  }
0x1cd: {  	v6 =	vld [tilespmem:s24+$0x13D0];
	[tilespmem:s22+$0x0] =	vst v5;
	v5 =	vmax.f32 v7, $0.0e+00;
	v0 =	vadd.f32 v0, v8  }
0x1ce: {  	v7 =	vld [tilespmem:s24+$0x13E0];
	[tilespmem:s22+$0x10] =	vst v5;
	v1 =	vmax.f32 v1, $0.0e+00  }
0x1cf: {  	v5 =	vld [tilespmem:s24+$0x1400];
	v2 =	vadd.f32 v4, v2;
	[tilespmem:s22+$0x20] =	vst v1;
	v0 =	vmax.f32 v0, $0.0e+00  }
0x1d0: {  	v8 =	vld [tilespmem:s24+$0x1410];
	[tilespmem:s22+$0x30] =	vst v0  }
0x1d1: {  	v0 =	vld [tilespmem:s24+$0xFFFFEBC0];
	v1 =	vadd.f32 v3, v2  }
0x1d2: {  	v2 =	vld [tilespmem:s24+$0xFFFFEBD0]  }
0x1d3: {  	v3 =	vld [tilespmem:s24+$0xFFFFEBE0];
	v1 =	vmax.f32 v1, $0.0e+00  }
0x1d4: {  	v4 =	vld [tilespmem:s24+$0xFFFFEC00];
	[tilespmem:s22+$0xFFFFFFF0] =	vst v1;
	s22 =	smov.u32 s24  }
0x1d5: {  	v9 =	vld [tilespmem:s24+$0xFFFFEC10]  }
0x1d6: {  	v11 =	vld [tilespmem:s24+$0xFFFFEC20]  }
0x1d7: {  	v12 =	vld [tilespmem:s24+$0xFFFFEC30]  }
0x1d8: {  	v1 =	vld [tilespmem:s24+$0xFFFFFFC0]  }
0x1d9: {  	v13 =	vld [tilespmem:s24+$0xFFFFFFD0]  }
0x1da: {  	v14 =	vld [tilespmem:s24+$0xFFFFFFE0]  }
0x1db: {  	v15 =	vld [tilespmem:s24+$0x0]  }
0x1dc: {  	v16 =	vld [tilespmem:s24+$0x10]  }
0x1dd: {  	s7 =	sadd.s32 $0x2, s7;
	v0 =	vadd.f32 v1, v0;
	v17 =	vld [tilespmem:s24+$0x20]  }
0x1de: {  	p1 =	slt.u32 s7, $0x4E;
	v2 =	vadd.f32 v13, v2;
	v13 =	vld [tilespmem:s24+$0x30]  }
.Ltmp6:
0x1df: {  	v10 =	vadd.f32 v10, v0;
	v3 =	vadd.f32 v14, v3;
	v1 =	vld [tilespmem:s24+$0x1420];
	(pc) =	sbr.rel @p1 .LBB2_15-.Ltmp6, $4  }
0x1e0: {  	v6 =	vadd.f32 v6, v2;
	v14 =	vadd.f32 v15, v4;
	v0 =	vld [tilespmem:s24+$0x1430]  }
0x1e1: {  	v4 =	vmax.f32 v10, $0.0e+00;
	v3 =	vadd.f32 v7, v3;
	v2 =	vld [tilespmem:s24+$0xFFFFEBF0];
	v7 =	vadd.f32 v16, v9  }
0x1e2: {  	[tilespmem:s24+$0xFFFFFFC0] =	vst v4;
	v9 =	vmax.f32 v6, $0.0e+00;
	v4 =	vld [tilespmem:s24+$0xFFFFFFF0];
	v5 =	vadd.f32 v5, v14;
	v6 =	vadd.f32 v17, v11  }
0x1e3: {  	s24 =	sadd.s32 $0x80, s24;
	[tilespmem:s22+$0xFFFFFFD0] =	vst v9;
	v9 =	vmax.f32 v3, $0.0e+00;
	v3 =	vld [tilespmem:s22+$0x13F0];
	v7 =	vadd.f32 v8, v7;
	v8 =	vadd.f32 v13, v12  }
0x1e4: {  	_ =	sdelay $0x1  }
0x1e5: {  	v1 =	vadd.f32 v1, v6  }
0x1e6: {  	[tilespmem:s22+$0xFFFFFFE0] =	vst v9;
	v5 =	vmax.f32 v5, $0.0e+00;
	s7 =	smul.u32 $0x3, s3;
	v2 =	vadd.f32 v4, v2  }
0x1e7: {  	s24 =	smul.u32 $0x3C0, s3;
	[tilespmem:s22+$0x0] =	vst v5;
	v0 =	vadd.f32 v0, v8;
	v1 =	vmax.f32 v1, $0.0e+00  }
0x1e8: {  	s7 =	sadd.s32 $0x2, s7;
	v4 =	vmax.f32 v7, $0.0e+00;
	[tilespmem:s22+$0x20] =	vst v1;
	v2 =	vadd.f32 v3, v2  }
0x1e9: {  	s28 =	sshra.s32 s24, $0x2;
	v0 =	vmax.f32 v0, $0.0e+00;
	s24 =	smul.u32 $0x50, s7;
	[tilespmem:s22+$0x10] =	vst v4  }
0x1ea: {  	[tilespmem:s22+$0x30] =	vst v0;
	v0 =	vmax.f32 v2, $0.0e+00  }
0x1eb: {  	p1 =	seq.s32 s3, $0x0;
	s25 =	sadd.s32 $0x4E20, s28;
	[tilespmem:s22+$0xFFFFFFF0] =	vst v0;
	s22 =	sadd.s32 s13, s24  }
0x1ec: {  	[spmem:s1] =	stream.indirect.scatter.add.f32 [tilespmem:s8], [sflag:$0x4], $0x40, s25, s2, $0xb8;
	[tilespmem:$0x1C570] =	vst v63  }
0x1ed: {  	s25 =	simm.s32 @!p1 $0x6;
	s22 =	sshll.u32 s22, $0x7  }
0x1ee: {  	_ =	swait.ge @!p1 [sflag:s25], $0x1400;
	s22 =	sor.u32 s10, s22  }
0x1ef: {  	[sflag:s25] =	ssyncset.done @!p1 $0x0;
	s22 =	sshrl.u32 s22, $0x3  }
0x1f0: {  	[sflag:s25] =	ssyncadd.s32 @!p1 $0xFFFFEC00;
	s22 =	sadd.s32 s5, s22  }
0x1f1: {  	[tilespmem:s16], [sflag:$0x3] =	stream.strided.gather [hbm4b:s22+s30], $0x1400, s31, s30, $0x38;
	[tilespmem:$0x1C570] =	vst v63  }
0x1f2: {  	_ = 	snop  }
0x1f3: {  	[tilespmem:s17], [sflag:$0x3] =	stream.indirect.gather [hbm4b:s4+s2], $0x40, s24, s2, $0xb8;
	[tilespmem:$0x1C570] =	vst v63  }
0x1f4: {  	s25 =	sadd.s32 $0x2710, s24  }
0x1f5: {  	[tilespmem:s18], [sflag:$0x3] =	stream.indirect.gather [hbm4b:s4+s2], $0x40, s25, s2, $0xb8;
	[tilespmem:$0x1C570] =	vst v63  }
0x1f6: {  	_ =	swait.ge [sflag:s14], $0x3C00  }
0x1f7: {  	[sflag:s14] =	ssyncset.done $0x0  }
0x1f8: {  	s22 =	simm.s32 $0xC570;
	[sflag:s14] =	ssyncadd.s32 $0xFFFFC400  }
0x1f9: {  	v0 =	vld [tilespmem:s22+$0x13C0]  }
0x1fa: {  	v2 =	vld [tilespmem:s22+$0x13D0]  }
0x1fb: {  	v3 =	vld [tilespmem:s22+$0x13E0]  }
0x1fc: {  	v5 =	vld [tilespmem:s22+$0x1400]  }
0x1fd: {  	v7 =	vld [tilespmem:s22+$0x1410]  }
0x1fe: {  	v1 =	vld [tilespmem:s22+$0xFFFFEBC0]  }
0x1ff: {  	v4 =	vld [tilespmem:s22+$0xFFFFEBD0]  }
0x200: {  	v6 =	vld [tilespmem:s22+$0xFFFFEBE0]  }
0x201: {  	v8 =	vld [tilespmem:s22+$0xFFFFEC00]  }
0x202: {  	v9 =	vld [tilespmem:s22+$0xFFFFEC10]  }
0x203: {  	v10 =	vld [tilespmem:s22+$0xFFFFEC20]  }
0x204: {  	v11 =	vld [tilespmem:s22+$0xFFFFFFC0]  }
0x205: {  	v12 =	vld [tilespmem:s22+$0xFFFFEC30]  }
0x206: {  	v13 =	vld [tilespmem:s22+$0xFFFFFFD0]  }
0x207: {  	v14 =	vld [tilespmem:s22+$0xFFFFFFE0]  }
0x208: {  	v15 =	vld [tilespmem:s22+$0x0]  }
0x209: {  	v16 =	vld [tilespmem:s22+$0x10]  }
0x20a: {  	v1 =	vadd.f32 v11, v1;
	v11 =	vld [tilespmem:s22+$0x20]  }
0x20b: {  	v61 =	vld [tilespmem:s22+$0x30];
	v4 =	vadd.f32 v13, v4  }
0x20c: {  	v6 =	vadd.f32 v14, v6;
	v17 =	vadd.f32 v0, v1;
	v1 =	vld [tilespmem:s22+$0x1420]  }
0x20d: {  	v8 =	vadd.f32 v15, v8;
	v4 =	vadd.f32 v2, v4;
	v0 =	vld [tilespmem:s22+$0x1430]  }
0x20e: {  	v63 =	vadd.f32 v16, v9;
	v3 =	vadd.f32 v3, v6;
	v2 =	vld [tilespmem:s22+$0xFFFFEBF0];
	v62 =	vmax.f32 v17, $0.0e+00  }
0x20f: {  	v5 =	vadd.f32 v5, v8;
	v9 =	vmax.f32 v4, $0.0e+00;
	v4 =	vld [tilespmem:s22+$0xFFFFFFF0];
	[tilespmem:s22+$0xFFFFFFC0] =	vst v62;
	v6 =	vadd.f32 v11, v10  }
0x210: {  	s24 =	simm.s32 $0x0;
	s25 =	simm.s32 $0xC5F0;
	v7 =	vadd.f32 v7, v63;
	v8 =	vadd.f32 v61, v12;
	[tilespmem:s22+$0xFFFFFFD0] =	vst v9;
	v9 =	vmax.f32 v3, $0.0e+00;
	v3 =	vld [tilespmem:s22+$0x13F0]  }
.LBB2_17:
0x211: {  	v10 =	vld [tilespmem:s25+$0x13C0];
	[tilespmem:s22+$0xFFFFFFE0] =	vst v9;
	v5 =	vmax.f32 v5, $0.0e+00;
	v1 =	vadd.f32 v1, v6  }
0x212: {  	v6 =	vld [tilespmem:s25+$0x13D0];
	[tilespmem:s22+$0x0] =	vst v5;
	v5 =	vmax.f32 v7, $0.0e+00;
	v0 =	vadd.f32 v0, v8  }
0x213: {  	v7 =	vld [tilespmem:s25+$0x13E0];
	[tilespmem:s22+$0x10] =	vst v5;
	v1 =	vmax.f32 v1, $0.0e+00  }
0x214: {  	v5 =	vld [tilespmem:s25+$0x1400];
	v2 =	vadd.f32 v4, v2;
	[tilespmem:s22+$0x20] =	vst v1;
	v0 =	vmax.f32 v0, $0.0e+00  }
0x215: {  	v8 =	vld [tilespmem:s25+$0x1410];
	[tilespmem:s22+$0x30] =	vst v0  }
0x216: {  	v0 =	vld [tilespmem:s25+$0xFFFFEBC0];
	v1 =	vadd.f32 v3, v2  }
0x217: {  	v2 =	vld [tilespmem:s25+$0xFFFFEBD0]  }
0x218: {  	v3 =	vld [tilespmem:s25+$0xFFFFEBE0];
	v1 =	vmax.f32 v1, $0.0e+00  }
0x219: {  	v4 =	vld [tilespmem:s25+$0xFFFFEC00];
	[tilespmem:s22+$0xFFFFFFF0] =	vst v1;
	s22 =	smov.u32 s25  }
0x21a: {  	v9 =	vld [tilespmem:s25+$0xFFFFEC10]  }
0x21b: {  	v11 =	vld [tilespmem:s25+$0xFFFFEC20]  }
0x21c: {  	v12 =	vld [tilespmem:s25+$0xFFFFEC30]  }
0x21d: {  	v1 =	vld [tilespmem:s25+$0xFFFFFFC0]  }
0x21e: {  	v13 =	vld [tilespmem:s25+$0xFFFFFFD0]  }
0x21f: {  	v14 =	vld [tilespmem:s25+$0xFFFFFFE0]  }
0x220: {  	v15 =	vld [tilespmem:s25+$0x0]  }
0x221: {  	v16 =	vld [tilespmem:s25+$0x10]  }
0x222: {  	s24 =	sadd.s32 $0x2, s24;
	v0 =	vadd.f32 v1, v0;
	v17 =	vld [tilespmem:s25+$0x20]  }
0x223: {  	p1 =	slt.u32 s24, $0x4E;
	v2 =	vadd.f32 v13, v2;
	v13 =	vld [tilespmem:s25+$0x30]  }
.Ltmp7:
0x224: {  	v10 =	vadd.f32 v10, v0;
	v3 =	vadd.f32 v14, v3;
	v1 =	vld [tilespmem:s25+$0x1420];
	(pc) =	sbr.rel @p1 .LBB2_17-.Ltmp7, $4  }
0x225: {  	v6 =	vadd.f32 v6, v2;
	v14 =	vadd.f32 v15, v4;
	v0 =	vld [tilespmem:s25+$0x1430]  }
0x226: {  	v4 =	vmax.f32 v10, $0.0e+00;
	v3 =	vadd.f32 v7, v3;
	v2 =	vld [tilespmem:s25+$0xFFFFEBF0];
	v7 =	vadd.f32 v16, v9  }
0x227: {  	[tilespmem:s25+$0xFFFFFFC0] =	vst v4;
	v9 =	vmax.f32 v6, $0.0e+00;
	v4 =	vld [tilespmem:s25+$0xFFFFFFF0];
	v5 =	vadd.f32 v5, v14;
	v6 =	vadd.f32 v17, v11  }
0x228: {  	s25 =	sadd.s32 $0x80, s25;
	[tilespmem:s22+$0xFFFFFFD0] =	vst v9;
	v9 =	vmax.f32 v3, $0.0e+00;
	v3 =	vld [tilespmem:s22+$0x13F0];
	v7 =	vadd.f32 v8, v7;
	v8 =	vadd.f32 v13, v12  }
0x229: {  	_ =	sdelay $0x1  }
0x22a: {  	v1 =	vadd.f32 v1, v6  }
0x22b: {  	[tilespmem:s22+$0xFFFFFFE0] =	vst v9;
	v5 =	vmax.f32 v5, $0.0e+00;
	v2 =	vadd.f32 v4, v2  }
0x22c: {  	[tilespmem:s22+$0x0] =	vst v5;
	v0 =	vadd.f32 v0, v8;
	v1 =	vmax.f32 v1, $0.0e+00  }
0x22d: {  	v4 =	vmax.f32 v7, $0.0e+00;
	[tilespmem:s22+$0x20] =	vst v1;
	v2 =	vadd.f32 v3, v2  }
0x22e: {  	s24 =	sadd.s32 $0x4E70, s28;
	s28 =	smul.u32 $0xF0, s3;
	v0 =	vmax.f32 v0, $0.0e+00;
	[tilespmem:s22+$0x10] =	vst v4  }
0x22f: {  	[tilespmem:s22+$0x30] =	vst v0;
	v0 =	vmax.f32 v2, $0.0e+00  }
0x230: {  	s25 =	sadd.s32 $0xF0, s28;
	[tilespmem:s22+$0xFFFFFFF0] =	vst v0  }
0x231: {  	[spmem:s1] =	stream.indirect.scatter.add.f32 [tilespmem:s12], [sflag:$0x5], $0x40, s24, s2, $0xb8;
	[tilespmem:$0x1C570] =	vst v63  }
0x232: {  	s24 =	sadd.s32 s13, s25  }
0x233: {  	s24 =	sshll.u32 s24, $0x7  }
0x234: {  	_ =	swait.ge [sflag:s19], $0x1400;
	s24 =	sor.u32 s10, s24  }
0x235: {  	[sflag:s19] =	ssyncset.done $0x0;
	s24 =	sshrl.u32 s24, $0x3  }
0x236: {  	[sflag:s19] =	ssyncadd.s32 $0xFFFFEC00;
	s24 =	sadd.s32 s5, s24  }
0x237: {  	[tilespmem:s0], [sflag:$0x1] =	stream.strided.gather [hbm4b:s24+s30], $0x1400, s31, s30, $0x38;
	[tilespmem:$0x1C570] =	vst v63  }
0x238: {  	_ = 	snop  }
0x239: {  	[tilespmem:s8], [sflag:$0x1] =	stream.indirect.gather [hbm4b:s4+s2], $0x40, s25, s2, $0xb8;
	[tilespmem:$0x1C570] =	vst v63  }
0x23a: {  	s25 =	sadd.s32 $0x2800, s28  }
0x23b: {  	[tilespmem:s9], [sflag:$0x1] =	stream.indirect.gather [hbm4b:s4+s2], $0x40, s25, s2, $0xb8;
	[tilespmem:$0x1C570] =	vst v63  }
0x23c: {  	_ =	swait.ge [sflag:s20], $0x3C00  }
0x23d: {  	[sflag:s20] =	ssyncset.done $0x0  }
0x23e: {  	s22 =	simm.s32 $0x10170;
	[sflag:s20] =	ssyncadd.s32 $0xFFFFC400  }
0x23f: {  	v0 =	vld [tilespmem:s22+$0x13C0]  }
0x240: {  	v2 =	vld [tilespmem:s22+$0x13D0]  }
0x241: {  	v3 =	vld [tilespmem:s22+$0x13E0]  }
0x242: {  	v5 =	vld [tilespmem:s22+$0x1400]  }
0x243: {  	v7 =	vld [tilespmem:s22+$0x1410]  }
0x244: {  	v1 =	vld [tilespmem:s22+$0xFFFFEBC0]  }
0x245: {  	v4 =	vld [tilespmem:s22+$0xFFFFEBD0]  }
0x246: {  	v6 =	vld [tilespmem:s22+$0xFFFFEBE0]  }
0x247: {  	v8 =	vld [tilespmem:s22+$0xFFFFEC00]  }
0x248: {  	v9 =	vld [tilespmem:s22+$0xFFFFEC10]  }
0x249: {  	v10 =	vld [tilespmem:s22+$0xFFFFEC20]  }
0x24a: {  	v11 =	vld [tilespmem:s22+$0xFFFFFFC0]  }
0x24b: {  	v12 =	vld [tilespmem:s22+$0xFFFFEC30]  }
0x24c: {  	v13 =	vld [tilespmem:s22+$0xFFFFFFD0]  }
0x24d: {  	v14 =	vld [tilespmem:s22+$0xFFFFFFE0]  }
0x24e: {  	v15 =	vld [tilespmem:s22+$0x0]  }
0x24f: {  	v16 =	vld [tilespmem:s22+$0x10]  }
0x250: {  	v1 =	vadd.f32 v11, v1;
	v11 =	vld [tilespmem:s22+$0x20]  }
0x251: {  	v61 =	vld [tilespmem:s22+$0x30];
	v4 =	vadd.f32 v13, v4  }
0x252: {  	v6 =	vadd.f32 v14, v6;
	v17 =	vadd.f32 v0, v1;
	v1 =	vld [tilespmem:s22+$0x1420]  }
0x253: {  	v8 =	vadd.f32 v15, v8;
	v4 =	vadd.f32 v2, v4;
	v0 =	vld [tilespmem:s22+$0x1430]  }
0x254: {  	v63 =	vadd.f32 v16, v9;
	v3 =	vadd.f32 v3, v6;
	v2 =	vld [tilespmem:s22+$0xFFFFEBF0];
	v62 =	vmax.f32 v17, $0.0e+00  }
0x255: {  	v5 =	vadd.f32 v5, v8;
	v9 =	vmax.f32 v4, $0.0e+00;
	v4 =	vld [tilespmem:s22+$0xFFFFFFF0];
	[tilespmem:s22+$0xFFFFFFC0] =	vst v62;
	v6 =	vadd.f32 v11, v10  }
0x256: {  	s24 =	simm.s32 $0x0;
	s25 =	simm.s32 $0x101F0;
	v7 =	vadd.f32 v7, v63;
	v8 =	vadd.f32 v61, v12;
	[tilespmem:s22+$0xFFFFFFD0] =	vst v9;
	v9 =	vmax.f32 v3, $0.0e+00;
	v3 =	vld [tilespmem:s22+$0x13F0]  }
.LBB2_19:
0x257: {  	v10 =	vld [tilespmem:s25+$0x13C0];
	[tilespmem:s22+$0xFFFFFFE0] =	vst v9;
	v5 =	vmax.f32 v5, $0.0e+00;
	v1 =	vadd.f32 v1, v6  }
0x258: {  	v6 =	vld [tilespmem:s25+$0x13D0];
	[tilespmem:s22+$0x0] =	vst v5;
	v5 =	vmax.f32 v7, $0.0e+00;
	v0 =	vadd.f32 v0, v8  }
0x259: {  	v7 =	vld [tilespmem:s25+$0x13E0];
	[tilespmem:s22+$0x10] =	vst v5;
	v1 =	vmax.f32 v1, $0.0e+00  }
0x25a: {  	v5 =	vld [tilespmem:s25+$0x1400];
	v2 =	vadd.f32 v4, v2;
	[tilespmem:s22+$0x20] =	vst v1;
	v0 =	vmax.f32 v0, $0.0e+00  }
0x25b: {  	v8 =	vld [tilespmem:s25+$0x1410];
	[tilespmem:s22+$0x30] =	vst v0  }
0x25c: {  	v0 =	vld [tilespmem:s25+$0xFFFFEBC0];
	v1 =	vadd.f32 v3, v2  }
0x25d: {  	v2 =	vld [tilespmem:s25+$0xFFFFEBD0]  }
0x25e: {  	v3 =	vld [tilespmem:s25+$0xFFFFEBE0];
	v1 =	vmax.f32 v1, $0.0e+00  }
0x25f: {  	v4 =	vld [tilespmem:s25+$0xFFFFEC00];
	[tilespmem:s22+$0xFFFFFFF0] =	vst v1;
	s22 =	smov.u32 s25  }
0x260: {  	v9 =	vld [tilespmem:s25+$0xFFFFEC10]  }
0x261: {  	v11 =	vld [tilespmem:s25+$0xFFFFEC20]  }
0x262: {  	v12 =	vld [tilespmem:s25+$0xFFFFEC30]  }
0x263: {  	v1 =	vld [tilespmem:s25+$0xFFFFFFC0]  }
0x264: {  	v13 =	vld [tilespmem:s25+$0xFFFFFFD0]  }
0x265: {  	v14 =	vld [tilespmem:s25+$0xFFFFFFE0]  }
0x266: {  	v15 =	vld [tilespmem:s25+$0x0]  }
0x267: {  	v16 =	vld [tilespmem:s25+$0x10]  }
0x268: {  	s24 =	sadd.s32 $0x2, s24;
	v0 =	vadd.f32 v1, v0;
	v17 =	vld [tilespmem:s25+$0x20]  }
0x269: {  	p1 =	slt.u32 s24, $0x4E;
	v2 =	vadd.f32 v13, v2;
	v13 =	vld [tilespmem:s25+$0x30]  }
.Ltmp8:
0x26a: {  	v10 =	vadd.f32 v10, v0;
	v3 =	vadd.f32 v14, v3;
	v1 =	vld [tilespmem:s25+$0x1420];
	(pc) =	sbr.rel @p1 .LBB2_19-.Ltmp8, $4  }
0x26b: {  	v6 =	vadd.f32 v6, v2;
	v14 =	vadd.f32 v15, v4;
	v0 =	vld [tilespmem:s25+$0x1430]  }
0x26c: {  	v4 =	vmax.f32 v10, $0.0e+00;
	v3 =	vadd.f32 v7, v3;
	v2 =	vld [tilespmem:s25+$0xFFFFEBF0];
	v7 =	vadd.f32 v16, v9  }
0x26d: {  	[tilespmem:s25+$0xFFFFFFC0] =	vst v4;
	v9 =	vmax.f32 v6, $0.0e+00;
	v4 =	vld [tilespmem:s25+$0xFFFFFFF0];
	v5 =	vadd.f32 v5, v14;
	v6 =	vadd.f32 v17, v11  }
0x26e: {  	s25 =	sadd.s32 $0x80, s25;
	[tilespmem:s22+$0xFFFFFFD0] =	vst v9;
	v9 =	vmax.f32 v3, $0.0e+00;
	v3 =	vld [tilespmem:s22+$0x13F0];
	v7 =	vadd.f32 v8, v7;
	v8 =	vadd.f32 v13, v12  }
0x26f: {  	_ =	sdelay $0x2  }
0x270: {  	[tilespmem:s22+$0xFFFFFFE0] =	vst v9;
	v5 =	vmax.f32 v5, $0.0e+00;
	v1 =	vadd.f32 v1, v6;
	v2 =	vadd.f32 v4, v2  }
0x271: {  	[tilespmem:s22+$0x0] =	vst v5;
	v62 =	vmax.f32 v7, $0.0e+00;
	v0 =	vadd.f32 v0, v8  }
0x272: {  	s7 =	smul.u32 $0x140, s7;
	[tilespmem:s22+$0x10] =	vst v62;
	v1 =	vmax.f32 v1, $0.0e+00;
	v2 =	vadd.f32 v3, v2  }
0x273: {  	s24 =	sadd.s32 $0x140, s28;
	[tilespmem:s22+$0x20] =	vst v1;
	v0 =	vmax.f32 v0, $0.0e+00  }
0x274: {  	s25 =	sadd.s32 s13, s24;
	s7 =	sshra.s32 s7, $0x2;
	[tilespmem:s22+$0x30] =	vst v0;
	v63 =	vmax.f32 v2, $0.0e+00  }
0x275: {  	s7 =	sadd.s32 $0x4E20, s7;
	[tilespmem:s22+$0xFFFFFFF0] =	vst v63;
	s22 =	sshll.u32 s25, $0x7  }
0x276: {  	[spmem:s1] =	stream.indirect.scatter.add.f32 [tilespmem:s17], [sflag:$0x6], $0x40, s7, s2, $0xb8;
	[tilespmem:$0x1C570] =	vst v63  }
0x277: {  	s22 =	sor.u32 s10, s22;
	_ =	swait.ge [sflag:s21], $0x1400  }
0x278: {  	s3 =	sadd.s32 $0x1, s3;
	s22 =	sshrl.u32 s22, $0x3;
	[sflag:s21] =	ssyncset.done $0x0  }
0x279: {  	p1 =	sne.s32 s3, $0x29;
	s22 =	sadd.s32 s5, s22;
	[sflag:s21] =	ssyncadd.s32 $0xFFFFEC00  }
0x27a: {  	[tilespmem:s11], [sflag:$0x2] =	stream.strided.gather [hbm4b:s22+s30], $0x1400, s31, s30, $0x38;
	[tilespmem:$0x1C570] =	vst v63  }
.Ltmp9:
0x27b: {  	_ = 	snop;
	(pc) =	sbr.rel @p1 .LBB2_14-.Ltmp9, $4  }
0x27c: {  	_ = 	snop  }
0x27d: {  	[tilespmem:s12], [sflag:$0x2] =	stream.indirect.gather [hbm4b:s4+s2], $0x40, s24, s2, $0xb8;
	[tilespmem:$0x1C570] =	vst v63  }
0x27e: {  	s28 =	sadd.s32 $0x2850, s28  }
0x27f: {  	[tilespmem:s29], [sflag:$0x2] =	stream.indirect.gather [hbm4b:s4+s2], $0x40, s28, s2, $0xb8;
	[tilespmem:$0x1C570] =	vst v63  }
0x280: {  	_ =	swait.ge [sflag:s15], $0x3C00  }
0x281: {  	[sflag:s15] =	ssyncset.done $0x0  }
0x282: {  	s3 =	simm.s32 $0x8970;
	[sflag:s15] =	ssyncadd.s32 $0xFFFFC400  }
0x283: {  	v0 =	vld [tilespmem:s3+$0x13C0]  }
0x284: {  	v2 =	vld [tilespmem:s3+$0x13D0]  }
0x285: {  	v3 =	vld [tilespmem:s3+$0x13E0]  }
0x286: {  	v5 =	vld [tilespmem:s3+$0x1400]  }
0x287: {  	v7 =	vld [tilespmem:s3+$0x1410]  }
0x288: {  	v1 =	vld [tilespmem:s3+$0xFFFFEBC0]  }
0x289: {  	v4 =	vld [tilespmem:s3+$0xFFFFEBD0]  }
0x28a: {  	v6 =	vld [tilespmem:s3+$0xFFFFEBE0]  }
0x28b: {  	v8 =	vld [tilespmem:s3+$0xFFFFEC00]  }
0x28c: {  	v9 =	vld [tilespmem:s3+$0xFFFFEC10]  }
0x28d: {  	v10 =	vld [tilespmem:s3+$0xFFFFEC20]  }
0x28e: {  	v11 =	vld [tilespmem:s3+$0xFFFFFFC0]  }
0x28f: {  	v12 =	vld [tilespmem:s3+$0xFFFFEC30]  }
0x290: {  	v13 =	vld [tilespmem:s3+$0xFFFFFFD0]  }
0x291: {  	v14 =	vld [tilespmem:s3+$0xFFFFFFE0]  }
0x292: {  	v15 =	vld [tilespmem:s3+$0x0]  }
0x293: {  	v16 =	vld [tilespmem:s3+$0x10]  }
0x294: {  	v1 =	vadd.f32 v11, v1;
	v11 =	vld [tilespmem:s3+$0x20]  }
0x295: {  	v61 =	vld [tilespmem:s3+$0x30];
	v4 =	vadd.f32 v13, v4  }
0x296: {  	v6 =	vadd.f32 v14, v6;
	v17 =	vadd.f32 v0, v1;
	v1 =	vld [tilespmem:s3+$0x1420]  }
0x297: {  	v8 =	vadd.f32 v15, v8;
	v4 =	vadd.f32 v2, v4;
	v0 =	vld [tilespmem:s3+$0x1430]  }
0x298: {  	v63 =	vadd.f32 v16, v9;
	v3 =	vadd.f32 v3, v6;
	v2 =	vld [tilespmem:s3+$0xFFFFEBF0];
	v62 =	vmax.f32 v17, $0.0e+00  }
0x299: {  	v5 =	vadd.f32 v5, v8;
	v9 =	vmax.f32 v4, $0.0e+00;
	v4 =	vld [tilespmem:s3+$0xFFFFFFF0];
	[tilespmem:s3+$0xFFFFFFC0] =	vst v62;
	v6 =	vadd.f32 v11, v10  }
0x29a: {  	s7 =	simm.s32 $0x0;
	s22 =	simm.s32 $0x89F0;
	v7 =	vadd.f32 v7, v63;
	v8 =	vadd.f32 v61, v12;
	[tilespmem:s3+$0xFFFFFFD0] =	vst v9;
	v9 =	vmax.f32 v3, $0.0e+00;
	v3 =	vld [tilespmem:s3+$0x13F0]  }
.LBB2_22:
0x29b: {  	v10 =	vld [tilespmem:s22+$0x13C0];
	[tilespmem:s3+$0xFFFFFFE0] =	vst v9;
	v5 =	vmax.f32 v5, $0.0e+00;
	v1 =	vadd.f32 v1, v6  }
0x29c: {  	v6 =	vld [tilespmem:s22+$0x13D0];
	[tilespmem:s3+$0x0] =	vst v5;
	v5 =	vmax.f32 v7, $0.0e+00;
	v0 =	vadd.f32 v0, v8  }
0x29d: {  	v7 =	vld [tilespmem:s22+$0x13E0];
	[tilespmem:s3+$0x10] =	vst v5;
	v1 =	vmax.f32 v1, $0.0e+00  }
0x29e: {  	v5 =	vld [tilespmem:s22+$0x1400];
	v2 =	vadd.f32 v4, v2;
	[tilespmem:s3+$0x20] =	vst v1;
	v0 =	vmax.f32 v0, $0.0e+00  }
0x29f: {  	v8 =	vld [tilespmem:s22+$0x1410];
	[tilespmem:s3+$0x30] =	vst v0  }
0x2a0: {  	v0 =	vld [tilespmem:s22+$0xFFFFEBC0];
	v1 =	vadd.f32 v3, v2  }
0x2a1: {  	v2 =	vld [tilespmem:s22+$0xFFFFEBD0]  }
0x2a2: {  	v3 =	vld [tilespmem:s22+$0xFFFFEBE0];
	v1 =	vmax.f32 v1, $0.0e+00  }
0x2a3: {  	v4 =	vld [tilespmem:s22+$0xFFFFEC00];
	[tilespmem:s3+$0xFFFFFFF0] =	vst v1;
	s3 =	smov.u32 s22  }
0x2a4: {  	v9 =	vld [tilespmem:s22+$0xFFFFEC10]  }
0x2a5: {  	v11 =	vld [tilespmem:s22+$0xFFFFEC20]  }
0x2a6: {  	v12 =	vld [tilespmem:s22+$0xFFFFEC30]  }
0x2a7: {  	v1 =	vld [tilespmem:s22+$0xFFFFFFC0]  }
0x2a8: {  	v13 =	vld [tilespmem:s22+$0xFFFFFFD0]  }
0x2a9: {  	v14 =	vld [tilespmem:s22+$0xFFFFFFE0]  }
0x2aa: {  	v15 =	vld [tilespmem:s22+$0x0]  }
0x2ab: {  	v16 =	vld [tilespmem:s22+$0x10]  }
0x2ac: {  	s7 =	sadd.s32 $0x2, s7;
	v0 =	vadd.f32 v1, v0;
	v17 =	vld [tilespmem:s22+$0x20]  }
0x2ad: {  	p1 =	slt.u32 s7, $0x4E;
	v2 =	vadd.f32 v13, v2;
	v13 =	vld [tilespmem:s22+$0x30]  }
.Ltmp10:
0x2ae: {  	v10 =	vadd.f32 v10, v0;
	v3 =	vadd.f32 v14, v3;
	v1 =	vld [tilespmem:s22+$0x1420];
	(pc) =	sbr.rel @p1 .LBB2_22-.Ltmp10, $4  }
0x2af: {  	v6 =	vadd.f32 v6, v2;
	v14 =	vadd.f32 v15, v4;
	v0 =	vld [tilespmem:s22+$0x1430]  }
0x2b0: {  	v4 =	vmax.f32 v10, $0.0e+00;
	v3 =	vadd.f32 v7, v3;
	v2 =	vld [tilespmem:s22+$0xFFFFEBF0];
	v7 =	vadd.f32 v16, v9  }
0x2b1: {  	[tilespmem:s22+$0xFFFFFFC0] =	vst v4;
	v9 =	vmax.f32 v6, $0.0e+00;
	v4 =	vld [tilespmem:s22+$0xFFFFFFF0];
	v5 =	vadd.f32 v5, v14;
	v6 =	vadd.f32 v17, v11  }
0x2b2: {  	s22 =	sadd.s32 $0x80, s22;
	[tilespmem:s3+$0xFFFFFFD0] =	vst v9;
	v9 =	vmax.f32 v3, $0.0e+00;
	v3 =	vld [tilespmem:s3+$0x13F0];
	v7 =	vadd.f32 v8, v7;
	v8 =	vadd.f32 v13, v12  }
0x2b3: {  	_ =	sdelay $0x1  }
0x2b4: {  	v1 =	vadd.f32 v1, v6  }
0x2b5: {  	[tilespmem:s3+$0xFFFFFFE0] =	vst v9;
	v5 =	vmax.f32 v5, $0.0e+00;
	v2 =	vadd.f32 v4, v2  }
0x2b6: {  	[tilespmem:s3+$0x0] =	vst v5;
	v0 =	vadd.f32 v0, v8;
	v1 =	vmax.f32 v1, $0.0e+00  }
0x2b7: {  	v4 =	vmax.f32 v7, $0.0e+00;
	[tilespmem:s3+$0x20] =	vst v1;
	v2 =	vadd.f32 v3, v2  }
0x2b8: {  	v0 =	vmax.f32 v0, $0.0e+00;
	[tilespmem:s3+$0x10] =	vst v4  }
0x2b9: {  	[tilespmem:s3+$0x30] =	vst v0;
	v0 =	vmax.f32 v2, $0.0e+00  }
0x2ba: {  	s28 =	simm.s32 $0x7490;
	[tilespmem:s3+$0xFFFFFFF0] =	vst v0  }
0x2bb: {  	[spmem:s1] =	stream.indirect.scatter.add.f32 [tilespmem:s8], [sflag:$0x7], $0x40, s28, s2, $0xb8;
	[tilespmem:$0x1C570] =	vst v63  }
0x2bc: {  	_ =	swait.ge [sflag:s26], $0x1400  }
0x2bd: {  	[sflag:s26] =	ssyncset.done $0x0  }
0x2be: {  	[sflag:s26] =	ssyncadd.s32 $0xFFFFEC00  }
0x2bf: {  	_ =	swait.ge [sflag:s14], $0x3C00  }
0x2c0: {  	[sflag:s14] =	ssyncset.done $0x0  }
0x2c1: {  	s3 =	simm.s32 $0xC570;
	[sflag:s14] =	ssyncadd.s32 $0xFFFFC400  }
0x2c2: {  	v0 =	vld [tilespmem:s3+$0x13C0]  }
0x2c3: {  	v2 =	vld [tilespmem:s3+$0x13D0]  }
0x2c4: {  	v3 =	vld [tilespmem:s3+$0x13E0]  }
0x2c5: {  	v5 =	vld [tilespmem:s3+$0x1400]  }
0x2c6: {  	v7 =	vld [tilespmem:s3+$0x1410]  }
0x2c7: {  	v1 =	vld [tilespmem:s3+$0xFFFFEBC0]  }
0x2c8: {  	v4 =	vld [tilespmem:s3+$0xFFFFEBD0]  }
0x2c9: {  	v6 =	vld [tilespmem:s3+$0xFFFFEBE0]  }
0x2ca: {  	v8 =	vld [tilespmem:s3+$0xFFFFEC00]  }
0x2cb: {  	v9 =	vld [tilespmem:s3+$0xFFFFEC10]  }
0x2cc: {  	v10 =	vld [tilespmem:s3+$0xFFFFEC20]  }
0x2cd: {  	v11 =	vld [tilespmem:s3+$0xFFFFFFC0]  }
0x2ce: {  	v12 =	vld [tilespmem:s3+$0xFFFFEC30]  }
0x2cf: {  	v13 =	vld [tilespmem:s3+$0xFFFFFFD0]  }
0x2d0: {  	v14 =	vld [tilespmem:s3+$0xFFFFFFE0]  }
0x2d1: {  	v15 =	vld [tilespmem:s3+$0x0]  }
0x2d2: {  	v16 =	vld [tilespmem:s3+$0x10]  }
0x2d3: {  	v1 =	vadd.f32 v11, v1;
	v11 =	vld [tilespmem:s3+$0x20]  }
0x2d4: {  	v61 =	vld [tilespmem:s3+$0x30];
	v4 =	vadd.f32 v13, v4  }
0x2d5: {  	v6 =	vadd.f32 v14, v6;
	v17 =	vadd.f32 v0, v1;
	v1 =	vld [tilespmem:s3+$0x1420]  }
0x2d6: {  	v8 =	vadd.f32 v15, v8;
	v4 =	vadd.f32 v2, v4;
	v0 =	vld [tilespmem:s3+$0x1430]  }
0x2d7: {  	v63 =	vadd.f32 v16, v9;
	v3 =	vadd.f32 v3, v6;
	v2 =	vld [tilespmem:s3+$0xFFFFEBF0];
	v62 =	vmax.f32 v17, $0.0e+00  }
0x2d8: {  	v5 =	vadd.f32 v5, v8;
	v9 =	vmax.f32 v4, $0.0e+00;
	v4 =	vld [tilespmem:s3+$0xFFFFFFF0];
	[tilespmem:s3+$0xFFFFFFC0] =	vst v62;
	v6 =	vadd.f32 v11, v10  }
0x2d9: {  	s7 =	simm.s32 $0x0;
	s22 =	simm.s32 $0xC5F0;
	v7 =	vadd.f32 v7, v63;
	v8 =	vadd.f32 v61, v12;
	[tilespmem:s3+$0xFFFFFFD0] =	vst v9;
	v9 =	vmax.f32 v3, $0.0e+00;
	v3 =	vld [tilespmem:s3+$0x13F0]  }
.LBB2_24:
0x2da: {  	v10 =	vld [tilespmem:s22+$0x13C0];
	[tilespmem:s3+$0xFFFFFFE0] =	vst v9;
	v5 =	vmax.f32 v5, $0.0e+00;
	v1 =	vadd.f32 v1, v6  }
0x2db: {  	v6 =	vld [tilespmem:s22+$0x13D0];
	[tilespmem:s3+$0x0] =	vst v5;
	v5 =	vmax.f32 v7, $0.0e+00;
	v0 =	vadd.f32 v0, v8  }
0x2dc: {  	v7 =	vld [tilespmem:s22+$0x13E0];
	[tilespmem:s3+$0x10] =	vst v5;
	v1 =	vmax.f32 v1, $0.0e+00  }
0x2dd: {  	v5 =	vld [tilespmem:s22+$0x1400];
	v2 =	vadd.f32 v4, v2;
	[tilespmem:s3+$0x20] =	vst v1;
	v0 =	vmax.f32 v0, $0.0e+00  }
0x2de: {  	v8 =	vld [tilespmem:s22+$0x1410];
	[tilespmem:s3+$0x30] =	vst v0  }
0x2df: {  	v0 =	vld [tilespmem:s22+$0xFFFFEBC0];
	v1 =	vadd.f32 v3, v2  }
0x2e0: {  	v2 =	vld [tilespmem:s22+$0xFFFFEBD0]  }
0x2e1: {  	v3 =	vld [tilespmem:s22+$0xFFFFEBE0];
	v1 =	vmax.f32 v1, $0.0e+00  }
0x2e2: {  	v4 =	vld [tilespmem:s22+$0xFFFFEC00];
	[tilespmem:s3+$0xFFFFFFF0] =	vst v1;
	s3 =	smov.u32 s22  }
0x2e3: {  	v9 =	vld [tilespmem:s22+$0xFFFFEC10]  }
0x2e4: {  	v11 =	vld [tilespmem:s22+$0xFFFFEC20]  }
0x2e5: {  	v12 =	vld [tilespmem:s22+$0xFFFFEC30]  }
0x2e6: {  	v1 =	vld [tilespmem:s22+$0xFFFFFFC0]  }
0x2e7: {  	v13 =	vld [tilespmem:s22+$0xFFFFFFD0]  }
0x2e8: {  	v14 =	vld [tilespmem:s22+$0xFFFFFFE0]  }
0x2e9: {  	v15 =	vld [tilespmem:s22+$0x0]  }
0x2ea: {  	v16 =	vld [tilespmem:s22+$0x10]  }
0x2eb: {  	s7 =	sadd.s32 $0x2, s7;
	v0 =	vadd.f32 v1, v0;
	v17 =	vld [tilespmem:s22+$0x20]  }
0x2ec: {  	p1 =	slt.u32 s7, $0x4E;
	v2 =	vadd.f32 v13, v2;
	v13 =	vld [tilespmem:s22+$0x30]  }
.Ltmp11:
0x2ed: {  	v10 =	vadd.f32 v10, v0;
	v3 =	vadd.f32 v14, v3;
	v1 =	vld [tilespmem:s22+$0x1420];
	(pc) =	sbr.rel @p1 .LBB2_24-.Ltmp11, $4  }
0x2ee: {  	v6 =	vadd.f32 v6, v2;
	v14 =	vadd.f32 v15, v4;
	v0 =	vld [tilespmem:s22+$0x1430]  }
0x2ef: {  	v4 =	vmax.f32 v10, $0.0e+00;
	v3 =	vadd.f32 v7, v3;
	v2 =	vld [tilespmem:s22+$0xFFFFEBF0];
	v7 =	vadd.f32 v16, v9  }
0x2f0: {  	[tilespmem:s22+$0xFFFFFFC0] =	vst v4;
	v9 =	vmax.f32 v6, $0.0e+00;
	v4 =	vld [tilespmem:s22+$0xFFFFFFF0];
	v5 =	vadd.f32 v5, v14;
	v6 =	vadd.f32 v17, v11  }
0x2f1: {  	s22 =	sadd.s32 $0x80, s22;
	[tilespmem:s3+$0xFFFFFFD0] =	vst v9;
	v9 =	vmax.f32 v3, $0.0e+00;
	v3 =	vld [tilespmem:s3+$0x13F0];
	v7 =	vadd.f32 v8, v7;
	v8 =	vadd.f32 v13, v12  }
0x2f2: {  	_ =	sdelay $0x2  }
0x2f3: {  	[tilespmem:s3+$0xFFFFFFE0] =	vst v9;
	v5 =	vmax.f32 v5, $0.0e+00;
	v1 =	vadd.f32 v1, v6;
	v2 =	vadd.f32 v4, v2  }
0x2f4: {  	[tilespmem:s3+$0x0] =	vst v5;
	v62 =	vmax.f32 v7, $0.0e+00;
	v0 =	vadd.f32 v0, v8  }
0x2f5: {  	[tilespmem:s3+$0x10] =	vst v62;
	v1 =	vmax.f32 v1, $0.0e+00;
	v2 =	vadd.f32 v3, v2  }
0x2f6: {  	[tilespmem:s3+$0x20] =	vst v1;
	v0 =	vmax.f32 v0, $0.0e+00  }
0x2f7: {  	[tilespmem:s3+$0x30] =	vst v0;
	v63 =	vmax.f32 v2, $0.0e+00  }
0x2f8: {  	s24 =	simm.s32 $0x74E0;
	[tilespmem:s3+$0xFFFFFFF0] =	vst v63  }
0x2f9: {  	[spmem:s1] =	stream.indirect.scatter.add.f32 [tilespmem:s12], [sflag:$0x7], $0x40, s24, s2, $0xb8;
	[tilespmem:$0x1C570] =	vst v63  }
0x2fa: {  	_ =	swait.ge [sflag:s26], $0x1400  }
0x2fb: {  	[sflag:s26] =	ssyncset.done $0x0  }
0x2fc: {  	s25 =	simm.s32 $0x6;
	[sflag:s26] =	ssyncadd.s32 $0xFFFFEC00  }
0x2fd: {  	_ =	swait.ge [sflag:s25], $0x1400  }
0x2fe: {  	[sflag:s25] =	ssyncset.done $0x0  }
0x2ff: {  	[sflag:s25] =	ssyncadd.s32 $0xFFFFEC00  }
0x300: {  	[bflag:$0x0] =	sbarrier.arrive $0xFFFF  }
0x301: {  	s7 =	rddreg [dreg:$0x11]  }
0x302: {  	s3 =	simm.s32 @p0 $0x1FC7;
	s22 =	rddreg [dreg:$0x15]  }
0x303: {  	[hbm:s7], [sflag:s3] =	dma.local @p0 [spmem:s22], $0x1040  }
0x304: {  	s3 =	simm.s32 @p0 $0x7  }
0x305: {  	_ =	swait.ge @p0 [sflag:s3], $0x1040  }
0x306: {  	s7 =	rddreg [dreg:$0x14]  }
0x307: {  	[sflag:s3] =	ssyncset.done @p0 $0x0;
	s22 =	rddreg [dreg:$0x16]  }
0x308: {  	[sflag:s3] =	ssyncadd.s32 @p0 $0xFFFFEFC0;
	s3 =	rddreg [dreg:$0xd]  }
0x309: {  	[hbm:s3], [sflag:s22] =	dma.local @!p0 [spmem:s7], $0x13C0  }
0x30a: {  	s3 =	simm.s32 @!p0 $0x7  }
0x30b: {  	_ =	swait.ge @!p0 [sflag:s3], $0x13C0  }
0x30c: {  	s23 =	sadd.s32 $0x1, s23;
	s28 =	rddreg [dreg:$0x12]  }
0x30d: {  	p1 =	sne.s32 s23, s28  }
.Ltmp12:
0x30e: {  	_ = 	snop;
	(pc) =	sbr.rel @p1 .LBB2_1-.Ltmp12, $3  }
0x30f: {  	_ =	sdelay $0x1  }
0x310: {  	[sflag:s3] =	ssyncset.done @!p0 $0x0  }
0x311: {  	[sflag:s3] =	ssyncadd.s32 @!p0 $0xFFFFEC40  }
0x312: {  	_ =	sfence.sel $0x180000  }
0x313: {  	[bflag:$0x0] =	sbarrier.arrive $0xFFFF  }
0x314: {  	_ =	strace $0x90000047  }
0x315: {  	s0 =	stileid.u32;
	[bflag:$0x2] =	sbarrier.arrive $0xFFFF  }
0x316: {  	p0 =	sne.s32 s0, $0x0;
	s0 =	rddreg [dreg:$0x3]  }
0x317: {  	s0 =	sadd.s32 @!p0 $0x100000, s0  }
0x318: {  	[sflag:s0] =	ssyncadd.tile.s32 @!p0 $0x1;
	_ =	shalt  }
.Lfunc_end2:
_tile_overlayer_lowered:
.L_overlay_start_2:
0x319: {  	(tag) =	ssettag $0x2  }
0x31a: {  	s0 =	rddreg [dreg:$0x0];
	s2 =	stileid.u32  }
0x31b: {  	s1 =	rddreg [dreg:$0x1];
	p0 =	sne.s32 s2, $0x0  }
0x31c: {  	s3 =	rddreg [dreg:$0x2];
	[bflag:$0x3] =	sbarrier.arrive $0xFFFF;
	s2 =	simm.s32 @!p0 $0x1C07  }
0x31d: {  	[timem:s3], [sflag:s2] =	dma.local @!p0 [hbm:s0], s1  }
0x31e: {  	s0 =	simm.s32 @!p0 $0x7  }
0x31f: {  	_ =	swait.ge @!p0 [sflag:s0], s1  }
0x320: {  	s1 =	ssub.s32 @!p0 $0x0, s1;
	[sflag:s0] =	ssyncset.done @!p0 $0x0  }
0x321: {  	[sflag:s0] =	ssyncadd.s32 @!p0 s1  }
0x322: {  	[bflag:$0x3] =	sbarrier.arrive $0xFFFF  }
0x323: {  	_ =	shalt  }

</sc_bundles>
